<compile_context>
chip_gen: v7x
topology: tpu7x:2x2x1
jax: 0.10.2.dev20260603
libtpu: 0.0.44.dev20260713+nightly
codegen_flags: <defaults>
</compile_context>

<pallas_src>
import functools

import jax
import jax.numpy as jnp
from jax import lax
from jax.experimental import pallas as pl
from jax.experimental.pallas import tpu as pltpu
from jax.experimental.pallas import tpu_sc as plsc

_N = 32 * 3 * 512 * 512
_NC, _NS, _L = 2, 16, 16
_NW = _NC * _NS
_PER_W = _N // _NW
_CHUNK = 32768
_NCHUNK = _PER_W // _CHUNK
_VECS = _CHUNK // _L

_ROWS = _N // 1024
_BR = 2048
_G = _ROWS // _BR


_sc_mesh = plsc.VectorSubcoreMesh(core_axis_name="c", subcore_axis_name="s")


@functools.partial(
    pl.kernel,
    out_type=jax.ShapeDtypeStruct((_NW, _L, 256), jnp.int32),
    mesh=_sc_mesh,
    compiler_params=pltpu.CompilerParams(
        needs_layout_passes=False, use_tc_tiling_on_sc=True
    ),
    scratch_types=[
        pltpu.VMEM((64, 512), jnp.float32),
        pltpu.VMEM((64, 512), jnp.float32),
        pltpu.VMEM((256 * _L,), jnp.int32),
        pltpu.VMEM((_L, 256), jnp.int32),
        pltpu.SemaphoreType.DMA,
        pltpu.SemaphoreType.DMA,
    ],
)
def _sc_hist(x_hbm, out_hbm, buf0, buf1, hist2, histt, sem0, sem1):
    wid = lax.axis_index("s") * _NC + lax.axis_index("c")

    zero = jnp.zeros((_L,), jnp.int32)

    @plsc.parallel_loop(0, 256 * _L, step=_L)
    def _zero_body(r):
        hist2[pl.ds(r, _L)] = zero

    bufs = (buf0, buf1)
    sems = (sem0, sem1)
    copies = [None, None]
    lane = lax.broadcasted_iota(jnp.int32, (_L,), 0)
    one = jnp.ones((_L,), jnp.int32)

    copies[0] = pltpu.async_copy(
        x_hbm.at[wid, 0, pl.ds(0, 64), :], buf0, sem0
    )
    for c in range(_NCHUNK):
        if c + 1 < _NCHUNK:
            nxt = (c + 1) % 2
            ch, r0 = divmod(c + 1, 8)
            copies[nxt] = pltpu.async_copy(
                x_hbm.at[wid, ch, pl.ds(r0 * 64, 64), :],
                bufs[nxt],
                sems[nxt],
            )
        copies[c % 2].wait()
        cur = bufs[c % 2]

        @plsc.parallel_loop(0, _CHUNK, step=_L, unroll=8)
        def _chunk_body(i):
            x = cur[jnp.right_shift(i, 9), pl.ds(i & 511, _L)]
            idx = (x * 256.0).astype(jnp.int32)
            slot = jnp.left_shift(idx, 4) | lane
            plsc.addupdate_scatter(hist2, [slot], one)

    @plsc.parallel_loop(0, _L * 256, step=_L, unroll=4)
    def _tr_body(j):
        lane_out = jnp.right_shift(j, 8)
        bin_base = j & 255
        src = jnp.left_shift(bin_base + lane, 4) | lane_out
        histt[lane_out, pl.ds(bin_base, _L)] = plsc.load_gather(hist2, [src])

    pltpu.sync_copy(histt, out_hbm.at[wid])


def _tc_mse_body(o_ref, i_ref, sq_ref, acc):
    step = pl.program_id(0)

    @pl.when(step == 0)
    def _init():
        acc[0, 0] = 0.0

    d = o_ref[...] - i_ref[...]
    acc[0, 0] += jnp.sum(d * d)

    @pl.when(step == 31)
    def _fini():
        sq_ref[0, 0] = acc[0, 0]


def _tc_combine_body(hist_ref, sq_ref, loss_ref, bpp_ref, dist_ref):
    counts = jnp.sum(hist_ref[...].astype(jnp.float32), axis=0)
    total = jnp.sum(counts)
    p = counts / total
    p = jnp.clip(p, 1e-12, 1.0)
    ent = -jnp.sum(p * jnp.log2(p))
    bpp = ent / 32.0
    dist = sq_ref[0, 0] / float(_N)
    bpp_ref[0, 0] = bpp
    dist_ref[0, 0] = dist
    loss_ref[0, 0] = bpp + dist


@jax.jit
def kernel(outputs, inputs):
    hist = _sc_hist(outputs)
    sq = pl.pallas_call(
        _tc_mse_body,
        grid=(32,),
        in_specs=[
            pl.BlockSpec((1, 3, 512, 512), lambda i: (i, 0, 0, 0)),
            pl.BlockSpec((1, 3, 512, 512), lambda i: (i, 0, 0, 0)),
        ],
        out_specs=pl.BlockSpec(memory_space=pltpu.SMEM),
        out_shape=jax.ShapeDtypeStruct((1, 1), jnp.float32),
        scratch_shapes=[pltpu.SMEM((1, 1), jnp.float32)],
    )(outputs, inputs)
    loss, bpp, dist = pl.pallas_call(
        _tc_combine_body,
        in_specs=[
            pl.BlockSpec((_NW * _L, 256), lambda: (0, 0)),
            pl.BlockSpec(memory_space=pltpu.SMEM),
        ],
        out_specs=[
            pl.BlockSpec(memory_space=pltpu.SMEM),
            pl.BlockSpec(memory_space=pltpu.SMEM),
            pl.BlockSpec(memory_space=pltpu.SMEM),
        ],
        out_shape=[jax.ShapeDtypeStruct((1, 1), jnp.float32)] * 3,
    )(hist.reshape(_NW * _L, 256), sq)
    return loss[0, 0], bpp[0, 0], dist[0, 0]

# --- scband reference (transcript-rebuilt; emitter-appended) ---
"""Pipeline reference for scband-bpp-distortion-loss-23751169146897 (READ-ONLY COPY).

The authoritative reference and input builder live on the scoring server;
editing this copy changes nothing except your own understanding.
"""

import jax, jax.numpy as jnp
import numpy as np

LAMBDA_BPP = 0.01
LAMBDA_DISTORTION = 1.0


def setup_inputs(seed: int = 0) -> dict:
    key = jax.random.key(seed)
    k1, k2 = jax.random.split(key)
    outputs = jax.random.uniform(k1, (32, 3, 512, 512), dtype=jnp.float32)
    inputs = jax.random.uniform(k2, (32, 3, 512, 512), dtype=jnp.float32)
    return {"outputs": outputs, "inputs": inputs}


def _calculate_bits_per_pixel(outputs):
    batch_size = outputs.shape[0]
    x = outputs.astype(jnp.float32)
    # torch.histc(x, bins=256, min=0, max=1): bin width 1/256, values at max go to last bin
    idx = jnp.clip(jnp.floor(x * 256.0).astype(jnp.int32), 0, 255)
    hist = jnp.bincount(idx.reshape(-1), length=256).astype(jnp.float32)
    hist = hist / jnp.sum(hist)
    epsilon = 1e-12
    hist = jnp.clip(hist, epsilon, 1.0)
    entropy = -jnp.sum(hist * jnp.log2(hist))
    bpp = entropy / batch_size
    return bpp


def reference(outputs, inputs):
    distortion = jnp.mean((outputs - inputs) ** 2)
    bpp = _calculate_bits_per_pixel(outputs)
    loss = bpp + LAMBDA_DISTORTION * distortion
    return (loss, bpp, distortion)

if __name__ == "__main__":
    import jax
    _d = setup_inputs()
    print(jax.jit(kernel)(*tuple(_d.values())))

</pallas_src>

<mosaic_0001>
#map = affine_map<(d0, d1) -> (0, 0, 0, 0)>
#map1 = affine_map<(d0, d1) -> (0, 0, 0)>
module attributes {stable_mosaic.version = 14 : i64} {
  func.func @_sc_hist(%arg0: i32, %arg1: i32, %arg2: memref<32x3x512x512xf32, #tpu.memory_space<hbm>>, %arg3: memref<32x16x256xi32, #tpu.memory_space<hbm>>, %arg4: memref<64x512xf32, #tpu.memory_space<vmem>>, %arg5: memref<64x512xf32, #tpu.memory_space<vmem>>, %arg6: memref<4096xi32, #tpu.memory_space<vmem>>, %arg7: memref<16x256xi32, #tpu.memory_space<vmem>>, %arg8: memref<!tpu.dma_semaphore, #tpu.memory_space<semaphore_mem>>, %arg9: memref<!tpu.dma_semaphore, #tpu.memory_space<semaphore_mem>>) attributes {dimension_semantics = [#tpu.dimension_semantics<core_parallel>, #tpu.dimension_semantics<subcore_parallel>], iteration_bounds = array<i64: 2, 16>, scalar_prefetch = 0 : i64, scratch_operands = 6 : i64, tpu.core_type = #tpu.core_type<sc_vector_subcore>, window_params = [{transform_indices = #map}, {transform_indices = #map1}]} {
    %mul3A = arith.constant 2 : i32
    %mul3A_0 = arith.muli %arg1, %mul3A : i32
    %add3A = arith.addi %mul3A_0, %arg0 : i32
    %broadcast_in_dim3A = arith.constant 0 : i32
    %broadcast_in_dim3A_1 = vector.broadcast %broadcast_in_dim3A : i32 to vector<16xi32>
    %parallel_loop3A = arith.constant 0 : i32
    %parallel_loop3A_2 = arith.constant 4096 : i32
    %parallel_loop3A_3 = arith.constant 16 : i32
    scf.for %parallel_loop3A_511 = %parallel_loop3A to %parallel_loop3A_2 step %parallel_loop3A_3  : i32 {
      %parallel_loop3A_512 = arith.index_cast %parallel_loop3A_511 : i32 to index
      %parallel_loop3A_513 = tpu.vector_load %arg6[%parallel_loop3A_512] {strides = array<i32>} : memref<4096xi32, #tpu.memory_space<vmem>>, vector<16xi32>,
      tpu.vector_store %arg6[%parallel_loop3A_512], %broadcast_in_dim3A_1 {strides = array<i32>} : memref<4096xi32, #tpu.memory_space<vmem>>, vector<16xi32>,
    } {sc.loop_unroll_factor = 1 : i64, sc.parallel_access}
    %iota3A = tpu.iota {dimensions = array<i32: 0>} : vector<16xi32>
    %broadcast_in_dim3A_4 = arith.constant 1 : i32
    %broadcast_in_dim3A_5 = vector.broadcast %broadcast_in_dim3A_4 : i32 to vector<16xi32>
    %dma_start3A = arith.constant 0 : i32
    %dma_start3A_6 = arith.constant 0 : i32
    %dma_start3A_7 = arith.constant 0 : i32
    %dma_start3A_8 = tpu.memref_slice %arg2[%add3A, %dma_start3A, %dma_start3A_6, %dma_start3A_7] : memref<32x3x512x512xf32, #tpu.memory_space<hbm>> -> memref<1x1x64x512xf32, #tpu.memory_space<hbm>>
    %dma_start3A_9 = tpu.memref_squeeze %dma_start3A_8 : memref<1x1x64x512xf32, #tpu.memory_space<hbm>> -> memref<64x512xf32, #tpu.memory_space<hbm>>
    %dma_start3A_10 = arith.constant 0 : i32
    %dma_start3A_11 = arith.constant 0 : i32
    %dma_start3A_12 = tpu.memref_slice %arg2[%add3A, %dma_start3A, %dma_start3A_10, %dma_start3A_11] : memref<32x3x512x512xf32, #tpu.memory_space<hbm>> -> memref<1x1x64x512xf32, #tpu.memory_space<hbm>>
    %dma_start3A_13 = tpu.memref_squeeze %dma_start3A_12 : memref<1x1x64x512xf32, #tpu.memory_space<hbm>> -> memref<64x512xf32, #tpu.memory_space<hbm>>
    tpu.enqueue_dma source(%dma_start3A_13 : memref<64x512xf32, #tpu.memory_space<hbm>>) target(%arg4 : memref<64x512xf32, #tpu.memory_space<vmem>>) target_semaphore(%arg8 : memref<!tpu.dma_semaphore, #tpu.memory_space<semaphore_mem>>)
    %dma_start3A_14 = arith.constant 0 : i32
    %dma_start3A_15 = arith.constant 64 : i32
    %dma_start3A_16 = arith.constant 0 : i32
    %dma_start3A_17 = tpu.memref_slice %arg2[%add3A, %dma_start3A_14, %dma_start3A_15, %dma_start3A_16] : memref<32x3x512x512xf32, #tpu.memory_space<hbm>> -> memref<1x1x64x512xf32, #tpu.memory_space<hbm>>
    %dma_start3A_18 = tpu.memref_squeeze %dma_start3A_17 : memref<1x1x64x512xf32, #tpu.memory_space<hbm>> -> memref<64x512xf32, #tpu.memory_space<hbm>>
    %dma_start3A_19 = arith.constant 64 : i32
    %dma_start3A_20 = arith.constant 0 : i32
    %dma_start3A_21 = tpu.memref_slice %arg2[%add3A, %dma_start3A_14, %dma_start3A_19, %dma_start3A_20] : memref<32x3x512x512xf32, #tpu.memory_space<hbm>> -> memref<1x1x64x512xf32, #tpu.memory_space<hbm>>
    %dma_start3A_22 = tpu.memref_squeeze %dma_start3A_21 : memref<1x1x64x512xf32, #tpu.memory_space<hbm>> -> memref<64x512xf32, #tpu.memory_space<hbm>>
    tpu.enqueue_dma source(%dma_start3A_22 : memref<64x512xf32, #tpu.memory_space<hbm>>) target(%arg5 : memref<64x512xf32, #tpu.memory_space<vmem>>) target_semaphore(%arg9 : memref<!tpu.dma_semaphore, #tpu.memory_space<semaphore_mem>>)
    %dma_wait3A = arith.constant 0 : i32
    %dma_wait3A_23 = arith.constant 0 : i32
    %dma_wait3A_24 = arith.constant 0 : i32
    %dma_wait3A_25 = tpu.memref_slice %arg2[%add3A, %dma_wait3A, %dma_wait3A_23, %dma_wait3A_24] : memref<32x3x512x512xf32, #tpu.memory_space<hbm>> -> memref<1x1x64x512xf32, #tpu.memory_space<hbm>>
    %dma_wait3A_26 = tpu.memref_squeeze %dma_wait3A_25 : memref<1x1x64x512xf32, #tpu.memory_space<hbm>> -> memref<64x512xf32, #tpu.memory_space<hbm>>
    %dma_wait3A_27 = arith.constant 0 : i32
    %dma_wait3A_28 = arith.constant 0 : i32
    %dma_wait3A_29 = tpu.memref_slice %arg2[%add3A, %dma_wait3A, %dma_wait3A_27, %dma_wait3A_28] : memref<32x3x512x512xf32, #tpu.memory_space<hbm>> -> memref<1x1x64x512xf32, #tpu.memory_space<hbm>>
    %dma_wait3A_30 = tpu.memref_squeeze %dma_wait3A_29 : memref<1x1x64x512xf32, #tpu.memory_space<hbm>> -> memref<64x512xf32, #tpu.memory_space<hbm>>
    tpu.wait_dma2 semaphore(%arg8 : memref<!tpu.dma_semaphore, #tpu.memory_space<semaphore_mem>>) src(%dma_wait3A_30 : memref<64x512xf32, #tpu.memory_space<hbm>>) dst(%arg4 : memref<64x512xf32, #tpu.memory_space<vmem>>)
    %parallel_loop3A_31 = arith.constant 0 : i32
    %parallel_loop3A_32 = arith.constant 32768 : i32
    %parallel_loop3A_33 = arith.constant 16 : i32
    scf.for %parallel_loop3A_511 = %parallel_loop3A_31 to %parallel_loop3A_32 step %parallel_loop3A_33  : i32 {
      %parallel_loop3A_512 = arith.constant 9 : i32
      %parallel_loop3A_513 = arith.shrsi %parallel_loop3A_511, %parallel_loop3A_512 : i32
      %parallel_loop3A_514 = arith.constant 511 : i32
      %parallel_loop3A_515 = arith.andi %parallel_loop3A_511, %parallel_loop3A_514 : i32
      %parallel_loop3A_516 = arith.index_cast %parallel_loop3A_513 : i32 to index
      %parallel_loop3A_517 = arith.index_cast %parallel_loop3A_515 : i32 to index
      %parallel_loop3A_518 = tpu.vector_load %arg4[%parallel_loop3A_516, %parallel_loop3A_517] {strides = array<i32>} : memref<64x512xf32, #tpu.memory_space<vmem>>, vector<16xf32>,
      %parallel_loop3A_519 = arith.constant 2.560000e+02 : f32
      %parallel_loop3A_520 = vector.broadcast %parallel_loop3A_519 : f32 to vector<16xf32>
      %parallel_loop3A_521 = arith.mulf %parallel_loop3A_518, %parallel_loop3A_520 : vector<16xf32>
      %parallel_loop3A_522 = arith.fptosi %parallel_loop3A_521 : vector<16xf32> to vector<16xi32>
      %parallel_loop3A_523 = arith.constant 4 : i32
      %parallel_loop3A_524 = vector.broadcast %parallel_loop3A_523 : i32 to vector<16xi32>
      %parallel_loop3A_525 = arith.shli %parallel_loop3A_522, %parallel_loop3A_524 : vector<16xi32>
      %parallel_loop3A_526 = arith.ori %parallel_loop3A_525, %iota3A : vector<16xi32>
      tpu.vector_store_idx %arg6[%parallel_loop3A_526], %broadcast_in_dim3A_5 {add = true} : memref<4096xi32, #tpu.memory_space<vmem>>[vector<16xi32>], vector<16xi32>,
    } {sc.loop_unroll_factor = 8 : i64, sc.parallel_access}
    %dma_start3A_34 = arith.constant 0 : i32
    %dma_start3A_35 = arith.constant 128 : i32
    %dma_start3A_36 = arith.constant 0 : i32
    %dma_start3A_37 = tpu.memref_slice %arg2[%add3A, %dma_start3A_34, %dma_start3A_35, %dma_start3A_36] : memref<32x3x512x512xf32, #tpu.memory_space<hbm>> -> memref<1x1x64x512xf32, #tpu.memory_space<hbm>>
    %dma_start3A_38 = tpu.memref_squeeze %dma_start3A_37 : memref<1x1x64x512xf32, #tpu.memory_space<hbm>> -> memref<64x512xf32, #tpu.memory_space<hbm>>
    %dma_start3A_39 = arith.constant 128 : i32
    %dma_start3A_40 = arith.constant 0 : i32
    %dma_start3A_41 = tpu.memref_slice %arg2[%add3A, %dma_start3A_34, %dma_start3A_39, %dma_start3A_40] : memref<32x3x512x512xf32, #tpu.memory_space<hbm>> -> memref<1x1x64x512xf32, #tpu.memory_space<hbm>>
    %dma_start3A_42 = tpu.memref_squeeze %dma_start3A_41 : memref<1x1x64x512xf32, #tpu.memory_space<hbm>> -> memref<64x512xf32, #tpu.memory_space<hbm>>
    tpu.enqueue_dma source(%dma_start3A_42 : memref<64x512xf32, #tpu.memory_space<hbm>>) target(%arg4 : memref<64x512xf32, #tpu.memory_space<vmem>>) target_semaphore(%arg8 : memref<!tpu.dma_semaphore, #tpu.memory_space<semaphore_mem>>)
    %dma_wait3A_43 = arith.constant 0 : i32
    %dma_wait3A_44 = arith.constant 64 : i32
    %dma_wait3A_45 = arith.constant 0 : i32
    %dma_wait3A_46 = tpu.memref_slice %arg2[%add3A, %dma_wait3A_43, %dma_wait3A_44, %dma_wait3A_45] : memref<32x3x512x512xf32, #tpu.memory_space<hbm>> -> memref<1x1x64x512xf32, #tpu.memory_space<hbm>>
    %dma_wait3A_47 = tpu.memref_squeeze %dma_wait3A_46 : memref<1x1x64x512xf32, #tpu.memory_space<hbm>> -> memref<64x512xf32, #tpu.memory_space<hbm>>
    %dma_wait3A_48 = arith.constant 64 : i32
    %dma_wait3A_49 = arith.constant 0 : i32
    %dma_wait3A_50 = tpu.memref_slice %arg2[%add3A, %dma_wait3A_43, %dma_wait3A_48, %dma_wait3A_49] : memref<32x3x512x512xf32, #tpu.memory_space<hbm>> -> memref<1x1x64x512xf32, #tpu.memory_space<hbm>>
    %dma_wait3A_51 = tpu.memref_squeeze %dma_wait3A_50 : memref<1x1x64x512xf32, #tpu.memory_space<hbm>> -> memref<64x512xf32, #tpu.memory_space<hbm>>
    tpu.wait_dma2 semaphore(%arg9 : memref<!tpu.dma_semaphore, #tpu.memory_space<semaphore_mem>>) src(%dma_wait3A_51 : memref<64x512xf32, #tpu.memory_space<hbm>>) dst(%arg5 : memref<64x512xf32, #tpu.memory_space<vmem>>)
    %parallel_loop3A_52 = arith.constant 0 : i32
    %parallel_loop3A_53 = arith.constant 32768 : i32
    %parallel_loop3A_54 = arith.constant 16 : i32
    scf.for %parallel_loop3A_511 = %parallel_loop3A_52 to %parallel_loop3A_53 step %parallel_loop3A_54  : i32 {
      %parallel_loop3A_512 = arith.constant 9 : i32
      %parallel_loop3A_513 = arith.shrsi %parallel_loop3A_511, %parallel_loop3A_512 : i32
      %parallel_loop3A_514 = arith.constant 511 : i32
      %parallel_loop3A_515 = arith.andi %parallel_loop3A_511, %parallel_loop3A_514 : i32
      %parallel_loop3A_516 = arith.index_cast %parallel_loop3A_513 : i32 to index
      %parallel_loop3A_517 = arith.index_cast %parallel_loop3A_515 : i32 to index
      %parallel_loop3A_518 = tpu.vector_load %arg5[%parallel_loop3A_516, %parallel_loop3A_517] {strides = array<i32>} : memref<64x512xf32, #tpu.memory_space<vmem>>, vector<16xf32>,
      %parallel_loop3A_519 = arith.constant 2.560000e+02 : f32
      %parallel_loop3A_520 = vector.broadcast %parallel_loop3A_519 : f32 to vector<16xf32>
      %parallel_loop3A_521 = arith.mulf %parallel_loop3A_518, %parallel_loop3A_520 : vector<16xf32>
      %parallel_loop3A_522 = arith.fptosi %parallel_loop3A_521 : vector<16xf32> to vector<16xi32>
      %parallel_loop3A_523 = arith.constant 4 : i32
      %parallel_loop3A_524 = vector.broadcast %parallel_loop3A_523 : i32 to vector<16xi32>
      %parallel_loop3A_525 = arith.shli %parallel_loop3A_522, %parallel_loop3A_524 : vector<16xi32>
      %parallel_loop3A_526 = arith.ori %parallel_loop3A_525, %iota3A : vector<16xi32>
      tpu.vector_store_idx %arg6[%parallel_loop3A_526], %broadcast_in_dim3A_5 {add = true} : memref<4096xi32, #tpu.memory_space<vmem>>[vector<16xi32>], vector<16xi32>,
    } {sc.loop_unroll_factor = 8 : i64, sc.parallel_access}
    %dma_start3A_55 = arith.constant 0 : i32
    %dma_start3A_56 = arith.constant 192 : i32
    %dma_start3A_57 = arith.constant 0 : i32
    %dma_start3A_58 = tpu.memref_slice %arg2[%add3A, %dma_start3A_55, %dma_start3A_56, %dma_start3A_57] : memref<32x3x512x512xf32, #tpu.memory_space<hbm>> -> memref<1x1x64x512xf32, #tpu.memory_space<hbm>>
    %dma_start3A_59 = tpu.memref_squeeze %dma_start3A_58 : memref<1x1x64x512xf32, #tpu.memory_space<hbm>> -> memref<64x512xf32, #tpu.memory_space<hbm>>
    %dma_start3A_60 = arith.constant 192 : i32
    %dma_start3A_61 = arith.constant 0 : i32
    %dma_start3A_62 = tpu.memref_slice %arg2[%add3A, %dma_start3A_55, %dma_start3A_60, %dma_start3A_61] : memref<32x3x512x512xf32, #tpu.memory_space<hbm>> -> memref<1x1x64x512xf32, #tpu.memory_space<hbm>>
    %dma_start3A_63 = tpu.memref_squeeze %dma_start3A_62 : memref<1x1x64x512xf32, #tpu.memory_space<hbm>> -> memref<64x512xf32, #tpu.memory_space<hbm>>
    tpu.enqueue_dma source(%dma_start3A_63 : memref<64x512xf32, #tpu.memory_space<hbm>>) target(%arg5 : memref<64x512xf32, #tpu.memory_space<vmem>>) target_semaphore(%arg9 : memref<!tpu.dma_semaphore, #tpu.memory_space<semaphore_mem>>)
    %dma_wait3A_64 = arith.constant 0 : i32
    %dma_wait3A_65 = arith.constant 128 : i32
    %dma_wait3A_66 = arith.constant 0 : i32
    %dma_wait3A_67 = tpu.memref_slice %arg2[%add3A, %dma_wait3A_64, %dma_wait3A_65, %dma_wait3A_66] : memref<32x3x512x512xf32, #tpu.memory_space<hbm>> -> memref<1x1x64x512xf32, #tpu.memory_space<hbm>>
    %dma_wait3A_68 = tpu.memref_squeeze %dma_wait3A_67 : memref<1x1x64x512xf32, #tpu.memory_space<hbm>> -> memref<64x512xf32, #tpu.memory_space<hbm>>
    %dma_wait3A_69 = arith.constant 128 : i32
    %dma_wait3A_70 = arith.constant 0 : i32
    %dma_wait3A_71 = tpu.memref_slice %arg2[%add3A, %dma_wait3A_64, %dma_wait3A_69, %dma_wait3A_70] : memref<32x3x512x512xf32, #tpu.memory_space<hbm>> -> memref<1x1x64x512xf32, #tpu.memory_space<hbm>>
    %dma_wait3A_72 = tpu.memref_squeeze %dma_wait3A_71 : memref<1x1x64x512xf32, #tpu.memory_space<hbm>> -> memref<64x512xf32, #tpu.memory_space<hbm>>
    tpu.wait_dma2 semaphore(%arg8 : memref<!tpu.dma_semaphore, #tpu.memory_space<semaphore_mem>>) src(%dma_wait3A_72 : memref<64x512xf32, #tpu.memory_space<hbm>>) dst(%arg4 : memref<64x512xf32, #tpu.memory_space<vmem>>)
    %parallel_loop3A_73 = arith.constant 0 : i32
    %parallel_loop3A_74 = arith.constant 32768 : i32
    %parallel_loop3A_75 = arith.constant 16 : i32
    scf.for %parallel_loop3A_511 = %parallel_loop3A_73 to %parallel_loop3A_74 step %parallel_loop3A_75  : i32 {
      %parallel_loop3A_512 = arith.constant 9 : i32
      %parallel_loop3A_513 = arith.shrsi %parallel_loop3A_511, %parallel_loop3A_512 : i32
      %parallel_loop3A_514 = arith.constant 511 : i32
      %parallel_loop3A_515 = arith.andi %parallel_loop3A_511, %parallel_loop3A_514 : i32
      %parallel_loop3A_516 = arith.index_cast %parallel_loop3A_513 : i32 to index
      %parallel_loop3A_517 = arith.index_cast %parallel_loop3A_515 : i32 to index
      %parallel_loop3A_518 = tpu.vector_load %arg4[%parallel_loop3A_516, %parallel_loop3A_517] {strides = array<i32>} : memref<64x512xf32, #tpu.memory_space<vmem>>, vector<16xf32>,
      %parallel_loop3A_519 = arith.constant 2.560000e+02 : f32
      %parallel_loop3A_520 = vector.broadcast %parallel_loop3A_519 : f32 to vector<16xf32>
      %parallel_loop3A_521 = arith.mulf %parallel_loop3A_518, %parallel_loop3A_520 : vector<16xf32>
      %parallel_loop3A_522 = arith.fptosi %parallel_loop3A_521 : vector<16xf32> to vector<16xi32>
      %parallel_loop3A_523 = arith.constant 4 : i32
      %parallel_loop3A_524 = vector.broadcast %parallel_loop3A_523 : i32 to vector<16xi32>
      %parallel_loop3A_525 = arith.shli %parallel_loop3A_522, %parallel_loop3A_524 : vector<16xi32>
      %parallel_loop3A_526 = arith.ori %parallel_loop3A_525, %iota3A : vector<16xi32>
      tpu.vector_store_idx %arg6[%parallel_loop3A_526], %broadcast_in_dim3A_5 {add = true} : memref<4096xi32, #tpu.memory_space<vmem>>[vector<16xi32>], vector<16xi32>,
    } {sc.loop_unroll_factor = 8 : i64, sc.parallel_access}
    %dma_start3A_76 = arith.constant 0 : i32
    %dma_start3A_77 = arith.constant 256 : i32
    %dma_start3A_78 = arith.constant 0 : i32
    %dma_start3A_79 = tpu.memref_slice %arg2[%add3A, %dma_start3A_76, %dma_start3A_77, %dma_start3A_78] : memref<32x3x512x512xf32, #tpu.memory_space<hbm>> -> memref<1x1x64x512xf32, #tpu.memory_space<hbm>>
    %dma_start3A_80 = tpu.memref_squeeze %dma_start3A_79 : memref<1x1x64x512xf32, #tpu.memory_space<hbm>> -> memref<64x512xf32, #tpu.memory_space<hbm>>
    %dma_start3A_81 = arith.constant 256 : i32
    %dma_start3A_82 = arith.constant 0 : i32
    %dma_start3A_83 = tpu.memref_slice %arg2[%add3A, %dma_start3A_76, %dma_start3A_81, %dma_start3A_82] : memref<32x3x512x512xf32, #tpu.memory_space<hbm>> -> memref<1x1x64x512xf32, #tpu.memory_space<hbm>>
    %dma_start3A_84 = tpu.memref_squeeze %dma_start3A_83 : memref<1x1x64x512xf32, #tpu.memory_space<hbm>> -> memref<64x512xf32, #tpu.memory_space<hbm>>
    tpu.enqueue_dma source(%dma_start3A_84 : memref<64x512xf32, #tpu.memory_space<hbm>>) target(%arg4 : memref<64x512xf32, #tpu.memory_space<vmem>>) target_semaphore(%arg8 : memref<!tpu.dma_semaphore, #tpu.memory_space<semaphore_mem>>)
    %dma_wait3A_85 = arith.constant 0 : i32
    %dma_wait3A_86 = arith.constant 192 : i32
    %dma_wait3A_87 = arith.constant 0 : i32
    %dma_wait3A_88 = tpu.memref_slice %arg2[%add3A, %dma_wait3A_85, %dma_wait3A_86, %dma_wait3A_87] : memref<32x3x512x512xf32, #tpu.memory_space<hbm>> -> memref<1x1x64x512xf32, #tpu.memory_space<hbm>>
    %dma_wait3A_89 = tpu.memref_squeeze %dma_wait3A_88 : memref<1x1x64x512xf32, #tpu.memory_space<hbm>> -> memref<64x512xf32, #tpu.memory_space<hbm>>
    %dma_wait3A_90 = arith.constant 192 : i32
    %dma_wait3A_91 = arith.constant 0 : i32
    %dma_wait3A_92 = tpu.memref_slice %arg2[%add3A, %dma_wait3A_85, %dma_wait3A_90, %dma_wait3A_91] : memref<32x3x512x512xf32, #tpu.memory_space<hbm>> -> memref<1x1x64x512xf32, #tpu.memory_space<hbm>>
    %dma_wait3A_93 = tpu.memref_squeeze %dma_wait3A_92 : memref<1x1x64x512xf32, #tpu.memory_space<hbm>> -> memref<64x512xf32, #tpu.memory_space<hbm>>
    tpu.wait_dma2 semaphore(%arg9 : memref<!tpu.dma_semaphore, #tpu.memory_space<semaphore_mem>>) src(%dma_wait3A_93 : memref<64x512xf32, #tpu.memory_space<hbm>>) dst(%arg5 : memref<64x512xf32, #tpu.memory_space<vmem>>)
    %parallel_loop3A_94 = arith.constant 0 : i32
    %parallel_loop3A_95 = arith.constant 32768 : i32
    %parallel_loop3A_96 = arith.constant 16 : i32
    scf.for %parallel_loop3A_511 = %parallel_loop3A_94 to %parallel_loop3A_95 step %parallel_loop3A_96  : i32 {
      %parallel_loop3A_512 = arith.constant 9 : i32
      %parallel_loop3A_513 = arith.shrsi %parallel_loop3A_511, %parallel_loop3A_512 : i32
      %parallel_loop3A_514 = arith.constant 511 : i32
      %parallel_loop3A_515 = arith.andi %parallel_loop3A_511, %parallel_loop3A_514 : i32
      %parallel_loop3A_516 = arith.index_cast %parallel_loop3A_513 : i32 to index
      %parallel_loop3A_517 = arith.index_cast %parallel_loop3A_515 : i32 to index
      %parallel_loop3A_518 = tpu.vector_load %arg5[%parallel_loop3A_516, %parallel_loop3A_517] {strides = array<i32>} : memref<64x512xf32, #tpu.memory_space<vmem>>, vector<16xf32>,
      %parallel_loop3A_519 = arith.constant 2.560000e+02 : f32
      %parallel_loop3A_520 = vector.broadcast %parallel_loop3A_519 : f32 to vector<16xf32>
      %parallel_loop3A_521 = arith.mulf %parallel_loop3A_518, %parallel_loop3A_520 : vector<16xf32>
      %parallel_loop3A_522 = arith.fptosi %parallel_loop3A_521 : vector<16xf32> to vector<16xi32>
      %parallel_loop3A_523 = arith.constant 4 : i32
      %parallel_loop3A_524 = vector.broadcast %parallel_loop3A_523 : i32 to vector<16xi32>
      %parallel_loop3A_525 = arith.shli %parallel_loop3A_522, %parallel_loop3A_524 : vector<16xi32>
      %parallel_loop3A_526 = arith.ori %parallel_loop3A_525, %iota3A : vector<16xi32>
      tpu.vector_store_idx %arg6[%parallel_loop3A_526], %broadcast_in_dim3A_5 {add = true} : memref<4096xi32, #tpu.memory_space<vmem>>[vector<16xi32>], vector<16xi32>,
    } {sc.loop_unroll_factor = 8 : i64, sc.parallel_access}
    %dma_start3A_97 = arith.constant 0 : i32
    %dma_start3A_98 = arith.constant 320 : i32
    %dma_start3A_99 = arith.constant 0 : i32
    %dma_start3A_100 = tpu.memref_slice %arg2[%add3A, %dma_start3A_97, %dma_start3A_98, %dma_start3A_99] : memref<32x3x512x512xf32, #tpu.memory_space<hbm>> -> memref<1x1x64x512xf32, #tpu.memory_space<hbm>>
    %dma_start3A_101 = tpu.memref_squeeze %dma_start3A_100 : memref<1x1x64x512xf32, #tpu.memory_space<hbm>> -> memref<64x512xf32, #tpu.memory_space<hbm>>
    %dma_start3A_102 = arith.constant 320 : i32
    %dma_start3A_103 = arith.constant 0 : i32
    %dma_start3A_104 = tpu.memref_slice %arg2[%add3A, %dma_start3A_97, %dma_start3A_102, %dma_start3A_103] : memref<32x3x512x512xf32, #tpu.memory_space<hbm>> -> memref<1x1x64x512xf32, #tpu.memory_space<hbm>>
    %dma_start3A_105 = tpu.memref_squeeze %dma_start3A_104 : memref<1x1x64x512xf32, #tpu.memory_space<hbm>> -> memref<64x512xf32, #tpu.memory_space<hbm>>
    tpu.enqueue_dma source(%dma_start3A_105 : memref<64x512xf32, #tpu.memory_space<hbm>>) target(%arg5 : memref<64x512xf32, #tpu.memory_space<vmem>>) target_semaphore(%arg9 : memref<!tpu.dma_semaphore, #tpu.memory_space<semaphore_mem>>)
    %dma_wait3A_106 = arith.constant 0 : i32
    %dma_wait3A_107 = arith.constant 256 : i32
    %dma_wait3A_108 = arith.constant 0 : i32
    %dma_wait3A_109 = tpu.memref_slice %arg2[%add3A, %dma_wait3A_106, %dma_wait3A_107, %dma_wait3A_108] : memref<32x3x512x512xf32, #tpu.memory_space<hbm>> -> memref<1x1x64x512xf32, #tpu.memory_space<hbm>>
    %dma_wait3A_110 = tpu.memref_squeeze %dma_wait3A_109 : memref<1x1x64x512xf32, #tpu.memory_space<hbm>> -> memref<64x512xf32, #tpu.memory_space<hbm>>
    %dma_wait3A_111 = arith.constant 256 : i32
    %dma_wait3A_112 = arith.constant 0 : i32
    %dma_wait3A_113 = tpu.memref_slice %arg2[%add3A, %dma_wait3A_106, %dma_wait3A_111, %dma_wait3A_112] : memref<32x3x512x512xf32, #tpu.memory_space<hbm>> -> memref<1x1x64x512xf32, #tpu.memory_space<hbm>>
    %dma_wait3A_114 = tpu.memref_squeeze %dma_wait3A_113 : memref<1x1x64x512xf32, #tpu.memory_space<hbm>> -> memref<64x512xf32, #tpu.memory_space<hbm>>
    tpu.wait_dma2 semaphore(%arg8 : memref<!tpu.dma_semaphore, #tpu.memory_space<semaphore_mem>>) src(%dma_wait3A_114 : memref<64x512xf32, #tpu.memory_space<hbm>>) dst(%arg4 : memref<64x512xf32, #tpu.memory_space<vmem>>)
    %parallel_loop3A_115 = arith.constant 0 : i32
    %parallel_loop3A_116 = arith.constant 32768 : i32
    %parallel_loop3A_117 = arith.constant 16 : i32
    scf.for %parallel_loop3A_511 = %parallel_loop3A_115 to %parallel_loop3A_116 step %parallel_loop3A_117  : i32 {
      %parallel_loop3A_512 = arith.constant 9 : i32
      %parallel_loop3A_513 = arith.shrsi %parallel_loop3A_511, %parallel_loop3A_512 : i32
      %parallel_loop3A_514 = arith.constant 511 : i32
      %parallel_loop3A_515 = arith.andi %parallel_loop3A_511, %parallel_loop3A_514 : i32
      %parallel_loop3A_516 = arith.index_cast %parallel_loop3A_513 : i32 to index
      %parallel_loop3A_517 = arith.index_cast %parallel_loop3A_515 : i32 to index
      %parallel_loop3A_518 = tpu.vector_load %arg4[%parallel_loop3A_516, %parallel_loop3A_517] {strides = array<i32>} : memref<64x512xf32, #tpu.memory_space<vmem>>, vector<16xf32>,
      %parallel_loop3A_519 = arith.constant 2.560000e+02 : f32
      %parallel_loop3A_520 = vector.broadcast %parallel_loop3A_519 : f32 to vector<16xf32>
      %parallel_loop3A_521 = arith.mulf %parallel_loop3A_518, %parallel_loop3A_520 : vector<16xf32>
      %parallel_loop3A_522 = arith.fptosi %parallel_loop3A_521 : vector<16xf32> to vector<16xi32>
      %parallel_loop3A_523 = arith.constant 4 : i32
      %parallel_loop3A_524 = vector.broadcast %parallel_loop3A_523 : i32 to vector<16xi32>
      %parallel_loop3A_525 = arith.shli %parallel_loop3A_522, %parallel_loop3A_524 : vector<16xi32>
      %parallel_loop3A_526 = arith.ori %parallel_loop3A_525, %iota3A : vector<16xi32>
      tpu.vector_store_idx %arg6[%parallel_loop3A_526], %broadcast_in_dim3A_5 {add = true} : memref<4096xi32, #tpu.memory_space<vmem>>[vector<16xi32>], vector<16xi32>,
    } {sc.loop_unroll_factor = 8 : i64, sc.parallel_access}
    %dma_start3A_118 = arith.constant 0 : i32
    %dma_start3A_119 = arith.constant 384 : i32
    %dma_start3A_120 = arith.constant 0 : i32
    %dma_start3A_121 = tpu.memref_slice %arg2[%add3A, %dma_start3A_118, %dma_start3A_119, %dma_start3A_120] : memref<32x3x512x512xf32, #tpu.memory_space<hbm>> -> memref<1x1x64x512xf32, #tpu.memory_space<hbm>>
    %dma_start3A_122 = tpu.memref_squeeze %dma_start3A_121 : memref<1x1x64x512xf32, #tpu.memory_space<hbm>> -> memref<64x512xf32, #tpu.memory_space<hbm>>
    %dma_start3A_123 = arith.constant 384 : i32
    %dma_start3A_124 = arith.constant 0 : i32
    %dma_start3A_125 = tpu.memref_slice %arg2[%add3A, %dma_start3A_118, %dma_start3A_123, %dma_start3A_124] : memref<32x3x512x512xf32, #tpu.memory_space<hbm>> -> memref<1x1x64x512xf32, #tpu.memory_space<hbm>>
    %dma_start3A_126 = tpu.memref_squeeze %dma_start3A_125 : memref<1x1x64x512xf32, #tpu.memory_space<hbm>> -> memref<64x512xf32, #tpu.memory_space<hbm>>
    tpu.enqueue_dma source(%dma_start3A_126 : memref<64x512xf32, #tpu.memory_space<hbm>>) target(%arg4 : memref<64x512xf32, #tpu.memory_space<vmem>>) target_semaphore(%arg8 : memref<!tpu.dma_semaphore, #tpu.memory_space<semaphore_mem>>)
    %dma_wait3A_127 = arith.constant 0 : i32
    %dma_wait3A_128 = arith.constant 320 : i32
    %dma_wait3A_129 = arith.constant 0 : i32
    %dma_wait3A_130 = tpu.memref_slice %arg2[%add3A, %dma_wait3A_127, %dma_wait3A_128, %dma_wait3A_129] : memref<32x3x512x512xf32, #tpu.memory_space<hbm>> -> memref<1x1x64x512xf32, #tpu.memory_space<hbm>>
    %dma_wait3A_131 = tpu.memref_squeeze %dma_wait3A_130 : memref<1x1x64x512xf32, #tpu.memory_space<hbm>> -> memref<64x512xf32, #tpu.memory_space<hbm>>
    %dma_wait3A_132 = arith.constant 320 : i32
    %dma_wait3A_133 = arith.constant 0 : i32
    %dma_wait3A_134 = tpu.memref_slice %arg2[%add3A, %dma_wait3A_127, %dma_wait3A_132, %dma_wait3A_133] : memref<32x3x512x512xf32, #tpu.memory_space<hbm>> -> memref<1x1x64x512xf32, #tpu.memory_space<hbm>>
    %dma_wait3A_135 = tpu.memref_squeeze %dma_wait3A_134 : memref<1x1x64x512xf32, #tpu.memory_space<hbm>> -> memref<64x512xf32, #tpu.memory_space<hbm>>
    tpu.wait_dma2 semaphore(%arg9 : memref<!tpu.dma_semaphore, #tpu.memory_space<semaphore_mem>>) src(%dma_wait3A_135 : memref<64x512xf32, #tpu.memory_space<hbm>>) dst(%arg5 : memref<64x512xf32, #tpu.memory_space<vmem>>)
    %parallel_loop3A_136 = arith.constant 0 : i32
    %parallel_loop3A_137 = arith.constant 32768 : i32
    %parallel_loop3A_138 = arith.constant 16 : i32
    scf.for %parallel_loop3A_511 = %parallel_loop3A_136 to %parallel_loop3A_137 step %parallel_loop3A_138  : i32 {
      %parallel_loop3A_512 = arith.constant 9 : i32
      %parallel_loop3A_513 = arith.shrsi %parallel_loop3A_511, %parallel_loop3A_512 : i32
      %parallel_loop3A_514 = arith.constant 511 : i32
      %parallel_loop3A_515 = arith.andi %parallel_loop3A_511, %parallel_loop3A_514 : i32
      %parallel_loop3A_516 = arith.index_cast %parallel_loop3A_513 : i32 to index
      %parallel_loop3A_517 = arith.index_cast %parallel_loop3A_515 : i32 to index
      %parallel_loop3A_518 = tpu.vector_load %arg5[%parallel_loop3A_516, %parallel_loop3A_517] {strides = array<i32>} : memref<64x512xf32, #tpu.memory_space<vmem>>, vector<16xf32>,
      %parallel_loop3A_519 = arith.constant 2.560000e+02 : f32
      %parallel_loop3A_520 = vector.broadcast %parallel_loop3A_519 : f32 to vector<16xf32>
      %parallel_loop3A_521 = arith.mulf %parallel_loop3A_518, %parallel_loop3A_520 : vector<16xf32>
      %parallel_loop3A_522 = arith.fptosi %parallel_loop3A_521 : vector<16xf32> to vector<16xi32>
      %parallel_loop3A_523 = arith.constant 4 : i32
      %parallel_loop3A_524 = vector.broadcast %parallel_loop3A_523 : i32 to vector<16xi32>
      %parallel_loop3A_525 = arith.shli %parallel_loop3A_522, %parallel_loop3A_524 : vector<16xi32>
      %parallel_loop3A_526 = arith.ori %parallel_loop3A_525, %iota3A : vector<16xi32>
      tpu.vector_store_idx %arg6[%parallel_loop3A_526], %broadcast_in_dim3A_5 {add = true} : memref<4096xi32, #tpu.memory_space<vmem>>[vector<16xi32>], vector<16xi32>,
    } {sc.loop_unroll_factor = 8 : i64, sc.parallel_access}
    %dma_start3A_139 = arith.constant 0 : i32
    %dma_start3A_140 = arith.constant 448 : i32
    %dma_start3A_141 = arith.constant 0 : i32
    %dma_start3A_142 = tpu.memref_slice %arg2[%add3A, %dma_start3A_139, %dma_start3A_140, %dma_start3A_141] : memref<32x3x512x512xf32, #tpu.memory_space<hbm>> -> memref<1x1x64x512xf32, #tpu.memory_space<hbm>>
    %dma_start3A_143 = tpu.memref_squeeze %dma_start3A_142 : memref<1x1x64x512xf32, #tpu.memory_space<hbm>> -> memref<64x512xf32, #tpu.memory_space<hbm>>
    %dma_start3A_144 = arith.constant 448 : i32
    %dma_start3A_145 = arith.constant 0 : i32
    %dma_start3A_146 = tpu.memref_slice %arg2[%add3A, %dma_start3A_139, %dma_start3A_144, %dma_start3A_145] : memref<32x3x512x512xf32, #tpu.memory_space<hbm>> -> memref<1x1x64x512xf32, #tpu.memory_space<hbm>>
    %dma_start3A_147 = tpu.memref_squeeze %dma_start3A_146 : memref<1x1x64x512xf32, #tpu.memory_space<hbm>> -> memref<64x512xf32, #tpu.memory_space<hbm>>
    tpu.enqueue_dma source(%dma_start3A_147 : memref<64x512xf32, #tpu.memory_space<hbm>>) target(%arg5 : memref<64x512xf32, #tpu.memory_space<vmem>>) target_semaphore(%arg9 : memref<!tpu.dma_semaphore, #tpu.memory_space<semaphore_mem>>)
    %dma_wait3A_148 = arith.constant 0 : i32
    %dma_wait3A_149 = arith.constant 384 : i32
    %dma_wait3A_150 = arith.constant 0 : i32
    %dma_wait3A_151 = tpu.memref_slice %arg2[%add3A, %dma_wait3A_148, %dma_wait3A_149, %dma_wait3A_150] : memref<32x3x512x512xf32, #tpu.memory_space<hbm>> -> memref<1x1x64x512xf32, #tpu.memory_space<hbm>>
    %dma_wait3A_152 = tpu.memref_squeeze %dma_wait3A_151 : memref<1x1x64x512xf32, #tpu.memory_space<hbm>> -> memref<64x512xf32, #tpu.memory_space<hbm>>
    %dma_wait3A_153 = arith.constant 384 : i32
    %dma_wait3A_154 = arith.constant 0 : i32
    %dma_wait3A_155 = tpu.memref_slice %arg2[%add3A, %dma_wait3A_148, %dma_wait3A_153, %dma_wait3A_154] : memref<32x3x512x512xf32, #tpu.memory_space<hbm>> -> memref<1x1x64x512xf32, #tpu.memory_space<hbm>>
    %dma_wait3A_156 = tpu.memref_squeeze %dma_wait3A_155 : memref<1x1x64x512xf32, #tpu.memory_space<hbm>> -> memref<64x512xf32, #tpu.memory_space<hbm>>
    tpu.wait_dma2 semaphore(%arg8 : memref<!tpu.dma_semaphore, #tpu.memory_space<semaphore_mem>>) src(%dma_wait3A_156 : memref<64x512xf32, #tpu.memory_space<hbm>>) dst(%arg4 : memref<64x512xf32, #tpu.memory_space<vmem>>)
    %parallel_loop3A_157 = arith.constant 0 : i32
    %parallel_loop3A_158 = arith.constant 32768 : i32
    %parallel_loop3A_159 = arith.constant 16 : i32
    scf.for %parallel_loop3A_511 = %parallel_loop3A_157 to %parallel_loop3A_158 step %parallel_loop3A_159  : i32 {
      %parallel_loop3A_512 = arith.constant 9 : i32
      %parallel_loop3A_513 = arith.shrsi %parallel_loop3A_511, %parallel_loop3A_512 : i32
      %parallel_loop3A_514 = arith.constant 511 : i32
      %parallel_loop3A_515 = arith.andi %parallel_loop3A_511, %parallel_loop3A_514 : i32
      %parallel_loop3A_516 = arith.index_cast %parallel_loop3A_513 : i32 to index
      %parallel_loop3A_517 = arith.index_cast %parallel_loop3A_515 : i32 to index
      %parallel_loop3A_518 = tpu.vector_load %arg4[%parallel_loop3A_516, %parallel_loop3A_517] {strides = array<i32>} : memref<64x512xf32, #tpu.memory_space<vmem>>, vector<16xf32>,
      %parallel_loop3A_519 = arith.constant 2.560000e+02 : f32
      %parallel_loop3A_520 = vector.broadcast %parallel_loop3A_519 : f32 to vector<16xf32>
      %parallel_loop3A_521 = arith.mulf %parallel_loop3A_518, %parallel_loop3A_520 : vector<16xf32>
      %parallel_loop3A_522 = arith.fptosi %parallel_loop3A_521 : vector<16xf32> to vector<16xi32>
      %parallel_loop3A_523 = arith.constant 4 : i32
      %parallel_loop3A_524 = vector.broadcast %parallel_loop3A_523 : i32 to vector<16xi32>
      %parallel_loop3A_525 = arith.shli %parallel_loop3A_522, %parallel_loop3A_524 : vector<16xi32>
      %parallel_loop3A_526 = arith.ori %parallel_loop3A_525, %iota3A : vector<16xi32>
      tpu.vector_store_idx %arg6[%parallel_loop3A_526], %broadcast_in_dim3A_5 {add = true} : memref<4096xi32, #tpu.memory_space<vmem>>[vector<16xi32>], vector<16xi32>,
    } {sc.loop_unroll_factor = 8 : i64, sc.parallel_access}
    %dma_start3A_160 = arith.constant 1 : i32
    %dma_start3A_161 = arith.constant 0 : i32
    %dma_start3A_162 = arith.constant 0 : i32
    %dma_start3A_163 = tpu.memref_slice %arg2[%add3A, %dma_start3A_160, %dma_start3A_161, %dma_start3A_162] : memref<32x3x512x512xf32, #tpu.memory_space<hbm>> -> memref<1x1x64x512xf32, #tpu.memory_space<hbm>>
    %dma_start3A_164 = tpu.memref_squeeze %dma_start3A_163 : memref<1x1x64x512xf32, #tpu.memory_space<hbm>> -> memref<64x512xf32, #tpu.memory_space<hbm>>
    %dma_start3A_165 = arith.constant 0 : i32
    %dma_start3A_166 = arith.constant 0 : i32
    %dma_start3A_167 = tpu.memref_slice %arg2[%add3A, %dma_start3A_160, %dma_start3A_165, %dma_start3A_166] : memref<32x3x512x512xf32, #tpu.memory_space<hbm>> -> memref<1x1x64x512xf32, #tpu.memory_space<hbm>>
    %dma_start3A_168 = tpu.memref_squeeze %dma_start3A_167 : memref<1x1x64x512xf32, #tpu.memory_space<hbm>> -> memref<64x512xf32, #tpu.memory_space<hbm>>
    tpu.enqueue_dma source(%dma_start3A_168 : memref<64x512xf32, #tpu.memory_space<hbm>>) target(%arg4 : memref<64x512xf32, #tpu.memory_space<vmem>>) target_semaphore(%arg8 : memref<!tpu.dma_semaphore, #tpu.memory_space<semaphore_mem>>)
    %dma_wait3A_169 = arith.constant 0 : i32
    %dma_wait3A_170 = arith.constant 448 : i32
    %dma_wait3A_171 = arith.constant 0 : i32
    %dma_wait3A_172 = tpu.memref_slice %arg2[%add3A, %dma_wait3A_169, %dma_wait3A_170, %dma_wait3A_171] : memref<32x3x512x512xf32, #tpu.memory_space<hbm>> -> memref<1x1x64x512xf32, #tpu.memory_space<hbm>>
    %dma_wait3A_173 = tpu.memref_squeeze %dma_wait3A_172 : memref<1x1x64x512xf32, #tpu.memory_space<hbm>> -> memref<64x512xf32, #tpu.memory_space<hbm>>
    %dma_wait3A_174 = arith.constant 448 : i32
    %dma_wait3A_175 = arith.constant 0 : i32
    %dma_wait3A_176 = tpu.memref_slice %arg2[%add3A, %dma_wait3A_169, %dma_wait3A_174, %dma_wait3A_175] : memref<32x3x512x512xf32, #tpu.memory_space<hbm>> -> memref<1x1x64x512xf32, #tpu.memory_space<hbm>>
    %dma_wait3A_177 = tpu.memref_squeeze %dma_wait3A_176 : memref<1x1x64x512xf32, #tpu.memory_space<hbm>> -> memref<64x512xf32, #tpu.memory_space<hbm>>
    tpu.wait_dma2 semaphore(%arg9 : memref<!tpu.dma_semaphore, #tpu.memory_space<semaphore_mem>>) src(%dma_wait3A_177 : memref<64x512xf32, #tpu.memory_space<hbm>>) dst(%arg5 : memref<64x512xf32, #tpu.memory_space<vmem>>)
    %parallel_loop3A_178 = arith.constant 0 : i32
    %parallel_loop3A_179 = arith.constant 32768 : i32
    %parallel_loop3A_180 = arith.constant 16 : i32
    scf.for %parallel_loop3A_511 = %parallel_loop3A_178 to %parallel_loop3A_179 step %parallel_loop3A_180  : i32 {
      %parallel_loop3A_512 = arith.constant 9 : i32
      %parallel_loop3A_513 = arith.shrsi %parallel_loop3A_511, %parallel_loop3A_512 : i32
      %parallel_loop3A_514 = arith.constant 511 : i32
      %parallel_loop3A_515 = arith.andi %parallel_loop3A_511, %parallel_loop3A_514 : i32
      %parallel_loop3A_516 = arith.index_cast %parallel_loop3A_513 : i32 to index
      %parallel_loop3A_517 = arith.index_cast %parallel_loop3A_515 : i32 to index
      %parallel_loop3A_518 = tpu.vector_load %arg5[%parallel_loop3A_516, %parallel_loop3A_517] {strides = array<i32>} : memref<64x512xf32, #tpu.memory_space<vmem>>, vector<16xf32>,
      %parallel_loop3A_519 = arith.constant 2.560000e+02 : f32
      %parallel_loop3A_520 = vector.broadcast %parallel_loop3A_519 : f32 to vector<16xf32>
      %parallel_loop3A_521 = arith.mulf %parallel_loop3A_518, %parallel_loop3A_520 : vector<16xf32>
      %parallel_loop3A_522 = arith.fptosi %parallel_loop3A_521 : vector<16xf32> to vector<16xi32>
      %parallel_loop3A_523 = arith.constant 4 : i32
      %parallel_loop3A_524 = vector.broadcast %parallel_loop3A_523 : i32 to vector<16xi32>
      %parallel_loop3A_525 = arith.shli %parallel_loop3A_522, %parallel_loop3A_524 : vector<16xi32>
      %parallel_loop3A_526 = arith.ori %parallel_loop3A_525, %iota3A : vector<16xi32>
      tpu.vector_store_idx %arg6[%parallel_loop3A_526], %broadcast_in_dim3A_5 {add = true} : memref<4096xi32, #tpu.memory_space<vmem>>[vector<16xi32>], vector<16xi32>,
    } {sc.loop_unroll_factor = 8 : i64, sc.parallel_access}
    %dma_start3A_181 = arith.constant 1 : i32
    %dma_start3A_182 = arith.constant 64 : i32
    %dma_start3A_183 = arith.constant 0 : i32
    %dma_start3A_184 = tpu.memref_slice %arg2[%add3A, %dma_start3A_181, %dma_start3A_182, %dma_start3A_183] : memref<32x3x512x512xf32, #tpu.memory_space<hbm>> -> memref<1x1x64x512xf32, #tpu.memory_space<hbm>>
    %dma_start3A_185 = tpu.memref_squeeze %dma_start3A_184 : memref<1x1x64x512xf32, #tpu.memory_space<hbm>> -> memref<64x512xf32, #tpu.memory_space<hbm>>
    %dma_start3A_186 = arith.constant 64 : i32
    %dma_start3A_187 = arith.constant 0 : i32
    %dma_start3A_188 = tpu.memref_slice %arg2[%add3A, %dma_start3A_181, %dma_start3A_186, %dma_start3A_187] : memref<32x3x512x512xf32, #tpu.memory_space<hbm>> -> memref<1x1x64x512xf32, #tpu.memory_space<hbm>>
    %dma_start3A_189 = tpu.memref_squeeze %dma_start3A_188 : memref<1x1x64x512xf32, #tpu.memory_space<hbm>> -> memref<64x512xf32, #tpu.memory_space<hbm>>
    tpu.enqueue_dma source(%dma_start3A_189 : memref<64x512xf32, #tpu.memory_space<hbm>>) target(%arg5 : memref<64x512xf32, #tpu.memory_space<vmem>>) target_semaphore(%arg9 : memref<!tpu.dma_semaphore, #tpu.memory_space<semaphore_mem>>)
    %dma_wait3A_190 = arith.constant 1 : i32
    %dma_wait3A_191 = arith.constant 0 : i32
    %dma_wait3A_192 = arith.constant 0 : i32
    %dma_wait3A_193 = tpu.memref_slice %arg2[%add3A, %dma_wait3A_190, %dma_wait3A_191, %dma_wait3A_192] : memref<32x3x512x512xf32, #tpu.memory_space<hbm>> -> memref<1x1x64x512xf32, #tpu.memory_space<hbm>>
    %dma_wait3A_194 = tpu.memref_squeeze %dma_wait3A_193 : memref<1x1x64x512xf32, #tpu.memory_space<hbm>> -> memref<64x512xf32, #tpu.memory_space<hbm>>
    %dma_wait3A_195 = arith.constant 0 : i32
    %dma_wait3A_196 = arith.constant 0 : i32
    %dma_wait3A_197 = tpu.memref_slice %arg2[%add3A, %dma_wait3A_190, %dma_wait3A_195, %dma_wait3A_196] : memref<32x3x512x512xf32, #tpu.memory_space<hbm>> -> memref<1x1x64x512xf32, #tpu.memory_space<hbm>>
    %dma_wait3A_198 = tpu.memref_squeeze %dma_wait3A_197 : memref<1x1x64x512xf32, #tpu.memory_space<hbm>> -> memref<64x512xf32, #tpu.memory_space<hbm>>
    tpu.wait_dma2 semaphore(%arg8 : memref<!tpu.dma_semaphore, #tpu.memory_space<semaphore_mem>>) src(%dma_wait3A_198 : memref<64x512xf32, #tpu.memory_space<hbm>>) dst(%arg4 : memref<64x512xf32, #tpu.memory_space<vmem>>)
    %parallel_loop3A_199 = arith.constant 0 : i32
    %parallel_loop3A_200 = arith.constant 32768 : i32
    %parallel_loop3A_201 = arith.constant 16 : i32
    scf.for %parallel_loop3A_511 = %parallel_loop3A_199 to %parallel_loop3A_200 step %parallel_loop3A_201  : i32 {
      %parallel_loop3A_512 = arith.constant 9 : i32
      %parallel_loop3A_513 = arith.shrsi %parallel_loop3A_511, %parallel_loop3A_512 : i32
      %parallel_loop3A_514 = arith.constant 511 : i32
      %parallel_loop3A_515 = arith.andi %parallel_loop3A_511, %parallel_loop3A_514 : i32
      %parallel_loop3A_516 = arith.index_cast %parallel_loop3A_513 : i32 to index
      %parallel_loop3A_517 = arith.index_cast %parallel_loop3A_515 : i32 to index
      %parallel_loop3A_518 = tpu.vector_load %arg4[%parallel_loop3A_516, %parallel_loop3A_517] {strides = array<i32>} : memref<64x512xf32, #tpu.memory_space<vmem>>, vector<16xf32>,
      %parallel_loop3A_519 = arith.constant 2.560000e+02 : f32
      %parallel_loop3A_520 = vector.broadcast %parallel_loop3A_519 : f32 to vector<16xf32>
      %parallel_loop3A_521 = arith.mulf %parallel_loop3A_518, %parallel_loop3A_520 : vector<16xf32>
      %parallel_loop3A_522 = arith.fptosi %parallel_loop3A_521 : vector<16xf32> to vector<16xi32>
      %parallel_loop3A_523 = arith.constant 4 : i32
      %parallel_loop3A_524 = vector.broadcast %parallel_loop3A_523 : i32 to vector<16xi32>
      %parallel_loop3A_525 = arith.shli %parallel_loop3A_522, %parallel_loop3A_524 : vector<16xi32>
      %parallel_loop3A_526 = arith.ori %parallel_loop3A_525, %iota3A : vector<16xi32>
      tpu.vector_store_idx %arg6[%parallel_loop3A_526], %broadcast_in_dim3A_5 {add = true} : memref<4096xi32, #tpu.memory_space<vmem>>[vector<16xi32>], vector<16xi32>,
    } {sc.loop_unroll_factor = 8 : i64, sc.parallel_access}
    %dma_start3A_202 = arith.constant 1 : i32
    %dma_start3A_203 = arith.constant 128 : i32
    %dma_start3A_204 = arith.constant 0 : i32
    %dma_start3A_205 = tpu.memref_slice %arg2[%add3A, %dma_start3A_202, %dma_start3A_203, %dma_start3A_204] : memref<32x3x512x512xf32, #tpu.memory_space<hbm>> -> memref<1x1x64x512xf32, #tpu.memory_space<hbm>>
    %dma_start3A_206 = tpu.memref_squeeze %dma_start3A_205 : memref<1x1x64x512xf32, #tpu.memory_space<hbm>> -> memref<64x512xf32, #tpu.memory_space<hbm>>
    %dma_start3A_207 = arith.constant 128 : i32
    %dma_start3A_208 = arith.constant 0 : i32
    %dma_start3A_209 = tpu.memref_slice %arg2[%add3A, %dma_start3A_202, %dma_start3A_207, %dma_start3A_208] : memref<32x3x512x512xf32, #tpu.memory_space<hbm>> -> memref<1x1x64x512xf32, #tpu.memory_space<hbm>>
    %dma_start3A_210 = tpu.memref_squeeze %dma_start3A_209 : memref<1x1x64x512xf32, #tpu.memory_space<hbm>> -> memref<64x512xf32, #tpu.memory_space<hbm>>
    tpu.enqueue_dma source(%dma_start3A_210 : memref<64x512xf32, #tpu.memory_space<hbm>>) target(%arg4 : memref<64x512xf32, #tpu.memory_space<vmem>>) target_semaphore(%arg8 : memref<!tpu.dma_semaphore, #tpu.memory_space<semaphore_mem>>)
    %dma_wait3A_211 = arith.constant 1 : i32
    %dma_wait3A_212 = arith.constant 64 : i32
    %dma_wait3A_213 = arith.constant 0 : i32
    %dma_wait3A_214 = tpu.memref_slice %arg2[%add3A, %dma_wait3A_211, %dma_wait3A_212, %dma_wait3A_213] : memref<32x3x512x512xf32, #tpu.memory_space<hbm>> -> memref<1x1x64x512xf32, #tpu.memory_space<hbm>>
    %dma_wait3A_215 = tpu.memref_squeeze %dma_wait3A_214 : memref<1x1x64x512xf32, #tpu.memory_space<hbm>> -> memref<64x512xf32, #tpu.memory_space<hbm>>
    %dma_wait3A_216 = arith.constant 64 : i32
    %dma_wait3A_217 = arith.constant 0 : i32
    %dma_wait3A_218 = tpu.memref_slice %arg2[%add3A, %dma_wait3A_211, %dma_wait3A_216, %dma_wait3A_217] : memref<32x3x512x512xf32, #tpu.memory_space<hbm>> -> memref<1x1x64x512xf32, #tpu.memory_space<hbm>>
    %dma_wait3A_219 = tpu.memref_squeeze %dma_wait3A_218 : memref<1x1x64x512xf32, #tpu.memory_space<hbm>> -> memref<64x512xf32, #tpu.memory_space<hbm>>
    tpu.wait_dma2 semaphore(%arg9 : memref<!tpu.dma_semaphore, #tpu.memory_space<semaphore_mem>>) src(%dma_wait3A_219 : memref<64x512xf32, #tpu.memory_space<hbm>>) dst(%arg5 : memref<64x512xf32, #tpu.memory_space<vmem>>)
    %parallel_loop3A_220 = arith.constant 0 : i32
    %parallel_loop3A_221 = arith.constant 32768 : i32
    %parallel_loop3A_222 = arith.constant 16 : i32
    scf.for %parallel_loop3A_511 = %parallel_loop3A_220 to %parallel_loop3A_221 step %parallel_loop3A_222  : i32 {
      %parallel_loop3A_512 = arith.constant 9 : i32
      %parallel_loop3A_513 = arith.shrsi %parallel_loop3A_511, %parallel_loop3A_512 : i32
      %parallel_loop3A_514 = arith.constant 511 : i32
      %parallel_loop3A_515 = arith.andi %parallel_loop3A_511, %parallel_loop3A_514 : i32
      %parallel_loop3A_516 = arith.index_cast %parallel_loop3A_513 : i32 to index
      %parallel_loop3A_517 = arith.index_cast %parallel_loop3A_515 : i32 to index
      %parallel_loop3A_518 = tpu.vector_load %arg5[%parallel_loop3A_516, %parallel_loop3A_517] {strides = array<i32>} : memref<64x512xf32, #tpu.memory_space<vmem>>, vector<16xf32>,
      %parallel_loop3A_519 = arith.constant 2.560000e+02 : f32
      %parallel_loop3A_520 = vector.broadcast %parallel_loop3A_519 : f32 to vector<16xf32>
      %parallel_loop3A_521 = arith.mulf %parallel_loop3A_518, %parallel_loop3A_520 : vector<16xf32>
      %parallel_loop3A_522 = arith.fptosi %parallel_loop3A_521 : vector<16xf32> to vector<16xi32>
      %parallel_loop3A_523 = arith.constant 4 : i32
      %parallel_loop3A_524 = vector.broadcast %parallel_loop3A_523 : i32 to vector<16xi32>
      %parallel_loop3A_525 = arith.shli %parallel_loop3A_522, %parallel_loop3A_524 : vector<16xi32>
      %parallel_loop3A_526 = arith.ori %parallel_loop3A_525, %iota3A : vector<16xi32>
      tpu.vector_store_idx %arg6[%parallel_loop3A_526], %broadcast_in_dim3A_5 {add = true} : memref<4096xi32, #tpu.memory_space<vmem>>[vector<16xi32>], vector<16xi32>,
    } {sc.loop_unroll_factor = 8 : i64, sc.parallel_access}
    %dma_start3A_223 = arith.constant 1 : i32
    %dma_start3A_224 = arith.constant 192 : i32
    %dma_start3A_225 = arith.constant 0 : i32
    %dma_start3A_226 = tpu.memref_slice %arg2[%add3A, %dma_start3A_223, %dma_start3A_224, %dma_start3A_225] : memref<32x3x512x512xf32, #tpu.memory_space<hbm>> -> memref<1x1x64x512xf32, #tpu.memory_space<hbm>>
    %dma_start3A_227 = tpu.memref_squeeze %dma_start3A_226 : memref<1x1x64x512xf32, #tpu.memory_space<hbm>> -> memref<64x512xf32, #tpu.memory_space<hbm>>
    %dma_start3A_228 = arith.constant 192 : i32
    %dma_start3A_229 = arith.constant 0 : i32
    %dma_start3A_230 = tpu.memref_slice %arg2[%add3A, %dma_start3A_223, %dma_start3A_228, %dma_start3A_229] : memref<32x3x512x512xf32, #tpu.memory_space<hbm>> -> memref<1x1x64x512xf32, #tpu.memory_space<hbm>>
    %dma_start3A_231 = tpu.memref_squeeze %dma_start3A_230 : memref<1x1x64x512xf32, #tpu.memory_space<hbm>> -> memref<64x512xf32, #tpu.memory_space<hbm>>
    tpu.enqueue_dma source(%dma_start3A_231 : memref<64x512xf32, #tpu.memory_space<hbm>>) target(%arg5 : memref<64x512xf32, #tpu.memory_space<vmem>>) target_semaphore(%arg9 : memref<!tpu.dma_semaphore, #tpu.memory_space<semaphore_mem>>)
    %dma_wait3A_232 = arith.constant 1 : i32
    %dma_wait3A_233 = arith.constant 128 : i32
    %dma_wait3A_234 = arith.constant 0 : i32
    %dma_wait3A_235 = tpu.memref_slice %arg2[%add3A, %dma_wait3A_232, %dma_wait3A_233, %dma_wait3A_234] : memref<32x3x512x512xf32, #tpu.memory_space<hbm>> -> memref<1x1x64x512xf32, #tpu.memory_space<hbm>>
    %dma_wait3A_236 = tpu.memref_squeeze %dma_wait3A_235 : memref<1x1x64x512xf32, #tpu.memory_space<hbm>> -> memref<64x512xf32, #tpu.memory_space<hbm>>
    %dma_wait3A_237 = arith.constant 128 : i32
    %dma_wait3A_238 = arith.constant 0 : i32
    %dma_wait3A_239 = tpu.memref_slice %arg2[%add3A, %dma_wait3A_232, %dma_wait3A_237, %dma_wait3A_238] : memref<32x3x512x512xf32, #tpu.memory_space<hbm>> -> memref<1x1x64x512xf32, #tpu.memory_space<hbm>>
    %dma_wait3A_240 = tpu.memref_squeeze %dma_wait3A_239 : memref<1x1x64x512xf32, #tpu.memory_space<hbm>> -> memref<64x512xf32, #tpu.memory_space<hbm>>
    tpu.wait_dma2 semaphore(%arg8 : memref<!tpu.dma_semaphore, #tpu.memory_space<semaphore_mem>>) src(%dma_wait3A_240 : memref<64x512xf32, #tpu.memory_space<hbm>>) dst(%arg4 : memref<64x512xf32, #tpu.memory_space<vmem>>)
    %parallel_loop3A_241 = arith.constant 0 : i32
    %parallel_loop3A_242 = arith.constant 32768 : i32
    %parallel_loop3A_243 = arith.constant 16 : i32
    scf.for %parallel_loop3A_511 = %parallel_loop3A_241 to %parallel_loop3A_242 step %parallel_loop3A_243  : i32 {
      %parallel_loop3A_512 = arith.constant 9 : i32
      %parallel_loop3A_513 = arith.shrsi %parallel_loop3A_511, %parallel_loop3A_512 : i32
      %parallel_loop3A_514 = arith.constant 511 : i32
      %parallel_loop3A_515 = arith.andi %parallel_loop3A_511, %parallel_loop3A_514 : i32
      %parallel_loop3A_516 = arith.index_cast %parallel_loop3A_513 : i32 to index
      %parallel_loop3A_517 = arith.index_cast %parallel_loop3A_515 : i32 to index
      %parallel_loop3A_518 = tpu.vector_load %arg4[%parallel_loop3A_516, %parallel_loop3A_517] {strides = array<i32>} : memref<64x512xf32, #tpu.memory_space<vmem>>, vector<16xf32>,
      %parallel_loop3A_519 = arith.constant 2.560000e+02 : f32
      %parallel_loop3A_520 = vector.broadcast %parallel_loop3A_519 : f32 to vector<16xf32>
      %parallel_loop3A_521 = arith.mulf %parallel_loop3A_518, %parallel_loop3A_520 : vector<16xf32>
      %parallel_loop3A_522 = arith.fptosi %parallel_loop3A_521 : vector<16xf32> to vector<16xi32>
      %parallel_loop3A_523 = arith.constant 4 : i32
      %parallel_loop3A_524 = vector.broadcast %parallel_loop3A_523 : i32 to vector<16xi32>
      %parallel_loop3A_525 = arith.shli %parallel_loop3A_522, %parallel_loop3A_524 : vector<16xi32>
      %parallel_loop3A_526 = arith.ori %parallel_loop3A_525, %iota3A : vector<16xi32>
      tpu.vector_store_idx %arg6[%parallel_loop3A_526], %broadcast_in_dim3A_5 {add = true} : memref<4096xi32, #tpu.memory_space<vmem>>[vector<16xi32>], vector<16xi32>,
    } {sc.loop_unroll_factor = 8 : i64, sc.parallel_access}
    %dma_start3A_244 = arith.constant 1 : i32
    %dma_start3A_245 = arith.constant 256 : i32
    %dma_start3A_246 = arith.constant 0 : i32
    %dma_start3A_247 = tpu.memref_slice %arg2[%add3A, %dma_start3A_244, %dma_start3A_245, %dma_start3A_246] : memref<32x3x512x512xf32, #tpu.memory_space<hbm>> -> memref<1x1x64x512xf32, #tpu.memory_space<hbm>>
    %dma_start3A_248 = tpu.memref_squeeze %dma_start3A_247 : memref<1x1x64x512xf32, #tpu.memory_space<hbm>> -> memref<64x512xf32, #tpu.memory_space<hbm>>
    %dma_start3A_249 = arith.constant 256 : i32
    %dma_start3A_250 = arith.constant 0 : i32
    %dma_start3A_251 = tpu.memref_slice %arg2[%add3A, %dma_start3A_244, %dma_start3A_249, %dma_start3A_250] : memref<32x3x512x512xf32, #tpu.memory_space<hbm>> -> memref<1x1x64x512xf32, #tpu.memory_space<hbm>>
    %dma_start3A_252 = tpu.memref_squeeze %dma_start3A_251 : memref<1x1x64x512xf32, #tpu.memory_space<hbm>> -> memref<64x512xf32, #tpu.memory_space<hbm>>
    tpu.enqueue_dma source(%dma_start3A_252 : memref<64x512xf32, #tpu.memory_space<hbm>>) target(%arg4 : memref<64x512xf32, #tpu.memory_space<vmem>>) target_semaphore(%arg8 : memref<!tpu.dma_semaphore, #tpu.memory_space<semaphore_mem>>)
    %dma_wait3A_253 = arith.constant 1 : i32
    %dma_wait3A_254 = arith.constant 192 : i32
    %dma_wait3A_255 = arith.constant 0 : i32
    %dma_wait3A_256 = tpu.memref_slice %arg2[%add3A, %dma_wait3A_253, %dma_wait3A_254, %dma_wait3A_255] : memref<32x3x512x512xf32, #tpu.memory_space<hbm>> -> memref<1x1x64x512xf32, #tpu.memory_space<hbm>>
    %dma_wait3A_257 = tpu.memref_squeeze %dma_wait3A_256 : memref<1x1x64x512xf32, #tpu.memory_space<hbm>> -> memref<64x512xf32, #tpu.memory_space<hbm>>
    %dma_wait3A_258 = arith.constant 192 : i32
    %dma_wait3A_259 = arith.constant 0 : i32
    %dma_wait3A_260 = tpu.memref_slice %arg2[%add3A, %dma_wait3A_253, %dma_wait3A_258, %dma_wait3A_259] : memref<32x3x512x512xf32, #tpu.memory_space<hbm>> -> memref<1x1x64x512xf32, #tpu.memory_space<hbm>>
    %dma_wait3A_261 = tpu.memref_squeeze %dma_wait3A_260 : memref<1x1x64x512xf32, #tpu.memory_space<hbm>> -> memref<64x512xf32, #tpu.memory_space<hbm>>
    tpu.wait_dma2 semaphore(%arg9 : memref<!tpu.dma_semaphore, #tpu.memory_space<semaphore_mem>>) src(%dma_wait3A_261 : memref<64x512xf32, #tpu.memory_space<hbm>>) dst(%arg5 : memref<64x512xf32, #tpu.memory_space<vmem>>)
    %parallel_loop3A_262 = arith.constant 0 : i32
    %parallel_loop3A_263 = arith.constant 32768 : i32
    %parallel_loop3A_264 = arith.constant 16 : i32
    scf.for %parallel_loop3A_511 = %parallel_loop3A_262 to %parallel_loop3A_263 step %parallel_loop3A_264  : i32 {
      %parallel_loop3A_512 = arith.constant 9 : i32
      %parallel_loop3A_513 = arith.shrsi %parallel_loop3A_511, %parallel_loop3A_512 : i32
      %parallel_loop3A_514 = arith.constant 511 : i32
      %parallel_loop3A_515 = arith.andi %parallel_loop3A_511, %parallel_loop3A_514 : i32
      %parallel_loop3A_516 = arith.index_cast %parallel_loop3A_513 : i32 to index
      %parallel_loop3A_517 = arith.index_cast %parallel_loop3A_515 : i32 to index
      %parallel_loop3A_518 = tpu.vector_load %arg5[%parallel_loop3A_516, %parallel_loop3A_517] {strides = array<i32>} : memref<64x512xf32, #tpu.memory_space<vmem>>, vector<16xf32>,
      %parallel_loop3A_519 = arith.constant 2.560000e+02 : f32
      %parallel_loop3A_520 = vector.broadcast %parallel_loop3A_519 : f32 to vector<16xf32>
      %parallel_loop3A_521 = arith.mulf %parallel_loop3A_518, %parallel_loop3A_520 : vector<16xf32>
      %parallel_loop3A_522 = arith.fptosi %parallel_loop3A_521 : vector<16xf32> to vector<16xi32>
      %parallel_loop3A_523 = arith.constant 4 : i32
      %parallel_loop3A_524 = vector.broadcast %parallel_loop3A_523 : i32 to vector<16xi32>
      %parallel_loop3A_525 = arith.shli %parallel_loop3A_522, %parallel_loop3A_524 : vector<16xi32>
      %parallel_loop3A_526 = arith.ori %parallel_loop3A_525, %iota3A : vector<16xi32>
      tpu.vector_store_idx %arg6[%parallel_loop3A_526], %broadcast_in_dim3A_5 {add = true} : memref<4096xi32, #tpu.memory_space<vmem>>[vector<16xi32>], vector<16xi32>,
    } {sc.loop_unroll_factor = 8 : i64, sc.parallel_access}
    %dma_start3A_265 = arith.constant 1 : i32
    %dma_start3A_266 = arith.constant 320 : i32
    %dma_start3A_267 = arith.constant 0 : i32
    %dma_start3A_268 = tpu.memref_slice %arg2[%add3A, %dma_start3A_265, %dma_start3A_266, %dma_start3A_267] : memref<32x3x512x512xf32, #tpu.memory_space<hbm>> -> memref<1x1x64x512xf32, #tpu.memory_space<hbm>>
    %dma_start3A_269 = tpu.memref_squeeze %dma_start3A_268 : memref<1x1x64x512xf32, #tpu.memory_space<hbm>> -> memref<64x512xf32, #tpu.memory_space<hbm>>
    %dma_start3A_270 = arith.constant 320 : i32
    %dma_start3A_271 = arith.constant 0 : i32
    %dma_start3A_272 = tpu.memref_slice %arg2[%add3A, %dma_start3A_265, %dma_start3A_270, %dma_start3A_271] : memref<32x3x512x512xf32, #tpu.memory_space<hbm>> -> memref<1x1x64x512xf32, #tpu.memory_space<hbm>>
    %dma_start3A_273 = tpu.memref_squeeze %dma_start3A_272 : memref<1x1x64x512xf32, #tpu.memory_space<hbm>> -> memref<64x512xf32, #tpu.memory_space<hbm>>
    tpu.enqueue_dma source(%dma_start3A_273 : memref<64x512xf32, #tpu.memory_space<hbm>>) target(%arg5 : memref<64x512xf32, #tpu.memory_space<vmem>>) target_semaphore(%arg9 : memref<!tpu.dma_semaphore, #tpu.memory_space<semaphore_mem>>)
    %dma_wait3A_274 = arith.constant 1 : i32
    %dma_wait3A_275 = arith.constant 256 : i32
    %dma_wait3A_276 = arith.constant 0 : i32
    %dma_wait3A_277 = tpu.memref_slice %arg2[%add3A, %dma_wait3A_274, %dma_wait3A_275, %dma_wait3A_276] : memref<32x3x512x512xf32, #tpu.memory_space<hbm>> -> memref<1x1x64x512xf32, #tpu.memory_space<hbm>>
    %dma_wait3A_278 = tpu.memref_squeeze %dma_wait3A_277 : memref<1x1x64x512xf32, #tpu.memory_space<hbm>> -> memref<64x512xf32, #tpu.memory_space<hbm>>
    %dma_wait3A_279 = arith.constant 256 : i32
    %dma_wait3A_280 = arith.constant 0 : i32
    %dma_wait3A_281 = tpu.memref_slice %arg2[%add3A, %dma_wait3A_274, %dma_wait3A_279, %dma_wait3A_280] : memref<32x3x512x512xf32, #tpu.memory_space<hbm>> -> memref<1x1x64x512xf32, #tpu.memory_space<hbm>>
    %dma_wait3A_282 = tpu.memref_squeeze %dma_wait3A_281 : memref<1x1x64x512xf32, #tpu.memory_space<hbm>> -> memref<64x512xf32, #tpu.memory_space<hbm>>
    tpu.wait_dma2 semaphore(%arg8 : memref<!tpu.dma_semaphore, #tpu.memory_space<semaphore_mem>>) src(%dma_wait3A_282 : memref<64x512xf32, #tpu.memory_space<hbm>>) dst(%arg4 : memref<64x512xf32, #tpu.memory_space<vmem>>)
    %parallel_loop3A_283 = arith.constant 0 : i32
    %parallel_loop3A_284 = arith.constant 32768 : i32
    %parallel_loop3A_285 = arith.constant 16 : i32
    scf.for %parallel_loop3A_511 = %parallel_loop3A_283 to %parallel_loop3A_284 step %parallel_loop3A_285  : i32 {
      %parallel_loop3A_512 = arith.constant 9 : i32
      %parallel_loop3A_513 = arith.shrsi %parallel_loop3A_511, %parallel_loop3A_512 : i32
      %parallel_loop3A_514 = arith.constant 511 : i32
      %parallel_loop3A_515 = arith.andi %parallel_loop3A_511, %parallel_loop3A_514 : i32
      %parallel_loop3A_516 = arith.index_cast %parallel_loop3A_513 : i32 to index
      %parallel_loop3A_517 = arith.index_cast %parallel_loop3A_515 : i32 to index
      %parallel_loop3A_518 = tpu.vector_load %arg4[%parallel_loop3A_516, %parallel_loop3A_517] {strides = array<i32>} : memref<64x512xf32, #tpu.memory_space<vmem>>, vector<16xf32>,
      %parallel_loop3A_519 = arith.constant 2.560000e+02 : f32
      %parallel_loop3A_520 = vector.broadcast %parallel_loop3A_519 : f32 to vector<16xf32>
      %parallel_loop3A_521 = arith.mulf %parallel_loop3A_518, %parallel_loop3A_520 : vector<16xf32>
      %parallel_loop3A_522 = arith.fptosi %parallel_loop3A_521 : vector<16xf32> to vector<16xi32>
      %parallel_loop3A_523 = arith.constant 4 : i32
      %parallel_loop3A_524 = vector.broadcast %parallel_loop3A_523 : i32 to vector<16xi32>
      %parallel_loop3A_525 = arith.shli %parallel_loop3A_522, %parallel_loop3A_524 : vector<16xi32>
      %parallel_loop3A_526 = arith.ori %parallel_loop3A_525, %iota3A : vector<16xi32>
      tpu.vector_store_idx %arg6[%parallel_loop3A_526], %broadcast_in_dim3A_5 {add = true} : memref<4096xi32, #tpu.memory_space<vmem>>[vector<16xi32>], vector<16xi32>,
    } {sc.loop_unroll_factor = 8 : i64, sc.parallel_access}
    %dma_start3A_286 = arith.constant 1 : i32
    %dma_start3A_287 = arith.constant 384 : i32
    %dma_start3A_288 = arith.constant 0 : i32
    %dma_start3A_289 = tpu.memref_slice %arg2[%add3A, %dma_start3A_286, %dma_start3A_287, %dma_start3A_288] : memref<32x3x512x512xf32, #tpu.memory_space<hbm>> -> memref<1x1x64x512xf32, #tpu.memory_space<hbm>>
    %dma_start3A_290 = tpu.memref_squeeze %dma_start3A_289 : memref<1x1x64x512xf32, #tpu.memory_space<hbm>> -> memref<64x512xf32, #tpu.memory_space<hbm>>
    %dma_start3A_291 = arith.constant 384 : i32
    %dma_start3A_292 = arith.constant 0 : i32
    %dma_start3A_293 = tpu.memref_slice %arg2[%add3A, %dma_start3A_286, %dma_start3A_291, %dma_start3A_292] : memref<32x3x512x512xf32, #tpu.memory_space<hbm>> -> memref<1x1x64x512xf32, #tpu.memory_space<hbm>>
    %dma_start3A_294 = tpu.memref_squeeze %dma_start3A_293 : memref<1x1x64x512xf32, #tpu.memory_space<hbm>> -> memref<64x512xf32, #tpu.memory_space<hbm>>
    tpu.enqueue_dma source(%dma_start3A_294 : memref<64x512xf32, #tpu.memory_space<hbm>>) target(%arg4 : memref<64x512xf32, #tpu.memory_space<vmem>>) target_semaphore(%arg8 : memref<!tpu.dma_semaphore, #tpu.memory_space<semaphore_mem>>)
    %dma_wait3A_295 = arith.constant 1 : i32
    %dma_wait3A_296 = arith.constant 320 : i32
    %dma_wait3A_297 = arith.constant 0 : i32
    %dma_wait3A_298 = tpu.memref_slice %arg2[%add3A, %dma_wait3A_295, %dma_wait3A_296, %dma_wait3A_297] : memref<32x3x512x512xf32, #tpu.memory_space<hbm>> -> memref<1x1x64x512xf32, #tpu.memory_space<hbm>>
    %dma_wait3A_299 = tpu.memref_squeeze %dma_wait3A_298 : memref<1x1x64x512xf32, #tpu.memory_space<hbm>> -> memref<64x512xf32, #tpu.memory_space<hbm>>
    %dma_wait3A_300 = arith.constant 320 : i32
    %dma_wait3A_301 = arith.constant 0 : i32
    %dma_wait3A_302 = tpu.memref_slice %arg2[%add3A, %dma_wait3A_295, %dma_wait3A_300, %dma_wait3A_301] : memref<32x3x512x512xf32, #tpu.memory_space<hbm>> -> memref<1x1x64x512xf32, #tpu.memory_space<hbm>>
    %dma_wait3A_303 = tpu.memref_squeeze %dma_wait3A_302 : memref<1x1x64x512xf32, #tpu.memory_space<hbm>> -> memref<64x512xf32, #tpu.memory_space<hbm>>
    tpu.wait_dma2 semaphore(%arg9 : memref<!tpu.dma_semaphore, #tpu.memory_space<semaphore_mem>>) src(%dma_wait3A_303 : memref<64x512xf32, #tpu.memory_space<hbm>>) dst(%arg5 : memref<64x512xf32, #tpu.memory_space<vmem>>)
    %parallel_loop3A_304 = arith.constant 0 : i32
    %parallel_loop3A_305 = arith.constant 32768 : i32
    %parallel_loop3A_306 = arith.constant 16 : i32
    scf.for %parallel_loop3A_511 = %parallel_loop3A_304 to %parallel_loop3A_305 step %parallel_loop3A_306  : i32 {
      %parallel_loop3A_512 = arith.constant 9 : i32
      %parallel_loop3A_513 = arith.shrsi %parallel_loop3A_511, %parallel_loop3A_512 : i32
      %parallel_loop3A_514 = arith.constant 511 : i32
      %parallel_loop3A_515 = arith.andi %parallel_loop3A_511, %parallel_loop3A_514 : i32
      %parallel_loop3A_516 = arith.index_cast %parallel_loop3A_513 : i32 to index
      %parallel_loop3A_517 = arith.index_cast %parallel_loop3A_515 : i32 to index
      %parallel_loop3A_518 = tpu.vector_load %arg5[%parallel_loop3A_516, %parallel_loop3A_517] {strides = array<i32>} : memref<64x512xf32, #tpu.memory_space<vmem>>, vector<16xf32>,
      %parallel_loop3A_519 = arith.constant 2.560000e+02 : f32
      %parallel_loop3A_520 = vector.broadcast %parallel_loop3A_519 : f32 to vector<16xf32>
      %parallel_loop3A_521 = arith.mulf %parallel_loop3A_518, %parallel_loop3A_520 : vector<16xf32>
      %parallel_loop3A_522 = arith.fptosi %parallel_loop3A_521 : vector<16xf32> to vector<16xi32>
      %parallel_loop3A_523 = arith.constant 4 : i32
      %parallel_loop3A_524 = vector.broadcast %parallel_loop3A_523 : i32 to vector<16xi32>
      %parallel_loop3A_525 = arith.shli %parallel_loop3A_522, %parallel_loop3A_524 : vector<16xi32>
      %parallel_loop3A_526 = arith.ori %parallel_loop3A_525, %iota3A : vector<16xi32>
      tpu.vector_store_idx %arg6[%parallel_loop3A_526], %broadcast_in_dim3A_5 {add = true} : memref<4096xi32, #tpu.memory_space<vmem>>[vector<16xi32>], vector<16xi32>,
    } {sc.loop_unroll_factor = 8 : i64, sc.parallel_access}
    %dma_start3A_307 = arith.constant 1 : i32
    %dma_start3A_308 = arith.constant 448 : i32
    %dma_start3A_309 = arith.constant 0 : i32
    %dma_start3A_310 = tpu.memref_slice %arg2[%add3A, %dma_start3A_307, %dma_start3A_308, %dma_start3A_309] : memref<32x3x512x512xf32, #tpu.memory_space<hbm>> -> memref<1x1x64x512xf32, #tpu.memory_space<hbm>>
    %dma_start3A_311 = tpu.memref_squeeze %dma_start3A_310 : memref<1x1x64x512xf32, #tpu.memory_space<hbm>> -> memref<64x512xf32, #tpu.memory_space<hbm>>
    %dma_start3A_312 = arith.constant 448 : i32
    %dma_start3A_313 = arith.constant 0 : i32
    %dma_start3A_314 = tpu.memref_slice %arg2[%add3A, %dma_start3A_307, %dma_start3A_312, %dma_start3A_313] : memref<32x3x512x512xf32, #tpu.memory_space<hbm>> -> memref<1x1x64x512xf32, #tpu.memory_space<hbm>>
    %dma_start3A_315 = tpu.memref_squeeze %dma_start3A_314 : memref<1x1x64x512xf32, #tpu.memory_space<hbm>> -> memref<64x512xf32, #tpu.memory_space<hbm>>
    tpu.enqueue_dma source(%dma_start3A_315 : memref<64x512xf32, #tpu.memory_space<hbm>>) target(%arg5 : memref<64x512xf32, #tpu.memory_space<vmem>>) target_semaphore(%arg9 : memref<!tpu.dma_semaphore, #tpu.memory_space<semaphore_mem>>)
    %dma_wait3A_316 = arith.constant 1 : i32
    %dma_wait3A_317 = arith.constant 384 : i32
    %dma_wait3A_318 = arith.constant 0 : i32
    %dma_wait3A_319 = tpu.memref_slice %arg2[%add3A, %dma_wait3A_316, %dma_wait3A_317, %dma_wait3A_318] : memref<32x3x512x512xf32, #tpu.memory_space<hbm>> -> memref<1x1x64x512xf32, #tpu.memory_space<hbm>>
    %dma_wait3A_320 = tpu.memref_squeeze %dma_wait3A_319 : memref<1x1x64x512xf32, #tpu.memory_space<hbm>> -> memref<64x512xf32, #tpu.memory_space<hbm>>
    %dma_wait3A_321 = arith.constant 384 : i32
    %dma_wait3A_322 = arith.constant 0 : i32
    %dma_wait3A_323 = tpu.memref_slice %arg2[%add3A, %dma_wait3A_316, %dma_wait3A_321, %dma_wait3A_322] : memref<32x3x512x512xf32, #tpu.memory_space<hbm>> -> memref<1x1x64x512xf32, #tpu.memory_space<hbm>>
    %dma_wait3A_324 = tpu.memref_squeeze %dma_wait3A_323 : memref<1x1x64x512xf32, #tpu.memory_space<hbm>> -> memref<64x512xf32, #tpu.memory_space<hbm>>
    tpu.wait_dma2 semaphore(%arg8 : memref<!tpu.dma_semaphore, #tpu.memory_space<semaphore_mem>>) src(%dma_wait3A_324 : memref<64x512xf32, #tpu.memory_space<hbm>>) dst(%arg4 : memref<64x512xf32, #tpu.memory_space<vmem>>)
    %parallel_loop3A_325 = arith.constant 0 : i32
    %parallel_loop3A_326 = arith.constant 32768 : i32
    %parallel_loop3A_327 = arith.constant 16 : i32
    scf.for %parallel_loop3A_511 = %parallel_loop3A_325 to %parallel_loop3A_326 step %parallel_loop3A_327  : i32 {
      %parallel_loop3A_512 = arith.constant 9 : i32
      %parallel_loop3A_513 = arith.shrsi %parallel_loop3A_511, %parallel_loop3A_512 : i32
      %parallel_loop3A_514 = arith.constant 511 : i32
      %parallel_loop3A_515 = arith.andi %parallel_loop3A_511, %parallel_loop3A_514 : i32
      %parallel_loop3A_516 = arith.index_cast %parallel_loop3A_513 : i32 to index
      %parallel_loop3A_517 = arith.index_cast %parallel_loop3A_515 : i32 to index
      %parallel_loop3A_518 = tpu.vector_load %arg4[%parallel_loop3A_516, %parallel_loop3A_517] {strides = array<i32>} : memref<64x512xf32, #tpu.memory_space<vmem>>, vector<16xf32>,
      %parallel_loop3A_519 = arith.constant 2.560000e+02 : f32
      %parallel_loop3A_520 = vector.broadcast %parallel_loop3A_519 : f32 to vector<16xf32>
      %parallel_loop3A_521 = arith.mulf %parallel_loop3A_518, %parallel_loop3A_520 : vector<16xf32>
      %parallel_loop3A_522 = arith.fptosi %parallel_loop3A_521 : vector<16xf32> to vector<16xi32>
      %parallel_loop3A_523 = arith.constant 4 : i32
      %parallel_loop3A_524 = vector.broadcast %parallel_loop3A_523 : i32 to vector<16xi32>
      %parallel_loop3A_525 = arith.shli %parallel_loop3A_522, %parallel_loop3A_524 : vector<16xi32>
      %parallel_loop3A_526 = arith.ori %parallel_loop3A_525, %iota3A : vector<16xi32>
      tpu.vector_store_idx %arg6[%parallel_loop3A_526], %broadcast_in_dim3A_5 {add = true} : memref<4096xi32, #tpu.memory_space<vmem>>[vector<16xi32>], vector<16xi32>,
    } {sc.loop_unroll_factor = 8 : i64, sc.parallel_access}
    %dma_start3A_328 = arith.constant 2 : i32
    %dma_start3A_329 = arith.constant 0 : i32
    %dma_start3A_330 = arith.constant 0 : i32
    %dma_start3A_331 = tpu.memref_slice %arg2[%add3A, %dma_start3A_328, %dma_start3A_329, %dma_start3A_330] : memref<32x3x512x512xf32, #tpu.memory_space<hbm>> -> memref<1x1x64x512xf32, #tpu.memory_space<hbm>>
    %dma_start3A_332 = tpu.memref_squeeze %dma_start3A_331 : memref<1x1x64x512xf32, #tpu.memory_space<hbm>> -> memref<64x512xf32, #tpu.memory_space<hbm>>
    %dma_start3A_333 = arith.constant 0 : i32
    %dma_start3A_334 = arith.constant 0 : i32
    %dma_start3A_335 = tpu.memref_slice %arg2[%add3A, %dma_start3A_328, %dma_start3A_333, %dma_start3A_334] : memref<32x3x512x512xf32, #tpu.memory_space<hbm>> -> memref<1x1x64x512xf32, #tpu.memory_space<hbm>>
    %dma_start3A_336 = tpu.memref_squeeze %dma_start3A_335 : memref<1x1x64x512xf32, #tpu.memory_space<hbm>> -> memref<64x512xf32, #tpu.memory_space<hbm>>
    tpu.enqueue_dma source(%dma_start3A_336 : memref<64x512xf32, #tpu.memory_space<hbm>>) target(%arg4 : memref<64x512xf32, #tpu.memory_space<vmem>>) target_semaphore(%arg8 : memref<!tpu.dma_semaphore, #tpu.memory_space<semaphore_mem>>)
    %dma_wait3A_337 = arith.constant 1 : i32
    %dma_wait3A_338 = arith.constant 448 : i32
    %dma_wait3A_339 = arith.constant 0 : i32
    %dma_wait3A_340 = tpu.memref_slice %arg2[%add3A, %dma_wait3A_337, %dma_wait3A_338, %dma_wait3A_339] : memref<32x3x512x512xf32, #tpu.memory_space<hbm>> -> memref<1x1x64x512xf32, #tpu.memory_space<hbm>>
    %dma_wait3A_341 = tpu.memref_squeeze %dma_wait3A_340 : memref<1x1x64x512xf32, #tpu.memory_space<hbm>> -> memref<64x512xf32, #tpu.memory_space<hbm>>
    %dma_wait3A_342 = arith.constant 448 : i32
    %dma_wait3A_343 = arith.constant 0 : i32
    %dma_wait3A_344 = tpu.memref_slice %arg2[%add3A, %dma_wait3A_337, %dma_wait3A_342, %dma_wait3A_343] : memref<32x3x512x512xf32, #tpu.memory_space<hbm>> -> memref<1x1x64x512xf32, #tpu.memory_space<hbm>>
    %dma_wait3A_345 = tpu.memref_squeeze %dma_wait3A_344 : memref<1x1x64x512xf32, #tpu.memory_space<hbm>> -> memref<64x512xf32, #tpu.memory_space<hbm>>
    tpu.wait_dma2 semaphore(%arg9 : memref<!tpu.dma_semaphore, #tpu.memory_space<semaphore_mem>>) src(%dma_wait3A_345 : memref<64x512xf32, #tpu.memory_space<hbm>>) dst(%arg5 : memref<64x512xf32, #tpu.memory_space<vmem>>)
    %parallel_loop3A_346 = arith.constant 0 : i32
    %parallel_loop3A_347 = arith.constant 32768 : i32
    %parallel_loop3A_348 = arith.constant 16 : i32
    scf.for %parallel_loop3A_511 = %parallel_loop3A_346 to %parallel_loop3A_347 step %parallel_loop3A_348  : i32 {
      %parallel_loop3A_512 = arith.constant 9 : i32
      %parallel_loop3A_513 = arith.shrsi %parallel_loop3A_511, %parallel_loop3A_512 : i32
      %parallel_loop3A_514 = arith.constant 511 : i32
      %parallel_loop3A_515 = arith.andi %parallel_loop3A_511, %parallel_loop3A_514 : i32
      %parallel_loop3A_516 = arith.index_cast %parallel_loop3A_513 : i32 to index
      %parallel_loop3A_517 = arith.index_cast %parallel_loop3A_515 : i32 to index
      %parallel_loop3A_518 = tpu.vector_load %arg5[%parallel_loop3A_516, %parallel_loop3A_517] {strides = array<i32>} : memref<64x512xf32, #tpu.memory_space<vmem>>, vector<16xf32>,
      %parallel_loop3A_519 = arith.constant 2.560000e+02 : f32
      %parallel_loop3A_520 = vector.broadcast %parallel_loop3A_519 : f32 to vector<16xf32>
      %parallel_loop3A_521 = arith.mulf %parallel_loop3A_518, %parallel_loop3A_520 : vector<16xf32>
      %parallel_loop3A_522 = arith.fptosi %parallel_loop3A_521 : vector<16xf32> to vector<16xi32>
      %parallel_loop3A_523 = arith.constant 4 : i32
      %parallel_loop3A_524 = vector.broadcast %parallel_loop3A_523 : i32 to vector<16xi32>
      %parallel_loop3A_525 = arith.shli %parallel_loop3A_522, %parallel_loop3A_524 : vector<16xi32>
      %parallel_loop3A_526 = arith.ori %parallel_loop3A_525, %iota3A : vector<16xi32>
      tpu.vector_store_idx %arg6[%parallel_loop3A_526], %broadcast_in_dim3A_5 {add = true} : memref<4096xi32, #tpu.memory_space<vmem>>[vector<16xi32>], vector<16xi32>,
    } {sc.loop_unroll_factor = 8 : i64, sc.parallel_access}
    %dma_start3A_349 = arith.constant 2 : i32
    %dma_start3A_350 = arith.constant 64 : i32
    %dma_start3A_351 = arith.constant 0 : i32
    %dma_start3A_352 = tpu.memref_slice %arg2[%add3A, %dma_start3A_349, %dma_start3A_350, %dma_start3A_351] : memref<32x3x512x512xf32, #tpu.memory_space<hbm>> -> memref<1x1x64x512xf32, #tpu.memory_space<hbm>>
    %dma_start3A_353 = tpu.memref_squeeze %dma_start3A_352 : memref<1x1x64x512xf32, #tpu.memory_space<hbm>> -> memref<64x512xf32, #tpu.memory_space<hbm>>
    %dma_start3A_354 = arith.constant 64 : i32
    %dma_start3A_355 = arith.constant 0 : i32
    %dma_start3A_356 = tpu.memref_slice %arg2[%add3A, %dma_start3A_349, %dma_start3A_354, %dma_start3A_355] : memref<32x3x512x512xf32, #tpu.memory_space<hbm>> -> memref<1x1x64x512xf32, #tpu.memory_space<hbm>>
    %dma_start3A_357 = tpu.memref_squeeze %dma_start3A_356 : memref<1x1x64x512xf32, #tpu.memory_space<hbm>> -> memref<64x512xf32, #tpu.memory_space<hbm>>
    tpu.enqueue_dma source(%dma_start3A_357 : memref<64x512xf32, #tpu.memory_space<hbm>>) target(%arg5 : memref<64x512xf32, #tpu.memory_space<vmem>>) target_semaphore(%arg9 : memref<!tpu.dma_semaphore, #tpu.memory_space<semaphore_mem>>)
    %dma_wait3A_358 = arith.constant 2 : i32
    %dma_wait3A_359 = arith.constant 0 : i32
    %dma_wait3A_360 = arith.constant 0 : i32
    %dma_wait3A_361 = tpu.memref_slice %arg2[%add3A, %dma_wait3A_358, %dma_wait3A_359, %dma_wait3A_360] : memref<32x3x512x512xf32, #tpu.memory_space<hbm>> -> memref<1x1x64x512xf32, #tpu.memory_space<hbm>>
    %dma_wait3A_362 = tpu.memref_squeeze %dma_wait3A_361 : memref<1x1x64x512xf32, #tpu.memory_space<hbm>> -> memref<64x512xf32, #tpu.memory_space<hbm>>
    %dma_wait3A_363 = arith.constant 0 : i32
    %dma_wait3A_364 = arith.constant 0 : i32
    %dma_wait3A_365 = tpu.memref_slice %arg2[%add3A, %dma_wait3A_358, %dma_wait3A_363, %dma_wait3A_364] : memref<32x3x512x512xf32, #tpu.memory_space<hbm>> -> memref<1x1x64x512xf32, #tpu.memory_space<hbm>>
    %dma_wait3A_366 = tpu.memref_squeeze %dma_wait3A_365 : memref<1x1x64x512xf32, #tpu.memory_space<hbm>> -> memref<64x512xf32, #tpu.memory_space<hbm>>
    tpu.wait_dma2 semaphore(%arg8 : memref<!tpu.dma_semaphore, #tpu.memory_space<semaphore_mem>>) src(%dma_wait3A_366 : memref<64x512xf32, #tpu.memory_space<hbm>>) dst(%arg4 : memref<64x512xf32, #tpu.memory_space<vmem>>)
    %parallel_loop3A_367 = arith.constant 0 : i32
    %parallel_loop3A_368 = arith.constant 32768 : i32
    %parallel_loop3A_369 = arith.constant 16 : i32
    scf.for %parallel_loop3A_511 = %parallel_loop3A_367 to %parallel_loop3A_368 step %parallel_loop3A_369  : i32 {
      %parallel_loop3A_512 = arith.constant 9 : i32
      %parallel_loop3A_513 = arith.shrsi %parallel_loop3A_511, %parallel_loop3A_512 : i32
      %parallel_loop3A_514 = arith.constant 511 : i32
      %parallel_loop3A_515 = arith.andi %parallel_loop3A_511, %parallel_loop3A_514 : i32
      %parallel_loop3A_516 = arith.index_cast %parallel_loop3A_513 : i32 to index
      %parallel_loop3A_517 = arith.index_cast %parallel_loop3A_515 : i32 to index
      %parallel_loop3A_518 = tpu.vector_load %arg4[%parallel_loop3A_516, %parallel_loop3A_517] {strides = array<i32>} : memref<64x512xf32, #tpu.memory_space<vmem>>, vector<16xf32>,
      %parallel_loop3A_519 = arith.constant 2.560000e+02 : f32
      %parallel_loop3A_520 = vector.broadcast %parallel_loop3A_519 : f32 to vector<16xf32>
      %parallel_loop3A_521 = arith.mulf %parallel_loop3A_518, %parallel_loop3A_520 : vector<16xf32>
      %parallel_loop3A_522 = arith.fptosi %parallel_loop3A_521 : vector<16xf32> to vector<16xi32>
      %parallel_loop3A_523 = arith.constant 4 : i32
      %parallel_loop3A_524 = vector.broadcast %parallel_loop3A_523 : i32 to vector<16xi32>
      %parallel_loop3A_525 = arith.shli %parallel_loop3A_522, %parallel_loop3A_524 : vector<16xi32>
      %parallel_loop3A_526 = arith.ori %parallel_loop3A_525, %iota3A : vector<16xi32>
      tpu.vector_store_idx %arg6[%parallel_loop3A_526], %broadcast_in_dim3A_5 {add = true} : memref<4096xi32, #tpu.memory_space<vmem>>[vector<16xi32>], vector<16xi32>,
    } {sc.loop_unroll_factor = 8 : i64, sc.parallel_access}
    %dma_start3A_370 = arith.constant 2 : i32
    %dma_start3A_371 = arith.constant 128 : i32
    %dma_start3A_372 = arith.constant 0 : i32
    %dma_start3A_373 = tpu.memref_slice %arg2[%add3A, %dma_start3A_370, %dma_start3A_371, %dma_start3A_372] : memref<32x3x512x512xf32, #tpu.memory_space<hbm>> -> memref<1x1x64x512xf32, #tpu.memory_space<hbm>>
    %dma_start3A_374 = tpu.memref_squeeze %dma_start3A_373 : memref<1x1x64x512xf32, #tpu.memory_space<hbm>> -> memref<64x512xf32, #tpu.memory_space<hbm>>
    %dma_start3A_375 = arith.constant 128 : i32
    %dma_start3A_376 = arith.constant 0 : i32
    %dma_start3A_377 = tpu.memref_slice %arg2[%add3A, %dma_start3A_370, %dma_start3A_375, %dma_start3A_376] : memref<32x3x512x512xf32, #tpu.memory_space<hbm>> -> memref<1x1x64x512xf32, #tpu.memory_space<hbm>>
    %dma_start3A_378 = tpu.memref_squeeze %dma_start3A_377 : memref<1x1x64x512xf32, #tpu.memory_space<hbm>> -> memref<64x512xf32, #tpu.memory_space<hbm>>
    tpu.enqueue_dma source(%dma_start3A_378 : memref<64x512xf32, #tpu.memory_space<hbm>>) target(%arg4 : memref<64x512xf32, #tpu.memory_space<vmem>>) target_semaphore(%arg8 : memref<!tpu.dma_semaphore, #tpu.memory_space<semaphore_mem>>)
    %dma_wait3A_379 = arith.constant 2 : i32
    %dma_wait3A_380 = arith.constant 64 : i32
    %dma_wait3A_381 = arith.constant 0 : i32
    %dma_wait3A_382 = tpu.memref_slice %arg2[%add3A, %dma_wait3A_379, %dma_wait3A_380, %dma_wait3A_381] : memref<32x3x512x512xf32, #tpu.memory_space<hbm>> -> memref<1x1x64x512xf32, #tpu.memory_space<hbm>>
    %dma_wait3A_383 = tpu.memref_squeeze %dma_wait3A_382 : memref<1x1x64x512xf32, #tpu.memory_space<hbm>> -> memref<64x512xf32, #tpu.memory_space<hbm>>
    %dma_wait3A_384 = arith.constant 64 : i32
    %dma_wait3A_385 = arith.constant 0 : i32
    %dma_wait3A_386 = tpu.memref_slice %arg2[%add3A, %dma_wait3A_379, %dma_wait3A_384, %dma_wait3A_385] : memref<32x3x512x512xf32, #tpu.memory_space<hbm>> -> memref<1x1x64x512xf32, #tpu.memory_space<hbm>>
    %dma_wait3A_387 = tpu.memref_squeeze %dma_wait3A_386 : memref<1x1x64x512xf32, #tpu.memory_space<hbm>> -> memref<64x512xf32, #tpu.memory_space<hbm>>
    tpu.wait_dma2 semaphore(%arg9 : memref<!tpu.dma_semaphore, #tpu.memory_space<semaphore_mem>>) src(%dma_wait3A_387 : memref<64x512xf32, #tpu.memory_space<hbm>>) dst(%arg5 : memref<64x512xf32, #tpu.memory_space<vmem>>)
    %parallel_loop3A_388 = arith.constant 0 : i32
    %parallel_loop3A_389 = arith.constant 32768 : i32
    %parallel_loop3A_390 = arith.constant 16 : i32
    scf.for %parallel_loop3A_511 = %parallel_loop3A_388 to %parallel_loop3A_389 step %parallel_loop3A_390  : i32 {
      %parallel_loop3A_512 = arith.constant 9 : i32
      %parallel_loop3A_513 = arith.shrsi %parallel_loop3A_511, %parallel_loop3A_512 : i32
      %parallel_loop3A_514 = arith.constant 511 : i32
      %parallel_loop3A_515 = arith.andi %parallel_loop3A_511, %parallel_loop3A_514 : i32
      %parallel_loop3A_516 = arith.index_cast %parallel_loop3A_513 : i32 to index
      %parallel_loop3A_517 = arith.index_cast %parallel_loop3A_515 : i32 to index
      %parallel_loop3A_518 = tpu.vector_load %arg5[%parallel_loop3A_516, %parallel_loop3A_517] {strides = array<i32>} : memref<64x512xf32, #tpu.memory_space<vmem>>, vector<16xf32>,
      %parallel_loop3A_519 = arith.constant 2.560000e+02 : f32
      %parallel_loop3A_520 = vector.broadcast %parallel_loop3A_519 : f32 to vector<16xf32>
      %parallel_loop3A_521 = arith.mulf %parallel_loop3A_518, %parallel_loop3A_520 : vector<16xf32>
      %parallel_loop3A_522 = arith.fptosi %parallel_loop3A_521 : vector<16xf32> to vector<16xi32>
      %parallel_loop3A_523 = arith.constant 4 : i32
      %parallel_loop3A_524 = vector.broadcast %parallel_loop3A_523 : i32 to vector<16xi32>
      %parallel_loop3A_525 = arith.shli %parallel_loop3A_522, %parallel_loop3A_524 : vector<16xi32>
      %parallel_loop3A_526 = arith.ori %parallel_loop3A_525, %iota3A : vector<16xi32>
      tpu.vector_store_idx %arg6[%parallel_loop3A_526], %broadcast_in_dim3A_5 {add = true} : memref<4096xi32, #tpu.memory_space<vmem>>[vector<16xi32>], vector<16xi32>,
    } {sc.loop_unroll_factor = 8 : i64, sc.parallel_access}
    %dma_start3A_391 = arith.constant 2 : i32
    %dma_start3A_392 = arith.constant 192 : i32
    %dma_start3A_393 = arith.constant 0 : i32
    %dma_start3A_394 = tpu.memref_slice %arg2[%add3A, %dma_start3A_391, %dma_start3A_392, %dma_start3A_393] : memref<32x3x512x512xf32, #tpu.memory_space<hbm>> -> memref<1x1x64x512xf32, #tpu.memory_space<hbm>>
    %dma_start3A_395 = tpu.memref_squeeze %dma_start3A_394 : memref<1x1x64x512xf32, #tpu.memory_space<hbm>> -> memref<64x512xf32, #tpu.memory_space<hbm>>
    %dma_start3A_396 = arith.constant 192 : i32
    %dma_start3A_397 = arith.constant 0 : i32
    %dma_start3A_398 = tpu.memref_slice %arg2[%add3A, %dma_start3A_391, %dma_start3A_396, %dma_start3A_397] : memref<32x3x512x512xf32, #tpu.memory_space<hbm>> -> memref<1x1x64x512xf32, #tpu.memory_space<hbm>>
    %dma_start3A_399 = tpu.memref_squeeze %dma_start3A_398 : memref<1x1x64x512xf32, #tpu.memory_space<hbm>> -> memref<64x512xf32, #tpu.memory_space<hbm>>
    tpu.enqueue_dma source(%dma_start3A_399 : memref<64x512xf32, #tpu.memory_space<hbm>>) target(%arg5 : memref<64x512xf32, #tpu.memory_space<vmem>>) target_semaphore(%arg9 : memref<!tpu.dma_semaphore, #tpu.memory_space<semaphore_mem>>)
    %dma_wait3A_400 = arith.constant 2 : i32
    %dma_wait3A_401 = arith.constant 128 : i32
    %dma_wait3A_402 = arith.constant 0 : i32
    %dma_wait3A_403 = tpu.memref_slice %arg2[%add3A, %dma_wait3A_400, %dma_wait3A_401, %dma_wait3A_402] : memref<32x3x512x512xf32, #tpu.memory_space<hbm>> -> memref<1x1x64x512xf32, #tpu.memory_space<hbm>>
    %dma_wait3A_404 = tpu.memref_squeeze %dma_wait3A_403 : memref<1x1x64x512xf32, #tpu.memory_space<hbm>> -> memref<64x512xf32, #tpu.memory_space<hbm>>
    %dma_wait3A_405 = arith.constant 128 : i32
    %dma_wait3A_406 = arith.constant 0 : i32
    %dma_wait3A_407 = tpu.memref_slice %arg2[%add3A, %dma_wait3A_400, %dma_wait3A_405, %dma_wait3A_406] : memref<32x3x512x512xf32, #tpu.memory_space<hbm>> -> memref<1x1x64x512xf32, #tpu.memory_space<hbm>>
    %dma_wait3A_408 = tpu.memref_squeeze %dma_wait3A_407 : memref<1x1x64x512xf32, #tpu.memory_space<hbm>> -> memref<64x512xf32, #tpu.memory_space<hbm>>
    tpu.wait_dma2 semaphore(%arg8 : memref<!tpu.dma_semaphore, #tpu.memory_space<semaphore_mem>>) src(%dma_wait3A_408 : memref<64x512xf32, #tpu.memory_space<hbm>>) dst(%arg4 : memref<64x512xf32, #tpu.memory_space<vmem>>)
    %parallel_loop3A_409 = arith.constant 0 : i32
    %parallel_loop3A_410 = arith.constant 32768 : i32
    %parallel_loop3A_411 = arith.constant 16 : i32
    scf.for %parallel_loop3A_511 = %parallel_loop3A_409 to %parallel_loop3A_410 step %parallel_loop3A_411  : i32 {
      %parallel_loop3A_512 = arith.constant 9 : i32
      %parallel_loop3A_513 = arith.shrsi %parallel_loop3A_511, %parallel_loop3A_512 : i32
      %parallel_loop3A_514 = arith.constant 511 : i32
      %parallel_loop3A_515 = arith.andi %parallel_loop3A_511, %parallel_loop3A_514 : i32
      %parallel_loop3A_516 = arith.index_cast %parallel_loop3A_513 : i32 to index
      %parallel_loop3A_517 = arith.index_cast %parallel_loop3A_515 : i32 to index
      %parallel_loop3A_518 = tpu.vector_load %arg4[%parallel_loop3A_516, %parallel_loop3A_517] {strides = array<i32>} : memref<64x512xf32, #tpu.memory_space<vmem>>, vector<16xf32>,
      %parallel_loop3A_519 = arith.constant 2.560000e+02 : f32
      %parallel_loop3A_520 = vector.broadcast %parallel_loop3A_519 : f32 to vector<16xf32>
      %parallel_loop3A_521 = arith.mulf %parallel_loop3A_518, %parallel_loop3A_520 : vector<16xf32>
      %parallel_loop3A_522 = arith.fptosi %parallel_loop3A_521 : vector<16xf32> to vector<16xi32>
      %parallel_loop3A_523 = arith.constant 4 : i32
      %parallel_loop3A_524 = vector.broadcast %parallel_loop3A_523 : i32 to vector<16xi32>
      %parallel_loop3A_525 = arith.shli %parallel_loop3A_522, %parallel_loop3A_524 : vector<16xi32>
      %parallel_loop3A_526 = arith.ori %parallel_loop3A_525, %iota3A : vector<16xi32>
      tpu.vector_store_idx %arg6[%parallel_loop3A_526], %broadcast_in_dim3A_5 {add = true} : memref<4096xi32, #tpu.memory_space<vmem>>[vector<16xi32>], vector<16xi32>,
    } {sc.loop_unroll_factor = 8 : i64, sc.parallel_access}
    %dma_start3A_412 = arith.constant 2 : i32
    %dma_start3A_413 = arith.constant 256 : i32
    %dma_start3A_414 = arith.constant 0 : i32
    %dma_start3A_415 = tpu.memref_slice %arg2[%add3A, %dma_start3A_412, %dma_start3A_413, %dma_start3A_414] : memref<32x3x512x512xf32, #tpu.memory_space<hbm>> -> memref<1x1x64x512xf32, #tpu.memory_space<hbm>>
    %dma_start3A_416 = tpu.memref_squeeze %dma_start3A_415 : memref<1x1x64x512xf32, #tpu.memory_space<hbm>> -> memref<64x512xf32, #tpu.memory_space<hbm>>
    %dma_start3A_417 = arith.constant 256 : i32
    %dma_start3A_418 = arith.constant 0 : i32
    %dma_start3A_419 = tpu.memref_slice %arg2[%add3A, %dma_start3A_412, %dma_start3A_417, %dma_start3A_418] : memref<32x3x512x512xf32, #tpu.memory_space<hbm>> -> memref<1x1x64x512xf32, #tpu.memory_space<hbm>>
    %dma_start3A_420 = tpu.memref_squeeze %dma_start3A_419 : memref<1x1x64x512xf32, #tpu.memory_space<hbm>> -> memref<64x512xf32, #tpu.memory_space<hbm>>
    tpu.enqueue_dma source(%dma_start3A_420 : memref<64x512xf32, #tpu.memory_space<hbm>>) target(%arg4 : memref<64x512xf32, #tpu.memory_space<vmem>>) target_semaphore(%arg8 : memref<!tpu.dma_semaphore, #tpu.memory_space<semaphore_mem>>)
    %dma_wait3A_421 = arith.constant 2 : i32
    %dma_wait3A_422 = arith.constant 192 : i32
    %dma_wait3A_423 = arith.constant 0 : i32
    %dma_wait3A_424 = tpu.memref_slice %arg2[%add3A, %dma_wait3A_421, %dma_wait3A_422, %dma_wait3A_423] : memref<32x3x512x512xf32, #tpu.memory_space<hbm>> -> memref<1x1x64x512xf32, #tpu.memory_space<hbm>>
    %dma_wait3A_425 = tpu.memref_squeeze %dma_wait3A_424 : memref<1x1x64x512xf32, #tpu.memory_space<hbm>> -> memref<64x512xf32, #tpu.memory_space<hbm>>
    %dma_wait3A_426 = arith.constant 192 : i32
    %dma_wait3A_427 = arith.constant 0 : i32
    %dma_wait3A_428 = tpu.memref_slice %arg2[%add3A, %dma_wait3A_421, %dma_wait3A_426, %dma_wait3A_427] : memref<32x3x512x512xf32, #tpu.memory_space<hbm>> -> memref<1x1x64x512xf32, #tpu.memory_space<hbm>>
    %dma_wait3A_429 = tpu.memref_squeeze %dma_wait3A_428 : memref<1x1x64x512xf32, #tpu.memory_space<hbm>> -> memref<64x512xf32, #tpu.memory_space<hbm>>
    tpu.wait_dma2 semaphore(%arg9 : memref<!tpu.dma_semaphore, #tpu.memory_space<semaphore_mem>>) src(%dma_wait3A_429 : memref<64x512xf32, #tpu.memory_space<hbm>>) dst(%arg5 : memref<64x512xf32, #tpu.memory_space<vmem>>)
    %parallel_loop3A_430 = arith.constant 0 : i32
    %parallel_loop3A_431 = arith.constant 32768 : i32
    %parallel_loop3A_432 = arith.constant 16 : i32
    scf.for %parallel_loop3A_511 = %parallel_loop3A_430 to %parallel_loop3A_431 step %parallel_loop3A_432  : i32 {
      %parallel_loop3A_512 = arith.constant 9 : i32
      %parallel_loop3A_513 = arith.shrsi %parallel_loop3A_511, %parallel_loop3A_512 : i32
      %parallel_loop3A_514 = arith.constant 511 : i32
      %parallel_loop3A_515 = arith.andi %parallel_loop3A_511, %parallel_loop3A_514 : i32
      %parallel_loop3A_516 = arith.index_cast %parallel_loop3A_513 : i32 to index
      %parallel_loop3A_517 = arith.index_cast %parallel_loop3A_515 : i32 to index
      %parallel_loop3A_518 = tpu.vector_load %arg5[%parallel_loop3A_516, %parallel_loop3A_517] {strides = array<i32>} : memref<64x512xf32, #tpu.memory_space<vmem>>, vector<16xf32>,
      %parallel_loop3A_519 = arith.constant 2.560000e+02 : f32
      %parallel_loop3A_520 = vector.broadcast %parallel_loop3A_519 : f32 to vector<16xf32>
      %parallel_loop3A_521 = arith.mulf %parallel_loop3A_518, %parallel_loop3A_520 : vector<16xf32>
      %parallel_loop3A_522 = arith.fptosi %parallel_loop3A_521 : vector<16xf32> to vector<16xi32>
      %parallel_loop3A_523 = arith.constant 4 : i32
      %parallel_loop3A_524 = vector.broadcast %parallel_loop3A_523 : i32 to vector<16xi32>
      %parallel_loop3A_525 = arith.shli %parallel_loop3A_522, %parallel_loop3A_524 : vector<16xi32>
      %parallel_loop3A_526 = arith.ori %parallel_loop3A_525, %iota3A : vector<16xi32>
      tpu.vector_store_idx %arg6[%parallel_loop3A_526], %broadcast_in_dim3A_5 {add = true} : memref<4096xi32, #tpu.memory_space<vmem>>[vector<16xi32>], vector<16xi32>,
    } {sc.loop_unroll_factor = 8 : i64, sc.parallel_access}
    %dma_start3A_433 = arith.constant 2 : i32
    %dma_start3A_434 = arith.constant 320 : i32
    %dma_start3A_435 = arith.constant 0 : i32
    %dma_start3A_436 = tpu.memref_slice %arg2[%add3A, %dma_start3A_433, %dma_start3A_434, %dma_start3A_435] : memref<32x3x512x512xf32, #tpu.memory_space<hbm>> -> memref<1x1x64x512xf32, #tpu.memory_space<hbm>>
    %dma_start3A_437 = tpu.memref_squeeze %dma_start3A_436 : memref<1x1x64x512xf32, #tpu.memory_space<hbm>> -> memref<64x512xf32, #tpu.memory_space<hbm>>
    %dma_start3A_438 = arith.constant 320 : i32
    %dma_start3A_439 = arith.constant 0 : i32
    %dma_start3A_440 = tpu.memref_slice %arg2[%add3A, %dma_start3A_433, %dma_start3A_438, %dma_start3A_439] : memref<32x3x512x512xf32, #tpu.memory_space<hbm>> -> memref<1x1x64x512xf32, #tpu.memory_space<hbm>>
    %dma_start3A_441 = tpu.memref_squeeze %dma_start3A_440 : memref<1x1x64x512xf32, #tpu.memory_space<hbm>> -> memref<64x512xf32, #tpu.memory_space<hbm>>
    tpu.enqueue_dma source(%dma_start3A_441 : memref<64x512xf32, #tpu.memory_space<hbm>>) target(%arg5 : memref<64x512xf32, #tpu.memory_space<vmem>>) target_semaphore(%arg9 : memref<!tpu.dma_semaphore, #tpu.memory_space<semaphore_mem>>)
    %dma_wait3A_442 = arith.constant 2 : i32
    %dma_wait3A_443 = arith.constant 256 : i32
    %dma_wait3A_444 = arith.constant 0 : i32
    %dma_wait3A_445 = tpu.memref_slice %arg2[%add3A, %dma_wait3A_442, %dma_wait3A_443, %dma_wait3A_444] : memref<32x3x512x512xf32, #tpu.memory_space<hbm>> -> memref<1x1x64x512xf32, #tpu.memory_space<hbm>>
    %dma_wait3A_446 = tpu.memref_squeeze %dma_wait3A_445 : memref<1x1x64x512xf32, #tpu.memory_space<hbm>> -> memref<64x512xf32, #tpu.memory_space<hbm>>
    %dma_wait3A_447 = arith.constant 256 : i32
    %dma_wait3A_448 = arith.constant 0 : i32
    %dma_wait3A_449 = tpu.memref_slice %arg2[%add3A, %dma_wait3A_442, %dma_wait3A_447, %dma_wait3A_448] : memref<32x3x512x512xf32, #tpu.memory_space<hbm>> -> memref<1x1x64x512xf32, #tpu.memory_space<hbm>>
    %dma_wait3A_450 = tpu.memref_squeeze %dma_wait3A_449 : memref<1x1x64x512xf32, #tpu.memory_space<hbm>> -> memref<64x512xf32, #tpu.memory_space<hbm>>
    tpu.wait_dma2 semaphore(%arg8 : memref<!tpu.dma_semaphore, #tpu.memory_space<semaphore_mem>>) src(%dma_wait3A_450 : memref<64x512xf32, #tpu.memory_space<hbm>>) dst(%arg4 : memref<64x512xf32, #tpu.memory_space<vmem>>)
    %parallel_loop3A_451 = arith.constant 0 : i32
    %parallel_loop3A_452 = arith.constant 32768 : i32
    %parallel_loop3A_453 = arith.constant 16 : i32
    scf.for %parallel_loop3A_511 = %parallel_loop3A_451 to %parallel_loop3A_452 step %parallel_loop3A_453  : i32 {
      %parallel_loop3A_512 = arith.constant 9 : i32
      %parallel_loop3A_513 = arith.shrsi %parallel_loop3A_511, %parallel_loop3A_512 : i32
      %parallel_loop3A_514 = arith.constant 511 : i32
      %parallel_loop3A_515 = arith.andi %parallel_loop3A_511, %parallel_loop3A_514 : i32
      %parallel_loop3A_516 = arith.index_cast %parallel_loop3A_513 : i32 to index
      %parallel_loop3A_517 = arith.index_cast %parallel_loop3A_515 : i32 to index
      %parallel_loop3A_518 = tpu.vector_load %arg4[%parallel_loop3A_516, %parallel_loop3A_517] {strides = array<i32>} : memref<64x512xf32, #tpu.memory_space<vmem>>, vector<16xf32>,
      %parallel_loop3A_519 = arith.constant 2.560000e+02 : f32
      %parallel_loop3A_520 = vector.broadcast %parallel_loop3A_519 : f32 to vector<16xf32>
      %parallel_loop3A_521 = arith.mulf %parallel_loop3A_518, %parallel_loop3A_520 : vector<16xf32>
      %parallel_loop3A_522 = arith.fptosi %parallel_loop3A_521 : vector<16xf32> to vector<16xi32>
      %parallel_loop3A_523 = arith.constant 4 : i32
      %parallel_loop3A_524 = vector.broadcast %parallel_loop3A_523 : i32 to vector<16xi32>
      %parallel_loop3A_525 = arith.shli %parallel_loop3A_522, %parallel_loop3A_524 : vector<16xi32>
      %parallel_loop3A_526 = arith.ori %parallel_loop3A_525, %iota3A : vector<16xi32>
      tpu.vector_store_idx %arg6[%parallel_loop3A_526], %broadcast_in_dim3A_5 {add = true} : memref<4096xi32, #tpu.memory_space<vmem>>[vector<16xi32>], vector<16xi32>,
    } {sc.loop_unroll_factor = 8 : i64, sc.parallel_access}
    %dma_start3A_454 = arith.constant 2 : i32
    %dma_start3A_455 = arith.constant 384 : i32
    %dma_start3A_456 = arith.constant 0 : i32
    %dma_start3A_457 = tpu.memref_slice %arg2[%add3A, %dma_start3A_454, %dma_start3A_455, %dma_start3A_456] : memref<32x3x512x512xf32, #tpu.memory_space<hbm>> -> memref<1x1x64x512xf32, #tpu.memory_space<hbm>>
    %dma_start3A_458 = tpu.memref_squeeze %dma_start3A_457 : memref<1x1x64x512xf32, #tpu.memory_space<hbm>> -> memref<64x512xf32, #tpu.memory_space<hbm>>
    %dma_start3A_459 = arith.constant 384 : i32
    %dma_start3A_460 = arith.constant 0 : i32
    %dma_start3A_461 = tpu.memref_slice %arg2[%add3A, %dma_start3A_454, %dma_start3A_459, %dma_start3A_460] : memref<32x3x512x512xf32, #tpu.memory_space<hbm>> -> memref<1x1x64x512xf32, #tpu.memory_space<hbm>>
    %dma_start3A_462 = tpu.memref_squeeze %dma_start3A_461 : memref<1x1x64x512xf32, #tpu.memory_space<hbm>> -> memref<64x512xf32, #tpu.memory_space<hbm>>
    tpu.enqueue_dma source(%dma_start3A_462 : memref<64x512xf32, #tpu.memory_space<hbm>>) target(%arg4 : memref<64x512xf32, #tpu.memory_space<vmem>>) target_semaphore(%arg8 : memref<!tpu.dma_semaphore, #tpu.memory_space<semaphore_mem>>)
    %dma_wait3A_463 = arith.constant 2 : i32
    %dma_wait3A_464 = arith.constant 320 : i32
    %dma_wait3A_465 = arith.constant 0 : i32
    %dma_wait3A_466 = tpu.memref_slice %arg2[%add3A, %dma_wait3A_463, %dma_wait3A_464, %dma_wait3A_465] : memref<32x3x512x512xf32, #tpu.memory_space<hbm>> -> memref<1x1x64x512xf32, #tpu.memory_space<hbm>>
    %dma_wait3A_467 = tpu.memref_squeeze %dma_wait3A_466 : memref<1x1x64x512xf32, #tpu.memory_space<hbm>> -> memref<64x512xf32, #tpu.memory_space<hbm>>
    %dma_wait3A_468 = arith.constant 320 : i32
    %dma_wait3A_469 = arith.constant 0 : i32
    %dma_wait3A_470 = tpu.memref_slice %arg2[%add3A, %dma_wait3A_463, %dma_wait3A_468, %dma_wait3A_469] : memref<32x3x512x512xf32, #tpu.memory_space<hbm>> -> memref<1x1x64x512xf32, #tpu.memory_space<hbm>>
    %dma_wait3A_471 = tpu.memref_squeeze %dma_wait3A_470 : memref<1x1x64x512xf32, #tpu.memory_space<hbm>> -> memref<64x512xf32, #tpu.memory_space<hbm>>
    tpu.wait_dma2 semaphore(%arg9 : memref<!tpu.dma_semaphore, #tpu.memory_space<semaphore_mem>>) src(%dma_wait3A_471 : memref<64x512xf32, #tpu.memory_space<hbm>>) dst(%arg5 : memref<64x512xf32, #tpu.memory_space<vmem>>)
    %parallel_loop3A_472 = arith.constant 0 : i32
    %parallel_loop3A_473 = arith.constant 32768 : i32
    %parallel_loop3A_474 = arith.constant 16 : i32
    scf.for %parallel_loop3A_511 = %parallel_loop3A_472 to %parallel_loop3A_473 step %parallel_loop3A_474  : i32 {
      %parallel_loop3A_512 = arith.constant 9 : i32
      %parallel_loop3A_513 = arith.shrsi %parallel_loop3A_511, %parallel_loop3A_512 : i32
      %parallel_loop3A_514 = arith.constant 511 : i32
      %parallel_loop3A_515 = arith.andi %parallel_loop3A_511, %parallel_loop3A_514 : i32
      %parallel_loop3A_516 = arith.index_cast %parallel_loop3A_513 : i32 to index
      %parallel_loop3A_517 = arith.index_cast %parallel_loop3A_515 : i32 to index
      %parallel_loop3A_518 = tpu.vector_load %arg5[%parallel_loop3A_516, %parallel_loop3A_517] {strides = array<i32>} : memref<64x512xf32, #tpu.memory_space<vmem>>, vector<16xf32>,
      %parallel_loop3A_519 = arith.constant 2.560000e+02 : f32
      %parallel_loop3A_520 = vector.broadcast %parallel_loop3A_519 : f32 to vector<16xf32>
      %parallel_loop3A_521 = arith.mulf %parallel_loop3A_518, %parallel_loop3A_520 : vector<16xf32>
      %parallel_loop3A_522 = arith.fptosi %parallel_loop3A_521 : vector<16xf32> to vector<16xi32>
      %parallel_loop3A_523 = arith.constant 4 : i32
      %parallel_loop3A_524 = vector.broadcast %parallel_loop3A_523 : i32 to vector<16xi32>
      %parallel_loop3A_525 = arith.shli %parallel_loop3A_522, %parallel_loop3A_524 : vector<16xi32>
      %parallel_loop3A_526 = arith.ori %parallel_loop3A_525, %iota3A : vector<16xi32>
      tpu.vector_store_idx %arg6[%parallel_loop3A_526], %broadcast_in_dim3A_5 {add = true} : memref<4096xi32, #tpu.memory_space<vmem>>[vector<16xi32>], vector<16xi32>,
    } {sc.loop_unroll_factor = 8 : i64, sc.parallel_access}
    %dma_start3A_475 = arith.constant 2 : i32
    %dma_start3A_476 = arith.constant 448 : i32
    %dma_start3A_477 = arith.constant 0 : i32
    %dma_start3A_478 = tpu.memref_slice %arg2[%add3A, %dma_start3A_475, %dma_start3A_476, %dma_start3A_477] : memref<32x3x512x512xf32, #tpu.memory_space<hbm>> -> memref<1x1x64x512xf32, #tpu.memory_space<hbm>>
    %dma_start3A_479 = tpu.memref_squeeze %dma_start3A_478 : memref<1x1x64x512xf32, #tpu.memory_space<hbm>> -> memref<64x512xf32, #tpu.memory_space<hbm>>
    %dma_start3A_480 = arith.constant 448 : i32
    %dma_start3A_481 = arith.constant 0 : i32
    %dma_start3A_482 = tpu.memref_slice %arg2[%add3A, %dma_start3A_475, %dma_start3A_480, %dma_start3A_481] : memref<32x3x512x512xf32, #tpu.memory_space<hbm>> -> memref<1x1x64x512xf32, #tpu.memory_space<hbm>>
    %dma_start3A_483 = tpu.memref_squeeze %dma_start3A_482 : memref<1x1x64x512xf32, #tpu.memory_space<hbm>> -> memref<64x512xf32, #tpu.memory_space<hbm>>
    tpu.enqueue_dma source(%dma_start3A_483 : memref<64x512xf32, #tpu.memory_space<hbm>>) target(%arg5 : memref<64x512xf32, #tpu.memory_space<vmem>>) target_semaphore(%arg9 : memref<!tpu.dma_semaphore, #tpu.memory_space<semaphore_mem>>)
    %dma_wait3A_484 = arith.constant 2 : i32
    %dma_wait3A_485 = arith.constant 384 : i32
    %dma_wait3A_486 = arith.constant 0 : i32
    %dma_wait3A_487 = tpu.memref_slice %arg2[%add3A, %dma_wait3A_484, %dma_wait3A_485, %dma_wait3A_486] : memref<32x3x512x512xf32, #tpu.memory_space<hbm>> -> memref<1x1x64x512xf32, #tpu.memory_space<hbm>>
    %dma_wait3A_488 = tpu.memref_squeeze %dma_wait3A_487 : memref<1x1x64x512xf32, #tpu.memory_space<hbm>> -> memref<64x512xf32, #tpu.memory_space<hbm>>
    %dma_wait3A_489 = arith.constant 384 : i32
    %dma_wait3A_490 = arith.constant 0 : i32
    %dma_wait3A_491 = tpu.memref_slice %arg2[%add3A, %dma_wait3A_484, %dma_wait3A_489, %dma_wait3A_490] : memref<32x3x512x512xf32, #tpu.memory_space<hbm>> -> memref<1x1x64x512xf32, #tpu.memory_space<hbm>>
    %dma_wait3A_492 = tpu.memref_squeeze %dma_wait3A_491 : memref<1x1x64x512xf32, #tpu.memory_space<hbm>> -> memref<64x512xf32, #tpu.memory_space<hbm>>
    tpu.wait_dma2 semaphore(%arg8 : memref<!tpu.dma_semaphore, #tpu.memory_space<semaphore_mem>>) src(%dma_wait3A_492 : memref<64x512xf32, #tpu.memory_space<hbm>>) dst(%arg4 : memref<64x512xf32, #tpu.memory_space<vmem>>)
    %parallel_loop3A_493 = arith.constant 0 : i32
    %parallel_loop3A_494 = arith.constant 32768 : i32
    %parallel_loop3A_495 = arith.constant 16 : i32
    scf.for %parallel_loop3A_511 = %parallel_loop3A_493 to %parallel_loop3A_494 step %parallel_loop3A_495  : i32 {
      %parallel_loop3A_512 = arith.constant 9 : i32
      %parallel_loop3A_513 = arith.shrsi %parallel_loop3A_511, %parallel_loop3A_512 : i32
      %parallel_loop3A_514 = arith.constant 511 : i32
      %parallel_loop3A_515 = arith.andi %parallel_loop3A_511, %parallel_loop3A_514 : i32
      %parallel_loop3A_516 = arith.index_cast %parallel_loop3A_513 : i32 to index
      %parallel_loop3A_517 = arith.index_cast %parallel_loop3A_515 : i32 to index
      %parallel_loop3A_518 = tpu.vector_load %arg4[%parallel_loop3A_516, %parallel_loop3A_517] {strides = array<i32>} : memref<64x512xf32, #tpu.memory_space<vmem>>, vector<16xf32>,
      %parallel_loop3A_519 = arith.constant 2.560000e+02 : f32
      %parallel_loop3A_520 = vector.broadcast %parallel_loop3A_519 : f32 to vector<16xf32>
      %parallel_loop3A_521 = arith.mulf %parallel_loop3A_518, %parallel_loop3A_520 : vector<16xf32>
      %parallel_loop3A_522 = arith.fptosi %parallel_loop3A_521 : vector<16xf32> to vector<16xi32>
      %parallel_loop3A_523 = arith.constant 4 : i32
      %parallel_loop3A_524 = vector.broadcast %parallel_loop3A_523 : i32 to vector<16xi32>
      %parallel_loop3A_525 = arith.shli %parallel_loop3A_522, %parallel_loop3A_524 : vector<16xi32>
      %parallel_loop3A_526 = arith.ori %parallel_loop3A_525, %iota3A : vector<16xi32>
      tpu.vector_store_idx %arg6[%parallel_loop3A_526], %broadcast_in_dim3A_5 {add = true} : memref<4096xi32, #tpu.memory_space<vmem>>[vector<16xi32>], vector<16xi32>,
    } {sc.loop_unroll_factor = 8 : i64, sc.parallel_access}
    %dma_wait3A_496 = arith.constant 2 : i32
    %dma_wait3A_497 = arith.constant 448 : i32
    %dma_wait3A_498 = arith.constant 0 : i32
    %dma_wait3A_499 = tpu.memref_slice %arg2[%add3A, %dma_wait3A_496, %dma_wait3A_497, %dma_wait3A_498] : memref<32x3x512x512xf32, #tpu.memory_space<hbm>> -> memref<1x1x64x512xf32, #tpu.memory_space<hbm>>
    %dma_wait3A_500 = tpu.memref_squeeze %dma_wait3A_499 : memref<1x1x64x512xf32, #tpu.memory_space<hbm>> -> memref<64x512xf32, #tpu.memory_space<hbm>>
    %dma_wait3A_501 = arith.constant 448 : i32
    %dma_wait3A_502 = arith.constant 0 : i32
    %dma_wait3A_503 = tpu.memref_slice %arg2[%add3A, %dma_wait3A_496, %dma_wait3A_501, %dma_wait3A_502] : memref<32x3x512x512xf32, #tpu.memory_space<hbm>> -> memref<1x1x64x512xf32, #tpu.memory_space<hbm>>
    %dma_wait3A_504 = tpu.memref_squeeze %dma_wait3A_503 : memref<1x1x64x512xf32, #tpu.memory_space<hbm>> -> memref<64x512xf32, #tpu.memory_space<hbm>>
    tpu.wait_dma2 semaphore(%arg9 : memref<!tpu.dma_semaphore, #tpu.memory_space<semaphore_mem>>) src(%dma_wait3A_504 : memref<64x512xf32, #tpu.memory_space<hbm>>) dst(%arg5 : memref<64x512xf32, #tpu.memory_space<vmem>>)
    %parallel_loop3A_505 = arith.constant 0 : i32
    %parallel_loop3A_506 = arith.constant 32768 : i32
    %parallel_loop3A_507 = arith.constant 16 : i32
    scf.for %parallel_loop3A_511 = %parallel_loop3A_505 to %parallel_loop3A_506 step %parallel_loop3A_507  : i32 {
      %parallel_loop3A_512 = arith.constant 9 : i32
      %parallel_loop3A_513 = arith.shrsi %parallel_loop3A_511, %parallel_loop3A_512 : i32
      %parallel_loop3A_514 = arith.constant 511 : i32
      %parallel_loop3A_515 = arith.andi %parallel_loop3A_511, %parallel_loop3A_514 : i32
      %parallel_loop3A_516 = arith.index_cast %parallel_loop3A_513 : i32 to index
      %parallel_loop3A_517 = arith.index_cast %parallel_loop3A_515 : i32 to index
      %parallel_loop3A_518 = tpu.vector_load %arg5[%parallel_loop3A_516, %parallel_loop3A_517] {strides = array<i32>} : memref<64x512xf32, #tpu.memory_space<vmem>>, vector<16xf32>,
      %parallel_loop3A_519 = arith.constant 2.560000e+02 : f32
      %parallel_loop3A_520 = vector.broadcast %parallel_loop3A_519 : f32 to vector<16xf32>
      %parallel_loop3A_521 = arith.mulf %parallel_loop3A_518, %parallel_loop3A_520 : vector<16xf32>
      %parallel_loop3A_522 = arith.fptosi %parallel_loop3A_521 : vector<16xf32> to vector<16xi32>
      %parallel_loop3A_523 = arith.constant 4 : i32
      %parallel_loop3A_524 = vector.broadcast %parallel_loop3A_523 : i32 to vector<16xi32>
      %parallel_loop3A_525 = arith.shli %parallel_loop3A_522, %parallel_loop3A_524 : vector<16xi32>
      %parallel_loop3A_526 = arith.ori %parallel_loop3A_525, %iota3A : vector<16xi32>
      tpu.vector_store_idx %arg6[%parallel_loop3A_526], %broadcast_in_dim3A_5 {add = true} : memref<4096xi32, #tpu.memory_space<vmem>>[vector<16xi32>], vector<16xi32>,
    } {sc.loop_unroll_factor = 8 : i64, sc.parallel_access}
    %parallel_loop3A_508 = arith.constant 0 : i32
    %parallel_loop3A_509 = arith.constant 4096 : i32
    %parallel_loop3A_510 = arith.constant 16 : i32
    scf.for %parallel_loop3A_511 = %parallel_loop3A_508 to %parallel_loop3A_509 step %parallel_loop3A_510  : i32 {
      %parallel_loop3A_512 = arith.constant 8 : i32
      %parallel_loop3A_513 = arith.shrsi %parallel_loop3A_511, %parallel_loop3A_512 : i32
      %parallel_loop3A_514 = arith.constant 255 : i32
      %parallel_loop3A_515 = arith.andi %parallel_loop3A_511, %parallel_loop3A_514 : i32
      %parallel_loop3A_516 = vector.broadcast %parallel_loop3A_515 : i32 to vector<16xi32>
      %parallel_loop3A_517 = arith.addi %parallel_loop3A_516, %iota3A : vector<16xi32>
      %parallel_loop3A_518 = arith.constant 4 : i32
      %parallel_loop3A_519 = vector.broadcast %parallel_loop3A_518 : i32 to vector<16xi32>
      %parallel_loop3A_520 = arith.shli %parallel_loop3A_517, %parallel_loop3A_519 : vector<16xi32>
      %parallel_loop3A_521 = vector.broadcast %parallel_loop3A_513 : i32 to vector<16xi32>
      %parallel_loop3A_522 = arith.ori %parallel_loop3A_520, %parallel_loop3A_521 : vector<16xi32>
      %parallel_loop3A_523 = tpu.vector_load_idx %arg6[%parallel_loop3A_522] : memref<4096xi32, #tpu.memory_space<vmem>>[vector<16xi32>], vector<16xi32>,
      %parallel_loop3A_524 = arith.index_cast %parallel_loop3A_513 : i32 to index
      %parallel_loop3A_525 = arith.index_cast %parallel_loop3A_515 : i32 to index
      %parallel_loop3A_526 = tpu.vector_load %arg7[%parallel_loop3A_524, %parallel_loop3A_525] {strides = array<i32>} : memref<16x256xi32, #tpu.memory_space<vmem>>, vector<16xi32>,
      tpu.vector_store %arg7[%parallel_loop3A_524, %parallel_loop3A_525], %parallel_loop3A_523 {strides = array<i32>} : memref<16x256xi32, #tpu.memory_space<vmem>>, vector<16xi32>,
    } {sc.loop_unroll_factor = 4 : i64, sc.parallel_access}
    "tpu.region"() ({
      %run_scoped3A = tpu.sem_alloc : memref<!tpu.dma_semaphore, #tpu.memory_space<semaphore_mem>>
      %dma_start3A_511 = arith.constant 0 : i32
      %dma_start3A_512 = arith.constant 0 : i32
      %dma_start3A_513 = tpu.memref_slice %arg3[%add3A, %dma_start3A_511, %dma_start3A_512] : memref<32x16x256xi32, #tpu.memory_space<hbm>> -> memref<1x16x256xi32, #tpu.memory_space<hbm>>
      %dma_start3A_514 = tpu.memref_squeeze %dma_start3A_513 : memref<1x16x256xi32, #tpu.memory_space<hbm>> -> memref<16x256xi32, #tpu.memory_space<hbm>>
      %dma_start3A_515 = arith.constant 0 : i32
      %dma_start3A_516 = arith.constant 0 : i32
      %dma_start3A_517 = tpu.memref_slice %arg3[%add3A, %dma_start3A_515, %dma_start3A_516] : memref<32x16x256xi32, #tpu.memory_space<hbm>> -> memref<1x16x256xi32, #tpu.memory_space<hbm>>
      %dma_start3A_518 = tpu.memref_squeeze %dma_start3A_517 : memref<1x16x256xi32, #tpu.memory_space<hbm>> -> memref<16x256xi32, #tpu.memory_space<hbm>>
      tpu.enqueue_dma source(%arg7 : memref<16x256xi32, #tpu.memory_space<vmem>>) target(%dma_start3A_518 : memref<16x256xi32, #tpu.memory_space<hbm>>) target_semaphore(%run_scoped3A : memref<!tpu.dma_semaphore, #tpu.memory_space<semaphore_mem>>)
      %dma_wait3A_519 = arith.constant 0 : i32
      %dma_wait3A_520 = arith.constant 0 : i32
      %dma_wait3A_521 = tpu.memref_slice %arg3[%add3A, %dma_wait3A_519, %dma_wait3A_520] : memref<32x16x256xi32, #tpu.memory_space<hbm>> -> memref<1x16x256xi32, #tpu.memory_space<hbm>>
      %dma_wait3A_522 = tpu.memref_squeeze %dma_wait3A_521 : memref<1x16x256xi32, #tpu.memory_space<hbm>> -> memref<16x256xi32, #tpu.memory_space<hbm>>
      %dma_wait3A_523 = arith.constant 0 : i32
      %dma_wait3A_524 = arith.constant 0 : i32
      %dma_wait3A_525 = tpu.memref_slice %arg3[%add3A, %dma_wait3A_523, %dma_wait3A_524] : memref<32x16x256xi32, #tpu.memory_space<hbm>> -> memref<1x16x256xi32, #tpu.memory_space<hbm>>
      %dma_wait3A_526 = tpu.memref_squeeze %dma_wait3A_525 : memref<1x16x256xi32, #tpu.memory_space<hbm>> -> memref<16x256xi32, #tpu.memory_space<hbm>>
      tpu.wait_dma2 semaphore(%run_scoped3A : memref<!tpu.dma_semaphore, #tpu.memory_space<semaphore_mem>>) src(%arg7 : memref<16x256xi32, #tpu.memory_space<vmem>>) dst(%dma_wait3A_526 : memref<16x256xi32, #tpu.memory_space<hbm>>)
      tpu.yield
    }) : () -> ()
    return
  }
}

module attributes {stable_mosaic.version = 14 : i64} {
  func.func @_tc_mse_body(%arg0: i32, %arg1: memref<1x3x512x512xf32, #tpu.memory_space<vmem>>, %arg2: memref<1x3x512x512xf32, #tpu.memory_space<vmem>>, %arg3: memref<1x1xf32, #tpu.memory_space<smem>>, %arg4: memref<1x1xf32, #tpu.memory_space<smem>>) attributes {dimension_semantics = [#tpu.dimension_semantics<arbitrary>], iteration_bounds = array<i64: 32>, scalar_prefetch = 0 : i64, scratch_operands = 1 : i64, tpu.core_type = #tpu.core_type<tc>, window_params = [{transform_indices = @transform_0, window_bounds = array<i64: 1, 3, 512, 512>}, {transform_indices = @transform_1, window_bounds = array<i64: 1, 3, 512, 512>}, {transform_indices = @transform_2, window_bounds = array<i64: 1, 1>}]} {
    %eq3A = arith.constant 0 : i32
    %eq3A_0 = arith.cmpi eq, %arg0, %eq3A : i32
    %convert_element_type3A = arith.extui %eq3A_0 : i1 to i32
    %cond3A = arith.constant 0 : i32
    %cond3A_1 = arith.cmpi ne, %convert_element_type3A, %cond3A : i32
    scf.if %cond3A_1 {
      %swap3A_25 = arith.constant 0.000000e+00 : f32
      %swap3A_26 = arith.constant 0 : index
      %swap3A_27 = arith.constant 0 : index
      %swap3A_28 = memref.load %arg4[%swap3A_26, %swap3A_27] : memref<1x1xf32, #tpu.memory_space<smem>>
      memref.store %swap3A_25, %arg4[%swap3A_26, %swap3A_27] : memref<1x1xf32, #tpu.memory_space<smem>>
    } else {
    }
    %get3A = arith.constant 0 : index
    %get3A_2 = arith.constant 0 : index
    %get3A_3 = arith.constant 0 : index
    %get3A_4 = arith.constant 0 : index
    %get3A_5 = vector.load %arg1[%get3A, %get3A_2, %get3A_3, %get3A_4] : memref<1x3x512x512xf32, #tpu.memory_space<vmem>>, vector<1x3x512x512xf32>
    %get3A_6 = arith.constant 0 : index
    %get3A_7 = arith.constant 0 : index
    %get3A_8 = arith.constant 0 : index
    %get3A_9 = arith.constant 0 : index
    %get3A_10 = vector.load %arg2[%get3A_6, %get3A_7, %get3A_8, %get3A_9] : memref<1x3x512x512xf32, #tpu.memory_space<vmem>>, vector<1x3x512x512xf32>
    %sub3A = arith.subf %get3A_5, %get3A_10 : vector<1x3x512x512xf32>
    %get3A_11 = arith.constant 0 : index
    %get3A_12 = arith.constant 0 : index
    %get3A_13 = memref.load %arg4[%get3A_11, %get3A_12] : memref<1x1xf32, #tpu.memory_space<smem>>
    %mul3A = arith.mulf %sub3A, %sub3A : vector<1x3x512x512xf32>
    %reduce_sum3A = vector.shape_cast %mul3A : vector<1x3x512x512xf32> to vector<1x1x3x512x512xf32>
    %reduce_sum3A_14 = arith.constant dense<0.000000e+00> : vector<1xf32>
    %reduce_sum3A_15 = vector.multi_reduction <add>, %reduce_sum3A, %reduce_sum3A_14 [1, 2, 3, 4] : vector<1x1x3x512x512xf32> to vector<1xf32>
    %reduce_sum3A_16 = vector.shape_cast %reduce_sum3A_15 : vector<1xf32> to vector<1x1x1x1x1xf32>
    %reduce_sum3A_17 = vector.extract %reduce_sum3A_16[0, 0, 0, 0, 0] : f32 from vector<1x1x1x1x1xf32>
    %add3A = arith.addf %get3A_13, %reduce_sum3A_17 : f32
    %swap3A = arith.constant 0 : index
    %swap3A_18 = arith.constant 0 : index
    %swap3A_19 = memref.load %arg4[%swap3A, %swap3A_18] : memref<1x1xf32, #tpu.memory_space<smem>>
    memref.store %add3A, %arg4[%swap3A, %swap3A_18] : memref<1x1xf32, #tpu.memory_space<smem>>
    %eq3A_20 = arith.constant 31 : i32
    %eq3A_21 = arith.cmpi eq, %arg0, %eq3A_20 : i32
    %convert_element_type3A_22 = arith.extui %eq3A_21 : i1 to i32
    %cond3A_23 = arith.constant 0 : i32
    %cond3A_24 = arith.cmpi ne, %convert_element_type3A_22, %cond3A_23 : i32
    scf.if %cond3A_24 {
      %get3A_25 = arith.constant 0 : index
      %get3A_26 = arith.constant 0 : index
      %get3A_27 = memref.load %arg4[%get3A_25, %get3A_26] : memref<1x1xf32, #tpu.memory_space<smem>>
      %swap3A_28 = arith.constant 0 : index
      %swap3A_29 = arith.constant 0 : index
      %swap3A_30 = memref.load %arg3[%swap3A_28, %swap3A_29] : memref<1x1xf32, #tpu.memory_space<smem>>
      memref.store %get3A_27, %arg3[%swap3A_28, %swap3A_29] : memref<1x1xf32, #tpu.memory_space<smem>>
    } else {
    }
    return
  }
  func.func @transform_0(%arg0: i32) -> (i32, i32, i32, i32) {
    %c0_i32 = arith.constant 0 : i32
    %c0_i32_0 = arith.constant 0 : i32
    %c0_i32_1 = arith.constant 0 : i32
    %c0_i32_2 = arith.constant 0 : i32
    return %arg0, %c0_i32, %c0_i32_0, %c0_i32_1 : i32, i32, i32, i32
  }
  func.func @transform_1(%arg0: i32) -> (i32, i32, i32, i32) {
    %c0_i32 = arith.constant 0 : i32
    %c0_i32_0 = arith.constant 0 : i32
    %c0_i32_1 = arith.constant 0 : i32
    %c0_i32_2 = arith.constant 0 : i32
    return %arg0, %c0_i32, %c0_i32_0, %c0_i32_1 : i32, i32, i32, i32
  }
  func.func @transform_2(%arg0: i32) -> (i32, i32) {
    %c0_i32 = arith.constant 0 : i32
    %c0_i32_0 = arith.constant 0 : i32
    %c0_i32_1 = arith.constant 0 : i32
    return %c0_i32, %c0_i32_0 : i32, i32
  }
}

module attributes {stable_mosaic.version = 14 : i64} {
  func.func @_tc_combine_body(%arg0: memref<512x256xi32, #tpu.memory_space<vmem>>, %arg1: memref<1x1xf32, #tpu.memory_space<smem>>, %arg2: memref<1x1xf32, #tpu.memory_space<smem>>, %arg3: memref<1x1xf32, #tpu.memory_space<smem>>, %arg4: memref<1x1xf32, #tpu.memory_space<smem>>) attributes {dimension_semantics = [], scalar_prefetch = 0 : i64, scratch_operands = 0 : i64, tpu.core_type = #tpu.core_type<tc>} {
    %get3A = arith.constant 0 : index
    %get3A_0 = arith.constant 0 : index
    %get3A_1 = vector.load %arg0[%get3A, %get3A_0] : memref<512x256xi32, #tpu.memory_space<vmem>>, vector<512x256xi32>
    %convert_element_type3A = arith.sitofp %get3A_1 : vector<512x256xi32> to vector<512x256xf32>
    %reduce_sum3A = arith.constant dense<0.000000e+00> : vector<256xf32>
    %reduce_sum3A_2 = vector.multi_reduction <add>, %convert_element_type3A, %reduce_sum3A [0] : vector<512x256xf32> to vector<256xf32>
    %reduce_sum3A_3 = vector.shape_cast %reduce_sum3A_2 : vector<256xf32> to vector<1x256xf32>
    %reduce_sum3A_4 = arith.constant dense<0.000000e+00> : vector<1xf32>
    %reduce_sum3A_5 = vector.multi_reduction <add>, %reduce_sum3A_3, %reduce_sum3A_4 [1] : vector<1x256xf32> to vector<1xf32>
    %reduce_sum3A_6 = vector.shape_cast %reduce_sum3A_5 : vector<1xf32> to vector<1x1xf32>
    %reduce_sum3A_7 = vector.extract %reduce_sum3A_6[0, 0] : f32 from vector<1x1xf32>
    %div3A = vector.broadcast %reduce_sum3A_7 : f32 to vector<256xf32>
    %div3A_8 = arith.divf %reduce_sum3A_2, %div3A : vector<256xf32>
    %jit3A = arith.constant 9.99999996E-13 : f32
    %jit3A_9 = arith.constant 1.000000e+00 : f32
    %max3A = vector.broadcast %jit3A : f32 to vector<256xf32>
    %max3A_10 = arith.maximumf %max3A, %div3A_8 : vector<256xf32>
    %min3A = vector.broadcast %jit3A_9 : f32 to vector<256xf32>
    %min3A_11 = arith.minimumf %min3A, %max3A_10 : vector<256xf32>
    %log3A = math.log %min3A_11 : vector<256xf32>
    %log3A_12 = arith.constant 2.000000e+00 : f32
    %log3A_13 = math.log %log3A_12 : f32
    %div3A_14 = vector.broadcast %log3A_13 : f32 to vector<256xf32>
    %div3A_15 = arith.divf %log3A, %div3A_14 : vector<256xf32>
    %mul3A = arith.mulf %min3A_11, %div3A_15 : vector<256xf32>
    %reduce_sum3A_16 = vector.shape_cast %mul3A : vector<256xf32> to vector<1x256xf32>
    %reduce_sum3A_17 = arith.constant dense<0.000000e+00> : vector<1xf32>
    %reduce_sum3A_18 = vector.multi_reduction <add>, %reduce_sum3A_16, %reduce_sum3A_17 [1] : vector<1x256xf32> to vector<1xf32>
    %reduce_sum3A_19 = vector.shape_cast %reduce_sum3A_18 : vector<1xf32> to vector<1x1xf32>
    %reduce_sum3A_20 = vector.extract %reduce_sum3A_19[0, 0] : f32 from vector<1x1xf32>
    %neg3A = arith.constant 0.000000e+00 : f32
    %neg3A_21 = arith.subf %neg3A, %reduce_sum3A_20 : f32
    %div3A_22 = arith.constant 3.200000e+01 : f32
    %div3A_23 = arith.divf %neg3A_21, %div3A_22 : f32
    %get3A_24 = arith.constant 0 : index
    %get3A_25 = arith.constant 0 : index
    %get3A_26 = memref.load %arg1[%get3A_24, %get3A_25] : memref<1x1xf32, #tpu.memory_space<smem>>
    %div3A_27 = arith.constant 0x4BC00000 : f32
    %div3A_28 = arith.divf %get3A_26, %div3A_27 : f32
    %swap3A = arith.constant 0 : index
    %swap3A_29 = arith.constant 0 : index
    %swap3A_30 = memref.load %arg3[%swap3A, %swap3A_29] : memref<1x1xf32, #tpu.memory_space<smem>>
    memref.store %div3A_23, %arg3[%swap3A, %swap3A_29] : memref<1x1xf32, #tpu.memory_space<smem>>
    %swap3A_31 = arith.constant 0 : index
    %swap3A_32 = arith.constant 0 : index
    %swap3A_33 = memref.load %arg4[%swap3A_31, %swap3A_32] : memref<1x1xf32, #tpu.memory_space<smem>>
    memref.store %div3A_28, %arg4[%swap3A_31, %swap3A_32] : memref<1x1xf32, #tpu.memory_space<smem>>
    %add3A = arith.addf %div3A_23, %div3A_28 : f32
    %swap3A_34 = arith.constant 0 : index
    %swap3A_35 = arith.constant 0 : index
    %swap3A_36 = memref.load %arg2[%swap3A_34, %swap3A_35] : memref<1x1xf32, #tpu.memory_space<smem>>
    memref.store %add3A, %arg2[%swap3A_34, %swap3A_35] : memref<1x1xf32, #tpu.memory_space<smem>>
    return
  }
}

</mosaic_0001>

<sc_bundles>
// kernel: kernel.5.cloned.1.call-start
scs
__scs_entry_jumppad:
0x0: {  	(pc) =	sbr.rel $0x88, $3  }
0x1: {  	(tag) =	ssettag $0x0;
	lr =	simm.s32 $0x1  }
0x2: {  	[smem:$0x3F9F] =	sst lr;
	_ =	strace $0xD0000000  }
0x3: {  	_ = 	snop  }
0x4: {  	_ = 	snop  }
0x5: {  	_ = 	snop  }
0x6: {  	_ = 	snop  }
0x7: {  	_ = 	snop  }
__scs_overlays_trampoline_lowered:
0x8: {  	[smem:$0x3FAE] =	sst s0  }
0x9: {  	[smem:$0x3FAF] =	sst s1  }
0xa: {  	[smem:$0x3FB0] =	sst s2  }
0xb: {  	[smem:$0x3FB1] =	sst s3  }
0xc: {  	[smem:$0x3FB2] =	sst s4  }
0xd: {  	[smem:$0x3FB3] =	sst s5  }
0xe: {  	[smem:$0x3FB4] =	sst s6  }
0xf: {  	[smem:$0x3FB5] =	sst s7  }
0x10: {  	[smem:$0x3FB6] =	sst s8  }
0x11: {  	[smem:$0x3FB7] =	sst s9;
	s0 =	simm.s32 @!p0 $0x0  }
0x12: {  	s1 =	sld [smem:$0x3F9D];
	s0 =	simm.s32 @p0 $0x1  }
0x13: {  	[smem:$0x3FB8] =	sst s0;
	s0 =	simm.s32 @!p1 $0x0  }
0x14: {  	s2 =	sld [smem:$0x3F9C];
	s0 =	simm.s32 @p1 $0x1  }
0x15: {  	[smem:$0x3FB9] =	sst s0;
	s0 =	simm.s32 @!p2 $0x0  }
0x16: {  	s3 =	sld [smem:$0x3FDB];
	s0 =	simm.s32 @p2 $0x1  }
0x17: {  	s4 =	simm.s32 $0x1BF5;
	[smem:$0x3FBB] =	sst s0  }
0x18: {  	s0 =	sld [smem:$0x3F9E];
	_ =	swait.ge [sflag:s4], $0x0  }
0x19: {  	s7 =	sld [smem:$0x3F9F]  }
0x1a: {  	s8 =	sadd.s32 $0xFFFFE003, lr  }
0x1b: {  	s9 =	sadd.s32 $0xFFFFFEF7, lr;
	s5 =	simm.s32 $0xFFFFFFFF;
	p2 =	slt.u32 s8, $0xFFFFF086  }
0x1c: {  	p1 =	slt.u32 s9, $0xF7A;
	s5 =	simm.s32 @!p2 $0x0  }
0x1d: {  	s5 =	simm.s32 @p1 $0x1;
	p0 =	seq.s32 s7, s2  }
0x1e: {  	s7 =	smul.u32 @!p0 $0xF7A, s2;
	p2 =	seq.s32 @!p0 s5, $0x0  }
0x1f: {  	s9 =	smul.u32 $0xF7A, s1;
	s8 =	simm.s32 @!p0 $0x1BF5;
	p2 =	por !p2, p0  }
0x20: {  	[sflag:s8] =	ssyncset.s32 @!p0 $0xFFFFF086;
	s6 =	sadd.s32 @!p0 s3, s7;
	s7 =	simm.s32 @!p0 $0x108  }
0x21: {  	s3 =	sadd.s32 s3, s9;
	s6 =	sadd.s32 @!p0 $0x88, s6;
	s7 =	simm.s32 @p2 $0x1082  }
0x22: {  	[simem:s7], [sflag:s8] =	dma.local @!p0 [hbm:s6], $0xF7A  }
0x23: {  	s9 =	sor.u32 $0xD0000000, s2;
	s6 =	simm.s32 $0x108;
	_ =	swait.ge @!p0 [sflag:s8], $0x0  }
0x24: {  	s3 =	sadd.s32 $0x88, s3;
	s6 =	simm.s32 @!p1 $0x1082;
	[sflag:s4] =	ssyncset.s32 $0xFFFFF086  }
0x25: {  	[simem:s6], [sflag:s4] =	dma.local [hbm:s3], $0xF7A  }
0x26: {  	[smem:$0x3F9F] =	sst s1;
	(tag) =	ssettag s2;
	_ =	strace s9  }
0x27: {  	s1 =	sld [smem:$0x3FAF]  }
0x28: {  	s2 =	sld [smem:$0x3FB0]  }
0x29: {  	s4 =	sld [smem:$0x3FB2]  }
0x2a: {  	p0 =	seq.s32 s5, $0x0;
	s5 =	sld [smem:$0x3FB3]  }
0x2b: {  	s6 =	sld [smem:$0x3FB4]  }
0x2c: {  	s7 =	sld [smem:$0x3FB5]  }
0x2d: {  	s3 =	simm.s32 $0x108;
	s8 =	sld [smem:$0x3FB6]  }
0x2e: {  	s3 =	simm.s32 @!p0 $0x1082;
	s9 =	sld [smem:$0x3FB7]  }
0x2f: {  	lr =	sadd.s32 s0, s3;
	s0 =	sld [smem:$0x3FAE]  }
0x30: {  	s3 =	sld [smem:$0x3FB1]  }
0x31: {  	[smem:$0x3FBA] =	sst s10  }
0x32: {  	s10 =	sld [smem:$0x3FB8];
	_ =	sdelay $0x3  }
0x33: {  	p0 =	seq.s32 s10, $0x1;
	s10 =	sld [smem:$0x3FBA];
	_ =	sdelay $0x3  }
0x34: {  	[smem:$0x3FBA] =	sst s10  }
0x35: {  	s10 =	sld [smem:$0x3FB9];
	_ =	sdelay $0x3  }
0x36: {  	p1 =	seq.s32 s10, $0x1;
	s10 =	sld [smem:$0x3FBA];
	_ =	sdelay $0x3  }
0x37: {  	[smem:$0x3FBA] =	sst s10  }
0x38: {  	s10 =	sld [smem:$0x3FBB]  }
0x39: {  	_ = 	snop;
	(pc) =	sbr.ind lr, $3  }
0x3a: {  	_ = 	snop  }
0x3b: {  	_ = 	snop  }
0x3c: {  	p2 =	seq.s32 s10, $0x1;
	s10 =	sld [smem:$0x3FBA]  }
0x3d: {  	_ =	shalt  }
0x3e: {  	_ =	shalt  }
0x3f: {  	_ =	shalt  }
0x40: {  	_ =	shalt  }
0x41: {  	_ =	shalt  }
0x42: {  	_ =	shalt  }
0x43: {  	_ =	shalt  }
0x44: {  	_ =	shalt  }
0x45: {  	_ =	shalt  }
0x46: {  	_ =	shalt  }
0x47: {  	_ =	shalt  }
0x48: {  	_ =	shalt  }
0x49: {  	_ =	shalt  }
0x4a: {  	_ =	shalt  }
0x4b: {  	_ =	shalt  }
0x4c: {  	_ =	shalt  }
0x4d: {  	_ =	shalt  }
0x4e: {  	_ =	shalt  }
0x4f: {  	_ =	shalt  }
0x50: {  	_ =	shalt  }
0x51: {  	_ =	shalt  }
0x52: {  	_ =	shalt  }
0x53: {  	_ =	shalt  }
0x54: {  	_ =	shalt  }
0x55: {  	_ =	shalt  }
0x56: {  	_ =	shalt  }
0x57: {  	_ =	shalt  }
0x58: {  	_ =	shalt  }
0x59: {  	_ =	shalt  }
0x5a: {  	_ =	shalt  }
0x5b: {  	_ =	shalt  }
0x5c: {  	_ =	shalt  }
0x5d: {  	_ =	shalt  }
0x5e: {  	_ =	shalt  }
0x5f: {  	_ =	shalt  }
0x60: {  	_ =	shalt  }
0x61: {  	_ =	shalt  }
0x62: {  	_ =	shalt  }
0x63: {  	_ =	shalt  }
0x64: {  	_ =	shalt  }
0x65: {  	_ =	shalt  }
0x66: {  	_ =	shalt  }
0x67: {  	_ =	shalt  }
0x68: {  	_ =	shalt  }
0x69: {  	_ =	shalt  }
0x6a: {  	_ =	shalt  }
0x6b: {  	_ =	shalt  }
0x6c: {  	_ =	shalt  }
0x6d: {  	_ =	shalt  }
0x6e: {  	_ =	shalt  }
0x6f: {  	_ =	shalt  }
0x70: {  	_ =	shalt  }
0x71: {  	_ =	shalt  }
0x72: {  	_ =	shalt  }
0x73: {  	_ =	shalt  }
0x74: {  	_ =	shalt  }
0x75: {  	_ =	shalt  }
0x76: {  	_ =	shalt  }
0x77: {  	_ =	shalt  }
0x78: {  	_ =	shalt  }
0x79: {  	_ =	shalt  }
0x7a: {  	_ =	shalt  }
0x7b: {  	_ =	shalt  }
0x7c: {  	_ =	shalt  }
0x7d: {  	_ =	shalt  }
0x7e: {  	_ =	shalt  }
0x7f: {  	_ =	shalt  }
0x80: {  	_ =	shalt  }
0x81: {  	_ =	shalt  }
0x82: {  	_ =	shalt  }
0x83: {  	_ =	shalt  }
0x84: {  	_ =	shalt  }
0x85: {  	_ =	shalt  }
0x86: {  	_ =	shalt  }
0x87: {  	_ =	shalt  }
.Lfunc_end0:
.L_simem_size_0:
called_computation_lowered:
.L_overlay_start_0:
0x88: {  	s2 =	sld [smem:$0x3FD9]  }
0x89: {  	s3 =	sld [smem:$0x3FFE];
	_ =	sdelay $0x1  }
0x8a: {  	s1 =	srdreg.scid  }
0x8b: {  	s0 =	sand.u32 $0x1, s1  }
0x8c: {  	s17 =	sshll.u32 s0, $0xA;
	s2 =	sadd.s32 s3, s2  }
0x8d: {  	s2 =	sadd.s32 s2, s17  }
0x8e: {  	[smem:$0x3FC6] =	sst s2  }
0x8f: {  	_ = 	snop  }
0x90: {  	s2 =	sld [smem:$0x3FC9];
	(tm) =	ssettm $0x1  }
0x91: {  	s18 =	sld [smem:$0x3FFB];
	_ =	sdelay $0x3  }
0x92: {  	_ =	strace s18  }
0x93: {  	s3 =	sld [smem:$0x3FFC];
	_ =	sdelay $0x3  }
0x94: {  	_ =	strace s3  }
0x95: {  	s3 =	sld [smem:$0x3FFD];
	_ =	sdelay $0x3  }
0x96: {  	_ =	strace s3  }
0x97: {  	_ =	strace $0x8FFFFFFF  }
0x98: {  	s19 =	sld [smem:$0x3FDB];
	_ =	sdelay $0x1  }
0x99: {  	s4 =	simm.s32 $_scs_section_size  }
0x9a: {  	s5 =	simm.s32 $_size__tile_overlayer_lowered;
	s6 =	simm.s32 $_tile_overlayer_lowered  }
0x9b: {  	s22 =	simm.s32 $0x1BFF;
	s21 =	sshll.u32 s6, $0x1;
	s3 =	sadd.s32 s4, s19  }
0x9c: {  	s7 =	simm.s32 $0x0;
	s20 =	sshll.u32 s5, $0x1;
	s5 =	sadd.s32 s21, s3  }
0x9d: {  	[timem:s7], [sflag:s22] =	dma.local [hbm:s5], s20  }
0x9e: {  	_ =	swait.ge [sflag:s22], s20  }
0x9f: {  	s4 =	ssub.s32 $0x0, s20;
	[sflag:s22] =	ssyncset.done $0x0  }
0xa0: {  	[sflag:s22] =	ssyncadd.s32 s4;
	_ =	sdelay $0x1  }
0xa1: {  	s23 =	simm.s32 $0x1B8B  }
0xa2: {  	_ =	swait.ge [sflag:s23], $0x1  }
0xa3: {  	[sflag:s23] =	ssyncset.done $0x0  }
0xa4: {  	s25 =	simm.s32 $0x1B8E;
	s24 =	sld [smem:$0x3FFE];
	[sflag:s23] =	ssyncadd.s32 $0xFFFFFFFF  }
0xa5: {  	s26 =	simm.s32 $execute0_lowered;
	[smem:$0x3FD2] =	sst s25  }
0xa6: {  	s5 =	sshll.u32 s26, $0x1;
	_ =	strace $0x80000046;
	[dreg:$0x1] =	wrdreg $0xFFFFFFFF  }
0xa7: {  	s28 =	simm.s32 $_size_execute0_lowered;
	s3 =	sadd.s32 s3, s5;
	[dreg:$0x0] =	wrdreg $0x0  }
0xa8: {  	s5 =	sshll.u32 s28, $0x1;
	[dreg:$0x2] =	wrdreg s3  }
0xa9: {  	[dreg:$0x3] =	wrdreg s5  }
0xaa: {  	[dreg:$0x4] =	wrdreg $0xC0  }
0xab: {  	_ =	task [dreg:s7], $0x5FFFF  }
0xac: {  	[dreg:$0x1] =	wrdreg $0xFFFFFFFF  }
0xad: {  	[dreg:$0x0] =	wrdreg $0x60  }
0xae: {  	[dreg:$0x2] =	wrdreg s2  }
0xaf: {  	[dreg:$0x3] =	wrdreg s24  }
0xb0: {  	[dreg:$0x4] =	wrdreg $0x9  }
0xb1: {  	_ =	task.clear_ibuf [dreg:s7], $0x5FFFF;
	_ =	strace $0x90000046  }
0xb2: {  	s29 =	simm.s32 $0x9;
	_ =	strace $0x80000048  }
0xb3: {  	_ =	swait.ge [sflag:s29], $0x1  }
0xb4: {  	[sflag:s29] =	ssyncadd.s32 $0xFFFFFFFF  }
0xb5: {  	_ =	strace $0x90000048  }
0xb6: {  	_ =	sfence  }
0xb7: {  	s30 =	sld [smem:$0x0];
	_ =	sdelay $0x2  }
0xb8: {  	s31 =	sshll.u32 s1, $0xD;
	s1 =	sshrl.u32 s1, $0x2  }
0xb9: {  	s3 =	sand.u32 $0x4000, s31;
	s1 =	sadd.s32 s1, s30  }
0xba: {  	s0 =	sor.u32 s3, s0;
	s1 =	sshll.u32 s1, $0x11  }
0xbb: {  	s0 =	sor.u32 s1, s0  }
0xbc: {  	s0 =	sadd.s32 $0x8F2B, s0  }
0xbd: {  	[sflag:s0] =	ssyncadd.remote.s32 $0x1  }
0xbe: {  	_ =	sfence.sel $0xFFFF  }
0xbf: {  	[dreg:$0x0] =	wrdreg $0xFFFFFFFF;
	(pc) =	sbr.abs _section_cstart, $3  }
0xc0: {  	[dreg:$0x1] =	wrdreg $0xFFFFFFFF  }
0xc1: {  	_ =	task.clear_ibuf [dreg:s7], $0x2FFFF;
	_ =	strace $0x9FFFFFFF  }
0xc2: {  	(tm) =	ssettm $0x7FFFFFFF  }
0xc3: {  	_ =	shalt  }
tec
execute0_lowered:
.L_overlay_start_1:
0x0: {  	(tag) =	ssettag $0x1  }
0x1: {  	s1 =	srdreg.scid;
	s3 =	stileid.u32  }
0x2: {  	s1 =	sand.u32 $0x1, s1;
	s3 =	sshll.u32 s3, $0x1  }
0x3: {  	s3 =	sor.u32 s1, s3  }
0x4: {  	s0 =	rddreg [dreg:$0x0];
	s9 =	smul.u32 $0xC0000, s3  }
0x5: {  	s2 =	rddreg [dreg:$0x1];
	s4 =	simm.s32 $0x0  }
0x6: {  	[smem:$0x7FF] =	sst s4;
	s3 =	sshll.u32 s3, $0x9;
	s4 =	sshrl.u32 s9, $0x3  }
0x7: {  	s2 =	sadd.s32 s3, s2;
	s3 =	sadd.s32 s0, s4  }
0x8: {  	s11 =	sadd.s32 $0x1000, s3  }
0x9: {  	_ =	strace $0x80000047;
	s12 =	sadd.s32 $0x2000, s3;
	[dreg:$0x3] =	wrdreg s11  }
0xa: {  	s13 =	sadd.s32 $0x3000, s3;
	[dreg:$0x4] =	wrdreg s12  }
0xb: {  	s14 =	sadd.s32 $0x4000, s3;
	[dreg:$0x5] =	wrdreg s13  }
0xc: {  	s15 =	sadd.s32 $0x5000, s3;
	[dreg:$0x6] =	wrdreg s14  }
0xd: {  	s16 =	sadd.s32 $0x6000, s3;
	[dreg:$0x7] =	wrdreg s15  }
0xe: {  	s30 =	simm.s32 $0x8000;
	s17 =	sadd.s32 $0x7000, s3;
	[dreg:$0x8] =	wrdreg s16  }
0xf: {  	s31 =	simm.s32 $0x1;
	s18 =	sadd.s32 $0x8000, s3;
	[dreg:$0x9] =	wrdreg s17  }
0x10: {  	s1 =	ssub.s32 $0x2, s1;
	s19 =	sadd.s32 $0x9000, s3;
	[dreg:$0xa] =	wrdreg s18  }
0x11: {  	s5 =	sshrl.u32 s1, $0x1;
	s20 =	sadd.s32 $0xA000, s3;
	[dreg:$0xb] =	wrdreg s19  }
0x12: {  	s10 =	ssub.s32 s1, s5;
	s21 =	sadd.s32 $0xB000, s3;
	[dreg:$0xc] =	wrdreg s20  }
0x13: {  	s1 =	simm.s32 $0x10000;
	s22 =	sadd.s32 $0xC000, s3;
	[dreg:$0xd] =	wrdreg s21  }
0x14: {  	s0 =	simm.s32 $0x2;
	s23 =	sadd.s32 $0xD000, s3;
	[dreg:$0xe] =	wrdreg s22  }
0x15: {  	s4 =	simm.s32 $0x0;
	s24 =	sadd.s32 $0xE000, s3;
	[dreg:$0xf] =	wrdreg s23  }
0x16: {  	s25 =	sadd.s32 $0xF000, s3;
	s26 =	sadd.s32 $0x10000, s3;
	[dreg:$0x10] =	wrdreg s24  }
0x17: {  	s28 =	sadd.s32 $0x16000, s3;
	s29 =	sadd.s32 $0x17000, s3;
	[dreg:$0x11] =	wrdreg s25  }
0x18: {  	[dreg:$0x12] =	wrdreg s26;
	s20 =	sadd.s32 $0x11000, s3;
	s21 =	sadd.s32 $0x12000, s3  }
0x19: {  	v0 =	vlaneseq.u32;
	s22 =	sadd.s32 $0x13000, s3;
	s23 =	sadd.s32 $0x14000, s3;
	s24 =	sadd.s32 $0x800, s2  }
0x1a: {  	v1 =	vimm.s32 $0x0;
	v2 =	vimm.s32 $0x1;
	v3 =	vmul.u32 $0x10, v0;
	s25 =	smax.u32 s10, $0x1;
	s26 =	sadd.s32 $0x15000, s3;
	s2 =	simm.s32 $0x3  }
.LBB2_1:
0x1b: {  	s5 =	simm.s32 $0x0;
	[tilespmem:s1+$0x0] =	vst v1;
	s6 =	simm.s32 $0x10000  }
.LBB2_2:
0x1c: {  	s5 =	sadd.s32 $0x10, s5  }
0x1d: {  	p0 =	slt.u32 s5, $0xFF0  }
.Ltmp0:
0x1e: {  	_ = 	snop;
	(pc) =	sbr.rel @p0 .LBB2_2-.Ltmp0, $3  }
0x1f: {  	_ =	sdelay $0x1  }
0x20: {  	s6 =	sadd.s32 $0x10, s6  }
0x21: {  	[tilespmem:s6+$0x0] =	vst v1  }
0x22: {  	s5 =	simm.s32 $0x0  }
0x23: {  	[tilespmem:s5], [sflag:$0x1] =	stream.linear.gather [hbm4b:s3+s5], $0x8000, $0x38;
	[tilespmem:$0x12000] =	vst v63  }
0x24: {  	s6 =	rddreg [dreg:$0x3];
	s19 =	simm.s32 $0x0  }
0x25: {  	[tilespmem:s30], [sflag:$0x2] =	stream.linear.gather [hbm4b:s6+s5], $0x8000, $0x38;
	[tilespmem:$0x12000] =	vst v63  }
0x26: {  	s7 =	sand.u32 $0xC00, s5;
	s6 =	sand.u32 $0x7000, s19;
	_ =	swait.ge [sflag:s31], $0x8000  }
0x27: {  	s5 =	sand.u32 $0x380, s5;
	s6 =	sor.u32 s7, s6;
	[sflag:s31] =	ssyncset.done $0x0  }
0x28: {  	s5 =	sor.u32 s5, s6;
	[sflag:s31] =	ssyncadd.s32 $0xFFFF8000  }
0x29: {  	v4 =	vld [tilespmem:s5+$0x70]  }
0x2a: {  	v5 =	vld [tilespmem:s5+$0x0]  }
0x2b: {  	v6 =	vld [tilespmem:s5+$0x10]  }
0x2c: {  	v7 =	vld [tilespmem:s5+$0x20]  }
0x2d: {  	v8 =	vld [tilespmem:s5+$0x30]  }
0x2e: {  	v9 =	vld [tilespmem:s5+$0x40]  }
0x2f: {  	v10 =	vld [tilespmem:s5+$0x50]  }
0x30: {  	v11 =	vld [tilespmem:s5+$0x60]  }
0x31: {  	v4 =	vmul.f32 $2.560000000e+02, v4;
	v5 =	vmul.f32 $2.560000000e+02, v5  }
0x32: {  	v6 =	vmul.f32 $2.560000000e+02, v6;
	v7 =	vmul.f32 $2.560000000e+02, v7  }
0x33: {  	s6 =	simm.s32 $0x400;
	s5 =	simm.s32 $0x80;
	v8 =	vmul.f32 $2.560000000e+02, v8;
	v4 =	vtrunc.f32 v4  }
0x34: {  	s7 =	simm.s32 $0x20;
	s9 =	sand.u32 $0xC00, s6;
	s8 =	sand.u32 $0x7000, s5;
	v9 =	vmul.f32 $2.560000000e+02, v9;
	v4 =	vcvt.f32.s32 v4  }
0x35: {  	s10 =	sand.u32 $0x380, s7;
	s8 =	sor.u32 s9, s8;
	v10 =	vmul.f32 $2.560000000e+02, v10;
	v11 =	vmul.f32 $2.560000000e+02, v11  }
0x36: {  	s8 =	sor.u32 s10, s8;
	v5 =	vtrunc.f32 v5;
	v6 =	vtrunc.f32 v6;
	v4 =	vshll.u32 v4, $0x4  }
0x37: {  	v13 =	vld [tilespmem:s8+$0x10];
	v7 =	vtrunc.f32 v7;
	v8 =	vtrunc.f32 v8;
	v4 =	vor.u32 v0, v4  }
0x38: {  	v9 =	vtrunc.f32 v9;
	v10 =	vtrunc.f32 v10  }
0x39: {  	v14 =	vld [tilespmem:s8+$0x20];
	v11 =	vtrunc.f32 v11;
	v5 =	vcvt.f32.s32 v5  }
0x3a: {  	v12 =	vld [tilespmem:s8+$0x70];
	v6 =	vcvt.f32.s32 v6;
	v9 =	vcvt.f32.s32 v9  }
0x3b: {  	v16 =	vld [tilespmem:s8+$0x30];
	v10 =	vcvt.f32.s32 v10;
	v11 =	vcvt.f32.s32 v11  }
0x3c: {  	v20 =	vmul.f32 $2.560000000e+02, v13;
	v5 =	vshll.u32 v5, $0x4;
	[tilespmem:v4+s1+$0x0] =	vst.idx.add.s32.msk $0xffff, v2;
	v4 =	vcvt.f32.s32 v7  }
0x3d: {  	v6 =	vshll.u32 v6, $0x4;
	v15 =	vor.u32 v0, v5;
	v7 =	vcvt.f32.s32 v8;
	v8 =	vld [tilespmem:s8+$0x0]  }
0x3e: {  	v19 =	vld [tilespmem:s8+$0x40];
	v13 =	vmul.f32 $2.560000000e+02, v14;
	v17 =	vor.u32 v0, v6;
	v4 =	vshll.u32 v4, $0x4  }
0x3f: {  	v5 =	vshll.u32 v7, $0x4;
	v18 =	vor.u32 v0, v4;
	v4 =	vmul.f32 $2.560000000e+02, v12  }
0x40: {  	v9 =	vshll.u32 v9, $0x4;
	v12 =	vshll.u32 v11, $0x4;
	v7 =	vor.u32 v0, v5;
	v11 =	vld [tilespmem:s8+$0x50]  }
0x41: {  	v10 =	vshll.u32 v10, $0x4;
	v6 =	vor.u32 v0, v9;
	v9 =	vld [tilespmem:s8+$0x60];
	v4 =	vtrunc.f32 v4  }
0x42: {  	[tilespmem:v15+s1+$0x0] =	vst.idx.add.s32.msk $0xffff, v2;
	v5 =	vor.u32 v0, v10;
	v8 =	vmul.f32 $2.560000000e+02, v8;
	v21 =	vcvt.f32.s32 v4  }
0x43: {  	v14 =	vmul.f32 $2.560000000e+02, v16;
	[tilespmem:v17+s1+$0x0] =	vst.idx.add.s32.msk $0xffff, v2;
	v4 =	vor.u32 v0, v12;
	v12 =	vmul.f32 $2.560000000e+02, v19  }
0x44: {  	v10 =	vtrunc.f32 v8;
	v8 =	vtrunc.f32 v20;
	v15 =	vshll.u32 v21, $0x4;
	[tilespmem:v18+s1+$0x0] =	vst.idx.add.s32.msk $0xffff, v2  }
.LBB2_4:
0x45: {  	s5 =	sadd.s32 $0x80, s5;
	v13 =	vtrunc.f32 v13;
	v11 =	vmul.f32 $2.560000000e+02, v11;
	v15 =	vor.u32 v0, v15;
	s6 =	sadd.s32 $0x400, s6;
	[tilespmem:v7+s1+$0x0] =	vst.idx.add.s32.msk $0xffff, v2  }
0x46: {  	v7 =	vtrunc.f32 v14;
	s7 =	sadd.s32 $0x20, s7;
	s8 =	sand.u32 $0x7000, s5;
	s9 =	sand.u32 $0xC00, s6;
	v9 =	vmul.f32 $2.560000000e+02, v9;
	[tilespmem:v6+s1+$0x0] =	vst.idx.add.s32.msk $0xffff, v2  }
0x47: {  	s10 =	sand.u32 $0x380, s7;
	p0 =	slt.u32 s5, $0x7F80;
	v6 =	vtrunc.f32 v12;
	s8 =	sor.u32 s9, s8;
	v11 =	vtrunc.f32 v11;
	[tilespmem:v5+s1+$0x0] =	vst.idx.add.s32.msk $0xffff, v2  }
0x48: {  	v5 =	vcvt.f32.s32 v10;
	s8 =	sor.u32 s10, s8;
	v9 =	vtrunc.f32 v9;
	[tilespmem:v4+s1+$0x0] =	vst.idx.add.s32.msk $0xffff, v2  }
0x49: {  	v8 =	vcvt.f32.s32 v8;
	v10 =	vcvt.f32.s32 v13;
	v4 =	vld [tilespmem:s8+$0x70]  }
0x4a: {  	v7 =	vcvt.f32.s32 v7;
	v6 =	vcvt.f32.s32 v6;
	v5 =	vshll.u32 v5, $0x4;
	[tilespmem:v15+s1+$0x0] =	vst.idx.add.s32.msk $0xffff, v2  }
0x4b: {  	v8 =	vshll.u32 v8, $0x4;
	v11 =	vcvt.f32.s32 v11;
	v9 =	vcvt.f32.s32 v9;
	v12 =	vld [tilespmem:s8+$0x0]  }
0x4c: {  	v7 =	vshll.u32 v7, $0x4;
	v10 =	vshll.u32 v10, $0x4;
	v6 =	vshll.u32 v6, $0x4;
	v13 =	vld [tilespmem:s8+$0x10]  }
0x4d: {  	v15 =	vor.u32 v0, v5;
	v5 =	vshll.u32 v11, $0x4;
	v9 =	vshll.u32 v9, $0x4;
	v14 =	vld [tilespmem:s8+$0x20]  }
0x4e: {  	v8 =	vor.u32 v0, v8;
	v7 =	vor.u32 v0, v7;
	v17 =	vor.u32 v0, v10;
	v16 =	vld [tilespmem:s8+$0x30]  }
0x4f: {  	v6 =	vor.u32 v0, v6;
	v5 =	vor.u32 v0, v5;
	v10 =	vmul.f32 $2.560000000e+02, v4;
	v18 =	vld [tilespmem:s8+$0x40]  }
.Ltmp1:
0x50: {  	v4 =	vor.u32 v0, v9;
	v12 =	vmul.f32 $2.560000000e+02, v12;
	v11 =	vld [tilespmem:s8+$0x50];
	(pc) =	sbr.rel @p0 .LBB2_4-.Ltmp1, $4  }
0x51: {  	v10 =	vtrunc.f32 v10;
	v19 =	vmul.f32 $2.560000000e+02, v13;
	v9 =	vld [tilespmem:s8+$0x60]  }
0x52: {  	v20 =	vcvt.f32.s32 v10;
	v13 =	vmul.f32 $2.560000000e+02, v14;
	[tilespmem:v15+s1+$0x0] =	vst.idx.add.s32.msk $0xffff, v2  }
0x53: {  	v10 =	vtrunc.f32 v12;
	v14 =	vmul.f32 $2.560000000e+02, v16;
	[tilespmem:v8+s1+$0x0] =	vst.idx.add.s32.msk $0xffff, v2  }
0x54: {  	v8 =	vtrunc.f32 v19;
	v15 =	vshll.u32 v20, $0x4;
	v12 =	vmul.f32 $2.560000000e+02, v18;
	[tilespmem:v17+s1+$0x0] =	vst.idx.add.s32.msk $0xffff, v2  }
0x55: {  	v13 =	vtrunc.f32 v13;
	v11 =	vmul.f32 $2.560000000e+02, v11  }
0x56: {  	v14 =	vtrunc.f32 v14;
	v10 =	vcvt.f32.s32 v10  }
0x57: {  	v8 =	vcvt.f32.s32 v8;
	v9 =	vmul.f32 $2.560000000e+02, v9  }
0x58: {  	v15 =	vor.u32 v0, v15;
	v12 =	vtrunc.f32 v12;
	v13 =	vcvt.f32.s32 v13  }
0x59: {  	[tilespmem:v7+s1+$0x0] =	vst.idx.add.s32.msk $0xffff, v2;
	v7 =	vcvt.f32.s32 v14;
	v11 =	vtrunc.f32 v11;
	v10 =	vshll.u32 v10, $0x4  }
0x5a: {  	[tilespmem:v6+s1+$0x0] =	vst.idx.add.s32.msk $0xffff, v2;
	v8 =	vshll.u32 v8, $0x4;
	v6 =	vcvt.f32.s32 v12;
	v10 =	vor.u32 v0, v10  }
0x5b: {  	v9 =	vtrunc.f32 v9;
	v12 =	vshll.u32 v13, $0x4;
	v8 =	vor.u32 v0, v8  }
0x5c: {  	[tilespmem:v5+s1+$0x0] =	vst.idx.add.s32.msk $0xffff, v2;
	v5 =	vcvt.f32.s32 v11;
	v7 =	vshll.u32 v7, $0x4;
	v11 =	vor.u32 v0, v12  }
0x5d: {  	[tilespmem:v4+s1+$0x0] =	vst.idx.add.s32.msk $0xffff, v2;
	v4 =	vcvt.f32.s32 v9;
	v6 =	vshll.u32 v6, $0x4;
	v7 =	vor.u32 v0, v7  }
0x5e: {  	[tilespmem:v15+s1+$0x0] =	vst.idx.add.s32.msk $0xffff, v2;
	v5 =	vshll.u32 v5, $0x4;
	v6 =	vor.u32 v0, v6  }
0x5f: {  	v4 =	vshll.u32 v4, $0x4;
	v5 =	vor.u32 v0, v5;
	[tilespmem:v10+s1+$0x0] =	vst.idx.add.s32.msk $0xffff, v2  }
0x60: {  	v4 =	vor.u32 v0, v4;
	[tilespmem:v8+s1+$0x0] =	vst.idx.add.s32.msk $0xffff, v2  }
0x61: {  	[tilespmem:v11+s1+$0x0] =	vst.idx.add.s32.msk $0xffff, v2  }
0x62: {  	[tilespmem:v7+s1+$0x0] =	vst.idx.add.s32.msk $0xffff, v2  }
0x63: {  	[tilespmem:v6+s1+$0x0] =	vst.idx.add.s32.msk $0xffff, v2  }
0x64: {  	[tilespmem:v5+s1+$0x0] =	vst.idx.add.s32.msk $0xffff, v2  }
0x65: {  	[tilespmem:v4+s1+$0x0] =	vst.idx.add.s32.msk $0xffff, v2  }
0x66: {  	s5 =	simm.s32 $0x0;
	s19 =	simm.s32 $0x0;
	s6 =	rddreg [dreg:$0x4]  }
0x67: {  	[tilespmem:s5], [sflag:$0x1] =	stream.linear.gather [hbm4b:s6+s5], $0x8000, $0x38;
	[tilespmem:$0x12000] =	vst v63  }
0x68: {  	s7 =	sand.u32 $0xC00, s5;
	s6 =	sand.u32 $0x7000, s19;
	_ =	swait.ge [sflag:s0], $0x8000  }
0x69: {  	s5 =	sand.u32 $0x380, s5;
	s6 =	sor.u32 s7, s6;
	[sflag:s0] =	ssyncset.done $0x0  }
0x6a: {  	s5 =	sor.u32 s5, s6;
	[sflag:s0] =	ssyncadd.s32 $0xFFFF8000  }
0x6b: {  	v4 =	vld [tilespmem:s5+$0x8070]  }
0x6c: {  	v5 =	vld [tilespmem:s5+$0x8000]  }
0x6d: {  	v6 =	vld [tilespmem:s5+$0x8010]  }
0x6e: {  	v7 =	vld [tilespmem:s5+$0x8020]  }
0x6f: {  	v8 =	vld [tilespmem:s5+$0x8030]  }
0x70: {  	v9 =	vld [tilespmem:s5+$0x8040]  }
0x71: {  	v10 =	vld [tilespmem:s5+$0x8050]  }
0x72: {  	v11 =	vld [tilespmem:s5+$0x8060]  }
0x73: {  	v4 =	vmul.f32 $2.560000000e+02, v4;
	v5 =	vmul.f32 $2.560000000e+02, v5  }
0x74: {  	v6 =	vmul.f32 $2.560000000e+02, v6;
	v7 =	vmul.f32 $2.560000000e+02, v7  }
0x75: {  	s6 =	simm.s32 $0x400;
	s5 =	simm.s32 $0x80;
	v8 =	vmul.f32 $2.560000000e+02, v8;
	v4 =	vtrunc.f32 v4  }
0x76: {  	s7 =	simm.s32 $0x20;
	s9 =	sand.u32 $0xC00, s6;
	s8 =	sand.u32 $0x7000, s5;
	v9 =	vmul.f32 $2.560000000e+02, v9;
	v4 =	vcvt.f32.s32 v4  }
0x77: {  	s10 =	sand.u32 $0x380, s7;
	s8 =	sor.u32 s9, s8;
	v10 =	vmul.f32 $2.560000000e+02, v10;
	v11 =	vmul.f32 $2.560000000e+02, v11  }
0x78: {  	s8 =	sor.u32 s10, s8;
	v5 =	vtrunc.f32 v5;
	v6 =	vtrunc.f32 v6;
	v4 =	vshll.u32 v4, $0x4  }
0x79: {  	v13 =	vld [tilespmem:s8+$0x8010];
	v7 =	vtrunc.f32 v7;
	v8 =	vtrunc.f32 v8;
	v4 =	vor.u32 v0, v4  }
0x7a: {  	v9 =	vtrunc.f32 v9;
	v10 =	vtrunc.f32 v10  }
0x7b: {  	v14 =	vld [tilespmem:s8+$0x8020];
	v11 =	vtrunc.f32 v11;
	v5 =	vcvt.f32.s32 v5  }
0x7c: {  	v12 =	vld [tilespmem:s8+$0x8070];
	v6 =	vcvt.f32.s32 v6;
	v9 =	vcvt.f32.s32 v9  }
0x7d: {  	v16 =	vld [tilespmem:s8+$0x8030];
	v10 =	vcvt.f32.s32 v10;
	v11 =	vcvt.f32.s32 v11  }
0x7e: {  	v20 =	vmul.f32 $2.560000000e+02, v13;
	v5 =	vshll.u32 v5, $0x4;
	[tilespmem:v4+s1+$0x0] =	vst.idx.add.s32.msk $0xffff, v2;
	v4 =	vcvt.f32.s32 v7  }
0x7f: {  	v6 =	vshll.u32 v6, $0x4;
	v15 =	vor.u32 v0, v5;
	v7 =	vcvt.f32.s32 v8;
	v8 =	vld [tilespmem:s8+$0x8000]  }
0x80: {  	v19 =	vld [tilespmem:s8+$0x8040];
	v13 =	vmul.f32 $2.560000000e+02, v14;
	v17 =	vor.u32 v0, v6;
	v4 =	vshll.u32 v4, $0x4  }
0x81: {  	v5 =	vshll.u32 v7, $0x4;
	v18 =	vor.u32 v0, v4;
	v4 =	vmul.f32 $2.560000000e+02, v12  }
0x82: {  	v9 =	vshll.u32 v9, $0x4;
	v12 =	vshll.u32 v11, $0x4;
	v7 =	vor.u32 v0, v5;
	v11 =	vld [tilespmem:s8+$0x8050]  }
0x83: {  	v10 =	vshll.u32 v10, $0x4;
	v6 =	vor.u32 v0, v9;
	v9 =	vld [tilespmem:s8+$0x8060];
	v4 =	vtrunc.f32 v4  }
0x84: {  	[tilespmem:v15+s1+$0x0] =	vst.idx.add.s32.msk $0xffff, v2;
	v5 =	vor.u32 v0, v10;
	v8 =	vmul.f32 $2.560000000e+02, v8;
	v21 =	vcvt.f32.s32 v4  }
0x85: {  	v14 =	vmul.f32 $2.560000000e+02, v16;
	[tilespmem:v17+s1+$0x0] =	vst.idx.add.s32.msk $0xffff, v2;
	v4 =	vor.u32 v0, v12;
	v12 =	vmul.f32 $2.560000000e+02, v19  }
0x86: {  	v10 =	vtrunc.f32 v8;
	v8 =	vtrunc.f32 v20;
	v15 =	vshll.u32 v21, $0x4;
	[tilespmem:v18+s1+$0x0] =	vst.idx.add.s32.msk $0xffff, v2  }
.LBB2_6:
0x87: {  	s5 =	sadd.s32 $0x80, s5;
	v13 =	vtrunc.f32 v13;
	v11 =	vmul.f32 $2.560000000e+02, v11;
	v15 =	vor.u32 v0, v15;
	s6 =	sadd.s32 $0x400, s6;
	[tilespmem:v7+s1+$0x0] =	vst.idx.add.s32.msk $0xffff, v2  }
0x88: {  	v7 =	vtrunc.f32 v14;
	s7 =	sadd.s32 $0x20, s7;
	s8 =	sand.u32 $0x7000, s5;
	s9 =	sand.u32 $0xC00, s6;
	v9 =	vmul.f32 $2.560000000e+02, v9;
	[tilespmem:v6+s1+$0x0] =	vst.idx.add.s32.msk $0xffff, v2  }
0x89: {  	s10 =	sand.u32 $0x380, s7;
	p0 =	slt.u32 s5, $0x7F80;
	v6 =	vtrunc.f32 v12;
	s8 =	sor.u32 s9, s8;
	v11 =	vtrunc.f32 v11;
	[tilespmem:v5+s1+$0x0] =	vst.idx.add.s32.msk $0xffff, v2  }
0x8a: {  	v5 =	vcvt.f32.s32 v10;
	s8 =	sor.u32 s10, s8;
	v9 =	vtrunc.f32 v9;
	[tilespmem:v4+s1+$0x0] =	vst.idx.add.s32.msk $0xffff, v2  }
0x8b: {  	v8 =	vcvt.f32.s32 v8;
	v10 =	vcvt.f32.s32 v13;
	v4 =	vld [tilespmem:s8+$0x8070]  }
0x8c: {  	v7 =	vcvt.f32.s32 v7;
	v6 =	vcvt.f32.s32 v6;
	v5 =	vshll.u32 v5, $0x4;
	[tilespmem:v15+s1+$0x0] =	vst.idx.add.s32.msk $0xffff, v2  }
0x8d: {  	v8 =	vshll.u32 v8, $0x4;
	v11 =	vcvt.f32.s32 v11;
	v9 =	vcvt.f32.s32 v9;
	v12 =	vld [tilespmem:s8+$0x8000]  }
0x8e: {  	v7 =	vshll.u32 v7, $0x4;
	v10 =	vshll.u32 v10, $0x4;
	v6 =	vshll.u32 v6, $0x4;
	v13 =	vld [tilespmem:s8+$0x8010]  }
0x8f: {  	v15 =	vor.u32 v0, v5;
	v5 =	vshll.u32 v11, $0x4;
	v9 =	vshll.u32 v9, $0x4;
	v14 =	vld [tilespmem:s8+$0x8020]  }
0x90: {  	v8 =	vor.u32 v0, v8;
	v7 =	vor.u32 v0, v7;
	v17 =	vor.u32 v0, v10;
	v16 =	vld [tilespmem:s8+$0x8030]  }
0x91: {  	v6 =	vor.u32 v0, v6;
	v5 =	vor.u32 v0, v5;
	v10 =	vmul.f32 $2.560000000e+02, v4;
	v18 =	vld [tilespmem:s8+$0x8040]  }
.Ltmp2:
0x92: {  	v4 =	vor.u32 v0, v9;
	v12 =	vmul.f32 $2.560000000e+02, v12;
	v11 =	vld [tilespmem:s8+$0x8050];
	(pc) =	sbr.rel @p0 .LBB2_6-.Ltmp2, $4  }
0x93: {  	v10 =	vtrunc.f32 v10;
	v19 =	vmul.f32 $2.560000000e+02, v13;
	v9 =	vld [tilespmem:s8+$0x8060]  }
0x94: {  	v20 =	vcvt.f32.s32 v10;
	v13 =	vmul.f32 $2.560000000e+02, v14;
	[tilespmem:v15+s1+$0x0] =	vst.idx.add.s32.msk $0xffff, v2  }
0x95: {  	v10 =	vtrunc.f32 v12;
	v14 =	vmul.f32 $2.560000000e+02, v16;
	[tilespmem:v8+s1+$0x0] =	vst.idx.add.s32.msk $0xffff, v2  }
0x96: {  	v8 =	vtrunc.f32 v19;
	v15 =	vshll.u32 v20, $0x4;
	v12 =	vmul.f32 $2.560000000e+02, v18;
	[tilespmem:v17+s1+$0x0] =	vst.idx.add.s32.msk $0xffff, v2  }
0x97: {  	v13 =	vtrunc.f32 v13;
	v11 =	vmul.f32 $2.560000000e+02, v11  }
0x98: {  	v14 =	vtrunc.f32 v14;
	v10 =	vcvt.f32.s32 v10  }
0x99: {  	v8 =	vcvt.f32.s32 v8;
	v9 =	vmul.f32 $2.560000000e+02, v9  }
0x9a: {  	v15 =	vor.u32 v0, v15;
	v12 =	vtrunc.f32 v12;
	v13 =	vcvt.f32.s32 v13  }
0x9b: {  	[tilespmem:v7+s1+$0x0] =	vst.idx.add.s32.msk $0xffff, v2;
	v7 =	vcvt.f32.s32 v14;
	v11 =	vtrunc.f32 v11;
	v10 =	vshll.u32 v10, $0x4  }
0x9c: {  	[tilespmem:v6+s1+$0x0] =	vst.idx.add.s32.msk $0xffff, v2;
	v8 =	vshll.u32 v8, $0x4;
	v6 =	vcvt.f32.s32 v12;
	v10 =	vor.u32 v0, v10  }
0x9d: {  	v9 =	vtrunc.f32 v9;
	v12 =	vshll.u32 v13, $0x4;
	v8 =	vor.u32 v0, v8  }
0x9e: {  	[tilespmem:v5+s1+$0x0] =	vst.idx.add.s32.msk $0xffff, v2;
	v5 =	vcvt.f32.s32 v11;
	v7 =	vshll.u32 v7, $0x4;
	v11 =	vor.u32 v0, v12  }
0x9f: {  	[tilespmem:v4+s1+$0x0] =	vst.idx.add.s32.msk $0xffff, v2;
	v4 =	vcvt.f32.s32 v9;
	v6 =	vshll.u32 v6, $0x4;
	v7 =	vor.u32 v0, v7  }
0xa0: {  	[tilespmem:v15+s1+$0x0] =	vst.idx.add.s32.msk $0xffff, v2;
	v5 =	vshll.u32 v5, $0x4;
	v6 =	vor.u32 v0, v6  }
0xa1: {  	v4 =	vshll.u32 v4, $0x4;
	v5 =	vor.u32 v0, v5;
	[tilespmem:v10+s1+$0x0] =	vst.idx.add.s32.msk $0xffff, v2  }
0xa2: {  	v4 =	vor.u32 v0, v4;
	[tilespmem:v8+s1+$0x0] =	vst.idx.add.s32.msk $0xffff, v2  }
0xa3: {  	[tilespmem:v11+s1+$0x0] =	vst.idx.add.s32.msk $0xffff, v2  }
0xa4: {  	[tilespmem:v7+s1+$0x0] =	vst.idx.add.s32.msk $0xffff, v2  }
0xa5: {  	[tilespmem:v6+s1+$0x0] =	vst.idx.add.s32.msk $0xffff, v2  }
0xa6: {  	[tilespmem:v5+s1+$0x0] =	vst.idx.add.s32.msk $0xffff, v2  }
0xa7: {  	[tilespmem:v4+s1+$0x0] =	vst.idx.add.s32.msk $0xffff, v2  }
0xa8: {  	s5 =	simm.s32 $0x0;
	s19 =	simm.s32 $0x0;
	s6 =	rddreg [dreg:$0x5]  }
0xa9: {  	[tilespmem:s30], [sflag:$0x2] =	stream.linear.gather [hbm4b:s6+s5], $0x8000, $0x38;
	[tilespmem:$0x12000] =	vst v63  }
0xaa: {  	s7 =	sand.u32 $0xC00, s5;
	s6 =	sand.u32 $0x7000, s19;
	_ =	swait.ge [sflag:s31], $0x8000  }
0xab: {  	s5 =	sand.u32 $0x380, s5;
	s6 =	sor.u32 s7, s6;
	[sflag:s31] =	ssyncset.done $0x0  }
0xac: {  	s5 =	sor.u32 s5, s6;
	[sflag:s31] =	ssyncadd.s32 $0xFFFF8000  }
0xad: {  	v4 =	vld [tilespmem:s5+$0x70]  }
0xae: {  	v5 =	vld [tilespmem:s5+$0x0]  }
0xaf: {  	v6 =	vld [tilespmem:s5+$0x10]  }
0xb0: {  	v7 =	vld [tilespmem:s5+$0x20]  }
0xb1: {  	v8 =	vld [tilespmem:s5+$0x30]  }
0xb2: {  	v9 =	vld [tilespmem:s5+$0x40]  }
0xb3: {  	v10 =	vld [tilespmem:s5+$0x50]  }
0xb4: {  	v11 =	vld [tilespmem:s5+$0x60]  }
0xb5: {  	v4 =	vmul.f32 $2.560000000e+02, v4;
	v5 =	vmul.f32 $2.560000000e+02, v5  }
0xb6: {  	v6 =	vmul.f32 $2.560000000e+02, v6;
	v7 =	vmul.f32 $2.560000000e+02, v7  }
0xb7: {  	s6 =	simm.s32 $0x400;
	s5 =	simm.s32 $0x80;
	v8 =	vmul.f32 $2.560000000e+02, v8;
	v4 =	vtrunc.f32 v4  }
0xb8: {  	s7 =	simm.s32 $0x20;
	s9 =	sand.u32 $0xC00, s6;
	s8 =	sand.u32 $0x7000, s5;
	v9 =	vmul.f32 $2.560000000e+02, v9;
	v4 =	vcvt.f32.s32 v4  }
0xb9: {  	s10 =	sand.u32 $0x380, s7;
	s8 =	sor.u32 s9, s8;
	v10 =	vmul.f32 $2.560000000e+02, v10;
	v11 =	vmul.f32 $2.560000000e+02, v11  }
0xba: {  	s8 =	sor.u32 s10, s8;
	v5 =	vtrunc.f32 v5;
	v6 =	vtrunc.f32 v6;
	v4 =	vshll.u32 v4, $0x4  }
0xbb: {  	v13 =	vld [tilespmem:s8+$0x10];
	v7 =	vtrunc.f32 v7;
	v8 =	vtrunc.f32 v8;
	v4 =	vor.u32 v0, v4  }
0xbc: {  	v9 =	vtrunc.f32 v9;
	v10 =	vtrunc.f32 v10  }
0xbd: {  	v14 =	vld [tilespmem:s8+$0x20];
	v11 =	vtrunc.f32 v11;
	v5 =	vcvt.f32.s32 v5  }
0xbe: {  	v12 =	vld [tilespmem:s8+$0x70];
	v6 =	vcvt.f32.s32 v6;
	v9 =	vcvt.f32.s32 v9  }
0xbf: {  	v16 =	vld [tilespmem:s8+$0x30];
	v10 =	vcvt.f32.s32 v10;
	v11 =	vcvt.f32.s32 v11  }
0xc0: {  	v20 =	vmul.f32 $2.560000000e+02, v13;
	v5 =	vshll.u32 v5, $0x4;
	[tilespmem:v4+s1+$0x0] =	vst.idx.add.s32.msk $0xffff, v2;
	v4 =	vcvt.f32.s32 v7  }
0xc1: {  	v6 =	vshll.u32 v6, $0x4;
	v15 =	vor.u32 v0, v5;
	v7 =	vcvt.f32.s32 v8;
	v8 =	vld [tilespmem:s8+$0x0]  }
0xc2: {  	v19 =	vld [tilespmem:s8+$0x40];
	v13 =	vmul.f32 $2.560000000e+02, v14;
	v17 =	vor.u32 v0, v6;
	v4 =	vshll.u32 v4, $0x4  }
0xc3: {  	v5 =	vshll.u32 v7, $0x4;
	v18 =	vor.u32 v0, v4;
	v4 =	vmul.f32 $2.560000000e+02, v12  }
0xc4: {  	v9 =	vshll.u32 v9, $0x4;
	v12 =	vshll.u32 v11, $0x4;
	v7 =	vor.u32 v0, v5;
	v11 =	vld [tilespmem:s8+$0x50]  }
0xc5: {  	v10 =	vshll.u32 v10, $0x4;
	v6 =	vor.u32 v0, v9;
	v9 =	vld [tilespmem:s8+$0x60];
	v4 =	vtrunc.f32 v4  }
0xc6: {  	[tilespmem:v15+s1+$0x0] =	vst.idx.add.s32.msk $0xffff, v2;
	v5 =	vor.u32 v0, v10;
	v8 =	vmul.f32 $2.560000000e+02, v8;
	v21 =	vcvt.f32.s32 v4  }
0xc7: {  	v14 =	vmul.f32 $2.560000000e+02, v16;
	[tilespmem:v17+s1+$0x0] =	vst.idx.add.s32.msk $0xffff, v2;
	v4 =	vor.u32 v0, v12;
	v12 =	vmul.f32 $2.560000000e+02, v19  }
0xc8: {  	v10 =	vtrunc.f32 v8;
	v8 =	vtrunc.f32 v20;
	v15 =	vshll.u32 v21, $0x4;
	[tilespmem:v18+s1+$0x0] =	vst.idx.add.s32.msk $0xffff, v2  }
.LBB2_8:
0xc9: {  	s5 =	sadd.s32 $0x80, s5;
	v13 =	vtrunc.f32 v13;
	v11 =	vmul.f32 $2.560000000e+02, v11;
	v15 =	vor.u32 v0, v15;
	s6 =	sadd.s32 $0x400, s6;
	[tilespmem:v7+s1+$0x0] =	vst.idx.add.s32.msk $0xffff, v2  }
0xca: {  	v7 =	vtrunc.f32 v14;
	s7 =	sadd.s32 $0x20, s7;
	s8 =	sand.u32 $0x7000, s5;
	s9 =	sand.u32 $0xC00, s6;
	v9 =	vmul.f32 $2.560000000e+02, v9;
	[tilespmem:v6+s1+$0x0] =	vst.idx.add.s32.msk $0xffff, v2  }
0xcb: {  	s10 =	sand.u32 $0x380, s7;
	p0 =	slt.u32 s5, $0x7F80;
	v6 =	vtrunc.f32 v12;
	s8 =	sor.u32 s9, s8;
	v11 =	vtrunc.f32 v11;
	[tilespmem:v5+s1+$0x0] =	vst.idx.add.s32.msk $0xffff, v2  }
0xcc: {  	v5 =	vcvt.f32.s32 v10;
	s8 =	sor.u32 s10, s8;
	v9 =	vtrunc.f32 v9;
	[tilespmem:v4+s1+$0x0] =	vst.idx.add.s32.msk $0xffff, v2  }
0xcd: {  	v8 =	vcvt.f32.s32 v8;
	v10 =	vcvt.f32.s32 v13;
	v4 =	vld [tilespmem:s8+$0x70]  }
0xce: {  	v7 =	vcvt.f32.s32 v7;
	v6 =	vcvt.f32.s32 v6;
	v5 =	vshll.u32 v5, $0x4;
	[tilespmem:v15+s1+$0x0] =	vst.idx.add.s32.msk $0xffff, v2  }
0xcf: {  	v8 =	vshll.u32 v8, $0x4;
	v11 =	vcvt.f32.s32 v11;
	v9 =	vcvt.f32.s32 v9;
	v12 =	vld [tilespmem:s8+$0x0]  }
0xd0: {  	v7 =	vshll.u32 v7, $0x4;
	v10 =	vshll.u32 v10, $0x4;
	v6 =	vshll.u32 v6, $0x4;
	v13 =	vld [tilespmem:s8+$0x10]  }
0xd1: {  	v15 =	vor.u32 v0, v5;
	v5 =	vshll.u32 v11, $0x4;
	v9 =	vshll.u32 v9, $0x4;
	v14 =	vld [tilespmem:s8+$0x20]  }
0xd2: {  	v8 =	vor.u32 v0, v8;
	v7 =	vor.u32 v0, v7;
	v17 =	vor.u32 v0, v10;
	v16 =	vld [tilespmem:s8+$0x30]  }
0xd3: {  	v6 =	vor.u32 v0, v6;
	v5 =	vor.u32 v0, v5;
	v10 =	vmul.f32 $2.560000000e+02, v4;
	v18 =	vld [tilespmem:s8+$0x40]  }
.Ltmp3:
0xd4: {  	v4 =	vor.u32 v0, v9;
	v12 =	vmul.f32 $2.560000000e+02, v12;
	v11 =	vld [tilespmem:s8+$0x50];
	(pc) =	sbr.rel @p0 .LBB2_8-.Ltmp3, $4  }
0xd5: {  	v10 =	vtrunc.f32 v10;
	v19 =	vmul.f32 $2.560000000e+02, v13;
	v9 =	vld [tilespmem:s8+$0x60]  }
0xd6: {  	v20 =	vcvt.f32.s32 v10;
	v13 =	vmul.f32 $2.560000000e+02, v14;
	[tilespmem:v15+s1+$0x0] =	vst.idx.add.s32.msk $0xffff, v2  }
0xd7: {  	v10 =	vtrunc.f32 v12;
	v14 =	vmul.f32 $2.560000000e+02, v16;
	[tilespmem:v8+s1+$0x0] =	vst.idx.add.s32.msk $0xffff, v2  }
0xd8: {  	v8 =	vtrunc.f32 v19;
	v15 =	vshll.u32 v20, $0x4;
	v12 =	vmul.f32 $2.560000000e+02, v18;
	[tilespmem:v17+s1+$0x0] =	vst.idx.add.s32.msk $0xffff, v2  }
0xd9: {  	v13 =	vtrunc.f32 v13;
	v11 =	vmul.f32 $2.560000000e+02, v11  }
0xda: {  	v14 =	vtrunc.f32 v14;
	v10 =	vcvt.f32.s32 v10  }
0xdb: {  	v8 =	vcvt.f32.s32 v8;
	v9 =	vmul.f32 $2.560000000e+02, v9  }
0xdc: {  	v15 =	vor.u32 v0, v15;
	v12 =	vtrunc.f32 v12;
	v13 =	vcvt.f32.s32 v13  }
0xdd: {  	[tilespmem:v7+s1+$0x0] =	vst.idx.add.s32.msk $0xffff, v2;
	v7 =	vcvt.f32.s32 v14;
	v11 =	vtrunc.f32 v11;
	v10 =	vshll.u32 v10, $0x4  }
0xde: {  	[tilespmem:v6+s1+$0x0] =	vst.idx.add.s32.msk $0xffff, v2;
	v8 =	vshll.u32 v8, $0x4;
	v6 =	vcvt.f32.s32 v12;
	v10 =	vor.u32 v0, v10  }
0xdf: {  	v9 =	vtrunc.f32 v9;
	v12 =	vshll.u32 v13, $0x4;
	v8 =	vor.u32 v0, v8  }
0xe0: {  	[tilespmem:v5+s1+$0x0] =	vst.idx.add.s32.msk $0xffff, v2;
	v5 =	vcvt.f32.s32 v11;
	v7 =	vshll.u32 v7, $0x4;
	v11 =	vor.u32 v0, v12  }
0xe1: {  	[tilespmem:v4+s1+$0x0] =	vst.idx.add.s32.msk $0xffff, v2;
	v4 =	vcvt.f32.s32 v9;
	v6 =	vshll.u32 v6, $0x4;
	v7 =	vor.u32 v0, v7  }
0xe2: {  	[tilespmem:v15+s1+$0x0] =	vst.idx.add.s32.msk $0xffff, v2;
	v5 =	vshll.u32 v5, $0x4;
	v6 =	vor.u32 v0, v6  }
0xe3: {  	v4 =	vshll.u32 v4, $0x4;
	v5 =	vor.u32 v0, v5;
	[tilespmem:v10+s1+$0x0] =	vst.idx.add.s32.msk $0xffff, v2  }
0xe4: {  	v4 =	vor.u32 v0, v4;
	[tilespmem:v8+s1+$0x0] =	vst.idx.add.s32.msk $0xffff, v2  }
0xe5: {  	[tilespmem:v11+s1+$0x0] =	vst.idx.add.s32.msk $0xffff, v2  }
0xe6: {  	[tilespmem:v7+s1+$0x0] =	vst.idx.add.s32.msk $0xffff, v2  }
0xe7: {  	[tilespmem:v6+s1+$0x0] =	vst.idx.add.s32.msk $0xffff, v2  }
0xe8: {  	[tilespmem:v5+s1+$0x0] =	vst.idx.add.s32.msk $0xffff, v2  }
0xe9: {  	[tilespmem:v4+s1+$0x0] =	vst.idx.add.s32.msk $0xffff, v2  }
0xea: {  	s5 =	simm.s32 $0x0;
	s19 =	simm.s32 $0x0;
	s6 =	rddreg [dreg:$0x6]  }
0xeb: {  	[tilespmem:s5], [sflag:$0x1] =	stream.linear.gather [hbm4b:s6+s5], $0x8000, $0x38;
	[tilespmem:$0x12000] =	vst v63  }
0xec: {  	s7 =	sand.u32 $0xC00, s5;
	s6 =	sand.u32 $0x7000, s19;
	_ =	swait.ge [sflag:s0], $0x8000  }
0xed: {  	s5 =	sand.u32 $0x380, s5;
	s6 =	sor.u32 s7, s6;
	[sflag:s0] =	ssyncset.done $0x0  }
0xee: {  	s5 =	sor.u32 s5, s6;
	[sflag:s0] =	ssyncadd.s32 $0xFFFF8000  }
0xef: {  	v4 =	vld [tilespmem:s5+$0x8070]  }
0xf0: {  	v5 =	vld [tilespmem:s5+$0x8000]  }
0xf1: {  	v6 =	vld [tilespmem:s5+$0x8010]  }
0xf2: {  	v7 =	vld [tilespmem:s5+$0x8020]  }
0xf3: {  	v8 =	vld [tilespmem:s5+$0x8030]  }
0xf4: {  	v9 =	vld [tilespmem:s5+$0x8040]  }
0xf5: {  	v10 =	vld [tilespmem:s5+$0x8050]  }
0xf6: {  	v11 =	vld [tilespmem:s5+$0x8060]  }
0xf7: {  	v4 =	vmul.f32 $2.560000000e+02, v4;
	v5 =	vmul.f32 $2.560000000e+02, v5  }
0xf8: {  	v6 =	vmul.f32 $2.560000000e+02, v6;
	v7 =	vmul.f32 $2.560000000e+02, v7  }
0xf9: {  	s6 =	simm.s32 $0x400;
	s5 =	simm.s32 $0x80;
	v8 =	vmul.f32 $2.560000000e+02, v8;
	v4 =	vtrunc.f32 v4  }
0xfa: {  	s7 =	simm.s32 $0x20;
	s9 =	sand.u32 $0xC00, s6;
	s8 =	sand.u32 $0x7000, s5;
	v9 =	vmul.f32 $2.560000000e+02, v9;
	v4 =	vcvt.f32.s32 v4  }
0xfb: {  	s10 =	sand.u32 $0x380, s7;
	s8 =	sor.u32 s9, s8;
	v10 =	vmul.f32 $2.560000000e+02, v10;
	v11 =	vmul.f32 $2.560000000e+02, v11  }
0xfc: {  	s8 =	sor.u32 s10, s8;
	v5 =	vtrunc.f32 v5;
	v6 =	vtrunc.f32 v6;
	v4 =	vshll.u32 v4, $0x4  }
0xfd: {  	v13 =	vld [tilespmem:s8+$0x8010];
	v7 =	vtrunc.f32 v7;
	v8 =	vtrunc.f32 v8;
	v4 =	vor.u32 v0, v4  }
0xfe: {  	v9 =	vtrunc.f32 v9;
	v10 =	vtrunc.f32 v10  }
0xff: {  	v14 =	vld [tilespmem:s8+$0x8020];
	v11 =	vtrunc.f32 v11;
	v5 =	vcvt.f32.s32 v5  }
0x100: {  	v12 =	vld [tilespmem:s8+$0x8070];
	v6 =	vcvt.f32.s32 v6;
	v9 =	vcvt.f32.s32 v9  }
0x101: {  	v16 =	vld [tilespmem:s8+$0x8030];
	v10 =	vcvt.f32.s32 v10;
	v11 =	vcvt.f32.s32 v11  }
0x102: {  	v20 =	vmul.f32 $2.560000000e+02, v13;
	v5 =	vshll.u32 v5, $0x4;
	[tilespmem:v4+s1+$0x0] =	vst.idx.add.s32.msk $0xffff, v2;
	v4 =	vcvt.f32.s32 v7  }
0x103: {  	v6 =	vshll.u32 v6, $0x4;
	v15 =	vor.u32 v0, v5;
	v7 =	vcvt.f32.s32 v8;
	v8 =	vld [tilespmem:s8+$0x8000]  }
0x104: {  	v19 =	vld [tilespmem:s8+$0x8040];
	v13 =	vmul.f32 $2.560000000e+02, v14;
	v17 =	vor.u32 v0, v6;
	v4 =	vshll.u32 v4, $0x4  }
0x105: {  	v5 =	vshll.u32 v7, $0x4;
	v18 =	vor.u32 v0, v4;
	v4 =	vmul.f32 $2.560000000e+02, v12  }
0x106: {  	v9 =	vshll.u32 v9, $0x4;
	v12 =	vshll.u32 v11, $0x4;
	v7 =	vor.u32 v0, v5;
	v11 =	vld [tilespmem:s8+$0x8050]  }
0x107: {  	v10 =	vshll.u32 v10, $0x4;
	v6 =	vor.u32 v0, v9;
	v9 =	vld [tilespmem:s8+$0x8060];
	v4 =	vtrunc.f32 v4  }
0x108: {  	[tilespmem:v15+s1+$0x0] =	vst.idx.add.s32.msk $0xffff, v2;
	v5 =	vor.u32 v0, v10;
	v8 =	vmul.f32 $2.560000000e+02, v8;
	v21 =	vcvt.f32.s32 v4  }
0x109: {  	v14 =	vmul.f32 $2.560000000e+02, v16;
	[tilespmem:v17+s1+$0x0] =	vst.idx.add.s32.msk $0xffff, v2;
	v4 =	vor.u32 v0, v12;
	v12 =	vmul.f32 $2.560000000e+02, v19  }
0x10a: {  	v10 =	vtrunc.f32 v8;
	v8 =	vtrunc.f32 v20;
	v15 =	vshll.u32 v21, $0x4;
	[tilespmem:v18+s1+$0x0] =	vst.idx.add.s32.msk $0xffff, v2  }
.LBB2_10:
0x10b: {  	s5 =	sadd.s32 $0x80, s5;
	v13 =	vtrunc.f32 v13;
	v11 =	vmul.f32 $2.560000000e+02, v11;
	v15 =	vor.u32 v0, v15;
	s6 =	sadd.s32 $0x400, s6;
	[tilespmem:v7+s1+$0x0] =	vst.idx.add.s32.msk $0xffff, v2  }
0x10c: {  	v7 =	vtrunc.f32 v14;
	s7 =	sadd.s32 $0x20, s7;
	s8 =	sand.u32 $0x7000, s5;
	s9 =	sand.u32 $0xC00, s6;
	v9 =	vmul.f32 $2.560000000e+02, v9;
	[tilespmem:v6+s1+$0x0] =	vst.idx.add.s32.msk $0xffff, v2  }
0x10d: {  	s10 =	sand.u32 $0x380, s7;
	p0 =	slt.u32 s5, $0x7F80;
	v6 =	vtrunc.f32 v12;
	s8 =	sor.u32 s9, s8;
	v11 =	vtrunc.f32 v11;
	[tilespmem:v5+s1+$0x0] =	vst.idx.add.s32.msk $0xffff, v2  }
0x10e: {  	v5 =	vcvt.f32.s32 v10;
	s8 =	sor.u32 s10, s8;
	v9 =	vtrunc.f32 v9;
	[tilespmem:v4+s1+$0x0] =	vst.idx.add.s32.msk $0xffff, v2  }
0x10f: {  	v8 =	vcvt.f32.s32 v8;
	v10 =	vcvt.f32.s32 v13;
	v4 =	vld [tilespmem:s8+$0x8070]  }
0x110: {  	v7 =	vcvt.f32.s32 v7;
	v6 =	vcvt.f32.s32 v6;
	v5 =	vshll.u32 v5, $0x4;
	[tilespmem:v15+s1+$0x0] =	vst.idx.add.s32.msk $0xffff, v2  }
0x111: {  	v8 =	vshll.u32 v8, $0x4;
	v11 =	vcvt.f32.s32 v11;
	v9 =	vcvt.f32.s32 v9;
	v12 =	vld [tilespmem:s8+$0x8000]  }
0x112: {  	v7 =	vshll.u32 v7, $0x4;
	v10 =	vshll.u32 v10, $0x4;
	v6 =	vshll.u32 v6, $0x4;
	v13 =	vld [tilespmem:s8+$0x8010]  }
0x113: {  	v15 =	vor.u32 v0, v5;
	v5 =	vshll.u32 v11, $0x4;
	v9 =	vshll.u32 v9, $0x4;
	v14 =	vld [tilespmem:s8+$0x8020]  }
0x114: {  	v8 =	vor.u32 v0, v8;
	v7 =	vor.u32 v0, v7;
	v17 =	vor.u32 v0, v10;
	v16 =	vld [tilespmem:s8+$0x8030]  }
0x115: {  	v6 =	vor.u32 v0, v6;
	v5 =	vor.u32 v0, v5;
	v10 =	vmul.f32 $2.560000000e+02, v4;
	v18 =	vld [tilespmem:s8+$0x8040]  }
.Ltmp4:
0x116: {  	v4 =	vor.u32 v0, v9;
	v12 =	vmul.f32 $2.560000000e+02, v12;
	v11 =	vld [tilespmem:s8+$0x8050];
	(pc) =	sbr.rel @p0 .LBB2_10-.Ltmp4, $4  }
0x117: {  	v10 =	vtrunc.f32 v10;
	v19 =	vmul.f32 $2.560000000e+02, v13;
	v9 =	vld [tilespmem:s8+$0x8060]  }
0x118: {  	v20 =	vcvt.f32.s32 v10;
	v13 =	vmul.f32 $2.560000000e+02, v14;
	[tilespmem:v15+s1+$0x0] =	vst.idx.add.s32.msk $0xffff, v2  }
0x119: {  	v10 =	vtrunc.f32 v12;
	v14 =	vmul.f32 $2.560000000e+02, v16;
	[tilespmem:v8+s1+$0x0] =	vst.idx.add.s32.msk $0xffff, v2  }
0x11a: {  	v8 =	vtrunc.f32 v19;
	v15 =	vshll.u32 v20, $0x4;
	v12 =	vmul.f32 $2.560000000e+02, v18;
	[tilespmem:v17+s1+$0x0] =	vst.idx.add.s32.msk $0xffff, v2  }
0x11b: {  	v13 =	vtrunc.f32 v13;
	v11 =	vmul.f32 $2.560000000e+02, v11  }
0x11c: {  	v14 =	vtrunc.f32 v14;
	v10 =	vcvt.f32.s32 v10  }
0x11d: {  	v8 =	vcvt.f32.s32 v8;
	v9 =	vmul.f32 $2.560000000e+02, v9  }
0x11e: {  	v15 =	vor.u32 v0, v15;
	v12 =	vtrunc.f32 v12;
	v13 =	vcvt.f32.s32 v13  }
0x11f: {  	[tilespmem:v7+s1+$0x0] =	vst.idx.add.s32.msk $0xffff, v2;
	v7 =	vcvt.f32.s32 v14;
	v11 =	vtrunc.f32 v11;
	v10 =	vshll.u32 v10, $0x4  }
0x120: {  	[tilespmem:v6+s1+$0x0] =	vst.idx.add.s32.msk $0xffff, v2;
	v8 =	vshll.u32 v8, $0x4;
	v6 =	vcvt.f32.s32 v12;
	v10 =	vor.u32 v0, v10  }
0x121: {  	v9 =	vtrunc.f32 v9;
	v12 =	vshll.u32 v13, $0x4;
	v8 =	vor.u32 v0, v8  }
0x122: {  	[tilespmem:v5+s1+$0x0] =	vst.idx.add.s32.msk $0xffff, v2;
	v5 =	vcvt.f32.s32 v11;
	v7 =	vshll.u32 v7, $0x4;
	v11 =	vor.u32 v0, v12  }
0x123: {  	[tilespmem:v4+s1+$0x0] =	vst.idx.add.s32.msk $0xffff, v2;
	v4 =	vcvt.f32.s32 v9;
	v6 =	vshll.u32 v6, $0x4;
	v7 =	vor.u32 v0, v7  }
0x124: {  	[tilespmem:v15+s1+$0x0] =	vst.idx.add.s32.msk $0xffff, v2;
	v5 =	vshll.u32 v5, $0x4;
	v6 =	vor.u32 v0, v6  }
0x125: {  	v4 =	vshll.u32 v4, $0x4;
	v5 =	vor.u32 v0, v5;
	[tilespmem:v10+s1+$0x0] =	vst.idx.add.s32.msk $0xffff, v2  }
0x126: {  	v4 =	vor.u32 v0, v4;
	[tilespmem:v8+s1+$0x0] =	vst.idx.add.s32.msk $0xffff, v2  }
0x127: {  	[tilespmem:v11+s1+$0x0] =	vst.idx.add.s32.msk $0xffff, v2  }
0x128: {  	[tilespmem:v7+s1+$0x0] =	vst.idx.add.s32.msk $0xffff, v2  }
0x129: {  	[tilespmem:v6+s1+$0x0] =	vst.idx.add.s32.msk $0xffff, v2  }
0x12a: {  	[tilespmem:v5+s1+$0x0] =	vst.idx.add.s32.msk $0xffff, v2  }
0x12b: {  	[tilespmem:v4+s1+$0x0] =	vst.idx.add.s32.msk $0xffff, v2  }
0x12c: {  	s5 =	simm.s32 $0x0;
	s19 =	simm.s32 $0x0;
	s6 =	rddreg [dreg:$0x7]  }
0x12d: {  	[tilespmem:s30], [sflag:$0x2] =	stream.linear.gather [hbm4b:s6+s5], $0x8000, $0x38;
	[tilespmem:$0x12000] =	vst v63  }
0x12e: {  	s7 =	sand.u32 $0xC00, s5;
	s6 =	sand.u32 $0x7000, s19;
	_ =	swait.ge [sflag:s31], $0x8000  }
0x12f: {  	s5 =	sand.u32 $0x380, s5;
	s6 =	sor.u32 s7, s6;
	[sflag:s31] =	ssyncset.done $0x0  }
0x130: {  	s5 =	sor.u32 s5, s6;
	[sflag:s31] =	ssyncadd.s32 $0xFFFF8000  }
0x131: {  	v4 =	vld [tilespmem:s5+$0x70]  }
0x132: {  	v5 =	vld [tilespmem:s5+$0x0]  }
0x133: {  	v6 =	vld [tilespmem:s5+$0x10]  }
0x134: {  	v7 =	vld [tilespmem:s5+$0x20]  }
0x135: {  	v8 =	vld [tilespmem:s5+$0x30]  }
0x136: {  	v9 =	vld [tilespmem:s5+$0x40]  }
0x137: {  	v10 =	vld [tilespmem:s5+$0x50]  }
0x138: {  	v11 =	vld [tilespmem:s5+$0x60]  }
0x139: {  	v4 =	vmul.f32 $2.560000000e+02, v4;
	v5 =	vmul.f32 $2.560000000e+02, v5  }
0x13a: {  	v6 =	vmul.f32 $2.560000000e+02, v6;
	v7 =	vmul.f32 $2.560000000e+02, v7  }
0x13b: {  	s6 =	simm.s32 $0x400;
	s5 =	simm.s32 $0x80;
	v8 =	vmul.f32 $2.560000000e+02, v8;
	v4 =	vtrunc.f32 v4  }
0x13c: {  	s7 =	simm.s32 $0x20;
	s9 =	sand.u32 $0xC00, s6;
	s8 =	sand.u32 $0x7000, s5;
	v9 =	vmul.f32 $2.560000000e+02, v9;
	v4 =	vcvt.f32.s32 v4  }
0x13d: {  	s10 =	sand.u32 $0x380, s7;
	s8 =	sor.u32 s9, s8;
	v10 =	vmul.f32 $2.560000000e+02, v10;
	v11 =	vmul.f32 $2.560000000e+02, v11  }
0x13e: {  	s8 =	sor.u32 s10, s8;
	v5 =	vtrunc.f32 v5;
	v6 =	vtrunc.f32 v6;
	v4 =	vshll.u32 v4, $0x4  }
0x13f: {  	v13 =	vld [tilespmem:s8+$0x10];
	v7 =	vtrunc.f32 v7;
	v8 =	vtrunc.f32 v8;
	v4 =	vor.u32 v0, v4  }
0x140: {  	v9 =	vtrunc.f32 v9;
	v10 =	vtrunc.f32 v10  }
0x141: {  	v14 =	vld [tilespmem:s8+$0x20];
	v11 =	vtrunc.f32 v11;
	v5 =	vcvt.f32.s32 v5  }
0x142: {  	v12 =	vld [tilespmem:s8+$0x70];
	v6 =	vcvt.f32.s32 v6;
	v9 =	vcvt.f32.s32 v9  }
0x143: {  	v16 =	vld [tilespmem:s8+$0x30];
	v10 =	vcvt.f32.s32 v10;
	v11 =	vcvt.f32.s32 v11  }
0x144: {  	v20 =	vmul.f32 $2.560000000e+02, v13;
	v5 =	vshll.u32 v5, $0x4;
	[tilespmem:v4+s1+$0x0] =	vst.idx.add.s32.msk $0xffff, v2;
	v4 =	vcvt.f32.s32 v7  }
0x145: {  	v6 =	vshll.u32 v6, $0x4;
	v15 =	vor.u32 v0, v5;
	v7 =	vcvt.f32.s32 v8;
	v8 =	vld [tilespmem:s8+$0x0]  }
0x146: {  	v19 =	vld [tilespmem:s8+$0x40];
	v13 =	vmul.f32 $2.560000000e+02, v14;
	v17 =	vor.u32 v0, v6;
	v4 =	vshll.u32 v4, $0x4  }
0x147: {  	v5 =	vshll.u32 v7, $0x4;
	v18 =	vor.u32 v0, v4;
	v4 =	vmul.f32 $2.560000000e+02, v12  }
0x148: {  	v9 =	vshll.u32 v9, $0x4;
	v12 =	vshll.u32 v11, $0x4;
	v7 =	vor.u32 v0, v5;
	v11 =	vld [tilespmem:s8+$0x50]  }
0x149: {  	v10 =	vshll.u32 v10, $0x4;
	v6 =	vor.u32 v0, v9;
	v9 =	vld [tilespmem:s8+$0x60];
	v4 =	vtrunc.f32 v4  }
0x14a: {  	[tilespmem:v15+s1+$0x0] =	vst.idx.add.s32.msk $0xffff, v2;
	v5 =	vor.u32 v0, v10;
	v8 =	vmul.f32 $2.560000000e+02, v8;
	v21 =	vcvt.f32.s32 v4  }
0x14b: {  	v14 =	vmul.f32 $2.560000000e+02, v16;
	[tilespmem:v17+s1+$0x0] =	vst.idx.add.s32.msk $0xffff, v2;
	v4 =	vor.u32 v0, v12;
	v12 =	vmul.f32 $2.560000000e+02, v19  }
0x14c: {  	v10 =	vtrunc.f32 v8;
	v8 =	vtrunc.f32 v20;
	v15 =	vshll.u32 v21, $0x4;
	[tilespmem:v18+s1+$0x0] =	vst.idx.add.s32.msk $0xffff, v2  }
.LBB2_12:
0x14d: {  	s5 =	sadd.s32 $0x80, s5;
	v13 =	vtrunc.f32 v13;
	v11 =	vmul.f32 $2.560000000e+02, v11;
	v15 =	vor.u32 v0, v15;
	s6 =	sadd.s32 $0x400, s6;
	[tilespmem:v7+s1+$0x0] =	vst.idx.add.s32.msk $0xffff, v2  }
0x14e: {  	v7 =	vtrunc.f32 v14;
	s7 =	sadd.s32 $0x20, s7;
	s8 =	sand.u32 $0x7000, s5;
	s9 =	sand.u32 $0xC00, s6;
	v9 =	vmul.f32 $2.560000000e+02, v9;
	[tilespmem:v6+s1+$0x0] =	vst.idx.add.s32.msk $0xffff, v2  }
0x14f: {  	s10 =	sand.u32 $0x380, s7;
	p0 =	slt.u32 s5, $0x7F80;
	v6 =	vtrunc.f32 v12;
	s8 =	sor.u32 s9, s8;
	v11 =	vtrunc.f32 v11;
	[tilespmem:v5+s1+$0x0] =	vst.idx.add.s32.msk $0xffff, v2  }
0x150: {  	v5 =	vcvt.f32.s32 v10;
	s8 =	sor.u32 s10, s8;
	v9 =	vtrunc.f32 v9;
	[tilespmem:v4+s1+$0x0] =	vst.idx.add.s32.msk $0xffff, v2  }
0x151: {  	v8 =	vcvt.f32.s32 v8;
	v10 =	vcvt.f32.s32 v13;
	v4 =	vld [tilespmem:s8+$0x70]  }
0x152: {  	v7 =	vcvt.f32.s32 v7;
	v6 =	vcvt.f32.s32 v6;
	v5 =	vshll.u32 v5, $0x4;
	[tilespmem:v15+s1+$0x0] =	vst.idx.add.s32.msk $0xffff, v2  }
0x153: {  	v8 =	vshll.u32 v8, $0x4;
	v11 =	vcvt.f32.s32 v11;
	v9 =	vcvt.f32.s32 v9;
	v12 =	vld [tilespmem:s8+$0x0]  }
0x154: {  	v7 =	vshll.u32 v7, $0x4;
	v10 =	vshll.u32 v10, $0x4;
	v6 =	vshll.u32 v6, $0x4;
	v13 =	vld [tilespmem:s8+$0x10]  }
0x155: {  	v15 =	vor.u32 v0, v5;
	v5 =	vshll.u32 v11, $0x4;
	v9 =	vshll.u32 v9, $0x4;
	v14 =	vld [tilespmem:s8+$0x20]  }
0x156: {  	v8 =	vor.u32 v0, v8;
	v7 =	vor.u32 v0, v7;
	v17 =	vor.u32 v0, v10;
	v16 =	vld [tilespmem:s8+$0x30]  }
0x157: {  	v6 =	vor.u32 v0, v6;
	v5 =	vor.u32 v0, v5;
	v10 =	vmul.f32 $2.560000000e+02, v4;
	v18 =	vld [tilespmem:s8+$0x40]  }
.Ltmp5:
0x158: {  	v4 =	vor.u32 v0, v9;
	v12 =	vmul.f32 $2.560000000e+02, v12;
	v11 =	vld [tilespmem:s8+$0x50];
	(pc) =	sbr.rel @p0 .LBB2_12-.Ltmp5, $4  }
0x159: {  	v10 =	vtrunc.f32 v10;
	v19 =	vmul.f32 $2.560000000e+02, v13;
	v9 =	vld [tilespmem:s8+$0x60]  }
0x15a: {  	v20 =	vcvt.f32.s32 v10;
	v13 =	vmul.f32 $2.560000000e+02, v14;
	[tilespmem:v15+s1+$0x0] =	vst.idx.add.s32.msk $0xffff, v2  }
0x15b: {  	v10 =	vtrunc.f32 v12;
	v14 =	vmul.f32 $2.560000000e+02, v16;
	[tilespmem:v8+s1+$0x0] =	vst.idx.add.s32.msk $0xffff, v2  }
0x15c: {  	v8 =	vtrunc.f32 v19;
	v15 =	vshll.u32 v20, $0x4;
	v12 =	vmul.f32 $2.560000000e+02, v18;
	[tilespmem:v17+s1+$0x0] =	vst.idx.add.s32.msk $0xffff, v2  }
0x15d: {  	v13 =	vtrunc.f32 v13;
	v11 =	vmul.f32 $2.560000000e+02, v11  }
0x15e: {  	v14 =	vtrunc.f32 v14;
	v10 =	vcvt.f32.s32 v10  }
0x15f: {  	v8 =	vcvt.f32.s32 v8;
	v9 =	vmul.f32 $2.560000000e+02, v9  }
0x160: {  	v15 =	vor.u32 v0, v15;
	v12 =	vtrunc.f32 v12;
	v13 =	vcvt.f32.s32 v13  }
0x161: {  	[tilespmem:v7+s1+$0x0] =	vst.idx.add.s32.msk $0xffff, v2;
	v7 =	vcvt.f32.s32 v14;
	v11 =	vtrunc.f32 v11;
	v10 =	vshll.u32 v10, $0x4  }
0x162: {  	[tilespmem:v6+s1+$0x0] =	vst.idx.add.s32.msk $0xffff, v2;
	v8 =	vshll.u32 v8, $0x4;
	v6 =	vcvt.f32.s32 v12;
	v10 =	vor.u32 v0, v10  }
0x163: {  	v9 =	vtrunc.f32 v9;
	v12 =	vshll.u32 v13, $0x4;
	v8 =	vor.u32 v0, v8  }
0x164: {  	[tilespmem:v5+s1+$0x0] =	vst.idx.add.s32.msk $0xffff, v2;
	v5 =	vcvt.f32.s32 v11;
	v7 =	vshll.u32 v7, $0x4;
	v11 =	vor.u32 v0, v12  }
0x165: {  	[tilespmem:v4+s1+$0x0] =	vst.idx.add.s32.msk $0xffff, v2;
	v4 =	vcvt.f32.s32 v9;
	v6 =	vshll.u32 v6, $0x4;
	v7 =	vor.u32 v0, v7  }
0x166: {  	[tilespmem:v15+s1+$0x0] =	vst.idx.add.s32.msk $0xffff, v2;
	v5 =	vshll.u32 v5, $0x4;
	v6 =	vor.u32 v0, v6  }
0x167: {  	v4 =	vshll.u32 v4, $0x4;
	v5 =	vor.u32 v0, v5;
	[tilespmem:v10+s1+$0x0] =	vst.idx.add.s32.msk $0xffff, v2  }
0x168: {  	v4 =	vor.u32 v0, v4;
	[tilespmem:v8+s1+$0x0] =	vst.idx.add.s32.msk $0xffff, v2  }
0x169: {  	[tilespmem:v11+s1+$0x0] =	vst.idx.add.s32.msk $0xffff, v2  }
0x16a: {  	[tilespmem:v7+s1+$0x0] =	vst.idx.add.s32.msk $0xffff, v2  }
0x16b: {  	[tilespmem:v6+s1+$0x0] =	vst.idx.add.s32.msk $0xffff, v2  }
0x16c: {  	[tilespmem:v5+s1+$0x0] =	vst.idx.add.s32.msk $0xffff, v2  }
0x16d: {  	[tilespmem:v4+s1+$0x0] =	vst.idx.add.s32.msk $0xffff, v2  }
0x16e: {  	s5 =	simm.s32 $0x0;
	s19 =	simm.s32 $0x0;
	s6 =	rddreg [dreg:$0x8]  }
0x16f: {  	[tilespmem:s5], [sflag:$0x1] =	stream.linear.gather [hbm4b:s6+s5], $0x8000, $0x38;
	[tilespmem:$0x12000] =	vst v63  }
0x170: {  	s7 =	sand.u32 $0xC00, s5;
	s6 =	sand.u32 $0x7000, s19;
	_ =	swait.ge [sflag:s0], $0x8000  }
0x171: {  	s5 =	sand.u32 $0x380, s5;
	s6 =	sor.u32 s7, s6;
	[sflag:s0] =	ssyncset.done $0x0  }
0x172: {  	s5 =	sor.u32 s5, s6;
	[sflag:s0] =	ssyncadd.s32 $0xFFFF8000  }
0x173: {  	v4 =	vld [tilespmem:s5+$0x8070]  }
0x174: {  	v5 =	vld [tilespmem:s5+$0x8000]  }
0x175: {  	v6 =	vld [tilespmem:s5+$0x8010]  }
0x176: {  	v7 =	vld [tilespmem:s5+$0x8020]  }
0x177: {  	v8 =	vld [tilespmem:s5+$0x8030]  }
0x178: {  	v9 =	vld [tilespmem:s5+$0x8040]  }
0x179: {  	v10 =	vld [tilespmem:s5+$0x8050]  }
0x17a: {  	v11 =	vld [tilespmem:s5+$0x8060]  }
0x17b: {  	v4 =	vmul.f32 $2.560000000e+02, v4;
	v5 =	vmul.f32 $2.560000000e+02, v5  }
0x17c: {  	v6 =	vmul.f32 $2.560000000e+02, v6;
	v7 =	vmul.f32 $2.560000000e+02, v7  }
0x17d: {  	s6 =	simm.s32 $0x400;
	s5 =	simm.s32 $0x80;
	v8 =	vmul.f32 $2.560000000e+02, v8;
	v4 =	vtrunc.f32 v4  }
0x17e: {  	s7 =	simm.s32 $0x20;
	s9 =	sand.u32 $0xC00, s6;
	s8 =	sand.u32 $0x7000, s5;
	v9 =	vmul.f32 $2.560000000e+02, v9;
	v4 =	vcvt.f32.s32 v4  }
0x17f: {  	s10 =	sand.u32 $0x380, s7;
	s8 =	sor.u32 s9, s8;
	v10 =	vmul.f32 $2.560000000e+02, v10;
	v11 =	vmul.f32 $2.560000000e+02, v11  }
0x180: {  	s8 =	sor.u32 s10, s8;
	v5 =	vtrunc.f32 v5;
	v6 =	vtrunc.f32 v6;
	v4 =	vshll.u32 v4, $0x4  }
0x181: {  	v13 =	vld [tilespmem:s8+$0x8010];
	v7 =	vtrunc.f32 v7;
	v8 =	vtrunc.f32 v8;
	v4 =	vor.u32 v0, v4  }
0x182: {  	v9 =	vtrunc.f32 v9;
	v10 =	vtrunc.f32 v10  }
0x183: {  	v14 =	vld [tilespmem:s8+$0x8020];
	v11 =	vtrunc.f32 v11;
	v5 =	vcvt.f32.s32 v5  }
0x184: {  	v12 =	vld [tilespmem:s8+$0x8070];
	v6 =	vcvt.f32.s32 v6;
	v9 =	vcvt.f32.s32 v9  }
0x185: {  	v16 =	vld [tilespmem:s8+$0x8030];
	v10 =	vcvt.f32.s32 v10;
	v11 =	vcvt.f32.s32 v11  }
0x186: {  	v20 =	vmul.f32 $2.560000000e+02, v13;
	v5 =	vshll.u32 v5, $0x4;
	[tilespmem:v4+s1+$0x0] =	vst.idx.add.s32.msk $0xffff, v2;
	v4 =	vcvt.f32.s32 v7  }
0x187: {  	v6 =	vshll.u32 v6, $0x4;
	v15 =	vor.u32 v0, v5;
	v7 =	vcvt.f32.s32 v8;
	v8 =	vld [tilespmem:s8+$0x8000]  }
0x188: {  	v19 =	vld [tilespmem:s8+$0x8040];
	v13 =	vmul.f32 $2.560000000e+02, v14;
	v17 =	vor.u32 v0, v6;
	v4 =	vshll.u32 v4, $0x4  }
0x189: {  	v5 =	vshll.u32 v7, $0x4;
	v18 =	vor.u32 v0, v4;
	v4 =	vmul.f32 $2.560000000e+02, v12  }
0x18a: {  	v9 =	vshll.u32 v9, $0x4;
	v12 =	vshll.u32 v11, $0x4;
	v7 =	vor.u32 v0, v5;
	v11 =	vld [tilespmem:s8+$0x8050]  }
0x18b: {  	v10 =	vshll.u32 v10, $0x4;
	v6 =	vor.u32 v0, v9;
	v9 =	vld [tilespmem:s8+$0x8060];
	v4 =	vtrunc.f32 v4  }
0x18c: {  	[tilespmem:v15+s1+$0x0] =	vst.idx.add.s32.msk $0xffff, v2;
	v5 =	vor.u32 v0, v10;
	v8 =	vmul.f32 $2.560000000e+02, v8;
	v21 =	vcvt.f32.s32 v4  }
0x18d: {  	v14 =	vmul.f32 $2.560000000e+02, v16;
	[tilespmem:v17+s1+$0x0] =	vst.idx.add.s32.msk $0xffff, v2;
	v4 =	vor.u32 v0, v12;
	v12 =	vmul.f32 $2.560000000e+02, v19  }
0x18e: {  	v10 =	vtrunc.f32 v8;
	v8 =	vtrunc.f32 v20;
	v15 =	vshll.u32 v21, $0x4;
	[tilespmem:v18+s1+$0x0] =	vst.idx.add.s32.msk $0xffff, v2  }
.LBB2_14:
0x18f: {  	s5 =	sadd.s32 $0x80, s5;
	v13 =	vtrunc.f32 v13;
	v11 =	vmul.f32 $2.560000000e+02, v11;
	v15 =	vor.u32 v0, v15;
	s6 =	sadd.s32 $0x400, s6;
	[tilespmem:v7+s1+$0x0] =	vst.idx.add.s32.msk $0xffff, v2  }
0x190: {  	v7 =	vtrunc.f32 v14;
	s7 =	sadd.s32 $0x20, s7;
	s8 =	sand.u32 $0x7000, s5;
	s9 =	sand.u32 $0xC00, s6;
	v9 =	vmul.f32 $2.560000000e+02, v9;
	[tilespmem:v6+s1+$0x0] =	vst.idx.add.s32.msk $0xffff, v2  }
0x191: {  	s10 =	sand.u32 $0x380, s7;
	p0 =	slt.u32 s5, $0x7F80;
	v6 =	vtrunc.f32 v12;
	s8 =	sor.u32 s9, s8;
	v11 =	vtrunc.f32 v11;
	[tilespmem:v5+s1+$0x0] =	vst.idx.add.s32.msk $0xffff, v2  }
0x192: {  	v5 =	vcvt.f32.s32 v10;
	s8 =	sor.u32 s10, s8;
	v9 =	vtrunc.f32 v9;
	[tilespmem:v4+s1+$0x0] =	vst.idx.add.s32.msk $0xffff, v2  }
0x193: {  	v8 =	vcvt.f32.s32 v8;
	v10 =	vcvt.f32.s32 v13;
	v4 =	vld [tilespmem:s8+$0x8070]  }
0x194: {  	v7 =	vcvt.f32.s32 v7;
	v6 =	vcvt.f32.s32 v6;
	v5 =	vshll.u32 v5, $0x4;
	[tilespmem:v15+s1+$0x0] =	vst.idx.add.s32.msk $0xffff, v2  }
0x195: {  	v8 =	vshll.u32 v8, $0x4;
	v11 =	vcvt.f32.s32 v11;
	v9 =	vcvt.f32.s32 v9;
	v12 =	vld [tilespmem:s8+$0x8000]  }
0x196: {  	v7 =	vshll.u32 v7, $0x4;
	v10 =	vshll.u32 v10, $0x4;
	v6 =	vshll.u32 v6, $0x4;
	v13 =	vld [tilespmem:s8+$0x8010]  }
0x197: {  	v15 =	vor.u32 v0, v5;
	v5 =	vshll.u32 v11, $0x4;
	v9 =	vshll.u32 v9, $0x4;
	v14 =	vld [tilespmem:s8+$0x8020]  }
0x198: {  	v8 =	vor.u32 v0, v8;
	v7 =	vor.u32 v0, v7;
	v17 =	vor.u32 v0, v10;
	v16 =	vld [tilespmem:s8+$0x8030]  }
0x199: {  	v6 =	vor.u32 v0, v6;
	v5 =	vor.u32 v0, v5;
	v10 =	vmul.f32 $2.560000000e+02, v4;
	v18 =	vld [tilespmem:s8+$0x8040]  }
.Ltmp6:
0x19a: {  	v4 =	vor.u32 v0, v9;
	v12 =	vmul.f32 $2.560000000e+02, v12;
	v11 =	vld [tilespmem:s8+$0x8050];
	(pc) =	sbr.rel @p0 .LBB2_14-.Ltmp6, $4  }
0x19b: {  	v10 =	vtrunc.f32 v10;
	v19 =	vmul.f32 $2.560000000e+02, v13;
	v9 =	vld [tilespmem:s8+$0x8060]  }
0x19c: {  	v20 =	vcvt.f32.s32 v10;
	v13 =	vmul.f32 $2.560000000e+02, v14;
	[tilespmem:v15+s1+$0x0] =	vst.idx.add.s32.msk $0xffff, v2  }
0x19d: {  	v10 =	vtrunc.f32 v12;
	v14 =	vmul.f32 $2.560000000e+02, v16;
	[tilespmem:v8+s1+$0x0] =	vst.idx.add.s32.msk $0xffff, v2  }
0x19e: {  	v8 =	vtrunc.f32 v19;
	v15 =	vshll.u32 v20, $0x4;
	v12 =	vmul.f32 $2.560000000e+02, v18;
	[tilespmem:v17+s1+$0x0] =	vst.idx.add.s32.msk $0xffff, v2  }
0x19f: {  	v13 =	vtrunc.f32 v13;
	v11 =	vmul.f32 $2.560000000e+02, v11  }
0x1a0: {  	v14 =	vtrunc.f32 v14;
	v10 =	vcvt.f32.s32 v10  }
0x1a1: {  	v8 =	vcvt.f32.s32 v8;
	v9 =	vmul.f32 $2.560000000e+02, v9  }
0x1a2: {  	v15 =	vor.u32 v0, v15;
	v12 =	vtrunc.f32 v12;
	v13 =	vcvt.f32.s32 v13  }
0x1a3: {  	[tilespmem:v7+s1+$0x0] =	vst.idx.add.s32.msk $0xffff, v2;
	v7 =	vcvt.f32.s32 v14;
	v11 =	vtrunc.f32 v11;
	v10 =	vshll.u32 v10, $0x4  }
0x1a4: {  	[tilespmem:v6+s1+$0x0] =	vst.idx.add.s32.msk $0xffff, v2;
	v8 =	vshll.u32 v8, $0x4;
	v6 =	vcvt.f32.s32 v12;
	v10 =	vor.u32 v0, v10  }
0x1a5: {  	v9 =	vtrunc.f32 v9;
	v12 =	vshll.u32 v13, $0x4;
	v8 =	vor.u32 v0, v8  }
0x1a6: {  	[tilespmem:v5+s1+$0x0] =	vst.idx.add.s32.msk $0xffff, v2;
	v5 =	vcvt.f32.s32 v11;
	v7 =	vshll.u32 v7, $0x4;
	v11 =	vor.u32 v0, v12  }
0x1a7: {  	[tilespmem:v4+s1+$0x0] =	vst.idx.add.s32.msk $0xffff, v2;
	v4 =	vcvt.f32.s32 v9;
	v6 =	vshll.u32 v6, $0x4;
	v7 =	vor.u32 v0, v7  }
0x1a8: {  	[tilespmem:v15+s1+$0x0] =	vst.idx.add.s32.msk $0xffff, v2;
	v5 =	vshll.u32 v5, $0x4;
	v6 =	vor.u32 v0, v6  }
0x1a9: {  	v4 =	vshll.u32 v4, $0x4;
	v5 =	vor.u32 v0, v5;
	[tilespmem:v10+s1+$0x0] =	vst.idx.add.s32.msk $0xffff, v2  }
0x1aa: {  	v4 =	vor.u32 v0, v4;
	[tilespmem:v8+s1+$0x0] =	vst.idx.add.s32.msk $0xffff, v2  }
0x1ab: {  	[tilespmem:v11+s1+$0x0] =	vst.idx.add.s32.msk $0xffff, v2  }
0x1ac: {  	[tilespmem:v7+s1+$0x0] =	vst.idx.add.s32.msk $0xffff, v2  }
0x1ad: {  	[tilespmem:v6+s1+$0x0] =	vst.idx.add.s32.msk $0xffff, v2  }
0x1ae: {  	[tilespmem:v5+s1+$0x0] =	vst.idx.add.s32.msk $0xffff, v2  }
0x1af: {  	[tilespmem:v4+s1+$0x0] =	vst.idx.add.s32.msk $0xffff, v2  }
0x1b0: {  	s5 =	simm.s32 $0x0;
	s19 =	simm.s32 $0x0;
	s6 =	rddreg [dreg:$0x9]  }
0x1b1: {  	[tilespmem:s30], [sflag:$0x2] =	stream.linear.gather [hbm4b:s6+s5], $0x8000, $0x38;
	[tilespmem:$0x12000] =	vst v63  }
0x1b2: {  	s7 =	sand.u32 $0xC00, s5;
	s6 =	sand.u32 $0x7000, s19;
	_ =	swait.ge [sflag:s31], $0x8000  }
0x1b3: {  	s5 =	sand.u32 $0x380, s5;
	s6 =	sor.u32 s7, s6;
	[sflag:s31] =	ssyncset.done $0x0  }
0x1b4: {  	s5 =	sor.u32 s5, s6;
	[sflag:s31] =	ssyncadd.s32 $0xFFFF8000  }
0x1b5: {  	v4 =	vld [tilespmem:s5+$0x70]  }
0x1b6: {  	v5 =	vld [tilespmem:s5+$0x0]  }
0x1b7: {  	v6 =	vld [tilespmem:s5+$0x10]  }
0x1b8: {  	v7 =	vld [tilespmem:s5+$0x20]  }
0x1b9: {  	v8 =	vld [tilespmem:s5+$0x30]  }
0x1ba: {  	v9 =	vld [tilespmem:s5+$0x40]  }
0x1bb: {  	v10 =	vld [tilespmem:s5+$0x50]  }
0x1bc: {  	v11 =	vld [tilespmem:s5+$0x60]  }
0x1bd: {  	v4 =	vmul.f32 $2.560000000e+02, v4;
	v5 =	vmul.f32 $2.560000000e+02, v5  }
0x1be: {  	v6 =	vmul.f32 $2.560000000e+02, v6;
	v7 =	vmul.f32 $2.560000000e+02, v7  }
0x1bf: {  	s6 =	simm.s32 $0x400;
	s5 =	simm.s32 $0x80;
	v8 =	vmul.f32 $2.560000000e+02, v8;
	v4 =	vtrunc.f32 v4  }
0x1c0: {  	s7 =	simm.s32 $0x20;
	s9 =	sand.u32 $0xC00, s6;
	s8 =	sand.u32 $0x7000, s5;
	v9 =	vmul.f32 $2.560000000e+02, v9;
	v4 =	vcvt.f32.s32 v4  }
0x1c1: {  	s10 =	sand.u32 $0x380, s7;
	s8 =	sor.u32 s9, s8;
	v10 =	vmul.f32 $2.560000000e+02, v10;
	v11 =	vmul.f32 $2.560000000e+02, v11  }
0x1c2: {  	s8 =	sor.u32 s10, s8;
	v5 =	vtrunc.f32 v5;
	v6 =	vtrunc.f32 v6;
	v4 =	vshll.u32 v4, $0x4  }
0x1c3: {  	v13 =	vld [tilespmem:s8+$0x10];
	v7 =	vtrunc.f32 v7;
	v8 =	vtrunc.f32 v8;
	v4 =	vor.u32 v0, v4  }
0x1c4: {  	v9 =	vtrunc.f32 v9;
	v10 =	vtrunc.f32 v10  }
0x1c5: {  	v14 =	vld [tilespmem:s8+$0x20];
	v11 =	vtrunc.f32 v11;
	v5 =	vcvt.f32.s32 v5  }
0x1c6: {  	v12 =	vld [tilespmem:s8+$0x70];
	v6 =	vcvt.f32.s32 v6;
	v9 =	vcvt.f32.s32 v9  }
0x1c7: {  	v16 =	vld [tilespmem:s8+$0x30];
	v10 =	vcvt.f32.s32 v10;
	v11 =	vcvt.f32.s32 v11  }
0x1c8: {  	v20 =	vmul.f32 $2.560000000e+02, v13;
	v5 =	vshll.u32 v5, $0x4;
	[tilespmem:v4+s1+$0x0] =	vst.idx.add.s32.msk $0xffff, v2;
	v4 =	vcvt.f32.s32 v7  }
0x1c9: {  	v6 =	vshll.u32 v6, $0x4;
	v15 =	vor.u32 v0, v5;
	v7 =	vcvt.f32.s32 v8;
	v8 =	vld [tilespmem:s8+$0x0]  }
0x1ca: {  	v19 =	vld [tilespmem:s8+$0x40];
	v13 =	vmul.f32 $2.560000000e+02, v14;
	v17 =	vor.u32 v0, v6;
	v4 =	vshll.u32 v4, $0x4  }
0x1cb: {  	v5 =	vshll.u32 v7, $0x4;
	v18 =	vor.u32 v0, v4;
	v4 =	vmul.f32 $2.560000000e+02, v12  }
0x1cc: {  	v9 =	vshll.u32 v9, $0x4;
	v12 =	vshll.u32 v11, $0x4;
	v7 =	vor.u32 v0, v5;
	v11 =	vld [tilespmem:s8+$0x50]  }
0x1cd: {  	v10 =	vshll.u32 v10, $0x4;
	v6 =	vor.u32 v0, v9;
	v9 =	vld [tilespmem:s8+$0x60];
	v4 =	vtrunc.f32 v4  }
0x1ce: {  	[tilespmem:v15+s1+$0x0] =	vst.idx.add.s32.msk $0xffff, v2;
	v5 =	vor.u32 v0, v10;
	v8 =	vmul.f32 $2.560000000e+02, v8;
	v21 =	vcvt.f32.s32 v4  }
0x1cf: {  	v14 =	vmul.f32 $2.560000000e+02, v16;
	[tilespmem:v17+s1+$0x0] =	vst.idx.add.s32.msk $0xffff, v2;
	v4 =	vor.u32 v0, v12;
	v12 =	vmul.f32 $2.560000000e+02, v19  }
0x1d0: {  	v10 =	vtrunc.f32 v8;
	v8 =	vtrunc.f32 v20;
	v15 =	vshll.u32 v21, $0x4;
	[tilespmem:v18+s1+$0x0] =	vst.idx.add.s32.msk $0xffff, v2  }
.LBB2_16:
0x1d1: {  	s5 =	sadd.s32 $0x80, s5;
	v13 =	vtrunc.f32 v13;
	v11 =	vmul.f32 $2.560000000e+02, v11;
	v15 =	vor.u32 v0, v15;
	s6 =	sadd.s32 $0x400, s6;
	[tilespmem:v7+s1+$0x0] =	vst.idx.add.s32.msk $0xffff, v2  }
0x1d2: {  	v7 =	vtrunc.f32 v14;
	s7 =	sadd.s32 $0x20, s7;
	s8 =	sand.u32 $0x7000, s5;
	s9 =	sand.u32 $0xC00, s6;
	v9 =	vmul.f32 $2.560000000e+02, v9;
	[tilespmem:v6+s1+$0x0] =	vst.idx.add.s32.msk $0xffff, v2  }
0x1d3: {  	s10 =	sand.u32 $0x380, s7;
	p0 =	slt.u32 s5, $0x7F80;
	v6 =	vtrunc.f32 v12;
	s8 =	sor.u32 s9, s8;
	v11 =	vtrunc.f32 v11;
	[tilespmem:v5+s1+$0x0] =	vst.idx.add.s32.msk $0xffff, v2  }
0x1d4: {  	v5 =	vcvt.f32.s32 v10;
	s8 =	sor.u32 s10, s8;
	v9 =	vtrunc.f32 v9;
	[tilespmem:v4+s1+$0x0] =	vst.idx.add.s32.msk $0xffff, v2  }
0x1d5: {  	v8 =	vcvt.f32.s32 v8;
	v10 =	vcvt.f32.s32 v13;
	v4 =	vld [tilespmem:s8+$0x70]  }
0x1d6: {  	v7 =	vcvt.f32.s32 v7;
	v6 =	vcvt.f32.s32 v6;
	v5 =	vshll.u32 v5, $0x4;
	[tilespmem:v15+s1+$0x0] =	vst.idx.add.s32.msk $0xffff, v2  }
0x1d7: {  	v8 =	vshll.u32 v8, $0x4;
	v11 =	vcvt.f32.s32 v11;
	v9 =	vcvt.f32.s32 v9;
	v12 =	vld [tilespmem:s8+$0x0]  }
0x1d8: {  	v7 =	vshll.u32 v7, $0x4;
	v10 =	vshll.u32 v10, $0x4;
	v6 =	vshll.u32 v6, $0x4;
	v13 =	vld [tilespmem:s8+$0x10]  }
0x1d9: {  	v15 =	vor.u32 v0, v5;
	v5 =	vshll.u32 v11, $0x4;
	v9 =	vshll.u32 v9, $0x4;
	v14 =	vld [tilespmem:s8+$0x20]  }
0x1da: {  	v8 =	vor.u32 v0, v8;
	v7 =	vor.u32 v0, v7;
	v17 =	vor.u32 v0, v10;
	v16 =	vld [tilespmem:s8+$0x30]  }
0x1db: {  	v6 =	vor.u32 v0, v6;
	v5 =	vor.u32 v0, v5;
	v10 =	vmul.f32 $2.560000000e+02, v4;
	v18 =	vld [tilespmem:s8+$0x40]  }
.Ltmp7:
0x1dc: {  	v4 =	vor.u32 v0, v9;
	v12 =	vmul.f32 $2.560000000e+02, v12;
	v11 =	vld [tilespmem:s8+$0x50];
	(pc) =	sbr.rel @p0 .LBB2_16-.Ltmp7, $4  }
0x1dd: {  	v10 =	vtrunc.f32 v10;
	v19 =	vmul.f32 $2.560000000e+02, v13;
	v9 =	vld [tilespmem:s8+$0x60]  }
0x1de: {  	v20 =	vcvt.f32.s32 v10;
	v13 =	vmul.f32 $2.560000000e+02, v14;
	[tilespmem:v15+s1+$0x0] =	vst.idx.add.s32.msk $0xffff, v2  }
0x1df: {  	v10 =	vtrunc.f32 v12;
	v14 =	vmul.f32 $2.560000000e+02, v16;
	[tilespmem:v8+s1+$0x0] =	vst.idx.add.s32.msk $0xffff, v2  }
0x1e0: {  	v8 =	vtrunc.f32 v19;
	v15 =	vshll.u32 v20, $0x4;
	v12 =	vmul.f32 $2.560000000e+02, v18;
	[tilespmem:v17+s1+$0x0] =	vst.idx.add.s32.msk $0xffff, v2  }
0x1e1: {  	v13 =	vtrunc.f32 v13;
	v11 =	vmul.f32 $2.560000000e+02, v11  }
0x1e2: {  	v14 =	vtrunc.f32 v14;
	v10 =	vcvt.f32.s32 v10  }
0x1e3: {  	v8 =	vcvt.f32.s32 v8;
	v9 =	vmul.f32 $2.560000000e+02, v9  }
0x1e4: {  	v15 =	vor.u32 v0, v15;
	v12 =	vtrunc.f32 v12;
	v13 =	vcvt.f32.s32 v13  }
0x1e5: {  	[tilespmem:v7+s1+$0x0] =	vst.idx.add.s32.msk $0xffff, v2;
	v7 =	vcvt.f32.s32 v14;
	v11 =	vtrunc.f32 v11;
	v10 =	vshll.u32 v10, $0x4  }
0x1e6: {  	[tilespmem:v6+s1+$0x0] =	vst.idx.add.s32.msk $0xffff, v2;
	v8 =	vshll.u32 v8, $0x4;
	v6 =	vcvt.f32.s32 v12;
	v10 =	vor.u32 v0, v10  }
0x1e7: {  	v9 =	vtrunc.f32 v9;
	v12 =	vshll.u32 v13, $0x4;
	v8 =	vor.u32 v0, v8  }
0x1e8: {  	[tilespmem:v5+s1+$0x0] =	vst.idx.add.s32.msk $0xffff, v2;
	v5 =	vcvt.f32.s32 v11;
	v7 =	vshll.u32 v7, $0x4;
	v11 =	vor.u32 v0, v12  }
0x1e9: {  	[tilespmem:v4+s1+$0x0] =	vst.idx.add.s32.msk $0xffff, v2;
	v4 =	vcvt.f32.s32 v9;
	v6 =	vshll.u32 v6, $0x4;
	v7 =	vor.u32 v0, v7  }
0x1ea: {  	[tilespmem:v15+s1+$0x0] =	vst.idx.add.s32.msk $0xffff, v2;
	v5 =	vshll.u32 v5, $0x4;
	v6 =	vor.u32 v0, v6  }
0x1eb: {  	v4 =	vshll.u32 v4, $0x4;
	v5 =	vor.u32 v0, v5;
	[tilespmem:v10+s1+$0x0] =	vst.idx.add.s32.msk $0xffff, v2  }
0x1ec: {  	v4 =	vor.u32 v0, v4;
	[tilespmem:v8+s1+$0x0] =	vst.idx.add.s32.msk $0xffff, v2  }
0x1ed: {  	[tilespmem:v11+s1+$0x0] =	vst.idx.add.s32.msk $0xffff, v2  }
0x1ee: {  	[tilespmem:v7+s1+$0x0] =	vst.idx.add.s32.msk $0xffff, v2  }
0x1ef: {  	[tilespmem:v6+s1+$0x0] =	vst.idx.add.s32.msk $0xffff, v2  }
0x1f0: {  	[tilespmem:v5+s1+$0x0] =	vst.idx.add.s32.msk $0xffff, v2  }
0x1f1: {  	[tilespmem:v4+s1+$0x0] =	vst.idx.add.s32.msk $0xffff, v2  }
0x1f2: {  	s5 =	simm.s32 $0x0;
	s19 =	simm.s32 $0x0;
	s6 =	rddreg [dreg:$0xa]  }
0x1f3: {  	[tilespmem:s5], [sflag:$0x1] =	stream.linear.gather [hbm4b:s6+s5], $0x8000, $0x38;
	[tilespmem:$0x12000] =	vst v63  }
0x1f4: {  	s7 =	sand.u32 $0xC00, s5;
	s6 =	sand.u32 $0x7000, s19;
	_ =	swait.ge [sflag:s0], $0x8000  }
0x1f5: {  	s5 =	sand.u32 $0x380, s5;
	s6 =	sor.u32 s7, s6;
	[sflag:s0] =	ssyncset.done $0x0  }
0x1f6: {  	s5 =	sor.u32 s5, s6;
	[sflag:s0] =	ssyncadd.s32 $0xFFFF8000  }
0x1f7: {  	v4 =	vld [tilespmem:s5+$0x8070]  }
0x1f8: {  	v5 =	vld [tilespmem:s5+$0x8000]  }
0x1f9: {  	v6 =	vld [tilespmem:s5+$0x8010]  }
0x1fa: {  	v7 =	vld [tilespmem:s5+$0x8020]  }
0x1fb: {  	v8 =	vld [tilespmem:s5+$0x8030]  }
0x1fc: {  	v9 =	vld [tilespmem:s5+$0x8040]  }
0x1fd: {  	v10 =	vld [tilespmem:s5+$0x8050]  }
0x1fe: {  	v11 =	vld [tilespmem:s5+$0x8060]  }
0x1ff: {  	v4 =	vmul.f32 $2.560000000e+02, v4;
	v5 =	vmul.f32 $2.560000000e+02, v5  }
0x200: {  	v6 =	vmul.f32 $2.560000000e+02, v6;
	v7 =	vmul.f32 $2.560000000e+02, v7  }
0x201: {  	s6 =	simm.s32 $0x400;
	s5 =	simm.s32 $0x80;
	v8 =	vmul.f32 $2.560000000e+02, v8;
	v4 =	vtrunc.f32 v4  }
0x202: {  	s7 =	simm.s32 $0x20;
	s9 =	sand.u32 $0xC00, s6;
	s8 =	sand.u32 $0x7000, s5;
	v9 =	vmul.f32 $2.560000000e+02, v9;
	v4 =	vcvt.f32.s32 v4  }
0x203: {  	s10 =	sand.u32 $0x380, s7;
	s8 =	sor.u32 s9, s8;
	v10 =	vmul.f32 $2.560000000e+02, v10;
	v11 =	vmul.f32 $2.560000000e+02, v11  }
0x204: {  	s8 =	sor.u32 s10, s8;
	v5 =	vtrunc.f32 v5;
	v6 =	vtrunc.f32 v6;
	v4 =	vshll.u32 v4, $0x4  }
0x205: {  	v13 =	vld [tilespmem:s8+$0x8010];
	v7 =	vtrunc.f32 v7;
	v8 =	vtrunc.f32 v8;
	v4 =	vor.u32 v0, v4  }
0x206: {  	v9 =	vtrunc.f32 v9;
	v10 =	vtrunc.f32 v10  }
0x207: {  	v14 =	vld [tilespmem:s8+$0x8020];
	v11 =	vtrunc.f32 v11;
	v5 =	vcvt.f32.s32 v5  }
0x208: {  	v12 =	vld [tilespmem:s8+$0x8070];
	v6 =	vcvt.f32.s32 v6;
	v9 =	vcvt.f32.s32 v9  }
0x209: {  	v16 =	vld [tilespmem:s8+$0x8030];
	v10 =	vcvt.f32.s32 v10;
	v11 =	vcvt.f32.s32 v11  }
0x20a: {  	v20 =	vmul.f32 $2.560000000e+02, v13;
	v5 =	vshll.u32 v5, $0x4;
	[tilespmem:v4+s1+$0x0] =	vst.idx.add.s32.msk $0xffff, v2;
	v4 =	vcvt.f32.s32 v7  }
0x20b: {  	v6 =	vshll.u32 v6, $0x4;
	v15 =	vor.u32 v0, v5;
	v7 =	vcvt.f32.s32 v8;
	v8 =	vld [tilespmem:s8+$0x8000]  }
0x20c: {  	v19 =	vld [tilespmem:s8+$0x8040];
	v13 =	vmul.f32 $2.560000000e+02, v14;
	v17 =	vor.u32 v0, v6;
	v4 =	vshll.u32 v4, $0x4  }
0x20d: {  	v5 =	vshll.u32 v7, $0x4;
	v18 =	vor.u32 v0, v4;
	v4 =	vmul.f32 $2.560000000e+02, v12  }
0x20e: {  	v9 =	vshll.u32 v9, $0x4;
	v12 =	vshll.u32 v11, $0x4;
	v7 =	vor.u32 v0, v5;
	v11 =	vld [tilespmem:s8+$0x8050]  }
0x20f: {  	v10 =	vshll.u32 v10, $0x4;
	v6 =	vor.u32 v0, v9;
	v9 =	vld [tilespmem:s8+$0x8060];
	v4 =	vtrunc.f32 v4  }
0x210: {  	[tilespmem:v15+s1+$0x0] =	vst.idx.add.s32.msk $0xffff, v2;
	v5 =	vor.u32 v0, v10;
	v8 =	vmul.f32 $2.560000000e+02, v8;
	v21 =	vcvt.f32.s32 v4  }
0x211: {  	v14 =	vmul.f32 $2.560000000e+02, v16;
	[tilespmem:v17+s1+$0x0] =	vst.idx.add.s32.msk $0xffff, v2;
	v4 =	vor.u32 v0, v12;
	v12 =	vmul.f32 $2.560000000e+02, v19  }
0x212: {  	v10 =	vtrunc.f32 v8;
	v8 =	vtrunc.f32 v20;
	v15 =	vshll.u32 v21, $0x4;
	[tilespmem:v18+s1+$0x0] =	vst.idx.add.s32.msk $0xffff, v2  }
.LBB2_18:
0x213: {  	s5 =	sadd.s32 $0x80, s5;
	v13 =	vtrunc.f32 v13;
	v11 =	vmul.f32 $2.560000000e+02, v11;
	v15 =	vor.u32 v0, v15;
	s6 =	sadd.s32 $0x400, s6;
	[tilespmem:v7+s1+$0x0] =	vst.idx.add.s32.msk $0xffff, v2  }
0x214: {  	v7 =	vtrunc.f32 v14;
	s7 =	sadd.s32 $0x20, s7;
	s8 =	sand.u32 $0x7000, s5;
	s9 =	sand.u32 $0xC00, s6;
	v9 =	vmul.f32 $2.560000000e+02, v9;
	[tilespmem:v6+s1+$0x0] =	vst.idx.add.s32.msk $0xffff, v2  }
0x215: {  	s10 =	sand.u32 $0x380, s7;
	p0 =	slt.u32 s5, $0x7F80;
	v6 =	vtrunc.f32 v12;
	s8 =	sor.u32 s9, s8;
	v11 =	vtrunc.f32 v11;
	[tilespmem:v5+s1+$0x0] =	vst.idx.add.s32.msk $0xffff, v2  }
0x216: {  	v5 =	vcvt.f32.s32 v10;
	s8 =	sor.u32 s10, s8;
	v9 =	vtrunc.f32 v9;
	[tilespmem:v4+s1+$0x0] =	vst.idx.add.s32.msk $0xffff, v2  }
0x217: {  	v8 =	vcvt.f32.s32 v8;
	v10 =	vcvt.f32.s32 v13;
	v4 =	vld [tilespmem:s8+$0x8070]  }
0x218: {  	v7 =	vcvt.f32.s32 v7;
	v6 =	vcvt.f32.s32 v6;
	v5 =	vshll.u32 v5, $0x4;
	[tilespmem:v15+s1+$0x0] =	vst.idx.add.s32.msk $0xffff, v2  }
0x219: {  	v8 =	vshll.u32 v8, $0x4;
	v11 =	vcvt.f32.s32 v11;
	v9 =	vcvt.f32.s32 v9;
	v12 =	vld [tilespmem:s8+$0x8000]  }
0x21a: {  	v7 =	vshll.u32 v7, $0x4;
	v10 =	vshll.u32 v10, $0x4;
	v6 =	vshll.u32 v6, $0x4;
	v13 =	vld [tilespmem:s8+$0x8010]  }
0x21b: {  	v15 =	vor.u32 v0, v5;
	v5 =	vshll.u32 v11, $0x4;
	v9 =	vshll.u32 v9, $0x4;
	v14 =	vld [tilespmem:s8+$0x8020]  }
0x21c: {  	v8 =	vor.u32 v0, v8;
	v7 =	vor.u32 v0, v7;
	v17 =	vor.u32 v0, v10;
	v16 =	vld [tilespmem:s8+$0x8030]  }
0x21d: {  	v6 =	vor.u32 v0, v6;
	v5 =	vor.u32 v0, v5;
	v10 =	vmul.f32 $2.560000000e+02, v4;
	v18 =	vld [tilespmem:s8+$0x8040]  }
.Ltmp8:
0x21e: {  	v4 =	vor.u32 v0, v9;
	v12 =	vmul.f32 $2.560000000e+02, v12;
	v11 =	vld [tilespmem:s8+$0x8050];
	(pc) =	sbr.rel @p0 .LBB2_18-.Ltmp8, $4  }
0x21f: {  	v10 =	vtrunc.f32 v10;
	v19 =	vmul.f32 $2.560000000e+02, v13;
	v9 =	vld [tilespmem:s8+$0x8060]  }
0x220: {  	v20 =	vcvt.f32.s32 v10;
	v13 =	vmul.f32 $2.560000000e+02, v14;
	[tilespmem:v15+s1+$0x0] =	vst.idx.add.s32.msk $0xffff, v2  }
0x221: {  	v10 =	vtrunc.f32 v12;
	v14 =	vmul.f32 $2.560000000e+02, v16;
	[tilespmem:v8+s1+$0x0] =	vst.idx.add.s32.msk $0xffff, v2  }
0x222: {  	v8 =	vtrunc.f32 v19;
	v15 =	vshll.u32 v20, $0x4;
	v12 =	vmul.f32 $2.560000000e+02, v18;
	[tilespmem:v17+s1+$0x0] =	vst.idx.add.s32.msk $0xffff, v2  }
0x223: {  	v13 =	vtrunc.f32 v13;
	v11 =	vmul.f32 $2.560000000e+02, v11  }
0x224: {  	v14 =	vtrunc.f32 v14;
	v10 =	vcvt.f32.s32 v10  }
0x225: {  	v8 =	vcvt.f32.s32 v8;
	v9 =	vmul.f32 $2.560000000e+02, v9  }
0x226: {  	v15 =	vor.u32 v0, v15;
	v12 =	vtrunc.f32 v12;
	v13 =	vcvt.f32.s32 v13  }
0x227: {  	[tilespmem:v7+s1+$0x0] =	vst.idx.add.s32.msk $0xffff, v2;
	v7 =	vcvt.f32.s32 v14;
	v11 =	vtrunc.f32 v11;
	v10 =	vshll.u32 v10, $0x4  }
0x228: {  	[tilespmem:v6+s1+$0x0] =	vst.idx.add.s32.msk $0xffff, v2;
	v8 =	vshll.u32 v8, $0x4;
	v6 =	vcvt.f32.s32 v12;
	v10 =	vor.u32 v0, v10  }
0x229: {  	v9 =	vtrunc.f32 v9;
	v12 =	vshll.u32 v13, $0x4;
	v8 =	vor.u32 v0, v8  }
0x22a: {  	[tilespmem:v5+s1+$0x0] =	vst.idx.add.s32.msk $0xffff, v2;
	v5 =	vcvt.f32.s32 v11;
	v7 =	vshll.u32 v7, $0x4;
	v11 =	vor.u32 v0, v12  }
0x22b: {  	[tilespmem:v4+s1+$0x0] =	vst.idx.add.s32.msk $0xffff, v2;
	v4 =	vcvt.f32.s32 v9;
	v6 =	vshll.u32 v6, $0x4;
	v7 =	vor.u32 v0, v7  }
0x22c: {  	[tilespmem:v15+s1+$0x0] =	vst.idx.add.s32.msk $0xffff, v2;
	v5 =	vshll.u32 v5, $0x4;
	v6 =	vor.u32 v0, v6  }
0x22d: {  	v4 =	vshll.u32 v4, $0x4;
	v5 =	vor.u32 v0, v5;
	[tilespmem:v10+s1+$0x0] =	vst.idx.add.s32.msk $0xffff, v2  }
0x22e: {  	v4 =	vor.u32 v0, v4;
	[tilespmem:v8+s1+$0x0] =	vst.idx.add.s32.msk $0xffff, v2  }
0x22f: {  	[tilespmem:v11+s1+$0x0] =	vst.idx.add.s32.msk $0xffff, v2  }
0x230: {  	[tilespmem:v7+s1+$0x0] =	vst.idx.add.s32.msk $0xffff, v2  }
0x231: {  	[tilespmem:v6+s1+$0x0] =	vst.idx.add.s32.msk $0xffff, v2  }
0x232: {  	[tilespmem:v5+s1+$0x0] =	vst.idx.add.s32.msk $0xffff, v2  }
0x233: {  	[tilespmem:v4+s1+$0x0] =	vst.idx.add.s32.msk $0xffff, v2  }
0x234: {  	s5 =	simm.s32 $0x0;
	s19 =	simm.s32 $0x0;
	s6 =	rddreg [dreg:$0xb]  }
0x235: {  	[tilespmem:s30], [sflag:$0x2] =	stream.linear.gather [hbm4b:s6+s5], $0x8000, $0x38;
	[tilespmem:$0x12000] =	vst v63  }
0x236: {  	s7 =	sand.u32 $0xC00, s5;
	s6 =	sand.u32 $0x7000, s19;
	_ =	swait.ge [sflag:s31], $0x8000  }
0x237: {  	s5 =	sand.u32 $0x380, s5;
	s6 =	sor.u32 s7, s6;
	[sflag:s31] =	ssyncset.done $0x0  }
0x238: {  	s5 =	sor.u32 s5, s6;
	[sflag:s31] =	ssyncadd.s32 $0xFFFF8000  }
0x239: {  	v4 =	vld [tilespmem:s5+$0x70]  }
0x23a: {  	v5 =	vld [tilespmem:s5+$0x0]  }
0x23b: {  	v6 =	vld [tilespmem:s5+$0x10]  }
0x23c: {  	v7 =	vld [tilespmem:s5+$0x20]  }
0x23d: {  	v8 =	vld [tilespmem:s5+$0x30]  }
0x23e: {  	v9 =	vld [tilespmem:s5+$0x40]  }
0x23f: {  	v10 =	vld [tilespmem:s5+$0x50]  }
0x240: {  	v11 =	vld [tilespmem:s5+$0x60]  }
0x241: {  	v4 =	vmul.f32 $2.560000000e+02, v4;
	v5 =	vmul.f32 $2.560000000e+02, v5  }
0x242: {  	v6 =	vmul.f32 $2.560000000e+02, v6;
	v7 =	vmul.f32 $2.560000000e+02, v7  }
0x243: {  	s6 =	simm.s32 $0x400;
	s5 =	simm.s32 $0x80;
	v8 =	vmul.f32 $2.560000000e+02, v8;
	v4 =	vtrunc.f32 v4  }
0x244: {  	s7 =	simm.s32 $0x20;
	s9 =	sand.u32 $0xC00, s6;
	s8 =	sand.u32 $0x7000, s5;
	v9 =	vmul.f32 $2.560000000e+02, v9;
	v4 =	vcvt.f32.s32 v4  }
0x245: {  	s10 =	sand.u32 $0x380, s7;
	s8 =	sor.u32 s9, s8;
	v10 =	vmul.f32 $2.560000000e+02, v10;
	v11 =	vmul.f32 $2.560000000e+02, v11  }
0x246: {  	s8 =	sor.u32 s10, s8;
	v5 =	vtrunc.f32 v5;
	v6 =	vtrunc.f32 v6;
	v4 =	vshll.u32 v4, $0x4  }
0x247: {  	v13 =	vld [tilespmem:s8+$0x10];
	v7 =	vtrunc.f32 v7;
	v8 =	vtrunc.f32 v8;
	v4 =	vor.u32 v0, v4  }
0x248: {  	v9 =	vtrunc.f32 v9;
	v10 =	vtrunc.f32 v10  }
0x249: {  	v14 =	vld [tilespmem:s8+$0x20];
	v11 =	vtrunc.f32 v11;
	v5 =	vcvt.f32.s32 v5  }
0x24a: {  	v12 =	vld [tilespmem:s8+$0x70];
	v6 =	vcvt.f32.s32 v6;
	v9 =	vcvt.f32.s32 v9  }
0x24b: {  	v16 =	vld [tilespmem:s8+$0x30];
	v10 =	vcvt.f32.s32 v10;
	v11 =	vcvt.f32.s32 v11  }
0x24c: {  	v20 =	vmul.f32 $2.560000000e+02, v13;
	v5 =	vshll.u32 v5, $0x4;
	[tilespmem:v4+s1+$0x0] =	vst.idx.add.s32.msk $0xffff, v2;
	v4 =	vcvt.f32.s32 v7  }
0x24d: {  	v6 =	vshll.u32 v6, $0x4;
	v15 =	vor.u32 v0, v5;
	v7 =	vcvt.f32.s32 v8;
	v8 =	vld [tilespmem:s8+$0x0]  }
0x24e: {  	v19 =	vld [tilespmem:s8+$0x40];
	v13 =	vmul.f32 $2.560000000e+02, v14;
	v17 =	vor.u32 v0, v6;
	v4 =	vshll.u32 v4, $0x4  }
0x24f: {  	v5 =	vshll.u32 v7, $0x4;
	v18 =	vor.u32 v0, v4;
	v4 =	vmul.f32 $2.560000000e+02, v12  }
0x250: {  	v9 =	vshll.u32 v9, $0x4;
	v12 =	vshll.u32 v11, $0x4;
	v7 =	vor.u32 v0, v5;
	v11 =	vld [tilespmem:s8+$0x50]  }
0x251: {  	v10 =	vshll.u32 v10, $0x4;
	v6 =	vor.u32 v0, v9;
	v9 =	vld [tilespmem:s8+$0x60];
	v4 =	vtrunc.f32 v4  }
0x252: {  	[tilespmem:v15+s1+$0x0] =	vst.idx.add.s32.msk $0xffff, v2;
	v5 =	vor.u32 v0, v10;
	v8 =	vmul.f32 $2.560000000e+02, v8;
	v21 =	vcvt.f32.s32 v4  }
0x253: {  	v14 =	vmul.f32 $2.560000000e+02, v16;
	[tilespmem:v17+s1+$0x0] =	vst.idx.add.s32.msk $0xffff, v2;
	v4 =	vor.u32 v0, v12;
	v12 =	vmul.f32 $2.560000000e+02, v19  }
0x254: {  	v10 =	vtrunc.f32 v8;
	v8 =	vtrunc.f32 v20;
	v15 =	vshll.u32 v21, $0x4;
	[tilespmem:v18+s1+$0x0] =	vst.idx.add.s32.msk $0xffff, v2  }
.LBB2_20:
0x255: {  	s5 =	sadd.s32 $0x80, s5;
	v13 =	vtrunc.f32 v13;
	v11 =	vmul.f32 $2.560000000e+02, v11;
	v15 =	vor.u32 v0, v15;
	s6 =	sadd.s32 $0x400, s6;
	[tilespmem:v7+s1+$0x0] =	vst.idx.add.s32.msk $0xffff, v2  }
0x256: {  	v7 =	vtrunc.f32 v14;
	s7 =	sadd.s32 $0x20, s7;
	s8 =	sand.u32 $0x7000, s5;
	s9 =	sand.u32 $0xC00, s6;
	v9 =	vmul.f32 $2.560000000e+02, v9;
	[tilespmem:v6+s1+$0x0] =	vst.idx.add.s32.msk $0xffff, v2  }
0x257: {  	s10 =	sand.u32 $0x380, s7;
	p0 =	slt.u32 s5, $0x7F80;
	v6 =	vtrunc.f32 v12;
	s8 =	sor.u32 s9, s8;
	v11 =	vtrunc.f32 v11;
	[tilespmem:v5+s1+$0x0] =	vst.idx.add.s32.msk $0xffff, v2  }
0x258: {  	v5 =	vcvt.f32.s32 v10;
	s8 =	sor.u32 s10, s8;
	v9 =	vtrunc.f32 v9;
	[tilespmem:v4+s1+$0x0] =	vst.idx.add.s32.msk $0xffff, v2  }
0x259: {  	v8 =	vcvt.f32.s32 v8;
	v10 =	vcvt.f32.s32 v13;
	v4 =	vld [tilespmem:s8+$0x70]  }
0x25a: {  	v7 =	vcvt.f32.s32 v7;
	v6 =	vcvt.f32.s32 v6;
	v5 =	vshll.u32 v5, $0x4;
	[tilespmem:v15+s1+$0x0] =	vst.idx.add.s32.msk $0xffff, v2  }
0x25b: {  	v8 =	vshll.u32 v8, $0x4;
	v11 =	vcvt.f32.s32 v11;
	v9 =	vcvt.f32.s32 v9;
	v12 =	vld [tilespmem:s8+$0x0]  }
0x25c: {  	v7 =	vshll.u32 v7, $0x4;
	v10 =	vshll.u32 v10, $0x4;
	v6 =	vshll.u32 v6, $0x4;
	v13 =	vld [tilespmem:s8+$0x10]  }
0x25d: {  	v15 =	vor.u32 v0, v5;
	v5 =	vshll.u32 v11, $0x4;
	v9 =	vshll.u32 v9, $0x4;
	v14 =	vld [tilespmem:s8+$0x20]  }
0x25e: {  	v8 =	vor.u32 v0, v8;
	v7 =	vor.u32 v0, v7;
	v17 =	vor.u32 v0, v10;
	v16 =	vld [tilespmem:s8+$0x30]  }
0x25f: {  	v6 =	vor.u32 v0, v6;
	v5 =	vor.u32 v0, v5;
	v10 =	vmul.f32 $2.560000000e+02, v4;
	v18 =	vld [tilespmem:s8+$0x40]  }
.Ltmp9:
0x260: {  	v4 =	vor.u32 v0, v9;
	v12 =	vmul.f32 $2.560000000e+02, v12;
	v11 =	vld [tilespmem:s8+$0x50];
	(pc) =	sbr.rel @p0 .LBB2_20-.Ltmp9, $4  }
0x261: {  	v10 =	vtrunc.f32 v10;
	v19 =	vmul.f32 $2.560000000e+02, v13;
	v9 =	vld [tilespmem:s8+$0x60]  }
0x262: {  	v20 =	vcvt.f32.s32 v10;
	v13 =	vmul.f32 $2.560000000e+02, v14;
	[tilespmem:v15+s1+$0x0] =	vst.idx.add.s32.msk $0xffff, v2  }
0x263: {  	v10 =	vtrunc.f32 v12;
	v14 =	vmul.f32 $2.560000000e+02, v16;
	[tilespmem:v8+s1+$0x0] =	vst.idx.add.s32.msk $0xffff, v2  }
0x264: {  	v8 =	vtrunc.f32 v19;
	v15 =	vshll.u32 v20, $0x4;
	v12 =	vmul.f32 $2.560000000e+02, v18;
	[tilespmem:v17+s1+$0x0] =	vst.idx.add.s32.msk $0xffff, v2  }
0x265: {  	v13 =	vtrunc.f32 v13;
	v11 =	vmul.f32 $2.560000000e+02, v11  }
0x266: {  	v14 =	vtrunc.f32 v14;
	v10 =	vcvt.f32.s32 v10  }
0x267: {  	v8 =	vcvt.f32.s32 v8;
	v9 =	vmul.f32 $2.560000000e+02, v9  }
0x268: {  	v15 =	vor.u32 v0, v15;
	v12 =	vtrunc.f32 v12;
	v13 =	vcvt.f32.s32 v13  }
0x269: {  	[tilespmem:v7+s1+$0x0] =	vst.idx.add.s32.msk $0xffff, v2;
	v7 =	vcvt.f32.s32 v14;
	v11 =	vtrunc.f32 v11;
	v10 =	vshll.u32 v10, $0x4  }
0x26a: {  	[tilespmem:v6+s1+$0x0] =	vst.idx.add.s32.msk $0xffff, v2;
	v8 =	vshll.u32 v8, $0x4;
	v6 =	vcvt.f32.s32 v12;
	v10 =	vor.u32 v0, v10  }
0x26b: {  	v9 =	vtrunc.f32 v9;
	v12 =	vshll.u32 v13, $0x4;
	v8 =	vor.u32 v0, v8  }
0x26c: {  	[tilespmem:v5+s1+$0x0] =	vst.idx.add.s32.msk $0xffff, v2;
	v5 =	vcvt.f32.s32 v11;
	v7 =	vshll.u32 v7, $0x4;
	v11 =	vor.u32 v0, v12  }
0x26d: {  	[tilespmem:v4+s1+$0x0] =	vst.idx.add.s32.msk $0xffff, v2;
	v4 =	vcvt.f32.s32 v9;
	v6 =	vshll.u32 v6, $0x4;
	v7 =	vor.u32 v0, v7  }
0x26e: {  	[tilespmem:v15+s1+$0x0] =	vst.idx.add.s32.msk $0xffff, v2;
	v5 =	vshll.u32 v5, $0x4;
	v6 =	vor.u32 v0, v6  }
0x26f: {  	v4 =	vshll.u32 v4, $0x4;
	v5 =	vor.u32 v0, v5;
	[tilespmem:v10+s1+$0x0] =	vst.idx.add.s32.msk $0xffff, v2  }
0x270: {  	v4 =	vor.u32 v0, v4;
	[tilespmem:v8+s1+$0x0] =	vst.idx.add.s32.msk $0xffff, v2  }
0x271: {  	[tilespmem:v11+s1+$0x0] =	vst.idx.add.s32.msk $0xffff, v2  }
0x272: {  	[tilespmem:v7+s1+$0x0] =	vst.idx.add.s32.msk $0xffff, v2  }
0x273: {  	[tilespmem:v6+s1+$0x0] =	vst.idx.add.s32.msk $0xffff, v2  }
0x274: {  	[tilespmem:v5+s1+$0x0] =	vst.idx.add.s32.msk $0xffff, v2  }
0x275: {  	[tilespmem:v4+s1+$0x0] =	vst.idx.add.s32.msk $0xffff, v2  }
0x276: {  	s5 =	simm.s32 $0x0;
	s19 =	simm.s32 $0x0;
	s6 =	rddreg [dreg:$0xc]  }
0x277: {  	[tilespmem:s5], [sflag:$0x1] =	stream.linear.gather [hbm4b:s6+s5], $0x8000, $0x38;
	[tilespmem:$0x12000] =	vst v63  }
0x278: {  	s7 =	sand.u32 $0xC00, s5;
	s6 =	sand.u32 $0x7000, s19;
	_ =	swait.ge [sflag:s0], $0x8000  }
0x279: {  	s5 =	sand.u32 $0x380, s5;
	s6 =	sor.u32 s7, s6;
	[sflag:s0] =	ssyncset.done $0x0  }
0x27a: {  	s5 =	sor.u32 s5, s6;
	[sflag:s0] =	ssyncadd.s32 $0xFFFF8000  }
0x27b: {  	v4 =	vld [tilespmem:s5+$0x8070]  }
0x27c: {  	v5 =	vld [tilespmem:s5+$0x8000]  }
0x27d: {  	v6 =	vld [tilespmem:s5+$0x8010]  }
0x27e: {  	v7 =	vld [tilespmem:s5+$0x8020]  }
0x27f: {  	v8 =	vld [tilespmem:s5+$0x8030]  }
0x280: {  	v9 =	vld [tilespmem:s5+$0x8040]  }
0x281: {  	v10 =	vld [tilespmem:s5+$0x8050]  }
0x282: {  	v11 =	vld [tilespmem:s5+$0x8060]  }
0x283: {  	v4 =	vmul.f32 $2.560000000e+02, v4;
	v5 =	vmul.f32 $2.560000000e+02, v5  }
0x284: {  	v6 =	vmul.f32 $2.560000000e+02, v6;
	v7 =	vmul.f32 $2.560000000e+02, v7  }
0x285: {  	s6 =	simm.s32 $0x400;
	s5 =	simm.s32 $0x80;
	v8 =	vmul.f32 $2.560000000e+02, v8;
	v4 =	vtrunc.f32 v4  }
0x286: {  	s7 =	simm.s32 $0x20;
	s9 =	sand.u32 $0xC00, s6;
	s8 =	sand.u32 $0x7000, s5;
	v9 =	vmul.f32 $2.560000000e+02, v9;
	v4 =	vcvt.f32.s32 v4  }
0x287: {  	s10 =	sand.u32 $0x380, s7;
	s8 =	sor.u32 s9, s8;
	v10 =	vmul.f32 $2.560000000e+02, v10;
	v11 =	vmul.f32 $2.560000000e+02, v11  }
0x288: {  	s8 =	sor.u32 s10, s8;
	v5 =	vtrunc.f32 v5;
	v6 =	vtrunc.f32 v6;
	v4 =	vshll.u32 v4, $0x4  }
0x289: {  	v13 =	vld [tilespmem:s8+$0x8010];
	v7 =	vtrunc.f32 v7;
	v8 =	vtrunc.f32 v8;
	v4 =	vor.u32 v0, v4  }
0x28a: {  	v9 =	vtrunc.f32 v9;
	v10 =	vtrunc.f32 v10  }
0x28b: {  	v14 =	vld [tilespmem:s8+$0x8020];
	v11 =	vtrunc.f32 v11;
	v5 =	vcvt.f32.s32 v5  }
0x28c: {  	v12 =	vld [tilespmem:s8+$0x8070];
	v6 =	vcvt.f32.s32 v6;
	v9 =	vcvt.f32.s32 v9  }
0x28d: {  	v16 =	vld [tilespmem:s8+$0x8030];
	v10 =	vcvt.f32.s32 v10;
	v11 =	vcvt.f32.s32 v11  }
0x28e: {  	v20 =	vmul.f32 $2.560000000e+02, v13;
	v5 =	vshll.u32 v5, $0x4;
	[tilespmem:v4+s1+$0x0] =	vst.idx.add.s32.msk $0xffff, v2;
	v4 =	vcvt.f32.s32 v7  }
0x28f: {  	v6 =	vshll.u32 v6, $0x4;
	v15 =	vor.u32 v0, v5;
	v7 =	vcvt.f32.s32 v8;
	v8 =	vld [tilespmem:s8+$0x8000]  }
0x290: {  	v19 =	vld [tilespmem:s8+$0x8040];
	v13 =	vmul.f32 $2.560000000e+02, v14;
	v17 =	vor.u32 v0, v6;
	v4 =	vshll.u32 v4, $0x4  }
0x291: {  	v5 =	vshll.u32 v7, $0x4;
	v18 =	vor.u32 v0, v4;
	v4 =	vmul.f32 $2.560000000e+02, v12  }
0x292: {  	v9 =	vshll.u32 v9, $0x4;
	v12 =	vshll.u32 v11, $0x4;
	v7 =	vor.u32 v0, v5;
	v11 =	vld [tilespmem:s8+$0x8050]  }
0x293: {  	v10 =	vshll.u32 v10, $0x4;
	v6 =	vor.u32 v0, v9;
	v9 =	vld [tilespmem:s8+$0x8060];
	v4 =	vtrunc.f32 v4  }
0x294: {  	[tilespmem:v15+s1+$0x0] =	vst.idx.add.s32.msk $0xffff, v2;
	v5 =	vor.u32 v0, v10;
	v8 =	vmul.f32 $2.560000000e+02, v8;
	v21 =	vcvt.f32.s32 v4  }
0x295: {  	v14 =	vmul.f32 $2.560000000e+02, v16;
	[tilespmem:v17+s1+$0x0] =	vst.idx.add.s32.msk $0xffff, v2;
	v4 =	vor.u32 v0, v12;
	v12 =	vmul.f32 $2.560000000e+02, v19  }
0x296: {  	v10 =	vtrunc.f32 v8;
	v8 =	vtrunc.f32 v20;
	v15 =	vshll.u32 v21, $0x4;
	[tilespmem:v18+s1+$0x0] =	vst.idx.add.s32.msk $0xffff, v2  }
.LBB2_22:
0x297: {  	s5 =	sadd.s32 $0x80, s5;
	v13 =	vtrunc.f32 v13;
	v11 =	vmul.f32 $2.560000000e+02, v11;
	v15 =	vor.u32 v0, v15;
	s6 =	sadd.s32 $0x400, s6;
	[tilespmem:v7+s1+$0x0] =	vst.idx.add.s32.msk $0xffff, v2  }
0x298: {  	v7 =	vtrunc.f32 v14;
	s7 =	sadd.s32 $0x20, s7;
	s8 =	sand.u32 $0x7000, s5;
	s9 =	sand.u32 $0xC00, s6;
	v9 =	vmul.f32 $2.560000000e+02, v9;
	[tilespmem:v6+s1+$0x0] =	vst.idx.add.s32.msk $0xffff, v2  }
0x299: {  	s10 =	sand.u32 $0x380, s7;
	p0 =	slt.u32 s5, $0x7F80;
	v6 =	vtrunc.f32 v12;
	s8 =	sor.u32 s9, s8;
	v11 =	vtrunc.f32 v11;
	[tilespmem:v5+s1+$0x0] =	vst.idx.add.s32.msk $0xffff, v2  }
0x29a: {  	v5 =	vcvt.f32.s32 v10;
	s8 =	sor.u32 s10, s8;
	v9 =	vtrunc.f32 v9;
	[tilespmem:v4+s1+$0x0] =	vst.idx.add.s32.msk $0xffff, v2  }
0x29b: {  	v8 =	vcvt.f32.s32 v8;
	v10 =	vcvt.f32.s32 v13;
	v4 =	vld [tilespmem:s8+$0x8070]  }
0x29c: {  	v7 =	vcvt.f32.s32 v7;
	v6 =	vcvt.f32.s32 v6;
	v5 =	vshll.u32 v5, $0x4;
	[tilespmem:v15+s1+$0x0] =	vst.idx.add.s32.msk $0xffff, v2  }
0x29d: {  	v8 =	vshll.u32 v8, $0x4;
	v11 =	vcvt.f32.s32 v11;
	v9 =	vcvt.f32.s32 v9;
	v12 =	vld [tilespmem:s8+$0x8000]  }
0x29e: {  	v7 =	vshll.u32 v7, $0x4;
	v10 =	vshll.u32 v10, $0x4;
	v6 =	vshll.u32 v6, $0x4;
	v13 =	vld [tilespmem:s8+$0x8010]  }
0x29f: {  	v15 =	vor.u32 v0, v5;
	v5 =	vshll.u32 v11, $0x4;
	v9 =	vshll.u32 v9, $0x4;
	v14 =	vld [tilespmem:s8+$0x8020]  }
0x2a0: {  	v8 =	vor.u32 v0, v8;
	v7 =	vor.u32 v0, v7;
	v17 =	vor.u32 v0, v10;
	v16 =	vld [tilespmem:s8+$0x8030]  }
0x2a1: {  	v6 =	vor.u32 v0, v6;
	v5 =	vor.u32 v0, v5;
	v10 =	vmul.f32 $2.560000000e+02, v4;
	v18 =	vld [tilespmem:s8+$0x8040]  }
.Ltmp10:
0x2a2: {  	v4 =	vor.u32 v0, v9;
	v12 =	vmul.f32 $2.560000000e+02, v12;
	v11 =	vld [tilespmem:s8+$0x8050];
	(pc) =	sbr.rel @p0 .LBB2_22-.Ltmp10, $4  }
0x2a3: {  	v10 =	vtrunc.f32 v10;
	v19 =	vmul.f32 $2.560000000e+02, v13;
	v9 =	vld [tilespmem:s8+$0x8060]  }
0x2a4: {  	v20 =	vcvt.f32.s32 v10;
	v13 =	vmul.f32 $2.560000000e+02, v14;
	[tilespmem:v15+s1+$0x0] =	vst.idx.add.s32.msk $0xffff, v2  }
0x2a5: {  	v10 =	vtrunc.f32 v12;
	v14 =	vmul.f32 $2.560000000e+02, v16;
	[tilespmem:v8+s1+$0x0] =	vst.idx.add.s32.msk $0xffff, v2  }
0x2a6: {  	v8 =	vtrunc.f32 v19;
	v15 =	vshll.u32 v20, $0x4;
	v12 =	vmul.f32 $2.560000000e+02, v18;
	[tilespmem:v17+s1+$0x0] =	vst.idx.add.s32.msk $0xffff, v2  }
0x2a7: {  	v13 =	vtrunc.f32 v13;
	v11 =	vmul.f32 $2.560000000e+02, v11  }
0x2a8: {  	v14 =	vtrunc.f32 v14;
	v10 =	vcvt.f32.s32 v10  }
0x2a9: {  	v8 =	vcvt.f32.s32 v8;
	v9 =	vmul.f32 $2.560000000e+02, v9  }
0x2aa: {  	v15 =	vor.u32 v0, v15;
	v12 =	vtrunc.f32 v12;
	v13 =	vcvt.f32.s32 v13  }
0x2ab: {  	[tilespmem:v7+s1+$0x0] =	vst.idx.add.s32.msk $0xffff, v2;
	v7 =	vcvt.f32.s32 v14;
	v11 =	vtrunc.f32 v11;
	v10 =	vshll.u32 v10, $0x4  }
0x2ac: {  	[tilespmem:v6+s1+$0x0] =	vst.idx.add.s32.msk $0xffff, v2;
	v8 =	vshll.u32 v8, $0x4;
	v6 =	vcvt.f32.s32 v12;
	v10 =	vor.u32 v0, v10  }
0x2ad: {  	v9 =	vtrunc.f32 v9;
	v12 =	vshll.u32 v13, $0x4;
	v8 =	vor.u32 v0, v8  }
0x2ae: {  	[tilespmem:v5+s1+$0x0] =	vst.idx.add.s32.msk $0xffff, v2;
	v5 =	vcvt.f32.s32 v11;
	v7 =	vshll.u32 v7, $0x4;
	v11 =	vor.u32 v0, v12  }
0x2af: {  	[tilespmem:v4+s1+$0x0] =	vst.idx.add.s32.msk $0xffff, v2;
	v4 =	vcvt.f32.s32 v9;
	v6 =	vshll.u32 v6, $0x4;
	v7 =	vor.u32 v0, v7  }
0x2b0: {  	[tilespmem:v15+s1+$0x0] =	vst.idx.add.s32.msk $0xffff, v2;
	v5 =	vshll.u32 v5, $0x4;
	v6 =	vor.u32 v0, v6  }
0x2b1: {  	v4 =	vshll.u32 v4, $0x4;
	v5 =	vor.u32 v0, v5;
	[tilespmem:v10+s1+$0x0] =	vst.idx.add.s32.msk $0xffff, v2  }
0x2b2: {  	v4 =	vor.u32 v0, v4;
	[tilespmem:v8+s1+$0x0] =	vst.idx.add.s32.msk $0xffff, v2  }
0x2b3: {  	[tilespmem:v11+s1+$0x0] =	vst.idx.add.s32.msk $0xffff, v2  }
0x2b4: {  	[tilespmem:v7+s1+$0x0] =	vst.idx.add.s32.msk $0xffff, v2  }
0x2b5: {  	[tilespmem:v6+s1+$0x0] =	vst.idx.add.s32.msk $0xffff, v2  }
0x2b6: {  	[tilespmem:v5+s1+$0x0] =	vst.idx.add.s32.msk $0xffff, v2  }
0x2b7: {  	[tilespmem:v4+s1+$0x0] =	vst.idx.add.s32.msk $0xffff, v2  }
0x2b8: {  	s5 =	simm.s32 $0x0;
	s19 =	simm.s32 $0x0;
	s6 =	rddreg [dreg:$0xd]  }
0x2b9: {  	[tilespmem:s30], [sflag:$0x2] =	stream.linear.gather [hbm4b:s6+s5], $0x8000, $0x38;
	[tilespmem:$0x12000] =	vst v63  }
0x2ba: {  	s7 =	sand.u32 $0xC00, s5;
	s6 =	sand.u32 $0x7000, s19;
	_ =	swait.ge [sflag:s31], $0x8000  }
0x2bb: {  	s5 =	sand.u32 $0x380, s5;
	s6 =	sor.u32 s7, s6;
	[sflag:s31] =	ssyncset.done $0x0  }
0x2bc: {  	s5 =	sor.u32 s5, s6;
	[sflag:s31] =	ssyncadd.s32 $0xFFFF8000  }
0x2bd: {  	v4 =	vld [tilespmem:s5+$0x70]  }
0x2be: {  	v5 =	vld [tilespmem:s5+$0x0]  }
0x2bf: {  	v6 =	vld [tilespmem:s5+$0x10]  }
0x2c0: {  	v7 =	vld [tilespmem:s5+$0x20]  }
0x2c1: {  	v8 =	vld [tilespmem:s5+$0x30]  }
0x2c2: {  	v9 =	vld [tilespmem:s5+$0x40]  }
0x2c3: {  	v10 =	vld [tilespmem:s5+$0x50]  }
0x2c4: {  	v11 =	vld [tilespmem:s5+$0x60]  }
0x2c5: {  	v4 =	vmul.f32 $2.560000000e+02, v4;
	v5 =	vmul.f32 $2.560000000e+02, v5  }
0x2c6: {  	v6 =	vmul.f32 $2.560000000e+02, v6;
	v7 =	vmul.f32 $2.560000000e+02, v7  }
0x2c7: {  	s6 =	simm.s32 $0x400;
	s5 =	simm.s32 $0x80;
	v8 =	vmul.f32 $2.560000000e+02, v8;
	v4 =	vtrunc.f32 v4  }
0x2c8: {  	s7 =	simm.s32 $0x20;
	s9 =	sand.u32 $0xC00, s6;
	s8 =	sand.u32 $0x7000, s5;
	v9 =	vmul.f32 $2.560000000e+02, v9;
	v4 =	vcvt.f32.s32 v4  }
0x2c9: {  	s10 =	sand.u32 $0x380, s7;
	s8 =	sor.u32 s9, s8;
	v10 =	vmul.f32 $2.560000000e+02, v10;
	v11 =	vmul.f32 $2.560000000e+02, v11  }
0x2ca: {  	s8 =	sor.u32 s10, s8;
	v5 =	vtrunc.f32 v5;
	v6 =	vtrunc.f32 v6;
	v4 =	vshll.u32 v4, $0x4  }
0x2cb: {  	v13 =	vld [tilespmem:s8+$0x10];
	v7 =	vtrunc.f32 v7;
	v8 =	vtrunc.f32 v8;
	v4 =	vor.u32 v0, v4  }
0x2cc: {  	v9 =	vtrunc.f32 v9;
	v10 =	vtrunc.f32 v10  }
0x2cd: {  	v14 =	vld [tilespmem:s8+$0x20];
	v11 =	vtrunc.f32 v11;
	v5 =	vcvt.f32.s32 v5  }
0x2ce: {  	v12 =	vld [tilespmem:s8+$0x70];
	v6 =	vcvt.f32.s32 v6;
	v9 =	vcvt.f32.s32 v9  }
0x2cf: {  	v16 =	vld [tilespmem:s8+$0x30];
	v10 =	vcvt.f32.s32 v10;
	v11 =	vcvt.f32.s32 v11  }
0x2d0: {  	v20 =	vmul.f32 $2.560000000e+02, v13;
	v5 =	vshll.u32 v5, $0x4;
	[tilespmem:v4+s1+$0x0] =	vst.idx.add.s32.msk $0xffff, v2;
	v4 =	vcvt.f32.s32 v7  }
0x2d1: {  	v6 =	vshll.u32 v6, $0x4;
	v15 =	vor.u32 v0, v5;
	v7 =	vcvt.f32.s32 v8;
	v8 =	vld [tilespmem:s8+$0x0]  }
0x2d2: {  	v19 =	vld [tilespmem:s8+$0x40];
	v13 =	vmul.f32 $2.560000000e+02, v14;
	v17 =	vor.u32 v0, v6;
	v4 =	vshll.u32 v4, $0x4  }
0x2d3: {  	v5 =	vshll.u32 v7, $0x4;
	v18 =	vor.u32 v0, v4;
	v4 =	vmul.f32 $2.560000000e+02, v12  }
0x2d4: {  	v9 =	vshll.u32 v9, $0x4;
	v12 =	vshll.u32 v11, $0x4;
	v7 =	vor.u32 v0, v5;
	v11 =	vld [tilespmem:s8+$0x50]  }
0x2d5: {  	v10 =	vshll.u32 v10, $0x4;
	v6 =	vor.u32 v0, v9;
	v9 =	vld [tilespmem:s8+$0x60];
	v4 =	vtrunc.f32 v4  }
0x2d6: {  	[tilespmem:v15+s1+$0x0] =	vst.idx.add.s32.msk $0xffff, v2;
	v5 =	vor.u32 v0, v10;
	v8 =	vmul.f32 $2.560000000e+02, v8;
	v21 =	vcvt.f32.s32 v4  }
0x2d7: {  	v14 =	vmul.f32 $2.560000000e+02, v16;
	[tilespmem:v17+s1+$0x0] =	vst.idx.add.s32.msk $0xffff, v2;
	v4 =	vor.u32 v0, v12;
	v12 =	vmul.f32 $2.560000000e+02, v19  }
0x2d8: {  	v10 =	vtrunc.f32 v8;
	v8 =	vtrunc.f32 v20;
	v15 =	vshll.u32 v21, $0x4;
	[tilespmem:v18+s1+$0x0] =	vst.idx.add.s32.msk $0xffff, v2  }
.LBB2_24:
0x2d9: {  	s5 =	sadd.s32 $0x80, s5;
	v13 =	vtrunc.f32 v13;
	v11 =	vmul.f32 $2.560000000e+02, v11;
	v15 =	vor.u32 v0, v15;
	s6 =	sadd.s32 $0x400, s6;
	[tilespmem:v7+s1+$0x0] =	vst.idx.add.s32.msk $0xffff, v2  }
0x2da: {  	v7 =	vtrunc.f32 v14;
	s7 =	sadd.s32 $0x20, s7;
	s8 =	sand.u32 $0x7000, s5;
	s9 =	sand.u32 $0xC00, s6;
	v9 =	vmul.f32 $2.560000000e+02, v9;
	[tilespmem:v6+s1+$0x0] =	vst.idx.add.s32.msk $0xffff, v2  }
0x2db: {  	s10 =	sand.u32 $0x380, s7;
	p0 =	slt.u32 s5, $0x7F80;
	v6 =	vtrunc.f32 v12;
	s8 =	sor.u32 s9, s8;
	v11 =	vtrunc.f32 v11;
	[tilespmem:v5+s1+$0x0] =	vst.idx.add.s32.msk $0xffff, v2  }
0x2dc: {  	v5 =	vcvt.f32.s32 v10;
	s8 =	sor.u32 s10, s8;
	v9 =	vtrunc.f32 v9;
	[tilespmem:v4+s1+$0x0] =	vst.idx.add.s32.msk $0xffff, v2  }
0x2dd: {  	v8 =	vcvt.f32.s32 v8;
	v10 =	vcvt.f32.s32 v13;
	v4 =	vld [tilespmem:s8+$0x70]  }
0x2de: {  	v7 =	vcvt.f32.s32 v7;
	v6 =	vcvt.f32.s32 v6;
	v5 =	vshll.u32 v5, $0x4;
	[tilespmem:v15+s1+$0x0] =	vst.idx.add.s32.msk $0xffff, v2  }
0x2df: {  	v8 =	vshll.u32 v8, $0x4;
	v11 =	vcvt.f32.s32 v11;
	v9 =	vcvt.f32.s32 v9;
	v12 =	vld [tilespmem:s8+$0x0]  }
0x2e0: {  	v7 =	vshll.u32 v7, $0x4;
	v10 =	vshll.u32 v10, $0x4;
	v6 =	vshll.u32 v6, $0x4;
	v13 =	vld [tilespmem:s8+$0x10]  }
0x2e1: {  	v15 =	vor.u32 v0, v5;
	v5 =	vshll.u32 v11, $0x4;
	v9 =	vshll.u32 v9, $0x4;
	v14 =	vld [tilespmem:s8+$0x20]  }
0x2e2: {  	v8 =	vor.u32 v0, v8;
	v7 =	vor.u32 v0, v7;
	v17 =	vor.u32 v0, v10;
	v16 =	vld [tilespmem:s8+$0x30]  }
0x2e3: {  	v6 =	vor.u32 v0, v6;
	v5 =	vor.u32 v0, v5;
	v10 =	vmul.f32 $2.560000000e+02, v4;
	v18 =	vld [tilespmem:s8+$0x40]  }
.Ltmp11:
0x2e4: {  	v4 =	vor.u32 v0, v9;
	v12 =	vmul.f32 $2.560000000e+02, v12;
	v11 =	vld [tilespmem:s8+$0x50];
	(pc) =	sbr.rel @p0 .LBB2_24-.Ltmp11, $4  }
0x2e5: {  	v10 =	vtrunc.f32 v10;
	v19 =	vmul.f32 $2.560000000e+02, v13;
	v9 =	vld [tilespmem:s8+$0x60]  }
0x2e6: {  	v20 =	vcvt.f32.s32 v10;
	v13 =	vmul.f32 $2.560000000e+02, v14;
	[tilespmem:v15+s1+$0x0] =	vst.idx.add.s32.msk $0xffff, v2  }
0x2e7: {  	v10 =	vtrunc.f32 v12;
	v14 =	vmul.f32 $2.560000000e+02, v16;
	[tilespmem:v8+s1+$0x0] =	vst.idx.add.s32.msk $0xffff, v2  }
0x2e8: {  	v8 =	vtrunc.f32 v19;
	v15 =	vshll.u32 v20, $0x4;
	v12 =	vmul.f32 $2.560000000e+02, v18;
	[tilespmem:v17+s1+$0x0] =	vst.idx.add.s32.msk $0xffff, v2  }
0x2e9: {  	v13 =	vtrunc.f32 v13;
	v11 =	vmul.f32 $2.560000000e+02, v11  }
0x2ea: {  	v14 =	vtrunc.f32 v14;
	v10 =	vcvt.f32.s32 v10  }
0x2eb: {  	v8 =	vcvt.f32.s32 v8;
	v9 =	vmul.f32 $2.560000000e+02, v9  }
0x2ec: {  	v15 =	vor.u32 v0, v15;
	v12 =	vtrunc.f32 v12;
	v13 =	vcvt.f32.s32 v13  }
0x2ed: {  	[tilespmem:v7+s1+$0x0] =	vst.idx.add.s32.msk $0xffff, v2;
	v7 =	vcvt.f32.s32 v14;
	v11 =	vtrunc.f32 v11;
	v10 =	vshll.u32 v10, $0x4  }
0x2ee: {  	[tilespmem:v6+s1+$0x0] =	vst.idx.add.s32.msk $0xffff, v2;
	v8 =	vshll.u32 v8, $0x4;
	v6 =	vcvt.f32.s32 v12;
	v10 =	vor.u32 v0, v10  }
0x2ef: {  	v9 =	vtrunc.f32 v9;
	v12 =	vshll.u32 v13, $0x4;
	v8 =	vor.u32 v0, v8  }
0x2f0: {  	[tilespmem:v5+s1+$0x0] =	vst.idx.add.s32.msk $0xffff, v2;
	v5 =	vcvt.f32.s32 v11;
	v7 =	vshll.u32 v7, $0x4;
	v11 =	vor.u32 v0, v12  }
0x2f1: {  	[tilespmem:v4+s1+$0x0] =	vst.idx.add.s32.msk $0xffff, v2;
	v4 =	vcvt.f32.s32 v9;
	v6 =	vshll.u32 v6, $0x4;
	v7 =	vor.u32 v0, v7  }
0x2f2: {  	[tilespmem:v15+s1+$0x0] =	vst.idx.add.s32.msk $0xffff, v2;
	v5 =	vshll.u32 v5, $0x4;
	v6 =	vor.u32 v0, v6  }
0x2f3: {  	v4 =	vshll.u32 v4, $0x4;
	v5 =	vor.u32 v0, v5;
	[tilespmem:v10+s1+$0x0] =	vst.idx.add.s32.msk $0xffff, v2  }
0x2f4: {  	v4 =	vor.u32 v0, v4;
	[tilespmem:v8+s1+$0x0] =	vst.idx.add.s32.msk $0xffff, v2  }
0x2f5: {  	[tilespmem:v11+s1+$0x0] =	vst.idx.add.s32.msk $0xffff, v2  }
0x2f6: {  	[tilespmem:v7+s1+$0x0] =	vst.idx.add.s32.msk $0xffff, v2  }
0x2f7: {  	[tilespmem:v6+s1+$0x0] =	vst.idx.add.s32.msk $0xffff, v2  }
0x2f8: {  	[tilespmem:v5+s1+$0x0] =	vst.idx.add.s32.msk $0xffff, v2  }
0x2f9: {  	[tilespmem:v4+s1+$0x0] =	vst.idx.add.s32.msk $0xffff, v2  }
0x2fa: {  	s5 =	simm.s32 $0x0;
	s19 =	simm.s32 $0x0;
	s6 =	rddreg [dreg:$0xe]  }
0x2fb: {  	[tilespmem:s5], [sflag:$0x1] =	stream.linear.gather [hbm4b:s6+s5], $0x8000, $0x38;
	[tilespmem:$0x12000] =	vst v63  }
0x2fc: {  	s7 =	sand.u32 $0xC00, s5;
	s6 =	sand.u32 $0x7000, s19;
	_ =	swait.ge [sflag:s0], $0x8000  }
0x2fd: {  	s5 =	sand.u32 $0x380, s5;
	s6 =	sor.u32 s7, s6;
	[sflag:s0] =	ssyncset.done $0x0  }
0x2fe: {  	s5 =	sor.u32 s5, s6;
	[sflag:s0] =	ssyncadd.s32 $0xFFFF8000  }
0x2ff: {  	v4 =	vld [tilespmem:s5+$0x8070]  }
0x300: {  	v5 =	vld [tilespmem:s5+$0x8000]  }
0x301: {  	v6 =	vld [tilespmem:s5+$0x8010]  }
0x302: {  	v7 =	vld [tilespmem:s5+$0x8020]  }
0x303: {  	v8 =	vld [tilespmem:s5+$0x8030]  }
0x304: {  	v9 =	vld [tilespmem:s5+$0x8040]  }
0x305: {  	v10 =	vld [tilespmem:s5+$0x8050]  }
0x306: {  	v11 =	vld [tilespmem:s5+$0x8060]  }
0x307: {  	v4 =	vmul.f32 $2.560000000e+02, v4;
	v5 =	vmul.f32 $2.560000000e+02, v5  }
0x308: {  	v6 =	vmul.f32 $2.560000000e+02, v6;
	v7 =	vmul.f32 $2.560000000e+02, v7  }
0x309: {  	s6 =	simm.s32 $0x400;
	s5 =	simm.s32 $0x80;
	v8 =	vmul.f32 $2.560000000e+02, v8;
	v4 =	vtrunc.f32 v4  }
0x30a: {  	s7 =	simm.s32 $0x20;
	s9 =	sand.u32 $0xC00, s6;
	s8 =	sand.u32 $0x7000, s5;
	v9 =	vmul.f32 $2.560000000e+02, v9;
	v4 =	vcvt.f32.s32 v4  }
0x30b: {  	s10 =	sand.u32 $0x380, s7;
	s8 =	sor.u32 s9, s8;
	v10 =	vmul.f32 $2.560000000e+02, v10;
	v11 =	vmul.f32 $2.560000000e+02, v11  }
0x30c: {  	s8 =	sor.u32 s10, s8;
	v5 =	vtrunc.f32 v5;
	v6 =	vtrunc.f32 v6;
	v4 =	vshll.u32 v4, $0x4  }
0x30d: {  	v13 =	vld [tilespmem:s8+$0x8010];
	v7 =	vtrunc.f32 v7;
	v8 =	vtrunc.f32 v8;
	v4 =	vor.u32 v0, v4  }
0x30e: {  	v9 =	vtrunc.f32 v9;
	v10 =	vtrunc.f32 v10  }
0x30f: {  	v14 =	vld [tilespmem:s8+$0x8020];
	v11 =	vtrunc.f32 v11;
	v5 =	vcvt.f32.s32 v5  }
0x310: {  	v12 =	vld [tilespmem:s8+$0x8070];
	v6 =	vcvt.f32.s32 v6;
	v9 =	vcvt.f32.s32 v9  }
0x311: {  	v16 =	vld [tilespmem:s8+$0x8030];
	v10 =	vcvt.f32.s32 v10;
	v11 =	vcvt.f32.s32 v11  }
0x312: {  	v20 =	vmul.f32 $2.560000000e+02, v13;
	v5 =	vshll.u32 v5, $0x4;
	[tilespmem:v4+s1+$0x0] =	vst.idx.add.s32.msk $0xffff, v2;
	v4 =	vcvt.f32.s32 v7  }
0x313: {  	v6 =	vshll.u32 v6, $0x4;
	v15 =	vor.u32 v0, v5;
	v7 =	vcvt.f32.s32 v8;
	v8 =	vld [tilespmem:s8+$0x8000]  }
0x314: {  	v19 =	vld [tilespmem:s8+$0x8040];
	v13 =	vmul.f32 $2.560000000e+02, v14;
	v17 =	vor.u32 v0, v6;
	v4 =	vshll.u32 v4, $0x4  }
0x315: {  	v5 =	vshll.u32 v7, $0x4;
	v18 =	vor.u32 v0, v4;
	v4 =	vmul.f32 $2.560000000e+02, v12  }
0x316: {  	v9 =	vshll.u32 v9, $0x4;
	v12 =	vshll.u32 v11, $0x4;
	v7 =	vor.u32 v0, v5;
	v11 =	vld [tilespmem:s8+$0x8050]  }
0x317: {  	v10 =	vshll.u32 v10, $0x4;
	v6 =	vor.u32 v0, v9;
	v9 =	vld [tilespmem:s8+$0x8060];
	v4 =	vtrunc.f32 v4  }
0x318: {  	[tilespmem:v15+s1+$0x0] =	vst.idx.add.s32.msk $0xffff, v2;
	v5 =	vor.u32 v0, v10;
	v8 =	vmul.f32 $2.560000000e+02, v8;
	v21 =	vcvt.f32.s32 v4  }
0x319: {  	v14 =	vmul.f32 $2.560000000e+02, v16;
	[tilespmem:v17+s1+$0x0] =	vst.idx.add.s32.msk $0xffff, v2;
	v4 =	vor.u32 v0, v12;
	v12 =	vmul.f32 $2.560000000e+02, v19  }
0x31a: {  	v10 =	vtrunc.f32 v8;
	v8 =	vtrunc.f32 v20;
	v15 =	vshll.u32 v21, $0x4;
	[tilespmem:v18+s1+$0x0] =	vst.idx.add.s32.msk $0xffff, v2  }
.LBB2_26:
0x31b: {  	s5 =	sadd.s32 $0x80, s5;
	v13 =	vtrunc.f32 v13;
	v11 =	vmul.f32 $2.560000000e+02, v11;
	v15 =	vor.u32 v0, v15;
	s6 =	sadd.s32 $0x400, s6;
	[tilespmem:v7+s1+$0x0] =	vst.idx.add.s32.msk $0xffff, v2  }
0x31c: {  	v7 =	vtrunc.f32 v14;
	s7 =	sadd.s32 $0x20, s7;
	s8 =	sand.u32 $0x7000, s5;
	s9 =	sand.u32 $0xC00, s6;
	v9 =	vmul.f32 $2.560000000e+02, v9;
	[tilespmem:v6+s1+$0x0] =	vst.idx.add.s32.msk $0xffff, v2  }
0x31d: {  	s10 =	sand.u32 $0x380, s7;
	p0 =	slt.u32 s5, $0x7F80;
	v6 =	vtrunc.f32 v12;
	s8 =	sor.u32 s9, s8;
	v11 =	vtrunc.f32 v11;
	[tilespmem:v5+s1+$0x0] =	vst.idx.add.s32.msk $0xffff, v2  }
0x31e: {  	v5 =	vcvt.f32.s32 v10;
	s8 =	sor.u32 s10, s8;
	v9 =	vtrunc.f32 v9;
	[tilespmem:v4+s1+$0x0] =	vst.idx.add.s32.msk $0xffff, v2  }
0x31f: {  	v8 =	vcvt.f32.s32 v8;
	v10 =	vcvt.f32.s32 v13;
	v4 =	vld [tilespmem:s8+$0x8070]  }
0x320: {  	v7 =	vcvt.f32.s32 v7;
	v6 =	vcvt.f32.s32 v6;
	v5 =	vshll.u32 v5, $0x4;
	[tilespmem:v15+s1+$0x0] =	vst.idx.add.s32.msk $0xffff, v2  }
0x321: {  	v8 =	vshll.u32 v8, $0x4;
	v11 =	vcvt.f32.s32 v11;
	v9 =	vcvt.f32.s32 v9;
	v12 =	vld [tilespmem:s8+$0x8000]  }
0x322: {  	v7 =	vshll.u32 v7, $0x4;
	v10 =	vshll.u32 v10, $0x4;
	v6 =	vshll.u32 v6, $0x4;
	v13 =	vld [tilespmem:s8+$0x8010]  }
0x323: {  	v15 =	vor.u32 v0, v5;
	v5 =	vshll.u32 v11, $0x4;
	v9 =	vshll.u32 v9, $0x4;
	v14 =	vld [tilespmem:s8+$0x8020]  }
0x324: {  	v8 =	vor.u32 v0, v8;
	v7 =	vor.u32 v0, v7;
	v17 =	vor.u32 v0, v10;
	v16 =	vld [tilespmem:s8+$0x8030]  }
0x325: {  	v6 =	vor.u32 v0, v6;
	v5 =	vor.u32 v0, v5;
	v10 =	vmul.f32 $2.560000000e+02, v4;
	v18 =	vld [tilespmem:s8+$0x8040]  }
.Ltmp12:
0x326: {  	v4 =	vor.u32 v0, v9;
	v12 =	vmul.f32 $2.560000000e+02, v12;
	v11 =	vld [tilespmem:s8+$0x8050];
	(pc) =	sbr.rel @p0 .LBB2_26-.Ltmp12, $4  }
0x327: {  	v10 =	vtrunc.f32 v10;
	v19 =	vmul.f32 $2.560000000e+02, v13;
	v9 =	vld [tilespmem:s8+$0x8060]  }
0x328: {  	v20 =	vcvt.f32.s32 v10;
	v13 =	vmul.f32 $2.560000000e+02, v14;
	[tilespmem:v15+s1+$0x0] =	vst.idx.add.s32.msk $0xffff, v2  }
0x329: {  	v10 =	vtrunc.f32 v12;
	v14 =	vmul.f32 $2.560000000e+02, v16;
	[tilespmem:v8+s1+$0x0] =	vst.idx.add.s32.msk $0xffff, v2  }
0x32a: {  	v8 =	vtrunc.f32 v19;
	v15 =	vshll.u32 v20, $0x4;
	v12 =	vmul.f32 $2.560000000e+02, v18;
	[tilespmem:v17+s1+$0x0] =	vst.idx.add.s32.msk $0xffff, v2  }
0x32b: {  	v13 =	vtrunc.f32 v13;
	v11 =	vmul.f32 $2.560000000e+02, v11  }
0x32c: {  	v14 =	vtrunc.f32 v14;
	v10 =	vcvt.f32.s32 v10  }
0x32d: {  	v8 =	vcvt.f32.s32 v8;
	v9 =	vmul.f32 $2.560000000e+02, v9  }
0x32e: {  	v15 =	vor.u32 v0, v15;
	v12 =	vtrunc.f32 v12;
	v13 =	vcvt.f32.s32 v13  }
0x32f: {  	[tilespmem:v7+s1+$0x0] =	vst.idx.add.s32.msk $0xffff, v2;
	v7 =	vcvt.f32.s32 v14;
	v11 =	vtrunc.f32 v11;
	v10 =	vshll.u32 v10, $0x4  }
0x330: {  	[tilespmem:v6+s1+$0x0] =	vst.idx.add.s32.msk $0xffff, v2;
	v8 =	vshll.u32 v8, $0x4;
	v6 =	vcvt.f32.s32 v12;
	v10 =	vor.u32 v0, v10  }
0x331: {  	v9 =	vtrunc.f32 v9;
	v12 =	vshll.u32 v13, $0x4;
	v8 =	vor.u32 v0, v8  }
0x332: {  	[tilespmem:v5+s1+$0x0] =	vst.idx.add.s32.msk $0xffff, v2;
	v5 =	vcvt.f32.s32 v11;
	v7 =	vshll.u32 v7, $0x4;
	v11 =	vor.u32 v0, v12  }
0x333: {  	[tilespmem:v4+s1+$0x0] =	vst.idx.add.s32.msk $0xffff, v2;
	v4 =	vcvt.f32.s32 v9;
	v6 =	vshll.u32 v6, $0x4;
	v7 =	vor.u32 v0, v7  }
0x334: {  	[tilespmem:v15+s1+$0x0] =	vst.idx.add.s32.msk $0xffff, v2;
	v5 =	vshll.u32 v5, $0x4;
	v6 =	vor.u32 v0, v6  }
0x335: {  	v4 =	vshll.u32 v4, $0x4;
	v5 =	vor.u32 v0, v5;
	[tilespmem:v10+s1+$0x0] =	vst.idx.add.s32.msk $0xffff, v2  }
0x336: {  	v4 =	vor.u32 v0, v4;
	[tilespmem:v8+s1+$0x0] =	vst.idx.add.s32.msk $0xffff, v2  }
0x337: {  	[tilespmem:v11+s1+$0x0] =	vst.idx.add.s32.msk $0xffff, v2  }
0x338: {  	[tilespmem:v7+s1+$0x0] =	vst.idx.add.s32.msk $0xffff, v2  }
0x339: {  	[tilespmem:v6+s1+$0x0] =	vst.idx.add.s32.msk $0xffff, v2  }
0x33a: {  	[tilespmem:v5+s1+$0x0] =	vst.idx.add.s32.msk $0xffff, v2  }
0x33b: {  	[tilespmem:v4+s1+$0x0] =	vst.idx.add.s32.msk $0xffff, v2  }
0x33c: {  	s5 =	simm.s32 $0x0;
	s19 =	simm.s32 $0x0;
	s6 =	rddreg [dreg:$0xf]  }
0x33d: {  	[tilespmem:s30], [sflag:$0x2] =	stream.linear.gather [hbm4b:s6+s5], $0x8000, $0x38;
	[tilespmem:$0x12000] =	vst v63  }
0x33e: {  	s7 =	sand.u32 $0xC00, s5;
	s6 =	sand.u32 $0x7000, s19;
	_ =	swait.ge [sflag:s31], $0x8000  }
0x33f: {  	s5 =	sand.u32 $0x380, s5;
	s6 =	sor.u32 s7, s6;
	[sflag:s31] =	ssyncset.done $0x0  }
0x340: {  	s5 =	sor.u32 s5, s6;
	[sflag:s31] =	ssyncadd.s32 $0xFFFF8000  }
0x341: {  	v4 =	vld [tilespmem:s5+$0x70]  }
0x342: {  	v5 =	vld [tilespmem:s5+$0x0]  }
0x343: {  	v6 =	vld [tilespmem:s5+$0x10]  }
0x344: {  	v7 =	vld [tilespmem:s5+$0x20]  }
0x345: {  	v8 =	vld [tilespmem:s5+$0x30]  }
0x346: {  	v9 =	vld [tilespmem:s5+$0x40]  }
0x347: {  	v10 =	vld [tilespmem:s5+$0x50]  }
0x348: {  	v11 =	vld [tilespmem:s5+$0x60]  }
0x349: {  	v4 =	vmul.f32 $2.560000000e+02, v4;
	v5 =	vmul.f32 $2.560000000e+02, v5  }
0x34a: {  	v6 =	vmul.f32 $2.560000000e+02, v6;
	v7 =	vmul.f32 $2.560000000e+02, v7  }
0x34b: {  	s6 =	simm.s32 $0x400;
	s5 =	simm.s32 $0x80;
	v8 =	vmul.f32 $2.560000000e+02, v8;
	v4 =	vtrunc.f32 v4  }
0x34c: {  	s7 =	simm.s32 $0x20;
	s9 =	sand.u32 $0xC00, s6;
	s8 =	sand.u32 $0x7000, s5;
	v9 =	vmul.f32 $2.560000000e+02, v9;
	v4 =	vcvt.f32.s32 v4  }
0x34d: {  	s10 =	sand.u32 $0x380, s7;
	s8 =	sor.u32 s9, s8;
	v10 =	vmul.f32 $2.560000000e+02, v10;
	v11 =	vmul.f32 $2.560000000e+02, v11  }
0x34e: {  	s8 =	sor.u32 s10, s8;
	v5 =	vtrunc.f32 v5;
	v6 =	vtrunc.f32 v6;
	v4 =	vshll.u32 v4, $0x4  }
0x34f: {  	v13 =	vld [tilespmem:s8+$0x10];
	v7 =	vtrunc.f32 v7;
	v8 =	vtrunc.f32 v8;
	v4 =	vor.u32 v0, v4  }
0x350: {  	v9 =	vtrunc.f32 v9;
	v10 =	vtrunc.f32 v10  }
0x351: {  	v14 =	vld [tilespmem:s8+$0x20];
	v11 =	vtrunc.f32 v11;
	v5 =	vcvt.f32.s32 v5  }
0x352: {  	v12 =	vld [tilespmem:s8+$0x70];
	v6 =	vcvt.f32.s32 v6;
	v9 =	vcvt.f32.s32 v9  }
0x353: {  	v16 =	vld [tilespmem:s8+$0x30];
	v10 =	vcvt.f32.s32 v10;
	v11 =	vcvt.f32.s32 v11  }
0x354: {  	v20 =	vmul.f32 $2.560000000e+02, v13;
	v5 =	vshll.u32 v5, $0x4;
	[tilespmem:v4+s1+$0x0] =	vst.idx.add.s32.msk $0xffff, v2;
	v4 =	vcvt.f32.s32 v7  }
0x355: {  	v6 =	vshll.u32 v6, $0x4;
	v15 =	vor.u32 v0, v5;
	v7 =	vcvt.f32.s32 v8;
	v8 =	vld [tilespmem:s8+$0x0]  }
0x356: {  	v19 =	vld [tilespmem:s8+$0x40];
	v13 =	vmul.f32 $2.560000000e+02, v14;
	v17 =	vor.u32 v0, v6;
	v4 =	vshll.u32 v4, $0x4  }
0x357: {  	v5 =	vshll.u32 v7, $0x4;
	v18 =	vor.u32 v0, v4;
	v4 =	vmul.f32 $2.560000000e+02, v12  }
0x358: {  	v9 =	vshll.u32 v9, $0x4;
	v12 =	vshll.u32 v11, $0x4;
	v7 =	vor.u32 v0, v5;
	v11 =	vld [tilespmem:s8+$0x50]  }
0x359: {  	v10 =	vshll.u32 v10, $0x4;
	v6 =	vor.u32 v0, v9;
	v9 =	vld [tilespmem:s8+$0x60];
	v4 =	vtrunc.f32 v4  }
0x35a: {  	[tilespmem:v15+s1+$0x0] =	vst.idx.add.s32.msk $0xffff, v2;
	v5 =	vor.u32 v0, v10;
	v8 =	vmul.f32 $2.560000000e+02, v8;
	v21 =	vcvt.f32.s32 v4  }
0x35b: {  	v14 =	vmul.f32 $2.560000000e+02, v16;
	[tilespmem:v17+s1+$0x0] =	vst.idx.add.s32.msk $0xffff, v2;
	v4 =	vor.u32 v0, v12;
	v12 =	vmul.f32 $2.560000000e+02, v19  }
0x35c: {  	v10 =	vtrunc.f32 v8;
	v8 =	vtrunc.f32 v20;
	v15 =	vshll.u32 v21, $0x4;
	[tilespmem:v18+s1+$0x0] =	vst.idx.add.s32.msk $0xffff, v2  }
.LBB2_28:
0x35d: {  	s5 =	sadd.s32 $0x80, s5;
	v13 =	vtrunc.f32 v13;
	v11 =	vmul.f32 $2.560000000e+02, v11;
	v15 =	vor.u32 v0, v15;
	s6 =	sadd.s32 $0x400, s6;
	[tilespmem:v7+s1+$0x0] =	vst.idx.add.s32.msk $0xffff, v2  }
0x35e: {  	v7 =	vtrunc.f32 v14;
	s7 =	sadd.s32 $0x20, s7;
	s8 =	sand.u32 $0x7000, s5;
	s9 =	sand.u32 $0xC00, s6;
	v9 =	vmul.f32 $2.560000000e+02, v9;
	[tilespmem:v6+s1+$0x0] =	vst.idx.add.s32.msk $0xffff, v2  }
0x35f: {  	s10 =	sand.u32 $0x380, s7;
	p0 =	slt.u32 s5, $0x7F80;
	v6 =	vtrunc.f32 v12;
	s8 =	sor.u32 s9, s8;
	v11 =	vtrunc.f32 v11;
	[tilespmem:v5+s1+$0x0] =	vst.idx.add.s32.msk $0xffff, v2  }
0x360: {  	v5 =	vcvt.f32.s32 v10;
	s8 =	sor.u32 s10, s8;
	v9 =	vtrunc.f32 v9;
	[tilespmem:v4+s1+$0x0] =	vst.idx.add.s32.msk $0xffff, v2  }
0x361: {  	v8 =	vcvt.f32.s32 v8;
	v10 =	vcvt.f32.s32 v13;
	v4 =	vld [tilespmem:s8+$0x70]  }
0x362: {  	v7 =	vcvt.f32.s32 v7;
	v6 =	vcvt.f32.s32 v6;
	v5 =	vshll.u32 v5, $0x4;
	[tilespmem:v15+s1+$0x0] =	vst.idx.add.s32.msk $0xffff, v2  }
0x363: {  	v8 =	vshll.u32 v8, $0x4;
	v11 =	vcvt.f32.s32 v11;
	v9 =	vcvt.f32.s32 v9;
	v12 =	vld [tilespmem:s8+$0x0]  }
0x364: {  	v7 =	vshll.u32 v7, $0x4;
	v10 =	vshll.u32 v10, $0x4;
	v6 =	vshll.u32 v6, $0x4;
	v13 =	vld [tilespmem:s8+$0x10]  }
0x365: {  	v15 =	vor.u32 v0, v5;
	v5 =	vshll.u32 v11, $0x4;
	v9 =	vshll.u32 v9, $0x4;
	v14 =	vld [tilespmem:s8+$0x20]  }
0x366: {  	v8 =	vor.u32 v0, v8;
	v7 =	vor.u32 v0, v7;
	v17 =	vor.u32 v0, v10;
	v16 =	vld [tilespmem:s8+$0x30]  }
0x367: {  	v6 =	vor.u32 v0, v6;
	v5 =	vor.u32 v0, v5;
	v10 =	vmul.f32 $2.560000000e+02, v4;
	v18 =	vld [tilespmem:s8+$0x40]  }
.Ltmp13:
0x368: {  	v4 =	vor.u32 v0, v9;
	v12 =	vmul.f32 $2.560000000e+02, v12;
	v11 =	vld [tilespmem:s8+$0x50];
	(pc) =	sbr.rel @p0 .LBB2_28-.Ltmp13, $4  }
0x369: {  	v10 =	vtrunc.f32 v10;
	v19 =	vmul.f32 $2.560000000e+02, v13;
	v9 =	vld [tilespmem:s8+$0x60]  }
0x36a: {  	v20 =	vcvt.f32.s32 v10;
	v13 =	vmul.f32 $2.560000000e+02, v14;
	[tilespmem:v15+s1+$0x0] =	vst.idx.add.s32.msk $0xffff, v2  }
0x36b: {  	v10 =	vtrunc.f32 v12;
	v14 =	vmul.f32 $2.560000000e+02, v16;
	[tilespmem:v8+s1+$0x0] =	vst.idx.add.s32.msk $0xffff, v2  }
0x36c: {  	v8 =	vtrunc.f32 v19;
	v15 =	vshll.u32 v20, $0x4;
	v12 =	vmul.f32 $2.560000000e+02, v18;
	[tilespmem:v17+s1+$0x0] =	vst.idx.add.s32.msk $0xffff, v2  }
0x36d: {  	v13 =	vtrunc.f32 v13;
	v11 =	vmul.f32 $2.560000000e+02, v11  }
0x36e: {  	v14 =	vtrunc.f32 v14;
	v10 =	vcvt.f32.s32 v10  }
0x36f: {  	v8 =	vcvt.f32.s32 v8;
	v9 =	vmul.f32 $2.560000000e+02, v9  }
0x370: {  	v15 =	vor.u32 v0, v15;
	v12 =	vtrunc.f32 v12;
	v13 =	vcvt.f32.s32 v13  }
0x371: {  	[tilespmem:v7+s1+$0x0] =	vst.idx.add.s32.msk $0xffff, v2;
	v7 =	vcvt.f32.s32 v14;
	v11 =	vtrunc.f32 v11;
	v10 =	vshll.u32 v10, $0x4  }
0x372: {  	[tilespmem:v6+s1+$0x0] =	vst.idx.add.s32.msk $0xffff, v2;
	v8 =	vshll.u32 v8, $0x4;
	v6 =	vcvt.f32.s32 v12;
	v10 =	vor.u32 v0, v10  }
0x373: {  	v9 =	vtrunc.f32 v9;
	v12 =	vshll.u32 v13, $0x4;
	v8 =	vor.u32 v0, v8  }
0x374: {  	[tilespmem:v5+s1+$0x0] =	vst.idx.add.s32.msk $0xffff, v2;
	v5 =	vcvt.f32.s32 v11;
	v7 =	vshll.u32 v7, $0x4;
	v11 =	vor.u32 v0, v12  }
0x375: {  	[tilespmem:v4+s1+$0x0] =	vst.idx.add.s32.msk $0xffff, v2;
	v4 =	vcvt.f32.s32 v9;
	v6 =	vshll.u32 v6, $0x4;
	v7 =	vor.u32 v0, v7  }
0x376: {  	[tilespmem:v15+s1+$0x0] =	vst.idx.add.s32.msk $0xffff, v2;
	v5 =	vshll.u32 v5, $0x4;
	v6 =	vor.u32 v0, v6  }
0x377: {  	v4 =	vshll.u32 v4, $0x4;
	v5 =	vor.u32 v0, v5;
	[tilespmem:v10+s1+$0x0] =	vst.idx.add.s32.msk $0xffff, v2  }
0x378: {  	v4 =	vor.u32 v0, v4;
	[tilespmem:v8+s1+$0x0] =	vst.idx.add.s32.msk $0xffff, v2  }
0x379: {  	[tilespmem:v11+s1+$0x0] =	vst.idx.add.s32.msk $0xffff, v2  }
0x37a: {  	[tilespmem:v7+s1+$0x0] =	vst.idx.add.s32.msk $0xffff, v2  }
0x37b: {  	[tilespmem:v6+s1+$0x0] =	vst.idx.add.s32.msk $0xffff, v2  }
0x37c: {  	[tilespmem:v5+s1+$0x0] =	vst.idx.add.s32.msk $0xffff, v2  }
0x37d: {  	[tilespmem:v4+s1+$0x0] =	vst.idx.add.s32.msk $0xffff, v2  }
0x37e: {  	s5 =	simm.s32 $0x0;
	s19 =	simm.s32 $0x0;
	s6 =	rddreg [dreg:$0x10]  }
0x37f: {  	[tilespmem:s5], [sflag:$0x1] =	stream.linear.gather [hbm4b:s6+s5], $0x8000, $0x38;
	[tilespmem:$0x12000] =	vst v63  }
0x380: {  	s7 =	sand.u32 $0xC00, s5;
	s6 =	sand.u32 $0x7000, s19;
	_ =	swait.ge [sflag:s0], $0x8000  }
0x381: {  	s5 =	sand.u32 $0x380, s5;
	s6 =	sor.u32 s7, s6;
	[sflag:s0] =	ssyncset.done $0x0  }
0x382: {  	s5 =	sor.u32 s5, s6;
	[sflag:s0] =	ssyncadd.s32 $0xFFFF8000  }
0x383: {  	v4 =	vld [tilespmem:s5+$0x8070]  }
0x384: {  	v5 =	vld [tilespmem:s5+$0x8000]  }
0x385: {  	v6 =	vld [tilespmem:s5+$0x8010]  }
0x386: {  	v7 =	vld [tilespmem:s5+$0x8020]  }
0x387: {  	v8 =	vld [tilespmem:s5+$0x8030]  }
0x388: {  	v9 =	vld [tilespmem:s5+$0x8040]  }
0x389: {  	v10 =	vld [tilespmem:s5+$0x8050]  }
0x38a: {  	v11 =	vld [tilespmem:s5+$0x8060]  }
0x38b: {  	v4 =	vmul.f32 $2.560000000e+02, v4;
	v5 =	vmul.f32 $2.560000000e+02, v5  }
0x38c: {  	v6 =	vmul.f32 $2.560000000e+02, v6;
	v7 =	vmul.f32 $2.560000000e+02, v7  }
0x38d: {  	s6 =	simm.s32 $0x400;
	s5 =	simm.s32 $0x80;
	v8 =	vmul.f32 $2.560000000e+02, v8;
	v4 =	vtrunc.f32 v4  }
0x38e: {  	s7 =	simm.s32 $0x20;
	s9 =	sand.u32 $0xC00, s6;
	s8 =	sand.u32 $0x7000, s5;
	v9 =	vmul.f32 $2.560000000e+02, v9;
	v4 =	vcvt.f32.s32 v4  }
0x38f: {  	s10 =	sand.u32 $0x380, s7;
	s8 =	sor.u32 s9, s8;
	v10 =	vmul.f32 $2.560000000e+02, v10;
	v11 =	vmul.f32 $2.560000000e+02, v11  }
0x390: {  	s8 =	sor.u32 s10, s8;
	v5 =	vtrunc.f32 v5;
	v6 =	vtrunc.f32 v6;
	v4 =	vshll.u32 v4, $0x4  }
0x391: {  	v13 =	vld [tilespmem:s8+$0x8010];
	v7 =	vtrunc.f32 v7;
	v8 =	vtrunc.f32 v8;
	v4 =	vor.u32 v0, v4  }
0x392: {  	v9 =	vtrunc.f32 v9;
	v10 =	vtrunc.f32 v10  }
0x393: {  	v14 =	vld [tilespmem:s8+$0x8020];
	v11 =	vtrunc.f32 v11;
	v5 =	vcvt.f32.s32 v5  }
0x394: {  	v12 =	vld [tilespmem:s8+$0x8070];
	v6 =	vcvt.f32.s32 v6;
	v9 =	vcvt.f32.s32 v9  }
0x395: {  	v16 =	vld [tilespmem:s8+$0x8030];
	v10 =	vcvt.f32.s32 v10;
	v11 =	vcvt.f32.s32 v11  }
0x396: {  	v20 =	vmul.f32 $2.560000000e+02, v13;
	v5 =	vshll.u32 v5, $0x4;
	[tilespmem:v4+s1+$0x0] =	vst.idx.add.s32.msk $0xffff, v2;
	v4 =	vcvt.f32.s32 v7  }
0x397: {  	v6 =	vshll.u32 v6, $0x4;
	v15 =	vor.u32 v0, v5;
	v7 =	vcvt.f32.s32 v8;
	v8 =	vld [tilespmem:s8+$0x8000]  }
0x398: {  	v19 =	vld [tilespmem:s8+$0x8040];
	v13 =	vmul.f32 $2.560000000e+02, v14;
	v17 =	vor.u32 v0, v6;
	v4 =	vshll.u32 v4, $0x4  }
0x399: {  	v5 =	vshll.u32 v7, $0x4;
	v18 =	vor.u32 v0, v4;
	v4 =	vmul.f32 $2.560000000e+02, v12  }
0x39a: {  	v9 =	vshll.u32 v9, $0x4;
	v12 =	vshll.u32 v11, $0x4;
	v7 =	vor.u32 v0, v5;
	v11 =	vld [tilespmem:s8+$0x8050]  }
0x39b: {  	v10 =	vshll.u32 v10, $0x4;
	v6 =	vor.u32 v0, v9;
	v9 =	vld [tilespmem:s8+$0x8060];
	v4 =	vtrunc.f32 v4  }
0x39c: {  	[tilespmem:v15+s1+$0x0] =	vst.idx.add.s32.msk $0xffff, v2;
	v5 =	vor.u32 v0, v10;
	v8 =	vmul.f32 $2.560000000e+02, v8;
	v21 =	vcvt.f32.s32 v4  }
0x39d: {  	v14 =	vmul.f32 $2.560000000e+02, v16;
	[tilespmem:v17+s1+$0x0] =	vst.idx.add.s32.msk $0xffff, v2;
	v4 =	vor.u32 v0, v12;
	v12 =	vmul.f32 $2.560000000e+02, v19  }
0x39e: {  	v10 =	vtrunc.f32 v8;
	v8 =	vtrunc.f32 v20;
	v15 =	vshll.u32 v21, $0x4;
	[tilespmem:v18+s1+$0x0] =	vst.idx.add.s32.msk $0xffff, v2  }
.LBB2_30:
0x39f: {  	s5 =	sadd.s32 $0x80, s5;
	v13 =	vtrunc.f32 v13;
	v11 =	vmul.f32 $2.560000000e+02, v11;
	v15 =	vor.u32 v0, v15;
	s6 =	sadd.s32 $0x400, s6;
	[tilespmem:v7+s1+$0x0] =	vst.idx.add.s32.msk $0xffff, v2  }
0x3a0: {  	v7 =	vtrunc.f32 v14;
	s7 =	sadd.s32 $0x20, s7;
	s8 =	sand.u32 $0x7000, s5;
	s9 =	sand.u32 $0xC00, s6;
	v9 =	vmul.f32 $2.560000000e+02, v9;
	[tilespmem:v6+s1+$0x0] =	vst.idx.add.s32.msk $0xffff, v2  }
0x3a1: {  	s10 =	sand.u32 $0x380, s7;
	p0 =	slt.u32 s5, $0x7F80;
	v6 =	vtrunc.f32 v12;
	s8 =	sor.u32 s9, s8;
	v11 =	vtrunc.f32 v11;
	[tilespmem:v5+s1+$0x0] =	vst.idx.add.s32.msk $0xffff, v2  }
0x3a2: {  	v5 =	vcvt.f32.s32 v10;
	s8 =	sor.u32 s10, s8;
	v9 =	vtrunc.f32 v9;
	[tilespmem:v4+s1+$0x0] =	vst.idx.add.s32.msk $0xffff, v2  }
0x3a3: {  	v8 =	vcvt.f32.s32 v8;
	v10 =	vcvt.f32.s32 v13;
	v4 =	vld [tilespmem:s8+$0x8070]  }
0x3a4: {  	v7 =	vcvt.f32.s32 v7;
	v6 =	vcvt.f32.s32 v6;
	v5 =	vshll.u32 v5, $0x4;
	[tilespmem:v15+s1+$0x0] =	vst.idx.add.s32.msk $0xffff, v2  }
0x3a5: {  	v8 =	vshll.u32 v8, $0x4;
	v11 =	vcvt.f32.s32 v11;
	v9 =	vcvt.f32.s32 v9;
	v12 =	vld [tilespmem:s8+$0x8000]  }
0x3a6: {  	v7 =	vshll.u32 v7, $0x4;
	v10 =	vshll.u32 v10, $0x4;
	v6 =	vshll.u32 v6, $0x4;
	v13 =	vld [tilespmem:s8+$0x8010]  }
0x3a7: {  	v15 =	vor.u32 v0, v5;
	v5 =	vshll.u32 v11, $0x4;
	v9 =	vshll.u32 v9, $0x4;
	v14 =	vld [tilespmem:s8+$0x8020]  }
0x3a8: {  	v8 =	vor.u32 v0, v8;
	v7 =	vor.u32 v0, v7;
	v17 =	vor.u32 v0, v10;
	v16 =	vld [tilespmem:s8+$0x8030]  }
0x3a9: {  	v6 =	vor.u32 v0, v6;
	v5 =	vor.u32 v0, v5;
	v10 =	vmul.f32 $2.560000000e+02, v4;
	v18 =	vld [tilespmem:s8+$0x8040]  }
.Ltmp14:
0x3aa: {  	v4 =	vor.u32 v0, v9;
	v12 =	vmul.f32 $2.560000000e+02, v12;
	v11 =	vld [tilespmem:s8+$0x8050];
	(pc) =	sbr.rel @p0 .LBB2_30-.Ltmp14, $4  }
0x3ab: {  	v10 =	vtrunc.f32 v10;
	v19 =	vmul.f32 $2.560000000e+02, v13;
	v9 =	vld [tilespmem:s8+$0x8060]  }
0x3ac: {  	v20 =	vcvt.f32.s32 v10;
	v13 =	vmul.f32 $2.560000000e+02, v14;
	[tilespmem:v15+s1+$0x0] =	vst.idx.add.s32.msk $0xffff, v2  }
0x3ad: {  	v10 =	vtrunc.f32 v12;
	v14 =	vmul.f32 $2.560000000e+02, v16;
	[tilespmem:v8+s1+$0x0] =	vst.idx.add.s32.msk $0xffff, v2  }
0x3ae: {  	v8 =	vtrunc.f32 v19;
	v15 =	vshll.u32 v20, $0x4;
	v12 =	vmul.f32 $2.560000000e+02, v18;
	[tilespmem:v17+s1+$0x0] =	vst.idx.add.s32.msk $0xffff, v2  }
0x3af: {  	v13 =	vtrunc.f32 v13;
	v11 =	vmul.f32 $2.560000000e+02, v11  }
0x3b0: {  	v14 =	vtrunc.f32 v14;
	v10 =	vcvt.f32.s32 v10  }
0x3b1: {  	v8 =	vcvt.f32.s32 v8;
	v9 =	vmul.f32 $2.560000000e+02, v9  }
0x3b2: {  	v15 =	vor.u32 v0, v15;
	v12 =	vtrunc.f32 v12;
	v13 =	vcvt.f32.s32 v13  }
0x3b3: {  	[tilespmem:v7+s1+$0x0] =	vst.idx.add.s32.msk $0xffff, v2;
	v7 =	vcvt.f32.s32 v14;
	v11 =	vtrunc.f32 v11;
	v10 =	vshll.u32 v10, $0x4  }
0x3b4: {  	[tilespmem:v6+s1+$0x0] =	vst.idx.add.s32.msk $0xffff, v2;
	v8 =	vshll.u32 v8, $0x4;
	v6 =	vcvt.f32.s32 v12;
	v10 =	vor.u32 v0, v10  }
0x3b5: {  	v9 =	vtrunc.f32 v9;
	v12 =	vshll.u32 v13, $0x4;
	v8 =	vor.u32 v0, v8  }
0x3b6: {  	[tilespmem:v5+s1+$0x0] =	vst.idx.add.s32.msk $0xffff, v2;
	v5 =	vcvt.f32.s32 v11;
	v7 =	vshll.u32 v7, $0x4;
	v11 =	vor.u32 v0, v12  }
0x3b7: {  	[tilespmem:v4+s1+$0x0] =	vst.idx.add.s32.msk $0xffff, v2;
	v4 =	vcvt.f32.s32 v9;
	v6 =	vshll.u32 v6, $0x4;
	v7 =	vor.u32 v0, v7  }
0x3b8: {  	[tilespmem:v15+s1+$0x0] =	vst.idx.add.s32.msk $0xffff, v2;
	v5 =	vshll.u32 v5, $0x4;
	v6 =	vor.u32 v0, v6  }
0x3b9: {  	v4 =	vshll.u32 v4, $0x4;
	v5 =	vor.u32 v0, v5;
	[tilespmem:v10+s1+$0x0] =	vst.idx.add.s32.msk $0xffff, v2  }
0x3ba: {  	v4 =	vor.u32 v0, v4;
	[tilespmem:v8+s1+$0x0] =	vst.idx.add.s32.msk $0xffff, v2  }
0x3bb: {  	[tilespmem:v11+s1+$0x0] =	vst.idx.add.s32.msk $0xffff, v2  }
0x3bc: {  	[tilespmem:v7+s1+$0x0] =	vst.idx.add.s32.msk $0xffff, v2  }
0x3bd: {  	[tilespmem:v6+s1+$0x0] =	vst.idx.add.s32.msk $0xffff, v2  }
0x3be: {  	[tilespmem:v5+s1+$0x0] =	vst.idx.add.s32.msk $0xffff, v2  }
0x3bf: {  	[tilespmem:v4+s1+$0x0] =	vst.idx.add.s32.msk $0xffff, v2  }
0x3c0: {  	s5 =	simm.s32 $0x0;
	s19 =	simm.s32 $0x0;
	s6 =	rddreg [dreg:$0x11]  }
0x3c1: {  	[tilespmem:s30], [sflag:$0x2] =	stream.linear.gather [hbm4b:s6+s5], $0x8000, $0x38;
	[tilespmem:$0x12000] =	vst v63  }
0x3c2: {  	s7 =	sand.u32 $0xC00, s5;
	s6 =	sand.u32 $0x7000, s19;
	_ =	swait.ge [sflag:s31], $0x8000  }
0x3c3: {  	s5 =	sand.u32 $0x380, s5;
	s6 =	sor.u32 s7, s6;
	[sflag:s31] =	ssyncset.done $0x0  }
0x3c4: {  	s5 =	sor.u32 s5, s6;
	[sflag:s31] =	ssyncadd.s32 $0xFFFF8000  }
0x3c5: {  	v4 =	vld [tilespmem:s5+$0x70]  }
0x3c6: {  	v5 =	vld [tilespmem:s5+$0x0]  }
0x3c7: {  	v6 =	vld [tilespmem:s5+$0x10]  }
0x3c8: {  	v7 =	vld [tilespmem:s5+$0x20]  }
0x3c9: {  	v8 =	vld [tilespmem:s5+$0x30]  }
0x3ca: {  	v9 =	vld [tilespmem:s5+$0x40]  }
0x3cb: {  	v10 =	vld [tilespmem:s5+$0x50]  }
0x3cc: {  	v11 =	vld [tilespmem:s5+$0x60]  }
0x3cd: {  	v4 =	vmul.f32 $2.560000000e+02, v4;
	v5 =	vmul.f32 $2.560000000e+02, v5  }
0x3ce: {  	v6 =	vmul.f32 $2.560000000e+02, v6;
	v7 =	vmul.f32 $2.560000000e+02, v7  }
0x3cf: {  	s6 =	simm.s32 $0x400;
	s5 =	simm.s32 $0x80;
	v8 =	vmul.f32 $2.560000000e+02, v8;
	v4 =	vtrunc.f32 v4  }
0x3d0: {  	s7 =	simm.s32 $0x20;
	s9 =	sand.u32 $0xC00, s6;
	s8 =	sand.u32 $0x7000, s5;
	v9 =	vmul.f32 $2.560000000e+02, v9;
	v4 =	vcvt.f32.s32 v4  }
0x3d1: {  	s10 =	sand.u32 $0x380, s7;
	s8 =	sor.u32 s9, s8;
	v10 =	vmul.f32 $2.560000000e+02, v10;
	v11 =	vmul.f32 $2.560000000e+02, v11  }
0x3d2: {  	s8 =	sor.u32 s10, s8;
	v5 =	vtrunc.f32 v5;
	v6 =	vtrunc.f32 v6;
	v4 =	vshll.u32 v4, $0x4  }
0x3d3: {  	v13 =	vld [tilespmem:s8+$0x10];
	v7 =	vtrunc.f32 v7;
	v8 =	vtrunc.f32 v8;
	v4 =	vor.u32 v0, v4  }
0x3d4: {  	v9 =	vtrunc.f32 v9;
	v10 =	vtrunc.f32 v10  }
0x3d5: {  	v14 =	vld [tilespmem:s8+$0x20];
	v11 =	vtrunc.f32 v11;
	v5 =	vcvt.f32.s32 v5  }
0x3d6: {  	v12 =	vld [tilespmem:s8+$0x70];
	v6 =	vcvt.f32.s32 v6;
	v9 =	vcvt.f32.s32 v9  }
0x3d7: {  	v16 =	vld [tilespmem:s8+$0x30];
	v10 =	vcvt.f32.s32 v10;
	v11 =	vcvt.f32.s32 v11  }
0x3d8: {  	v20 =	vmul.f32 $2.560000000e+02, v13;
	v5 =	vshll.u32 v5, $0x4;
	[tilespmem:v4+s1+$0x0] =	vst.idx.add.s32.msk $0xffff, v2;
	v4 =	vcvt.f32.s32 v7  }
0x3d9: {  	v6 =	vshll.u32 v6, $0x4;
	v15 =	vor.u32 v0, v5;
	v7 =	vcvt.f32.s32 v8;
	v8 =	vld [tilespmem:s8+$0x0]  }
0x3da: {  	v19 =	vld [tilespmem:s8+$0x40];
	v13 =	vmul.f32 $2.560000000e+02, v14;
	v17 =	vor.u32 v0, v6;
	v4 =	vshll.u32 v4, $0x4  }
0x3db: {  	v5 =	vshll.u32 v7, $0x4;
	v18 =	vor.u32 v0, v4;
	v4 =	vmul.f32 $2.560000000e+02, v12  }
0x3dc: {  	v9 =	vshll.u32 v9, $0x4;
	v12 =	vshll.u32 v11, $0x4;
	v7 =	vor.u32 v0, v5;
	v11 =	vld [tilespmem:s8+$0x50]  }
0x3dd: {  	v10 =	vshll.u32 v10, $0x4;
	v6 =	vor.u32 v0, v9;
	v9 =	vld [tilespmem:s8+$0x60];
	v4 =	vtrunc.f32 v4  }
0x3de: {  	[tilespmem:v15+s1+$0x0] =	vst.idx.add.s32.msk $0xffff, v2;
	v5 =	vor.u32 v0, v10;
	v8 =	vmul.f32 $2.560000000e+02, v8;
	v21 =	vcvt.f32.s32 v4  }
0x3df: {  	v14 =	vmul.f32 $2.560000000e+02, v16;
	[tilespmem:v17+s1+$0x0] =	vst.idx.add.s32.msk $0xffff, v2;
	v4 =	vor.u32 v0, v12;
	v12 =	vmul.f32 $2.560000000e+02, v19  }
0x3e0: {  	v10 =	vtrunc.f32 v8;
	v8 =	vtrunc.f32 v20;
	v15 =	vshll.u32 v21, $0x4;
	[tilespmem:v18+s1+$0x0] =	vst.idx.add.s32.msk $0xffff, v2  }
.LBB2_32:
0x3e1: {  	s5 =	sadd.s32 $0x80, s5;
	v13 =	vtrunc.f32 v13;
	v11 =	vmul.f32 $2.560000000e+02, v11;
	v15 =	vor.u32 v0, v15;
	s6 =	sadd.s32 $0x400, s6;
	[tilespmem:v7+s1+$0x0] =	vst.idx.add.s32.msk $0xffff, v2  }
0x3e2: {  	v7 =	vtrunc.f32 v14;
	s7 =	sadd.s32 $0x20, s7;
	s8 =	sand.u32 $0x7000, s5;
	s9 =	sand.u32 $0xC00, s6;
	v9 =	vmul.f32 $2.560000000e+02, v9;
	[tilespmem:v6+s1+$0x0] =	vst.idx.add.s32.msk $0xffff, v2  }
0x3e3: {  	s10 =	sand.u32 $0x380, s7;
	p0 =	slt.u32 s5, $0x7F80;
	v6 =	vtrunc.f32 v12;
	s8 =	sor.u32 s9, s8;
	v11 =	vtrunc.f32 v11;
	[tilespmem:v5+s1+$0x0] =	vst.idx.add.s32.msk $0xffff, v2  }
0x3e4: {  	v5 =	vcvt.f32.s32 v10;
	s8 =	sor.u32 s10, s8;
	v9 =	vtrunc.f32 v9;
	[tilespmem:v4+s1+$0x0] =	vst.idx.add.s32.msk $0xffff, v2  }
0x3e5: {  	v8 =	vcvt.f32.s32 v8;
	v10 =	vcvt.f32.s32 v13;
	v4 =	vld [tilespmem:s8+$0x70]  }
0x3e6: {  	v7 =	vcvt.f32.s32 v7;
	v6 =	vcvt.f32.s32 v6;
	v5 =	vshll.u32 v5, $0x4;
	[tilespmem:v15+s1+$0x0] =	vst.idx.add.s32.msk $0xffff, v2  }
0x3e7: {  	v8 =	vshll.u32 v8, $0x4;
	v11 =	vcvt.f32.s32 v11;
	v9 =	vcvt.f32.s32 v9;
	v12 =	vld [tilespmem:s8+$0x0]  }
0x3e8: {  	v7 =	vshll.u32 v7, $0x4;
	v10 =	vshll.u32 v10, $0x4;
	v6 =	vshll.u32 v6, $0x4;
	v13 =	vld [tilespmem:s8+$0x10]  }
0x3e9: {  	v15 =	vor.u32 v0, v5;
	v5 =	vshll.u32 v11, $0x4;
	v9 =	vshll.u32 v9, $0x4;
	v14 =	vld [tilespmem:s8+$0x20]  }
0x3ea: {  	v8 =	vor.u32 v0, v8;
	v7 =	vor.u32 v0, v7;
	v17 =	vor.u32 v0, v10;
	v16 =	vld [tilespmem:s8+$0x30]  }
0x3eb: {  	v6 =	vor.u32 v0, v6;
	v5 =	vor.u32 v0, v5;
	v10 =	vmul.f32 $2.560000000e+02, v4;
	v18 =	vld [tilespmem:s8+$0x40]  }
.Ltmp15:
0x3ec: {  	v4 =	vor.u32 v0, v9;
	v12 =	vmul.f32 $2.560000000e+02, v12;
	v11 =	vld [tilespmem:s8+$0x50];
	(pc) =	sbr.rel @p0 .LBB2_32-.Ltmp15, $4  }
0x3ed: {  	v10 =	vtrunc.f32 v10;
	v19 =	vmul.f32 $2.560000000e+02, v13;
	v9 =	vld [tilespmem:s8+$0x60]  }
0x3ee: {  	v20 =	vcvt.f32.s32 v10;
	v13 =	vmul.f32 $2.560000000e+02, v14;
	[tilespmem:v15+s1+$0x0] =	vst.idx.add.s32.msk $0xffff, v2  }
0x3ef: {  	v10 =	vtrunc.f32 v12;
	v14 =	vmul.f32 $2.560000000e+02, v16;
	[tilespmem:v8+s1+$0x0] =	vst.idx.add.s32.msk $0xffff, v2  }
0x3f0: {  	v8 =	vtrunc.f32 v19;
	v15 =	vshll.u32 v20, $0x4;
	v12 =	vmul.f32 $2.560000000e+02, v18;
	[tilespmem:v17+s1+$0x0] =	vst.idx.add.s32.msk $0xffff, v2  }
0x3f1: {  	v13 =	vtrunc.f32 v13;
	v11 =	vmul.f32 $2.560000000e+02, v11  }
0x3f2: {  	v14 =	vtrunc.f32 v14;
	v10 =	vcvt.f32.s32 v10  }
0x3f3: {  	v8 =	vcvt.f32.s32 v8;
	v9 =	vmul.f32 $2.560000000e+02, v9  }
0x3f4: {  	v15 =	vor.u32 v0, v15;
	v12 =	vtrunc.f32 v12;
	v13 =	vcvt.f32.s32 v13  }
0x3f5: {  	[tilespmem:v7+s1+$0x0] =	vst.idx.add.s32.msk $0xffff, v2;
	v7 =	vcvt.f32.s32 v14;
	v11 =	vtrunc.f32 v11;
	v10 =	vshll.u32 v10, $0x4  }
0x3f6: {  	[tilespmem:v6+s1+$0x0] =	vst.idx.add.s32.msk $0xffff, v2;
	v8 =	vshll.u32 v8, $0x4;
	v6 =	vcvt.f32.s32 v12;
	v10 =	vor.u32 v0, v10  }
0x3f7: {  	v9 =	vtrunc.f32 v9;
	v12 =	vshll.u32 v13, $0x4;
	v8 =	vor.u32 v0, v8  }
0x3f8: {  	[tilespmem:v5+s1+$0x0] =	vst.idx.add.s32.msk $0xffff, v2;
	v5 =	vcvt.f32.s32 v11;
	v7 =	vshll.u32 v7, $0x4;
	v11 =	vor.u32 v0, v12  }
0x3f9: {  	[tilespmem:v4+s1+$0x0] =	vst.idx.add.s32.msk $0xffff, v2;
	v4 =	vcvt.f32.s32 v9;
	v6 =	vshll.u32 v6, $0x4;
	v7 =	vor.u32 v0, v7  }
0x3fa: {  	[tilespmem:v15+s1+$0x0] =	vst.idx.add.s32.msk $0xffff, v2;
	v5 =	vshll.u32 v5, $0x4;
	v6 =	vor.u32 v0, v6  }
0x3fb: {  	v4 =	vshll.u32 v4, $0x4;
	v5 =	vor.u32 v0, v5;
	[tilespmem:v10+s1+$0x0] =	vst.idx.add.s32.msk $0xffff, v2  }
0x3fc: {  	v4 =	vor.u32 v0, v4;
	[tilespmem:v8+s1+$0x0] =	vst.idx.add.s32.msk $0xffff, v2  }
0x3fd: {  	[tilespmem:v11+s1+$0x0] =	vst.idx.add.s32.msk $0xffff, v2  }
0x3fe: {  	[tilespmem:v7+s1+$0x0] =	vst.idx.add.s32.msk $0xffff, v2  }
0x3ff: {  	[tilespmem:v6+s1+$0x0] =	vst.idx.add.s32.msk $0xffff, v2  }
0x400: {  	[tilespmem:v5+s1+$0x0] =	vst.idx.add.s32.msk $0xffff, v2  }
0x401: {  	[tilespmem:v4+s1+$0x0] =	vst.idx.add.s32.msk $0xffff, v2  }
0x402: {  	s5 =	simm.s32 $0x0;
	s19 =	simm.s32 $0x0;
	s6 =	rddreg [dreg:$0x12]  }
0x403: {  	[tilespmem:s5], [sflag:$0x1] =	stream.linear.gather [hbm4b:s6+s5], $0x8000, $0x38;
	[tilespmem:$0x12000] =	vst v63  }
0x404: {  	s7 =	sand.u32 $0xC00, s5;
	s6 =	sand.u32 $0x7000, s19;
	_ =	swait.ge [sflag:s0], $0x8000  }
0x405: {  	s5 =	sand.u32 $0x380, s5;
	s6 =	sor.u32 s7, s6;
	[sflag:s0] =	ssyncset.done $0x0  }
0x406: {  	s5 =	sor.u32 s5, s6;
	[sflag:s0] =	ssyncadd.s32 $0xFFFF8000  }
0x407: {  	v4 =	vld [tilespmem:s5+$0x8070]  }
0x408: {  	v5 =	vld [tilespmem:s5+$0x8000]  }
0x409: {  	v6 =	vld [tilespmem:s5+$0x8010]  }
0x40a: {  	v7 =	vld [tilespmem:s5+$0x8020]  }
0x40b: {  	v8 =	vld [tilespmem:s5+$0x8030]  }
0x40c: {  	v9 =	vld [tilespmem:s5+$0x8040]  }
0x40d: {  	v10 =	vld [tilespmem:s5+$0x8050]  }
0x40e: {  	v11 =	vld [tilespmem:s5+$0x8060]  }
0x40f: {  	v4 =	vmul.f32 $2.560000000e+02, v4;
	v5 =	vmul.f32 $2.560000000e+02, v5  }
0x410: {  	v6 =	vmul.f32 $2.560000000e+02, v6;
	v7 =	vmul.f32 $2.560000000e+02, v7  }
0x411: {  	s6 =	simm.s32 $0x400;
	s5 =	simm.s32 $0x80;
	v8 =	vmul.f32 $2.560000000e+02, v8;
	v4 =	vtrunc.f32 v4  }
0x412: {  	s7 =	simm.s32 $0x20;
	s9 =	sand.u32 $0xC00, s6;
	s8 =	sand.u32 $0x7000, s5;
	v9 =	vmul.f32 $2.560000000e+02, v9;
	v4 =	vcvt.f32.s32 v4  }
0x413: {  	s10 =	sand.u32 $0x380, s7;
	s8 =	sor.u32 s9, s8;
	v10 =	vmul.f32 $2.560000000e+02, v10;
	v11 =	vmul.f32 $2.560000000e+02, v11  }
0x414: {  	s8 =	sor.u32 s10, s8;
	v5 =	vtrunc.f32 v5;
	v6 =	vtrunc.f32 v6;
	v4 =	vshll.u32 v4, $0x4  }
0x415: {  	v13 =	vld [tilespmem:s8+$0x8010];
	v7 =	vtrunc.f32 v7;
	v8 =	vtrunc.f32 v8;
	v4 =	vor.u32 v0, v4  }
0x416: {  	v9 =	vtrunc.f32 v9;
	v10 =	vtrunc.f32 v10  }
0x417: {  	v14 =	vld [tilespmem:s8+$0x8020];
	v11 =	vtrunc.f32 v11;
	v5 =	vcvt.f32.s32 v5  }
0x418: {  	v12 =	vld [tilespmem:s8+$0x8070];
	v6 =	vcvt.f32.s32 v6;
	v9 =	vcvt.f32.s32 v9  }
0x419: {  	v16 =	vld [tilespmem:s8+$0x8030];
	v10 =	vcvt.f32.s32 v10;
	v11 =	vcvt.f32.s32 v11  }
0x41a: {  	v20 =	vmul.f32 $2.560000000e+02, v13;
	v5 =	vshll.u32 v5, $0x4;
	[tilespmem:v4+s1+$0x0] =	vst.idx.add.s32.msk $0xffff, v2;
	v4 =	vcvt.f32.s32 v7  }
0x41b: {  	v6 =	vshll.u32 v6, $0x4;
	v15 =	vor.u32 v0, v5;
	v7 =	vcvt.f32.s32 v8;
	v8 =	vld [tilespmem:s8+$0x8000]  }
0x41c: {  	v19 =	vld [tilespmem:s8+$0x8040];
	v13 =	vmul.f32 $2.560000000e+02, v14;
	v17 =	vor.u32 v0, v6;
	v4 =	vshll.u32 v4, $0x4  }
0x41d: {  	v5 =	vshll.u32 v7, $0x4;
	v18 =	vor.u32 v0, v4;
	v4 =	vmul.f32 $2.560000000e+02, v12  }
0x41e: {  	v9 =	vshll.u32 v9, $0x4;
	v12 =	vshll.u32 v11, $0x4;
	v7 =	vor.u32 v0, v5;
	v11 =	vld [tilespmem:s8+$0x8050]  }
0x41f: {  	v10 =	vshll.u32 v10, $0x4;
	v6 =	vor.u32 v0, v9;
	v9 =	vld [tilespmem:s8+$0x8060];
	v4 =	vtrunc.f32 v4  }
0x420: {  	[tilespmem:v15+s1+$0x0] =	vst.idx.add.s32.msk $0xffff, v2;
	v5 =	vor.u32 v0, v10;
	v8 =	vmul.f32 $2.560000000e+02, v8;
	v21 =	vcvt.f32.s32 v4  }
0x421: {  	v14 =	vmul.f32 $2.560000000e+02, v16;
	[tilespmem:v17+s1+$0x0] =	vst.idx.add.s32.msk $0xffff, v2;
	v4 =	vor.u32 v0, v12;
	v12 =	vmul.f32 $2.560000000e+02, v19  }
0x422: {  	v10 =	vtrunc.f32 v8;
	v8 =	vtrunc.f32 v20;
	v15 =	vshll.u32 v21, $0x4;
	[tilespmem:v18+s1+$0x0] =	vst.idx.add.s32.msk $0xffff, v2  }
.LBB2_34:
0x423: {  	s5 =	sadd.s32 $0x80, s5;
	v13 =	vtrunc.f32 v13;
	v11 =	vmul.f32 $2.560000000e+02, v11;
	v15 =	vor.u32 v0, v15;
	s6 =	sadd.s32 $0x400, s6;
	[tilespmem:v7+s1+$0x0] =	vst.idx.add.s32.msk $0xffff, v2  }
0x424: {  	v7 =	vtrunc.f32 v14;
	s7 =	sadd.s32 $0x20, s7;
	s8 =	sand.u32 $0x7000, s5;
	s9 =	sand.u32 $0xC00, s6;
	v9 =	vmul.f32 $2.560000000e+02, v9;
	[tilespmem:v6+s1+$0x0] =	vst.idx.add.s32.msk $0xffff, v2  }
0x425: {  	s10 =	sand.u32 $0x380, s7;
	p0 =	slt.u32 s5, $0x7F80;
	v6 =	vtrunc.f32 v12;
	s8 =	sor.u32 s9, s8;
	v11 =	vtrunc.f32 v11;
	[tilespmem:v5+s1+$0x0] =	vst.idx.add.s32.msk $0xffff, v2  }
0x426: {  	v5 =	vcvt.f32.s32 v10;
	s8 =	sor.u32 s10, s8;
	v9 =	vtrunc.f32 v9;
	[tilespmem:v4+s1+$0x0] =	vst.idx.add.s32.msk $0xffff, v2  }
0x427: {  	v8 =	vcvt.f32.s32 v8;
	v10 =	vcvt.f32.s32 v13;
	v4 =	vld [tilespmem:s8+$0x8070]  }
0x428: {  	v7 =	vcvt.f32.s32 v7;
	v6 =	vcvt.f32.s32 v6;
	v5 =	vshll.u32 v5, $0x4;
	[tilespmem:v15+s1+$0x0] =	vst.idx.add.s32.msk $0xffff, v2  }
0x429: {  	v8 =	vshll.u32 v8, $0x4;
	v11 =	vcvt.f32.s32 v11;
	v9 =	vcvt.f32.s32 v9;
	v12 =	vld [tilespmem:s8+$0x8000]  }
0x42a: {  	v7 =	vshll.u32 v7, $0x4;
	v10 =	vshll.u32 v10, $0x4;
	v6 =	vshll.u32 v6, $0x4;
	v13 =	vld [tilespmem:s8+$0x8010]  }
0x42b: {  	v15 =	vor.u32 v0, v5;
	v5 =	vshll.u32 v11, $0x4;
	v9 =	vshll.u32 v9, $0x4;
	v14 =	vld [tilespmem:s8+$0x8020]  }
0x42c: {  	v8 =	vor.u32 v0, v8;
	v7 =	vor.u32 v0, v7;
	v17 =	vor.u32 v0, v10;
	v16 =	vld [tilespmem:s8+$0x8030]  }
0x42d: {  	v6 =	vor.u32 v0, v6;
	v5 =	vor.u32 v0, v5;
	v10 =	vmul.f32 $2.560000000e+02, v4;
	v18 =	vld [tilespmem:s8+$0x8040]  }
.Ltmp16:
0x42e: {  	v4 =	vor.u32 v0, v9;
	v12 =	vmul.f32 $2.560000000e+02, v12;
	v11 =	vld [tilespmem:s8+$0x8050];
	(pc) =	sbr.rel @p0 .LBB2_34-.Ltmp16, $4  }
0x42f: {  	v10 =	vtrunc.f32 v10;
	v19 =	vmul.f32 $2.560000000e+02, v13;
	v9 =	vld [tilespmem:s8+$0x8060]  }
0x430: {  	v20 =	vcvt.f32.s32 v10;
	v13 =	vmul.f32 $2.560000000e+02, v14;
	[tilespmem:v15+s1+$0x0] =	vst.idx.add.s32.msk $0xffff, v2  }
0x431: {  	v10 =	vtrunc.f32 v12;
	v14 =	vmul.f32 $2.560000000e+02, v16;
	[tilespmem:v8+s1+$0x0] =	vst.idx.add.s32.msk $0xffff, v2  }
0x432: {  	v8 =	vtrunc.f32 v19;
	v15 =	vshll.u32 v20, $0x4;
	v12 =	vmul.f32 $2.560000000e+02, v18;
	[tilespmem:v17+s1+$0x0] =	vst.idx.add.s32.msk $0xffff, v2  }
0x433: {  	v13 =	vtrunc.f32 v13;
	v11 =	vmul.f32 $2.560000000e+02, v11  }
0x434: {  	v14 =	vtrunc.f32 v14;
	v10 =	vcvt.f32.s32 v10  }
0x435: {  	v8 =	vcvt.f32.s32 v8;
	v9 =	vmul.f32 $2.560000000e+02, v9  }
0x436: {  	v15 =	vor.u32 v0, v15;
	v12 =	vtrunc.f32 v12;
	v13 =	vcvt.f32.s32 v13  }
0x437: {  	[tilespmem:v7+s1+$0x0] =	vst.idx.add.s32.msk $0xffff, v2;
	v7 =	vcvt.f32.s32 v14;
	v11 =	vtrunc.f32 v11;
	v10 =	vshll.u32 v10, $0x4  }
0x438: {  	[tilespmem:v6+s1+$0x0] =	vst.idx.add.s32.msk $0xffff, v2;
	v8 =	vshll.u32 v8, $0x4;
	v6 =	vcvt.f32.s32 v12;
	v10 =	vor.u32 v0, v10  }
0x439: {  	v9 =	vtrunc.f32 v9;
	v12 =	vshll.u32 v13, $0x4;
	v8 =	vor.u32 v0, v8  }
0x43a: {  	[tilespmem:v5+s1+$0x0] =	vst.idx.add.s32.msk $0xffff, v2;
	v5 =	vcvt.f32.s32 v11;
	v7 =	vshll.u32 v7, $0x4;
	v11 =	vor.u32 v0, v12  }
0x43b: {  	[tilespmem:v4+s1+$0x0] =	vst.idx.add.s32.msk $0xffff, v2;
	v4 =	vcvt.f32.s32 v9;
	v6 =	vshll.u32 v6, $0x4;
	v7 =	vor.u32 v0, v7  }
0x43c: {  	[tilespmem:v15+s1+$0x0] =	vst.idx.add.s32.msk $0xffff, v2;
	v5 =	vshll.u32 v5, $0x4;
	v6 =	vor.u32 v0, v6  }
0x43d: {  	v4 =	vshll.u32 v4, $0x4;
	v5 =	vor.u32 v0, v5;
	[tilespmem:v10+s1+$0x0] =	vst.idx.add.s32.msk $0xffff, v2  }
0x43e: {  	v4 =	vor.u32 v0, v4;
	[tilespmem:v8+s1+$0x0] =	vst.idx.add.s32.msk $0xffff, v2  }
0x43f: {  	[tilespmem:v11+s1+$0x0] =	vst.idx.add.s32.msk $0xffff, v2  }
0x440: {  	[tilespmem:v7+s1+$0x0] =	vst.idx.add.s32.msk $0xffff, v2  }
0x441: {  	[tilespmem:v6+s1+$0x0] =	vst.idx.add.s32.msk $0xffff, v2  }
0x442: {  	[tilespmem:v5+s1+$0x0] =	vst.idx.add.s32.msk $0xffff, v2  }
0x443: {  	s5 =	simm.s32 $0x0;
	s6 =	simm.s32 $0x0;
	[tilespmem:v4+s1+$0x0] =	vst.idx.add.s32.msk $0xffff, v2  }
0x444: {  	[tilespmem:s30], [sflag:$0x2] =	stream.linear.gather [hbm4b:s20+s5], $0x8000, $0x38;
	[tilespmem:$0x12000] =	vst v63  }
0x445: {  	s6 =	sand.u32 $0x7000, s6;
	s7 =	sand.u32 $0xC00, s5;
	_ =	swait.ge [sflag:s31], $0x8000  }
0x446: {  	s6 =	sor.u32 s7, s6;
	s5 =	sand.u32 $0x380, s5;
	[sflag:s31] =	ssyncset.done $0x0  }
0x447: {  	s5 =	sor.u32 s5, s6;
	[sflag:s31] =	ssyncadd.s32 $0xFFFF8000  }
0x448: {  	v4 =	vld [tilespmem:s5+$0x70]  }
0x449: {  	v5 =	vld [tilespmem:s5+$0x0]  }
0x44a: {  	v6 =	vld [tilespmem:s5+$0x10]  }
0x44b: {  	v7 =	vld [tilespmem:s5+$0x20]  }
0x44c: {  	v8 =	vld [tilespmem:s5+$0x30]  }
0x44d: {  	v9 =	vld [tilespmem:s5+$0x40]  }
0x44e: {  	v10 =	vld [tilespmem:s5+$0x50]  }
0x44f: {  	v11 =	vld [tilespmem:s5+$0x60]  }
0x450: {  	v4 =	vmul.f32 $2.560000000e+02, v4;
	v5 =	vmul.f32 $2.560000000e+02, v5  }
0x451: {  	v6 =	vmul.f32 $2.560000000e+02, v6;
	v7 =	vmul.f32 $2.560000000e+02, v7  }
0x452: {  	s6 =	simm.s32 $0x400;
	s5 =	simm.s32 $0x80;
	v8 =	vmul.f32 $2.560000000e+02, v8;
	v4 =	vtrunc.f32 v4  }
0x453: {  	s7 =	simm.s32 $0x20;
	s9 =	sand.u32 $0xC00, s6;
	s8 =	sand.u32 $0x7000, s5;
	v9 =	vmul.f32 $2.560000000e+02, v9;
	v4 =	vcvt.f32.s32 v4  }
0x454: {  	s10 =	sand.u32 $0x380, s7;
	s8 =	sor.u32 s9, s8;
	v10 =	vmul.f32 $2.560000000e+02, v10;
	v11 =	vmul.f32 $2.560000000e+02, v11  }
0x455: {  	s8 =	sor.u32 s10, s8;
	v5 =	vtrunc.f32 v5;
	v6 =	vtrunc.f32 v6;
	v4 =	vshll.u32 v4, $0x4  }
0x456: {  	v13 =	vld [tilespmem:s8+$0x10];
	v7 =	vtrunc.f32 v7;
	v8 =	vtrunc.f32 v8;
	v4 =	vor.u32 v0, v4  }
0x457: {  	v9 =	vtrunc.f32 v9;
	v10 =	vtrunc.f32 v10  }
0x458: {  	v14 =	vld [tilespmem:s8+$0x20];
	v11 =	vtrunc.f32 v11;
	v5 =	vcvt.f32.s32 v5  }
0x459: {  	v12 =	vld [tilespmem:s8+$0x70];
	v6 =	vcvt.f32.s32 v6;
	v9 =	vcvt.f32.s32 v9  }
0x45a: {  	v16 =	vld [tilespmem:s8+$0x30];
	v10 =	vcvt.f32.s32 v10;
	v11 =	vcvt.f32.s32 v11  }
0x45b: {  	v20 =	vmul.f32 $2.560000000e+02, v13;
	v5 =	vshll.u32 v5, $0x4;
	[tilespmem:v4+s1+$0x0] =	vst.idx.add.s32.msk $0xffff, v2;
	v4 =	vcvt.f32.s32 v7  }
0x45c: {  	v6 =	vshll.u32 v6, $0x4;
	v15 =	vor.u32 v0, v5;
	v7 =	vcvt.f32.s32 v8;
	v8 =	vld [tilespmem:s8+$0x0]  }
0x45d: {  	v19 =	vld [tilespmem:s8+$0x40];
	v13 =	vmul.f32 $2.560000000e+02, v14;
	v17 =	vor.u32 v0, v6;
	v4 =	vshll.u32 v4, $0x4  }
0x45e: {  	v5 =	vshll.u32 v7, $0x4;
	v18 =	vor.u32 v0, v4;
	v4 =	vmul.f32 $2.560000000e+02, v12  }
0x45f: {  	v9 =	vshll.u32 v9, $0x4;
	v12 =	vshll.u32 v11, $0x4;
	v7 =	vor.u32 v0, v5;
	v11 =	vld [tilespmem:s8+$0x50]  }
0x460: {  	v10 =	vshll.u32 v10, $0x4;
	v6 =	vor.u32 v0, v9;
	v9 =	vld [tilespmem:s8+$0x60];
	v4 =	vtrunc.f32 v4  }
0x461: {  	[tilespmem:v15+s1+$0x0] =	vst.idx.add.s32.msk $0xffff, v2;
	v5 =	vor.u32 v0, v10;
	v8 =	vmul.f32 $2.560000000e+02, v8;
	v21 =	vcvt.f32.s32 v4  }
0x462: {  	v14 =	vmul.f32 $2.560000000e+02, v16;
	[tilespmem:v17+s1+$0x0] =	vst.idx.add.s32.msk $0xffff, v2;
	v4 =	vor.u32 v0, v12;
	v12 =	vmul.f32 $2.560000000e+02, v19  }
0x463: {  	v10 =	vtrunc.f32 v8;
	v8 =	vtrunc.f32 v20;
	v15 =	vshll.u32 v21, $0x4;
	[tilespmem:v18+s1+$0x0] =	vst.idx.add.s32.msk $0xffff, v2  }
.LBB2_36:
0x464: {  	s5 =	sadd.s32 $0x80, s5;
	v13 =	vtrunc.f32 v13;
	v11 =	vmul.f32 $2.560000000e+02, v11;
	v15 =	vor.u32 v0, v15;
	s6 =	sadd.s32 $0x400, s6;
	[tilespmem:v7+s1+$0x0] =	vst.idx.add.s32.msk $0xffff, v2  }
0x465: {  	v7 =	vtrunc.f32 v14;
	s7 =	sadd.s32 $0x20, s7;
	s8 =	sand.u32 $0x7000, s5;
	s9 =	sand.u32 $0xC00, s6;
	v9 =	vmul.f32 $2.560000000e+02, v9;
	[tilespmem:v6+s1+$0x0] =	vst.idx.add.s32.msk $0xffff, v2  }
0x466: {  	s10 =	sand.u32 $0x380, s7;
	p0 =	slt.u32 s5, $0x7F80;
	v6 =	vtrunc.f32 v12;
	s8 =	sor.u32 s9, s8;
	v11 =	vtrunc.f32 v11;
	[tilespmem:v5+s1+$0x0] =	vst.idx.add.s32.msk $0xffff, v2  }
0x467: {  	v5 =	vcvt.f32.s32 v10;
	s8 =	sor.u32 s10, s8;
	v9 =	vtrunc.f32 v9;
	[tilespmem:v4+s1+$0x0] =	vst.idx.add.s32.msk $0xffff, v2  }
0x468: {  	v8 =	vcvt.f32.s32 v8;
	v10 =	vcvt.f32.s32 v13;
	v4 =	vld [tilespmem:s8+$0x70]  }
0x469: {  	v7 =	vcvt.f32.s32 v7;
	v6 =	vcvt.f32.s32 v6;
	v5 =	vshll.u32 v5, $0x4;
	[tilespmem:v15+s1+$0x0] =	vst.idx.add.s32.msk $0xffff, v2  }
0x46a: {  	v8 =	vshll.u32 v8, $0x4;
	v11 =	vcvt.f32.s32 v11;
	v9 =	vcvt.f32.s32 v9;
	v12 =	vld [tilespmem:s8+$0x0]  }
0x46b: {  	v7 =	vshll.u32 v7, $0x4;
	v10 =	vshll.u32 v10, $0x4;
	v6 =	vshll.u32 v6, $0x4;
	v13 =	vld [tilespmem:s8+$0x10]  }
0x46c: {  	v15 =	vor.u32 v0, v5;
	v5 =	vshll.u32 v11, $0x4;
	v9 =	vshll.u32 v9, $0x4;
	v14 =	vld [tilespmem:s8+$0x20]  }
0x46d: {  	v8 =	vor.u32 v0, v8;
	v7 =	vor.u32 v0, v7;
	v17 =	vor.u32 v0, v10;
	v16 =	vld [tilespmem:s8+$0x30]  }
0x46e: {  	v6 =	vor.u32 v0, v6;
	v5 =	vor.u32 v0, v5;
	v10 =	vmul.f32 $2.560000000e+02, v4;
	v18 =	vld [tilespmem:s8+$0x40]  }
.Ltmp17:
0x46f: {  	v4 =	vor.u32 v0, v9;
	v12 =	vmul.f32 $2.560000000e+02, v12;
	v11 =	vld [tilespmem:s8+$0x50];
	(pc) =	sbr.rel @p0 .LBB2_36-.Ltmp17, $4  }
0x470: {  	v10 =	vtrunc.f32 v10;
	v19 =	vmul.f32 $2.560000000e+02, v13;
	v9 =	vld [tilespmem:s8+$0x60]  }
0x471: {  	v20 =	vcvt.f32.s32 v10;
	v13 =	vmul.f32 $2.560000000e+02, v14;
	[tilespmem:v15+s1+$0x0] =	vst.idx.add.s32.msk $0xffff, v2  }
0x472: {  	v10 =	vtrunc.f32 v12;
	v14 =	vmul.f32 $2.560000000e+02, v16;
	[tilespmem:v8+s1+$0x0] =	vst.idx.add.s32.msk $0xffff, v2  }
0x473: {  	v8 =	vtrunc.f32 v19;
	v15 =	vshll.u32 v20, $0x4;
	v12 =	vmul.f32 $2.560000000e+02, v18;
	[tilespmem:v17+s1+$0x0] =	vst.idx.add.s32.msk $0xffff, v2  }
0x474: {  	v13 =	vtrunc.f32 v13;
	v11 =	vmul.f32 $2.560000000e+02, v11  }
0x475: {  	v14 =	vtrunc.f32 v14;
	v10 =	vcvt.f32.s32 v10  }
0x476: {  	v8 =	vcvt.f32.s32 v8;
	v9 =	vmul.f32 $2.560000000e+02, v9  }
0x477: {  	v15 =	vor.u32 v0, v15;
	v12 =	vtrunc.f32 v12;
	v13 =	vcvt.f32.s32 v13  }
0x478: {  	[tilespmem:v7+s1+$0x0] =	vst.idx.add.s32.msk $0xffff, v2;
	v7 =	vcvt.f32.s32 v14;
	v11 =	vtrunc.f32 v11;
	v10 =	vshll.u32 v10, $0x4  }
0x479: {  	[tilespmem:v6+s1+$0x0] =	vst.idx.add.s32.msk $0xffff, v2;
	v8 =	vshll.u32 v8, $0x4;
	v6 =	vcvt.f32.s32 v12;
	v10 =	vor.u32 v0, v10  }
0x47a: {  	v9 =	vtrunc.f32 v9;
	v12 =	vshll.u32 v13, $0x4;
	v8 =	vor.u32 v0, v8  }
0x47b: {  	[tilespmem:v5+s1+$0x0] =	vst.idx.add.s32.msk $0xffff, v2;
	v5 =	vcvt.f32.s32 v11;
	v7 =	vshll.u32 v7, $0x4;
	v11 =	vor.u32 v0, v12  }
0x47c: {  	[tilespmem:v4+s1+$0x0] =	vst.idx.add.s32.msk $0xffff, v2;
	v4 =	vcvt.f32.s32 v9;
	v6 =	vshll.u32 v6, $0x4;
	v7 =	vor.u32 v0, v7  }
0x47d: {  	[tilespmem:v15+s1+$0x0] =	vst.idx.add.s32.msk $0xffff, v2;
	v5 =	vshll.u32 v5, $0x4;
	v6 =	vor.u32 v0, v6  }
0x47e: {  	v4 =	vshll.u32 v4, $0x4;
	v5 =	vor.u32 v0, v5;
	[tilespmem:v10+s1+$0x0] =	vst.idx.add.s32.msk $0xffff, v2  }
0x47f: {  	v4 =	vor.u32 v0, v4;
	[tilespmem:v8+s1+$0x0] =	vst.idx.add.s32.msk $0xffff, v2  }
0x480: {  	[tilespmem:v11+s1+$0x0] =	vst.idx.add.s32.msk $0xffff, v2  }
0x481: {  	[tilespmem:v7+s1+$0x0] =	vst.idx.add.s32.msk $0xffff, v2  }
0x482: {  	[tilespmem:v6+s1+$0x0] =	vst.idx.add.s32.msk $0xffff, v2  }
0x483: {  	[tilespmem:v5+s1+$0x0] =	vst.idx.add.s32.msk $0xffff, v2  }
0x484: {  	s5 =	simm.s32 $0x0;
	s6 =	simm.s32 $0x0;
	[tilespmem:v4+s1+$0x0] =	vst.idx.add.s32.msk $0xffff, v2  }
0x485: {  	[tilespmem:s5], [sflag:$0x1] =	stream.linear.gather [hbm4b:s21+s5], $0x8000, $0x38;
	[tilespmem:$0x12000] =	vst v63  }
0x486: {  	s6 =	sand.u32 $0x7000, s6;
	s7 =	sand.u32 $0xC00, s5;
	_ =	swait.ge [sflag:s0], $0x8000  }
0x487: {  	s6 =	sor.u32 s7, s6;
	s5 =	sand.u32 $0x380, s5;
	[sflag:s0] =	ssyncset.done $0x0  }
0x488: {  	s5 =	sor.u32 s5, s6;
	[sflag:s0] =	ssyncadd.s32 $0xFFFF8000  }
0x489: {  	v4 =	vld [tilespmem:s5+$0x8070]  }
0x48a: {  	v5 =	vld [tilespmem:s5+$0x8000]  }
0x48b: {  	v6 =	vld [tilespmem:s5+$0x8010]  }
0x48c: {  	v7 =	vld [tilespmem:s5+$0x8020]  }
0x48d: {  	v8 =	vld [tilespmem:s5+$0x8030]  }
0x48e: {  	v9 =	vld [tilespmem:s5+$0x8040]  }
0x48f: {  	v10 =	vld [tilespmem:s5+$0x8050]  }
0x490: {  	v11 =	vld [tilespmem:s5+$0x8060]  }
0x491: {  	v4 =	vmul.f32 $2.560000000e+02, v4;
	v5 =	vmul.f32 $2.560000000e+02, v5  }
0x492: {  	v6 =	vmul.f32 $2.560000000e+02, v6;
	v7 =	vmul.f32 $2.560000000e+02, v7  }
0x493: {  	s6 =	simm.s32 $0x400;
	s5 =	simm.s32 $0x80;
	v8 =	vmul.f32 $2.560000000e+02, v8;
	v4 =	vtrunc.f32 v4  }
0x494: {  	s7 =	simm.s32 $0x20;
	s9 =	sand.u32 $0xC00, s6;
	s8 =	sand.u32 $0x7000, s5;
	v9 =	vmul.f32 $2.560000000e+02, v9;
	v4 =	vcvt.f32.s32 v4  }
0x495: {  	s10 =	sand.u32 $0x380, s7;
	s8 =	sor.u32 s9, s8;
	v10 =	vmul.f32 $2.560000000e+02, v10;
	v11 =	vmul.f32 $2.560000000e+02, v11  }
0x496: {  	s8 =	sor.u32 s10, s8;
	v5 =	vtrunc.f32 v5;
	v6 =	vtrunc.f32 v6;
	v4 =	vshll.u32 v4, $0x4  }
0x497: {  	v13 =	vld [tilespmem:s8+$0x8010];
	v7 =	vtrunc.f32 v7;
	v8 =	vtrunc.f32 v8;
	v4 =	vor.u32 v0, v4  }
0x498: {  	v9 =	vtrunc.f32 v9;
	v10 =	vtrunc.f32 v10  }
0x499: {  	v14 =	vld [tilespmem:s8+$0x8020];
	v11 =	vtrunc.f32 v11;
	v5 =	vcvt.f32.s32 v5  }
0x49a: {  	v12 =	vld [tilespmem:s8+$0x8070];
	v6 =	vcvt.f32.s32 v6;
	v9 =	vcvt.f32.s32 v9  }
0x49b: {  	v16 =	vld [tilespmem:s8+$0x8030];
	v10 =	vcvt.f32.s32 v10;
	v11 =	vcvt.f32.s32 v11  }
0x49c: {  	v20 =	vmul.f32 $2.560000000e+02, v13;
	v5 =	vshll.u32 v5, $0x4;
	[tilespmem:v4+s1+$0x0] =	vst.idx.add.s32.msk $0xffff, v2;
	v4 =	vcvt.f32.s32 v7  }
0x49d: {  	v6 =	vshll.u32 v6, $0x4;
	v15 =	vor.u32 v0, v5;
	v7 =	vcvt.f32.s32 v8;
	v8 =	vld [tilespmem:s8+$0x8000]  }
0x49e: {  	v19 =	vld [tilespmem:s8+$0x8040];
	v13 =	vmul.f32 $2.560000000e+02, v14;
	v17 =	vor.u32 v0, v6;
	v4 =	vshll.u32 v4, $0x4  }
0x49f: {  	v5 =	vshll.u32 v7, $0x4;
	v18 =	vor.u32 v0, v4;
	v4 =	vmul.f32 $2.560000000e+02, v12  }
0x4a0: {  	v9 =	vshll.u32 v9, $0x4;
	v12 =	vshll.u32 v11, $0x4;
	v7 =	vor.u32 v0, v5;
	v11 =	vld [tilespmem:s8+$0x8050]  }
0x4a1: {  	v10 =	vshll.u32 v10, $0x4;
	v6 =	vor.u32 v0, v9;
	v9 =	vld [tilespmem:s8+$0x8060];
	v4 =	vtrunc.f32 v4  }
0x4a2: {  	[tilespmem:v15+s1+$0x0] =	vst.idx.add.s32.msk $0xffff, v2;
	v5 =	vor.u32 v0, v10;
	v8 =	vmul.f32 $2.560000000e+02, v8;
	v21 =	vcvt.f32.s32 v4  }
0x4a3: {  	v14 =	vmul.f32 $2.560000000e+02, v16;
	[tilespmem:v17+s1+$0x0] =	vst.idx.add.s32.msk $0xffff, v2;
	v4 =	vor.u32 v0, v12;
	v12 =	vmul.f32 $2.560000000e+02, v19  }
0x4a4: {  	v10 =	vtrunc.f32 v8;
	v8 =	vtrunc.f32 v20;
	v15 =	vshll.u32 v21, $0x4;
	[tilespmem:v18+s1+$0x0] =	vst.idx.add.s32.msk $0xffff, v2  }
.LBB2_38:
0x4a5: {  	s5 =	sadd.s32 $0x80, s5;
	v13 =	vtrunc.f32 v13;
	v11 =	vmul.f32 $2.560000000e+02, v11;
	v15 =	vor.u32 v0, v15;
	s6 =	sadd.s32 $0x400, s6;
	[tilespmem:v7+s1+$0x0] =	vst.idx.add.s32.msk $0xffff, v2  }
0x4a6: {  	v7 =	vtrunc.f32 v14;
	s7 =	sadd.s32 $0x20, s7;
	s8 =	sand.u32 $0x7000, s5;
	s9 =	sand.u32 $0xC00, s6;
	v9 =	vmul.f32 $2.560000000e+02, v9;
	[tilespmem:v6+s1+$0x0] =	vst.idx.add.s32.msk $0xffff, v2  }
0x4a7: {  	s10 =	sand.u32 $0x380, s7;
	p0 =	slt.u32 s5, $0x7F80;
	v6 =	vtrunc.f32 v12;
	s8 =	sor.u32 s9, s8;
	v11 =	vtrunc.f32 v11;
	[tilespmem:v5+s1+$0x0] =	vst.idx.add.s32.msk $0xffff, v2  }
0x4a8: {  	v5 =	vcvt.f32.s32 v10;
	s8 =	sor.u32 s10, s8;
	v9 =	vtrunc.f32 v9;
	[tilespmem:v4+s1+$0x0] =	vst.idx.add.s32.msk $0xffff, v2  }
0x4a9: {  	v8 =	vcvt.f32.s32 v8;
	v10 =	vcvt.f32.s32 v13;
	v4 =	vld [tilespmem:s8+$0x8070]  }
0x4aa: {  	v7 =	vcvt.f32.s32 v7;
	v6 =	vcvt.f32.s32 v6;
	v5 =	vshll.u32 v5, $0x4;
	[tilespmem:v15+s1+$0x0] =	vst.idx.add.s32.msk $0xffff, v2  }
0x4ab: {  	v8 =	vshll.u32 v8, $0x4;
	v11 =	vcvt.f32.s32 v11;
	v9 =	vcvt.f32.s32 v9;
	v12 =	vld [tilespmem:s8+$0x8000]  }
0x4ac: {  	v7 =	vshll.u32 v7, $0x4;
	v10 =	vshll.u32 v10, $0x4;
	v6 =	vshll.u32 v6, $0x4;
	v13 =	vld [tilespmem:s8+$0x8010]  }
0x4ad: {  	v15 =	vor.u32 v0, v5;
	v5 =	vshll.u32 v11, $0x4;
	v9 =	vshll.u32 v9, $0x4;
	v14 =	vld [tilespmem:s8+$0x8020]  }
0x4ae: {  	v8 =	vor.u32 v0, v8;
	v7 =	vor.u32 v0, v7;
	v17 =	vor.u32 v0, v10;
	v16 =	vld [tilespmem:s8+$0x8030]  }
0x4af: {  	v6 =	vor.u32 v0, v6;
	v5 =	vor.u32 v0, v5;
	v10 =	vmul.f32 $2.560000000e+02, v4;
	v18 =	vld [tilespmem:s8+$0x8040]  }
.Ltmp18:
0x4b0: {  	v4 =	vor.u32 v0, v9;
	v12 =	vmul.f32 $2.560000000e+02, v12;
	v11 =	vld [tilespmem:s8+$0x8050];
	(pc) =	sbr.rel @p0 .LBB2_38-.Ltmp18, $4  }
0x4b1: {  	v10 =	vtrunc.f32 v10;
	v19 =	vmul.f32 $2.560000000e+02, v13;
	v9 =	vld [tilespmem:s8+$0x8060]  }
0x4b2: {  	v20 =	vcvt.f32.s32 v10;
	v13 =	vmul.f32 $2.560000000e+02, v14;
	[tilespmem:v15+s1+$0x0] =	vst.idx.add.s32.msk $0xffff, v2  }
0x4b3: {  	v10 =	vtrunc.f32 v12;
	v14 =	vmul.f32 $2.560000000e+02, v16;
	[tilespmem:v8+s1+$0x0] =	vst.idx.add.s32.msk $0xffff, v2  }
0x4b4: {  	v8 =	vtrunc.f32 v19;
	v15 =	vshll.u32 v20, $0x4;
	v12 =	vmul.f32 $2.560000000e+02, v18;
	[tilespmem:v17+s1+$0x0] =	vst.idx.add.s32.msk $0xffff, v2  }
0x4b5: {  	v13 =	vtrunc.f32 v13;
	v11 =	vmul.f32 $2.560000000e+02, v11  }
0x4b6: {  	v14 =	vtrunc.f32 v14;
	v10 =	vcvt.f32.s32 v10  }
0x4b7: {  	v8 =	vcvt.f32.s32 v8;
	v9 =	vmul.f32 $2.560000000e+02, v9  }
0x4b8: {  	v15 =	vor.u32 v0, v15;
	v12 =	vtrunc.f32 v12;
	v13 =	vcvt.f32.s32 v13  }
0x4b9: {  	[tilespmem:v7+s1+$0x0] =	vst.idx.add.s32.msk $0xffff, v2;
	v7 =	vcvt.f32.s32 v14;
	v11 =	vtrunc.f32 v11;
	v10 =	vshll.u32 v10, $0x4  }
0x4ba: {  	[tilespmem:v6+s1+$0x0] =	vst.idx.add.s32.msk $0xffff, v2;
	v8 =	vshll.u32 v8, $0x4;
	v6 =	vcvt.f32.s32 v12;
	v10 =	vor.u32 v0, v10  }
0x4bb: {  	v9 =	vtrunc.f32 v9;
	v12 =	vshll.u32 v13, $0x4;
	v8 =	vor.u32 v0, v8  }
0x4bc: {  	[tilespmem:v5+s1+$0x0] =	vst.idx.add.s32.msk $0xffff, v2;
	v5 =	vcvt.f32.s32 v11;
	v7 =	vshll.u32 v7, $0x4;
	v11 =	vor.u32 v0, v12  }
0x4bd: {  	[tilespmem:v4+s1+$0x0] =	vst.idx.add.s32.msk $0xffff, v2;
	v4 =	vcvt.f32.s32 v9;
	v6 =	vshll.u32 v6, $0x4;
	v7 =	vor.u32 v0, v7  }
0x4be: {  	[tilespmem:v15+s1+$0x0] =	vst.idx.add.s32.msk $0xffff, v2;
	v5 =	vshll.u32 v5, $0x4;
	v6 =	vor.u32 v0, v6  }
0x4bf: {  	v4 =	vshll.u32 v4, $0x4;
	v5 =	vor.u32 v0, v5;
	[tilespmem:v10+s1+$0x0] =	vst.idx.add.s32.msk $0xffff, v2  }
0x4c0: {  	v4 =	vor.u32 v0, v4;
	[tilespmem:v8+s1+$0x0] =	vst.idx.add.s32.msk $0xffff, v2  }
0x4c1: {  	[tilespmem:v11+s1+$0x0] =	vst.idx.add.s32.msk $0xffff, v2  }
0x4c2: {  	[tilespmem:v7+s1+$0x0] =	vst.idx.add.s32.msk $0xffff, v2  }
0x4c3: {  	[tilespmem:v6+s1+$0x0] =	vst.idx.add.s32.msk $0xffff, v2  }
0x4c4: {  	[tilespmem:v5+s1+$0x0] =	vst.idx.add.s32.msk $0xffff, v2  }
0x4c5: {  	s5 =	simm.s32 $0x0;
	s6 =	simm.s32 $0x0;
	[tilespmem:v4+s1+$0x0] =	vst.idx.add.s32.msk $0xffff, v2  }
0x4c6: {  	[tilespmem:s30], [sflag:$0x2] =	stream.linear.gather [hbm4b:s22+s5], $0x8000, $0x38;
	[tilespmem:$0x12000] =	vst v63  }
0x4c7: {  	s6 =	sand.u32 $0x7000, s6;
	s7 =	sand.u32 $0xC00, s5;
	_ =	swait.ge [sflag:s31], $0x8000  }
0x4c8: {  	s6 =	sor.u32 s7, s6;
	s5 =	sand.u32 $0x380, s5;
	[sflag:s31] =	ssyncset.done $0x0  }
0x4c9: {  	s5 =	sor.u32 s5, s6;
	[sflag:s31] =	ssyncadd.s32 $0xFFFF8000  }
0x4ca: {  	v4 =	vld [tilespmem:s5+$0x70]  }
0x4cb: {  	v5 =	vld [tilespmem:s5+$0x0]  }
0x4cc: {  	v6 =	vld [tilespmem:s5+$0x10]  }
0x4cd: {  	v7 =	vld [tilespmem:s5+$0x20]  }
0x4ce: {  	v8 =	vld [tilespmem:s5+$0x30]  }
0x4cf: {  	v9 =	vld [tilespmem:s5+$0x40]  }
0x4d0: {  	v10 =	vld [tilespmem:s5+$0x50]  }
0x4d1: {  	v11 =	vld [tilespmem:s5+$0x60]  }
0x4d2: {  	v4 =	vmul.f32 $2.560000000e+02, v4;
	v5 =	vmul.f32 $2.560000000e+02, v5  }
0x4d3: {  	v6 =	vmul.f32 $2.560000000e+02, v6;
	v7 =	vmul.f32 $2.560000000e+02, v7  }
0x4d4: {  	s6 =	simm.s32 $0x400;
	s5 =	simm.s32 $0x80;
	v8 =	vmul.f32 $2.560000000e+02, v8;
	v4 =	vtrunc.f32 v4  }
0x4d5: {  	s7 =	simm.s32 $0x20;
	s9 =	sand.u32 $0xC00, s6;
	s8 =	sand.u32 $0x7000, s5;
	v9 =	vmul.f32 $2.560000000e+02, v9;
	v4 =	vcvt.f32.s32 v4  }
0x4d6: {  	s10 =	sand.u32 $0x380, s7;
	s8 =	sor.u32 s9, s8;
	v10 =	vmul.f32 $2.560000000e+02, v10;
	v11 =	vmul.f32 $2.560000000e+02, v11  }
0x4d7: {  	s8 =	sor.u32 s10, s8;
	v5 =	vtrunc.f32 v5;
	v6 =	vtrunc.f32 v6;
	v4 =	vshll.u32 v4, $0x4  }
0x4d8: {  	v13 =	vld [tilespmem:s8+$0x10];
	v7 =	vtrunc.f32 v7;
	v8 =	vtrunc.f32 v8;
	v4 =	vor.u32 v0, v4  }
0x4d9: {  	v9 =	vtrunc.f32 v9;
	v10 =	vtrunc.f32 v10  }
0x4da: {  	v14 =	vld [tilespmem:s8+$0x20];
	v11 =	vtrunc.f32 v11;
	v5 =	vcvt.f32.s32 v5  }
0x4db: {  	v12 =	vld [tilespmem:s8+$0x70];
	v6 =	vcvt.f32.s32 v6;
	v9 =	vcvt.f32.s32 v9  }
0x4dc: {  	v16 =	vld [tilespmem:s8+$0x30];
	v10 =	vcvt.f32.s32 v10;
	v11 =	vcvt.f32.s32 v11  }
0x4dd: {  	v20 =	vmul.f32 $2.560000000e+02, v13;
	v5 =	vshll.u32 v5, $0x4;
	[tilespmem:v4+s1+$0x0] =	vst.idx.add.s32.msk $0xffff, v2;
	v4 =	vcvt.f32.s32 v7  }
0x4de: {  	v6 =	vshll.u32 v6, $0x4;
	v15 =	vor.u32 v0, v5;
	v7 =	vcvt.f32.s32 v8;
	v8 =	vld [tilespmem:s8+$0x0]  }
0x4df: {  	v19 =	vld [tilespmem:s8+$0x40];
	v13 =	vmul.f32 $2.560000000e+02, v14;
	v17 =	vor.u32 v0, v6;
	v4 =	vshll.u32 v4, $0x4  }
0x4e0: {  	v5 =	vshll.u32 v7, $0x4;
	v18 =	vor.u32 v0, v4;
	v4 =	vmul.f32 $2.560000000e+02, v12  }
0x4e1: {  	v9 =	vshll.u32 v9, $0x4;
	v12 =	vshll.u32 v11, $0x4;
	v7 =	vor.u32 v0, v5;
	v11 =	vld [tilespmem:s8+$0x50]  }
0x4e2: {  	v10 =	vshll.u32 v10, $0x4;
	v6 =	vor.u32 v0, v9;
	v9 =	vld [tilespmem:s8+$0x60];
	v4 =	vtrunc.f32 v4  }
0x4e3: {  	[tilespmem:v15+s1+$0x0] =	vst.idx.add.s32.msk $0xffff, v2;
	v5 =	vor.u32 v0, v10;
	v8 =	vmul.f32 $2.560000000e+02, v8;
	v21 =	vcvt.f32.s32 v4  }
0x4e4: {  	v14 =	vmul.f32 $2.560000000e+02, v16;
	[tilespmem:v17+s1+$0x0] =	vst.idx.add.s32.msk $0xffff, v2;
	v4 =	vor.u32 v0, v12;
	v12 =	vmul.f32 $2.560000000e+02, v19  }
0x4e5: {  	v10 =	vtrunc.f32 v8;
	v8 =	vtrunc.f32 v20;
	v15 =	vshll.u32 v21, $0x4;
	[tilespmem:v18+s1+$0x0] =	vst.idx.add.s32.msk $0xffff, v2  }
.LBB2_40:
0x4e6: {  	s5 =	sadd.s32 $0x80, s5;
	v13 =	vtrunc.f32 v13;
	v11 =	vmul.f32 $2.560000000e+02, v11;
	v15 =	vor.u32 v0, v15;
	s6 =	sadd.s32 $0x400, s6;
	[tilespmem:v7+s1+$0x0] =	vst.idx.add.s32.msk $0xffff, v2  }
0x4e7: {  	v7 =	vtrunc.f32 v14;
	s7 =	sadd.s32 $0x20, s7;
	s8 =	sand.u32 $0x7000, s5;
	s9 =	sand.u32 $0xC00, s6;
	v9 =	vmul.f32 $2.560000000e+02, v9;
	[tilespmem:v6+s1+$0x0] =	vst.idx.add.s32.msk $0xffff, v2  }
0x4e8: {  	s10 =	sand.u32 $0x380, s7;
	p0 =	slt.u32 s5, $0x7F80;
	v6 =	vtrunc.f32 v12;
	s8 =	sor.u32 s9, s8;
	v11 =	vtrunc.f32 v11;
	[tilespmem:v5+s1+$0x0] =	vst.idx.add.s32.msk $0xffff, v2  }
0x4e9: {  	v5 =	vcvt.f32.s32 v10;
	s8 =	sor.u32 s10, s8;
	v9 =	vtrunc.f32 v9;
	[tilespmem:v4+s1+$0x0] =	vst.idx.add.s32.msk $0xffff, v2  }
0x4ea: {  	v8 =	vcvt.f32.s32 v8;
	v10 =	vcvt.f32.s32 v13;
	v4 =	vld [tilespmem:s8+$0x70]  }
0x4eb: {  	v7 =	vcvt.f32.s32 v7;
	v6 =	vcvt.f32.s32 v6;
	v5 =	vshll.u32 v5, $0x4;
	[tilespmem:v15+s1+$0x0] =	vst.idx.add.s32.msk $0xffff, v2  }
0x4ec: {  	v8 =	vshll.u32 v8, $0x4;
	v11 =	vcvt.f32.s32 v11;
	v9 =	vcvt.f32.s32 v9;
	v12 =	vld [tilespmem:s8+$0x0]  }
0x4ed: {  	v7 =	vshll.u32 v7, $0x4;
	v10 =	vshll.u32 v10, $0x4;
	v6 =	vshll.u32 v6, $0x4;
	v13 =	vld [tilespmem:s8+$0x10]  }
0x4ee: {  	v15 =	vor.u32 v0, v5;
	v5 =	vshll.u32 v11, $0x4;
	v9 =	vshll.u32 v9, $0x4;
	v14 =	vld [tilespmem:s8+$0x20]  }
0x4ef: {  	v8 =	vor.u32 v0, v8;
	v7 =	vor.u32 v0, v7;
	v17 =	vor.u32 v0, v10;
	v16 =	vld [tilespmem:s8+$0x30]  }
0x4f0: {  	v6 =	vor.u32 v0, v6;
	v5 =	vor.u32 v0, v5;
	v10 =	vmul.f32 $2.560000000e+02, v4;
	v18 =	vld [tilespmem:s8+$0x40]  }
.Ltmp19:
0x4f1: {  	v4 =	vor.u32 v0, v9;
	v12 =	vmul.f32 $2.560000000e+02, v12;
	v11 =	vld [tilespmem:s8+$0x50];
	(pc) =	sbr.rel @p0 .LBB2_40-.Ltmp19, $4  }
0x4f2: {  	v10 =	vtrunc.f32 v10;
	v19 =	vmul.f32 $2.560000000e+02, v13;
	v9 =	vld [tilespmem:s8+$0x60]  }
0x4f3: {  	v20 =	vcvt.f32.s32 v10;
	v13 =	vmul.f32 $2.560000000e+02, v14;
	[tilespmem:v15+s1+$0x0] =	vst.idx.add.s32.msk $0xffff, v2  }
0x4f4: {  	v10 =	vtrunc.f32 v12;
	v14 =	vmul.f32 $2.560000000e+02, v16;
	[tilespmem:v8+s1+$0x0] =	vst.idx.add.s32.msk $0xffff, v2  }
0x4f5: {  	v8 =	vtrunc.f32 v19;
	v15 =	vshll.u32 v20, $0x4;
	v12 =	vmul.f32 $2.560000000e+02, v18;
	[tilespmem:v17+s1+$0x0] =	vst.idx.add.s32.msk $0xffff, v2  }
0x4f6: {  	v13 =	vtrunc.f32 v13;
	v11 =	vmul.f32 $2.560000000e+02, v11  }
0x4f7: {  	v14 =	vtrunc.f32 v14;
	v10 =	vcvt.f32.s32 v10  }
0x4f8: {  	v8 =	vcvt.f32.s32 v8;
	v9 =	vmul.f32 $2.560000000e+02, v9  }
0x4f9: {  	v15 =	vor.u32 v0, v15;
	v12 =	vtrunc.f32 v12;
	v13 =	vcvt.f32.s32 v13  }
0x4fa: {  	[tilespmem:v7+s1+$0x0] =	vst.idx.add.s32.msk $0xffff, v2;
	v7 =	vcvt.f32.s32 v14;
	v11 =	vtrunc.f32 v11;
	v10 =	vshll.u32 v10, $0x4  }
0x4fb: {  	[tilespmem:v6+s1+$0x0] =	vst.idx.add.s32.msk $0xffff, v2;
	v8 =	vshll.u32 v8, $0x4;
	v6 =	vcvt.f32.s32 v12;
	v10 =	vor.u32 v0, v10  }
0x4fc: {  	v9 =	vtrunc.f32 v9;
	v12 =	vshll.u32 v13, $0x4;
	v8 =	vor.u32 v0, v8  }
0x4fd: {  	[tilespmem:v5+s1+$0x0] =	vst.idx.add.s32.msk $0xffff, v2;
	v5 =	vcvt.f32.s32 v11;
	v7 =	vshll.u32 v7, $0x4;
	v11 =	vor.u32 v0, v12  }
0x4fe: {  	[tilespmem:v4+s1+$0x0] =	vst.idx.add.s32.msk $0xffff, v2;
	v4 =	vcvt.f32.s32 v9;
	v6 =	vshll.u32 v6, $0x4;
	v7 =	vor.u32 v0, v7  }
0x4ff: {  	[tilespmem:v15+s1+$0x0] =	vst.idx.add.s32.msk $0xffff, v2;
	v5 =	vshll.u32 v5, $0x4;
	v6 =	vor.u32 v0, v6  }
0x500: {  	v4 =	vshll.u32 v4, $0x4;
	v5 =	vor.u32 v0, v5;
	[tilespmem:v10+s1+$0x0] =	vst.idx.add.s32.msk $0xffff, v2  }
0x501: {  	v4 =	vor.u32 v0, v4;
	[tilespmem:v8+s1+$0x0] =	vst.idx.add.s32.msk $0xffff, v2  }
0x502: {  	[tilespmem:v11+s1+$0x0] =	vst.idx.add.s32.msk $0xffff, v2  }
0x503: {  	[tilespmem:v7+s1+$0x0] =	vst.idx.add.s32.msk $0xffff, v2  }
0x504: {  	[tilespmem:v6+s1+$0x0] =	vst.idx.add.s32.msk $0xffff, v2  }
0x505: {  	[tilespmem:v5+s1+$0x0] =	vst.idx.add.s32.msk $0xffff, v2  }
0x506: {  	s5 =	simm.s32 $0x0;
	s6 =	simm.s32 $0x0;
	[tilespmem:v4+s1+$0x0] =	vst.idx.add.s32.msk $0xffff, v2  }
0x507: {  	[tilespmem:s5], [sflag:$0x1] =	stream.linear.gather [hbm4b:s23+s5], $0x8000, $0x38;
	[tilespmem:$0x12000] =	vst v63  }
0x508: {  	s6 =	sand.u32 $0x7000, s6;
	s7 =	sand.u32 $0xC00, s5;
	_ =	swait.ge [sflag:s0], $0x8000  }
0x509: {  	s6 =	sor.u32 s7, s6;
	s5 =	sand.u32 $0x380, s5;
	[sflag:s0] =	ssyncset.done $0x0  }
0x50a: {  	s5 =	sor.u32 s5, s6;
	[sflag:s0] =	ssyncadd.s32 $0xFFFF8000  }
0x50b: {  	v4 =	vld [tilespmem:s5+$0x8070]  }
0x50c: {  	v5 =	vld [tilespmem:s5+$0x8000]  }
0x50d: {  	v6 =	vld [tilespmem:s5+$0x8010]  }
0x50e: {  	v7 =	vld [tilespmem:s5+$0x8020]  }
0x50f: {  	v8 =	vld [tilespmem:s5+$0x8030]  }
0x510: {  	v9 =	vld [tilespmem:s5+$0x8040]  }
0x511: {  	v10 =	vld [tilespmem:s5+$0x8050]  }
0x512: {  	v11 =	vld [tilespmem:s5+$0x8060]  }
0x513: {  	v4 =	vmul.f32 $2.560000000e+02, v4;
	v5 =	vmul.f32 $2.560000000e+02, v5  }
0x514: {  	v6 =	vmul.f32 $2.560000000e+02, v6;
	v7 =	vmul.f32 $2.560000000e+02, v7  }
0x515: {  	s6 =	simm.s32 $0x400;
	s5 =	simm.s32 $0x80;
	v8 =	vmul.f32 $2.560000000e+02, v8;
	v4 =	vtrunc.f32 v4  }
0x516: {  	s7 =	simm.s32 $0x20;
	s9 =	sand.u32 $0xC00, s6;
	s8 =	sand.u32 $0x7000, s5;
	v9 =	vmul.f32 $2.560000000e+02, v9;
	v4 =	vcvt.f32.s32 v4  }
0x517: {  	s10 =	sand.u32 $0x380, s7;
	s8 =	sor.u32 s9, s8;
	v10 =	vmul.f32 $2.560000000e+02, v10;
	v11 =	vmul.f32 $2.560000000e+02, v11  }
0x518: {  	s8 =	sor.u32 s10, s8;
	v5 =	vtrunc.f32 v5;
	v6 =	vtrunc.f32 v6;
	v4 =	vshll.u32 v4, $0x4  }
0x519: {  	v13 =	vld [tilespmem:s8+$0x8010];
	v7 =	vtrunc.f32 v7;
	v8 =	vtrunc.f32 v8;
	v4 =	vor.u32 v0, v4  }
0x51a: {  	v9 =	vtrunc.f32 v9;
	v10 =	vtrunc.f32 v10  }
0x51b: {  	v14 =	vld [tilespmem:s8+$0x8020];
	v11 =	vtrunc.f32 v11;
	v5 =	vcvt.f32.s32 v5  }
0x51c: {  	v12 =	vld [tilespmem:s8+$0x8070];
	v6 =	vcvt.f32.s32 v6;
	v9 =	vcvt.f32.s32 v9  }
0x51d: {  	v16 =	vld [tilespmem:s8+$0x8030];
	v10 =	vcvt.f32.s32 v10;
	v11 =	vcvt.f32.s32 v11  }
0x51e: {  	v20 =	vmul.f32 $2.560000000e+02, v13;
	v5 =	vshll.u32 v5, $0x4;
	[tilespmem:v4+s1+$0x0] =	vst.idx.add.s32.msk $0xffff, v2;
	v4 =	vcvt.f32.s32 v7  }
0x51f: {  	v6 =	vshll.u32 v6, $0x4;
	v15 =	vor.u32 v0, v5;
	v7 =	vcvt.f32.s32 v8;
	v8 =	vld [tilespmem:s8+$0x8000]  }
0x520: {  	v19 =	vld [tilespmem:s8+$0x8040];
	v13 =	vmul.f32 $2.560000000e+02, v14;
	v17 =	vor.u32 v0, v6;
	v4 =	vshll.u32 v4, $0x4  }
0x521: {  	v5 =	vshll.u32 v7, $0x4;
	v18 =	vor.u32 v0, v4;
	v4 =	vmul.f32 $2.560000000e+02, v12  }
0x522: {  	v9 =	vshll.u32 v9, $0x4;
	v12 =	vshll.u32 v11, $0x4;
	v7 =	vor.u32 v0, v5;
	v11 =	vld [tilespmem:s8+$0x8050]  }
0x523: {  	v10 =	vshll.u32 v10, $0x4;
	v6 =	vor.u32 v0, v9;
	v9 =	vld [tilespmem:s8+$0x8060];
	v4 =	vtrunc.f32 v4  }
0x524: {  	[tilespmem:v15+s1+$0x0] =	vst.idx.add.s32.msk $0xffff, v2;
	v5 =	vor.u32 v0, v10;
	v8 =	vmul.f32 $2.560000000e+02, v8;
	v21 =	vcvt.f32.s32 v4  }
0x525: {  	v14 =	vmul.f32 $2.560000000e+02, v16;
	[tilespmem:v17+s1+$0x0] =	vst.idx.add.s32.msk $0xffff, v2;
	v4 =	vor.u32 v0, v12;
	v12 =	vmul.f32 $2.560000000e+02, v19  }
0x526: {  	v10 =	vtrunc.f32 v8;
	v8 =	vtrunc.f32 v20;
	v15 =	vshll.u32 v21, $0x4;
	[tilespmem:v18+s1+$0x0] =	vst.idx.add.s32.msk $0xffff, v2  }
.LBB2_42:
0x527: {  	s5 =	sadd.s32 $0x80, s5;
	v13 =	vtrunc.f32 v13;
	v11 =	vmul.f32 $2.560000000e+02, v11;
	v15 =	vor.u32 v0, v15;
	s6 =	sadd.s32 $0x400, s6;
	[tilespmem:v7+s1+$0x0] =	vst.idx.add.s32.msk $0xffff, v2  }
0x528: {  	v7 =	vtrunc.f32 v14;
	s7 =	sadd.s32 $0x20, s7;
	s8 =	sand.u32 $0x7000, s5;
	s9 =	sand.u32 $0xC00, s6;
	v9 =	vmul.f32 $2.560000000e+02, v9;
	[tilespmem:v6+s1+$0x0] =	vst.idx.add.s32.msk $0xffff, v2  }
0x529: {  	s10 =	sand.u32 $0x380, s7;
	p0 =	slt.u32 s5, $0x7F80;
	v6 =	vtrunc.f32 v12;
	s8 =	sor.u32 s9, s8;
	v11 =	vtrunc.f32 v11;
	[tilespmem:v5+s1+$0x0] =	vst.idx.add.s32.msk $0xffff, v2  }
0x52a: {  	v5 =	vcvt.f32.s32 v10;
	s8 =	sor.u32 s10, s8;
	v9 =	vtrunc.f32 v9;
	[tilespmem:v4+s1+$0x0] =	vst.idx.add.s32.msk $0xffff, v2  }
0x52b: {  	v8 =	vcvt.f32.s32 v8;
	v10 =	vcvt.f32.s32 v13;
	v4 =	vld [tilespmem:s8+$0x8070]  }
0x52c: {  	v7 =	vcvt.f32.s32 v7;
	v6 =	vcvt.f32.s32 v6;
	v5 =	vshll.u32 v5, $0x4;
	[tilespmem:v15+s1+$0x0] =	vst.idx.add.s32.msk $0xffff, v2  }
0x52d: {  	v8 =	vshll.u32 v8, $0x4;
	v11 =	vcvt.f32.s32 v11;
	v9 =	vcvt.f32.s32 v9;
	v12 =	vld [tilespmem:s8+$0x8000]  }
0x52e: {  	v7 =	vshll.u32 v7, $0x4;
	v10 =	vshll.u32 v10, $0x4;
	v6 =	vshll.u32 v6, $0x4;
	v13 =	vld [tilespmem:s8+$0x8010]  }
0x52f: {  	v15 =	vor.u32 v0, v5;
	v5 =	vshll.u32 v11, $0x4;
	v9 =	vshll.u32 v9, $0x4;
	v14 =	vld [tilespmem:s8+$0x8020]  }
0x530: {  	v8 =	vor.u32 v0, v8;
	v7 =	vor.u32 v0, v7;
	v17 =	vor.u32 v0, v10;
	v16 =	vld [tilespmem:s8+$0x8030]  }
0x531: {  	v6 =	vor.u32 v0, v6;
	v5 =	vor.u32 v0, v5;
	v10 =	vmul.f32 $2.560000000e+02, v4;
	v18 =	vld [tilespmem:s8+$0x8040]  }
.Ltmp20:
0x532: {  	v4 =	vor.u32 v0, v9;
	v12 =	vmul.f32 $2.560000000e+02, v12;
	v11 =	vld [tilespmem:s8+$0x8050];
	(pc) =	sbr.rel @p0 .LBB2_42-.Ltmp20, $4  }
0x533: {  	v10 =	vtrunc.f32 v10;
	v19 =	vmul.f32 $2.560000000e+02, v13;
	v9 =	vld [tilespmem:s8+$0x8060]  }
0x534: {  	v20 =	vcvt.f32.s32 v10;
	v13 =	vmul.f32 $2.560000000e+02, v14;
	[tilespmem:v15+s1+$0x0] =	vst.idx.add.s32.msk $0xffff, v2  }
0x535: {  	v10 =	vtrunc.f32 v12;
	v14 =	vmul.f32 $2.560000000e+02, v16;
	[tilespmem:v8+s1+$0x0] =	vst.idx.add.s32.msk $0xffff, v2  }
0x536: {  	v8 =	vtrunc.f32 v19;
	v15 =	vshll.u32 v20, $0x4;
	v12 =	vmul.f32 $2.560000000e+02, v18;
	[tilespmem:v17+s1+$0x0] =	vst.idx.add.s32.msk $0xffff, v2  }
0x537: {  	v13 =	vtrunc.f32 v13;
	v11 =	vmul.f32 $2.560000000e+02, v11  }
0x538: {  	v14 =	vtrunc.f32 v14;
	v10 =	vcvt.f32.s32 v10  }
0x539: {  	v8 =	vcvt.f32.s32 v8;
	v9 =	vmul.f32 $2.560000000e+02, v9  }
0x53a: {  	v15 =	vor.u32 v0, v15;
	v12 =	vtrunc.f32 v12;
	v13 =	vcvt.f32.s32 v13  }
0x53b: {  	[tilespmem:v7+s1+$0x0] =	vst.idx.add.s32.msk $0xffff, v2;
	v7 =	vcvt.f32.s32 v14;
	v11 =	vtrunc.f32 v11;
	v10 =	vshll.u32 v10, $0x4  }
0x53c: {  	[tilespmem:v6+s1+$0x0] =	vst.idx.add.s32.msk $0xffff, v2;
	v8 =	vshll.u32 v8, $0x4;
	v6 =	vcvt.f32.s32 v12;
	v10 =	vor.u32 v0, v10  }
0x53d: {  	v9 =	vtrunc.f32 v9;
	v12 =	vshll.u32 v13, $0x4;
	v8 =	vor.u32 v0, v8  }
0x53e: {  	[tilespmem:v5+s1+$0x0] =	vst.idx.add.s32.msk $0xffff, v2;
	v5 =	vcvt.f32.s32 v11;
	v7 =	vshll.u32 v7, $0x4;
	v11 =	vor.u32 v0, v12  }
0x53f: {  	[tilespmem:v4+s1+$0x0] =	vst.idx.add.s32.msk $0xffff, v2;
	v4 =	vcvt.f32.s32 v9;
	v6 =	vshll.u32 v6, $0x4;
	v7 =	vor.u32 v0, v7  }
0x540: {  	[tilespmem:v15+s1+$0x0] =	vst.idx.add.s32.msk $0xffff, v2;
	v5 =	vshll.u32 v5, $0x4;
	v6 =	vor.u32 v0, v6  }
0x541: {  	v4 =	vshll.u32 v4, $0x4;
	v5 =	vor.u32 v0, v5;
	[tilespmem:v10+s1+$0x0] =	vst.idx.add.s32.msk $0xffff, v2  }
0x542: {  	v4 =	vor.u32 v0, v4;
	[tilespmem:v8+s1+$0x0] =	vst.idx.add.s32.msk $0xffff, v2  }
0x543: {  	[tilespmem:v11+s1+$0x0] =	vst.idx.add.s32.msk $0xffff, v2  }
0x544: {  	[tilespmem:v7+s1+$0x0] =	vst.idx.add.s32.msk $0xffff, v2  }
0x545: {  	[tilespmem:v6+s1+$0x0] =	vst.idx.add.s32.msk $0xffff, v2  }
0x546: {  	[tilespmem:v5+s1+$0x0] =	vst.idx.add.s32.msk $0xffff, v2  }
0x547: {  	s5 =	simm.s32 $0x0;
	s6 =	simm.s32 $0x0;
	[tilespmem:v4+s1+$0x0] =	vst.idx.add.s32.msk $0xffff, v2  }
0x548: {  	[tilespmem:s30], [sflag:$0x2] =	stream.linear.gather [hbm4b:s26+s5], $0x8000, $0x38;
	[tilespmem:$0x12000] =	vst v63  }
0x549: {  	s6 =	sand.u32 $0x7000, s6;
	s7 =	sand.u32 $0xC00, s5;
	_ =	swait.ge [sflag:s31], $0x8000  }
0x54a: {  	s6 =	sor.u32 s7, s6;
	s5 =	sand.u32 $0x380, s5;
	[sflag:s31] =	ssyncset.done $0x0  }
0x54b: {  	s5 =	sor.u32 s5, s6;
	[sflag:s31] =	ssyncadd.s32 $0xFFFF8000  }
0x54c: {  	v4 =	vld [tilespmem:s5+$0x70]  }
0x54d: {  	v5 =	vld [tilespmem:s5+$0x0]  }
0x54e: {  	v6 =	vld [tilespmem:s5+$0x10]  }
0x54f: {  	v7 =	vld [tilespmem:s5+$0x20]  }
0x550: {  	v8 =	vld [tilespmem:s5+$0x30]  }
0x551: {  	v9 =	vld [tilespmem:s5+$0x40]  }
0x552: {  	v10 =	vld [tilespmem:s5+$0x50]  }
0x553: {  	v11 =	vld [tilespmem:s5+$0x60]  }
0x554: {  	v4 =	vmul.f32 $2.560000000e+02, v4;
	v5 =	vmul.f32 $2.560000000e+02, v5  }
0x555: {  	v6 =	vmul.f32 $2.560000000e+02, v6;
	v7 =	vmul.f32 $2.560000000e+02, v7  }
0x556: {  	s6 =	simm.s32 $0x400;
	s5 =	simm.s32 $0x80;
	v8 =	vmul.f32 $2.560000000e+02, v8;
	v4 =	vtrunc.f32 v4  }
0x557: {  	s7 =	simm.s32 $0x20;
	s9 =	sand.u32 $0xC00, s6;
	s8 =	sand.u32 $0x7000, s5;
	v9 =	vmul.f32 $2.560000000e+02, v9;
	v4 =	vcvt.f32.s32 v4  }
0x558: {  	s10 =	sand.u32 $0x380, s7;
	s8 =	sor.u32 s9, s8;
	v10 =	vmul.f32 $2.560000000e+02, v10;
	v11 =	vmul.f32 $2.560000000e+02, v11  }
0x559: {  	s8 =	sor.u32 s10, s8;
	v5 =	vtrunc.f32 v5;
	v6 =	vtrunc.f32 v6;
	v4 =	vshll.u32 v4, $0x4  }
0x55a: {  	v13 =	vld [tilespmem:s8+$0x10];
	v7 =	vtrunc.f32 v7;
	v8 =	vtrunc.f32 v8;
	v4 =	vor.u32 v0, v4  }
0x55b: {  	v9 =	vtrunc.f32 v9;
	v10 =	vtrunc.f32 v10  }
0x55c: {  	v14 =	vld [tilespmem:s8+$0x20];
	v11 =	vtrunc.f32 v11;
	v5 =	vcvt.f32.s32 v5  }
0x55d: {  	v12 =	vld [tilespmem:s8+$0x70];
	v6 =	vcvt.f32.s32 v6;
	v9 =	vcvt.f32.s32 v9  }
0x55e: {  	v16 =	vld [tilespmem:s8+$0x30];
	v10 =	vcvt.f32.s32 v10;
	v11 =	vcvt.f32.s32 v11  }
0x55f: {  	v20 =	vmul.f32 $2.560000000e+02, v13;
	v5 =	vshll.u32 v5, $0x4;
	[tilespmem:v4+s1+$0x0] =	vst.idx.add.s32.msk $0xffff, v2;
	v4 =	vcvt.f32.s32 v7  }
0x560: {  	v6 =	vshll.u32 v6, $0x4;
	v15 =	vor.u32 v0, v5;
	v7 =	vcvt.f32.s32 v8;
	v8 =	vld [tilespmem:s8+$0x0]  }
0x561: {  	v19 =	vld [tilespmem:s8+$0x40];
	v13 =	vmul.f32 $2.560000000e+02, v14;
	v17 =	vor.u32 v0, v6;
	v4 =	vshll.u32 v4, $0x4  }
0x562: {  	v5 =	vshll.u32 v7, $0x4;
	v18 =	vor.u32 v0, v4;
	v4 =	vmul.f32 $2.560000000e+02, v12  }
0x563: {  	v9 =	vshll.u32 v9, $0x4;
	v12 =	vshll.u32 v11, $0x4;
	v7 =	vor.u32 v0, v5;
	v11 =	vld [tilespmem:s8+$0x50]  }
0x564: {  	v10 =	vshll.u32 v10, $0x4;
	v6 =	vor.u32 v0, v9;
	v9 =	vld [tilespmem:s8+$0x60];
	v4 =	vtrunc.f32 v4  }
0x565: {  	[tilespmem:v15+s1+$0x0] =	vst.idx.add.s32.msk $0xffff, v2;
	v5 =	vor.u32 v0, v10;
	v8 =	vmul.f32 $2.560000000e+02, v8;
	v21 =	vcvt.f32.s32 v4  }
0x566: {  	v14 =	vmul.f32 $2.560000000e+02, v16;
	[tilespmem:v17+s1+$0x0] =	vst.idx.add.s32.msk $0xffff, v2;
	v4 =	vor.u32 v0, v12;
	v12 =	vmul.f32 $2.560000000e+02, v19  }
0x567: {  	v10 =	vtrunc.f32 v8;
	v8 =	vtrunc.f32 v20;
	v15 =	vshll.u32 v21, $0x4;
	[tilespmem:v18+s1+$0x0] =	vst.idx.add.s32.msk $0xffff, v2  }
.LBB2_44:
0x568: {  	s5 =	sadd.s32 $0x80, s5;
	v13 =	vtrunc.f32 v13;
	v11 =	vmul.f32 $2.560000000e+02, v11;
	v15 =	vor.u32 v0, v15;
	s6 =	sadd.s32 $0x400, s6;
	[tilespmem:v7+s1+$0x0] =	vst.idx.add.s32.msk $0xffff, v2  }
0x569: {  	v7 =	vtrunc.f32 v14;
	s7 =	sadd.s32 $0x20, s7;
	s8 =	sand.u32 $0x7000, s5;
	s9 =	sand.u32 $0xC00, s6;
	v9 =	vmul.f32 $2.560000000e+02, v9;
	[tilespmem:v6+s1+$0x0] =	vst.idx.add.s32.msk $0xffff, v2  }
0x56a: {  	s10 =	sand.u32 $0x380, s7;
	p0 =	slt.u32 s5, $0x7F80;
	v6 =	vtrunc.f32 v12;
	s8 =	sor.u32 s9, s8;
	v11 =	vtrunc.f32 v11;
	[tilespmem:v5+s1+$0x0] =	vst.idx.add.s32.msk $0xffff, v2  }
0x56b: {  	v5 =	vcvt.f32.s32 v10;
	s8 =	sor.u32 s10, s8;
	v9 =	vtrunc.f32 v9;
	[tilespmem:v4+s1+$0x0] =	vst.idx.add.s32.msk $0xffff, v2  }
0x56c: {  	v8 =	vcvt.f32.s32 v8;
	v10 =	vcvt.f32.s32 v13;
	v4 =	vld [tilespmem:s8+$0x70]  }
0x56d: {  	v7 =	vcvt.f32.s32 v7;
	v6 =	vcvt.f32.s32 v6;
	v5 =	vshll.u32 v5, $0x4;
	[tilespmem:v15+s1+$0x0] =	vst.idx.add.s32.msk $0xffff, v2  }
0x56e: {  	v8 =	vshll.u32 v8, $0x4;
	v11 =	vcvt.f32.s32 v11;
	v9 =	vcvt.f32.s32 v9;
	v12 =	vld [tilespmem:s8+$0x0]  }
0x56f: {  	v7 =	vshll.u32 v7, $0x4;
	v10 =	vshll.u32 v10, $0x4;
	v6 =	vshll.u32 v6, $0x4;
	v13 =	vld [tilespmem:s8+$0x10]  }
0x570: {  	v15 =	vor.u32 v0, v5;
	v5 =	vshll.u32 v11, $0x4;
	v9 =	vshll.u32 v9, $0x4;
	v14 =	vld [tilespmem:s8+$0x20]  }
0x571: {  	v8 =	vor.u32 v0, v8;
	v7 =	vor.u32 v0, v7;
	v17 =	vor.u32 v0, v10;
	v16 =	vld [tilespmem:s8+$0x30]  }
0x572: {  	v6 =	vor.u32 v0, v6;
	v5 =	vor.u32 v0, v5;
	v10 =	vmul.f32 $2.560000000e+02, v4;
	v18 =	vld [tilespmem:s8+$0x40]  }
.Ltmp21:
0x573: {  	v4 =	vor.u32 v0, v9;
	v12 =	vmul.f32 $2.560000000e+02, v12;
	v11 =	vld [tilespmem:s8+$0x50];
	(pc) =	sbr.rel @p0 .LBB2_44-.Ltmp21, $4  }
0x574: {  	v10 =	vtrunc.f32 v10;
	v19 =	vmul.f32 $2.560000000e+02, v13;
	v9 =	vld [tilespmem:s8+$0x60]  }
0x575: {  	v20 =	vcvt.f32.s32 v10;
	v13 =	vmul.f32 $2.560000000e+02, v14;
	[tilespmem:v15+s1+$0x0] =	vst.idx.add.s32.msk $0xffff, v2  }
0x576: {  	v10 =	vtrunc.f32 v12;
	v14 =	vmul.f32 $2.560000000e+02, v16;
	[tilespmem:v8+s1+$0x0] =	vst.idx.add.s32.msk $0xffff, v2  }
0x577: {  	v8 =	vtrunc.f32 v19;
	v15 =	vshll.u32 v20, $0x4;
	v12 =	vmul.f32 $2.560000000e+02, v18;
	[tilespmem:v17+s1+$0x0] =	vst.idx.add.s32.msk $0xffff, v2  }
0x578: {  	v13 =	vtrunc.f32 v13;
	v11 =	vmul.f32 $2.560000000e+02, v11  }
0x579: {  	v14 =	vtrunc.f32 v14;
	v10 =	vcvt.f32.s32 v10  }
0x57a: {  	v8 =	vcvt.f32.s32 v8;
	v9 =	vmul.f32 $2.560000000e+02, v9  }
0x57b: {  	v15 =	vor.u32 v0, v15;
	v12 =	vtrunc.f32 v12;
	v13 =	vcvt.f32.s32 v13  }
0x57c: {  	[tilespmem:v7+s1+$0x0] =	vst.idx.add.s32.msk $0xffff, v2;
	v7 =	vcvt.f32.s32 v14;
	v11 =	vtrunc.f32 v11;
	v10 =	vshll.u32 v10, $0x4  }
0x57d: {  	[tilespmem:v6+s1+$0x0] =	vst.idx.add.s32.msk $0xffff, v2;
	v8 =	vshll.u32 v8, $0x4;
	v6 =	vcvt.f32.s32 v12;
	v10 =	vor.u32 v0, v10  }
0x57e: {  	v9 =	vtrunc.f32 v9;
	v12 =	vshll.u32 v13, $0x4;
	v8 =	vor.u32 v0, v8  }
0x57f: {  	[tilespmem:v5+s1+$0x0] =	vst.idx.add.s32.msk $0xffff, v2;
	v5 =	vcvt.f32.s32 v11;
	v7 =	vshll.u32 v7, $0x4;
	v11 =	vor.u32 v0, v12  }
0x580: {  	[tilespmem:v4+s1+$0x0] =	vst.idx.add.s32.msk $0xffff, v2;
	v4 =	vcvt.f32.s32 v9;
	v6 =	vshll.u32 v6, $0x4;
	v7 =	vor.u32 v0, v7  }
0x581: {  	[tilespmem:v15+s1+$0x0] =	vst.idx.add.s32.msk $0xffff, v2;
	v5 =	vshll.u32 v5, $0x4;
	v6 =	vor.u32 v0, v6  }
0x582: {  	v4 =	vshll.u32 v4, $0x4;
	v5 =	vor.u32 v0, v5;
	[tilespmem:v10+s1+$0x0] =	vst.idx.add.s32.msk $0xffff, v2  }
0x583: {  	v4 =	vor.u32 v0, v4;
	[tilespmem:v8+s1+$0x0] =	vst.idx.add.s32.msk $0xffff, v2  }
0x584: {  	[tilespmem:v11+s1+$0x0] =	vst.idx.add.s32.msk $0xffff, v2  }
0x585: {  	[tilespmem:v7+s1+$0x0] =	vst.idx.add.s32.msk $0xffff, v2  }
0x586: {  	[tilespmem:v6+s1+$0x0] =	vst.idx.add.s32.msk $0xffff, v2  }
0x587: {  	[tilespmem:v5+s1+$0x0] =	vst.idx.add.s32.msk $0xffff, v2  }
0x588: {  	s5 =	simm.s32 $0x0;
	s6 =	simm.s32 $0x0;
	[tilespmem:v4+s1+$0x0] =	vst.idx.add.s32.msk $0xffff, v2  }
0x589: {  	[tilespmem:s5], [sflag:$0x1] =	stream.linear.gather [hbm4b:s28+s5], $0x8000, $0x38;
	[tilespmem:$0x12000] =	vst v63  }
0x58a: {  	s6 =	sand.u32 $0x7000, s6;
	s7 =	sand.u32 $0xC00, s5;
	_ =	swait.ge [sflag:s0], $0x8000  }
0x58b: {  	s6 =	sor.u32 s7, s6;
	s5 =	sand.u32 $0x380, s5;
	[sflag:s0] =	ssyncset.done $0x0  }
0x58c: {  	s5 =	sor.u32 s5, s6;
	[sflag:s0] =	ssyncadd.s32 $0xFFFF8000  }
0x58d: {  	v4 =	vld [tilespmem:s5+$0x8070]  }
0x58e: {  	v5 =	vld [tilespmem:s5+$0x8000]  }
0x58f: {  	v6 =	vld [tilespmem:s5+$0x8010]  }
0x590: {  	v7 =	vld [tilespmem:s5+$0x8020]  }
0x591: {  	v8 =	vld [tilespmem:s5+$0x8030]  }
0x592: {  	v9 =	vld [tilespmem:s5+$0x8040]  }
0x593: {  	v10 =	vld [tilespmem:s5+$0x8050]  }
0x594: {  	v11 =	vld [tilespmem:s5+$0x8060]  }
0x595: {  	v4 =	vmul.f32 $2.560000000e+02, v4;
	v5 =	vmul.f32 $2.560000000e+02, v5  }
0x596: {  	v6 =	vmul.f32 $2.560000000e+02, v6;
	v7 =	vmul.f32 $2.560000000e+02, v7  }
0x597: {  	s6 =	simm.s32 $0x400;
	s5 =	simm.s32 $0x80;
	v8 =	vmul.f32 $2.560000000e+02, v8;
	v4 =	vtrunc.f32 v4  }
0x598: {  	s7 =	simm.s32 $0x20;
	s9 =	sand.u32 $0xC00, s6;
	s8 =	sand.u32 $0x7000, s5;
	v9 =	vmul.f32 $2.560000000e+02, v9;
	v4 =	vcvt.f32.s32 v4  }
0x599: {  	s10 =	sand.u32 $0x380, s7;
	s8 =	sor.u32 s9, s8;
	v10 =	vmul.f32 $2.560000000e+02, v10;
	v11 =	vmul.f32 $2.560000000e+02, v11  }
0x59a: {  	s8 =	sor.u32 s10, s8;
	v5 =	vtrunc.f32 v5;
	v6 =	vtrunc.f32 v6;
	v4 =	vshll.u32 v4, $0x4  }
0x59b: {  	v13 =	vld [tilespmem:s8+$0x8010];
	v7 =	vtrunc.f32 v7;
	v8 =	vtrunc.f32 v8;
	v4 =	vor.u32 v0, v4  }
0x59c: {  	v9 =	vtrunc.f32 v9;
	v10 =	vtrunc.f32 v10  }
0x59d: {  	v14 =	vld [tilespmem:s8+$0x8020];
	v11 =	vtrunc.f32 v11;
	v5 =	vcvt.f32.s32 v5  }
0x59e: {  	v12 =	vld [tilespmem:s8+$0x8070];
	v6 =	vcvt.f32.s32 v6;
	v9 =	vcvt.f32.s32 v9  }
0x59f: {  	v16 =	vld [tilespmem:s8+$0x8030];
	v10 =	vcvt.f32.s32 v10;
	v11 =	vcvt.f32.s32 v11  }
0x5a0: {  	v20 =	vmul.f32 $2.560000000e+02, v13;
	v5 =	vshll.u32 v5, $0x4;
	[tilespmem:v4+s1+$0x0] =	vst.idx.add.s32.msk $0xffff, v2;
	v4 =	vcvt.f32.s32 v7  }
0x5a1: {  	v6 =	vshll.u32 v6, $0x4;
	v15 =	vor.u32 v0, v5;
	v7 =	vcvt.f32.s32 v8;
	v8 =	vld [tilespmem:s8+$0x8000]  }
0x5a2: {  	v19 =	vld [tilespmem:s8+$0x8040];
	v13 =	vmul.f32 $2.560000000e+02, v14;
	v17 =	vor.u32 v0, v6;
	v4 =	vshll.u32 v4, $0x4  }
0x5a3: {  	v5 =	vshll.u32 v7, $0x4;
	v18 =	vor.u32 v0, v4;
	v4 =	vmul.f32 $2.560000000e+02, v12  }
0x5a4: {  	v9 =	vshll.u32 v9, $0x4;
	v12 =	vshll.u32 v11, $0x4;
	v7 =	vor.u32 v0, v5;
	v11 =	vld [tilespmem:s8+$0x8050]  }
0x5a5: {  	v10 =	vshll.u32 v10, $0x4;
	v6 =	vor.u32 v0, v9;
	v9 =	vld [tilespmem:s8+$0x8060];
	v4 =	vtrunc.f32 v4  }
0x5a6: {  	[tilespmem:v15+s1+$0x0] =	vst.idx.add.s32.msk $0xffff, v2;
	v5 =	vor.u32 v0, v10;
	v8 =	vmul.f32 $2.560000000e+02, v8;
	v21 =	vcvt.f32.s32 v4  }
0x5a7: {  	v14 =	vmul.f32 $2.560000000e+02, v16;
	[tilespmem:v17+s1+$0x0] =	vst.idx.add.s32.msk $0xffff, v2;
	v4 =	vor.u32 v0, v12;
	v12 =	vmul.f32 $2.560000000e+02, v19  }
0x5a8: {  	v10 =	vtrunc.f32 v8;
	v8 =	vtrunc.f32 v20;
	v15 =	vshll.u32 v21, $0x4;
	[tilespmem:v18+s1+$0x0] =	vst.idx.add.s32.msk $0xffff, v2  }
.LBB2_46:
0x5a9: {  	s5 =	sadd.s32 $0x80, s5;
	v13 =	vtrunc.f32 v13;
	v11 =	vmul.f32 $2.560000000e+02, v11;
	v15 =	vor.u32 v0, v15;
	s6 =	sadd.s32 $0x400, s6;
	[tilespmem:v7+s1+$0x0] =	vst.idx.add.s32.msk $0xffff, v2  }
0x5aa: {  	v7 =	vtrunc.f32 v14;
	s7 =	sadd.s32 $0x20, s7;
	s8 =	sand.u32 $0x7000, s5;
	s9 =	sand.u32 $0xC00, s6;
	v9 =	vmul.f32 $2.560000000e+02, v9;
	[tilespmem:v6+s1+$0x0] =	vst.idx.add.s32.msk $0xffff, v2  }
0x5ab: {  	s10 =	sand.u32 $0x380, s7;
	p0 =	slt.u32 s5, $0x7F80;
	v6 =	vtrunc.f32 v12;
	s8 =	sor.u32 s9, s8;
	v11 =	vtrunc.f32 v11;
	[tilespmem:v5+s1+$0x0] =	vst.idx.add.s32.msk $0xffff, v2  }
0x5ac: {  	v5 =	vcvt.f32.s32 v10;
	s8 =	sor.u32 s10, s8;
	v9 =	vtrunc.f32 v9;
	[tilespmem:v4+s1+$0x0] =	vst.idx.add.s32.msk $0xffff, v2  }
0x5ad: {  	v8 =	vcvt.f32.s32 v8;
	v10 =	vcvt.f32.s32 v13;
	v4 =	vld [tilespmem:s8+$0x8070]  }
0x5ae: {  	v7 =	vcvt.f32.s32 v7;
	v6 =	vcvt.f32.s32 v6;
	v5 =	vshll.u32 v5, $0x4;
	[tilespmem:v15+s1+$0x0] =	vst.idx.add.s32.msk $0xffff, v2  }
0x5af: {  	v8 =	vshll.u32 v8, $0x4;
	v11 =	vcvt.f32.s32 v11;
	v9 =	vcvt.f32.s32 v9;
	v12 =	vld [tilespmem:s8+$0x8000]  }
0x5b0: {  	v7 =	vshll.u32 v7, $0x4;
	v10 =	vshll.u32 v10, $0x4;
	v6 =	vshll.u32 v6, $0x4;
	v13 =	vld [tilespmem:s8+$0x8010]  }
0x5b1: {  	v15 =	vor.u32 v0, v5;
	v5 =	vshll.u32 v11, $0x4;
	v9 =	vshll.u32 v9, $0x4;
	v14 =	vld [tilespmem:s8+$0x8020]  }
0x5b2: {  	v8 =	vor.u32 v0, v8;
	v7 =	vor.u32 v0, v7;
	v17 =	vor.u32 v0, v10;
	v16 =	vld [tilespmem:s8+$0x8030]  }
0x5b3: {  	v6 =	vor.u32 v0, v6;
	v5 =	vor.u32 v0, v5;
	v10 =	vmul.f32 $2.560000000e+02, v4;
	v18 =	vld [tilespmem:s8+$0x8040]  }
.Ltmp22:
0x5b4: {  	v4 =	vor.u32 v0, v9;
	v12 =	vmul.f32 $2.560000000e+02, v12;
	v11 =	vld [tilespmem:s8+$0x8050];
	(pc) =	sbr.rel @p0 .LBB2_46-.Ltmp22, $4  }
0x5b5: {  	v10 =	vtrunc.f32 v10;
	v19 =	vmul.f32 $2.560000000e+02, v13;
	v9 =	vld [tilespmem:s8+$0x8060]  }
0x5b6: {  	v20 =	vcvt.f32.s32 v10;
	v13 =	vmul.f32 $2.560000000e+02, v14;
	[tilespmem:v15+s1+$0x0] =	vst.idx.add.s32.msk $0xffff, v2  }
0x5b7: {  	v10 =	vtrunc.f32 v12;
	v14 =	vmul.f32 $2.560000000e+02, v16;
	[tilespmem:v8+s1+$0x0] =	vst.idx.add.s32.msk $0xffff, v2  }
0x5b8: {  	v8 =	vtrunc.f32 v19;
	v15 =	vshll.u32 v20, $0x4;
	v12 =	vmul.f32 $2.560000000e+02, v18;
	[tilespmem:v17+s1+$0x0] =	vst.idx.add.s32.msk $0xffff, v2  }
0x5b9: {  	v13 =	vtrunc.f32 v13;
	v11 =	vmul.f32 $2.560000000e+02, v11  }
0x5ba: {  	v14 =	vtrunc.f32 v14;
	v10 =	vcvt.f32.s32 v10  }
0x5bb: {  	v8 =	vcvt.f32.s32 v8;
	v9 =	vmul.f32 $2.560000000e+02, v9  }
0x5bc: {  	v15 =	vor.u32 v0, v15;
	v12 =	vtrunc.f32 v12;
	v13 =	vcvt.f32.s32 v13  }
0x5bd: {  	[tilespmem:v7+s1+$0x0] =	vst.idx.add.s32.msk $0xffff, v2;
	v7 =	vcvt.f32.s32 v14;
	v11 =	vtrunc.f32 v11;
	v10 =	vshll.u32 v10, $0x4  }
0x5be: {  	[tilespmem:v6+s1+$0x0] =	vst.idx.add.s32.msk $0xffff, v2;
	v8 =	vshll.u32 v8, $0x4;
	v6 =	vcvt.f32.s32 v12;
	v10 =	vor.u32 v0, v10  }
0x5bf: {  	v9 =	vtrunc.f32 v9;
	v12 =	vshll.u32 v13, $0x4;
	v8 =	vor.u32 v0, v8  }
0x5c0: {  	[tilespmem:v5+s1+$0x0] =	vst.idx.add.s32.msk $0xffff, v2;
	v5 =	vcvt.f32.s32 v11;
	v7 =	vshll.u32 v7, $0x4;
	v11 =	vor.u32 v0, v12  }
0x5c1: {  	[tilespmem:v4+s1+$0x0] =	vst.idx.add.s32.msk $0xffff, v2;
	v4 =	vcvt.f32.s32 v9;
	v6 =	vshll.u32 v6, $0x4;
	v7 =	vor.u32 v0, v7  }
0x5c2: {  	[tilespmem:v15+s1+$0x0] =	vst.idx.add.s32.msk $0xffff, v2;
	v5 =	vshll.u32 v5, $0x4;
	v6 =	vor.u32 v0, v6  }
0x5c3: {  	v4 =	vshll.u32 v4, $0x4;
	v5 =	vor.u32 v0, v5;
	[tilespmem:v10+s1+$0x0] =	vst.idx.add.s32.msk $0xffff, v2  }
0x5c4: {  	v4 =	vor.u32 v0, v4;
	[tilespmem:v8+s1+$0x0] =	vst.idx.add.s32.msk $0xffff, v2  }
0x5c5: {  	[tilespmem:v11+s1+$0x0] =	vst.idx.add.s32.msk $0xffff, v2  }
0x5c6: {  	[tilespmem:v7+s1+$0x0] =	vst.idx.add.s32.msk $0xffff, v2  }
0x5c7: {  	[tilespmem:v6+s1+$0x0] =	vst.idx.add.s32.msk $0xffff, v2  }
0x5c8: {  	[tilespmem:v5+s1+$0x0] =	vst.idx.add.s32.msk $0xffff, v2  }
0x5c9: {  	s5 =	simm.s32 $0x0;
	s6 =	simm.s32 $0x0;
	[tilespmem:v4+s1+$0x0] =	vst.idx.add.s32.msk $0xffff, v2  }
0x5ca: {  	[tilespmem:s30], [sflag:$0x2] =	stream.linear.gather [hbm4b:s29+s5], $0x8000, $0x38;
	[tilespmem:$0x12000] =	vst v63  }
0x5cb: {  	s6 =	sand.u32 $0x7000, s6;
	s7 =	sand.u32 $0xC00, s5;
	_ =	swait.ge [sflag:s31], $0x8000  }
0x5cc: {  	s6 =	sor.u32 s7, s6;
	s5 =	sand.u32 $0x380, s5;
	[sflag:s31] =	ssyncset.done $0x0  }
0x5cd: {  	s5 =	sor.u32 s5, s6;
	[sflag:s31] =	ssyncadd.s32 $0xFFFF8000  }
0x5ce: {  	v4 =	vld [tilespmem:s5+$0x70]  }
0x5cf: {  	v5 =	vld [tilespmem:s5+$0x0]  }
0x5d0: {  	v6 =	vld [tilespmem:s5+$0x10]  }
0x5d1: {  	v7 =	vld [tilespmem:s5+$0x20]  }
0x5d2: {  	v8 =	vld [tilespmem:s5+$0x30]  }
0x5d3: {  	v9 =	vld [tilespmem:s5+$0x40]  }
0x5d4: {  	v10 =	vld [tilespmem:s5+$0x50]  }
0x5d5: {  	v11 =	vld [tilespmem:s5+$0x60]  }
0x5d6: {  	v4 =	vmul.f32 $2.560000000e+02, v4;
	v5 =	vmul.f32 $2.560000000e+02, v5  }
0x5d7: {  	v6 =	vmul.f32 $2.560000000e+02, v6;
	v7 =	vmul.f32 $2.560000000e+02, v7  }
0x5d8: {  	s6 =	simm.s32 $0x400;
	s5 =	simm.s32 $0x80;
	v8 =	vmul.f32 $2.560000000e+02, v8;
	v4 =	vtrunc.f32 v4  }
0x5d9: {  	s7 =	simm.s32 $0x20;
	s9 =	sand.u32 $0xC00, s6;
	s8 =	sand.u32 $0x7000, s5;
	v9 =	vmul.f32 $2.560000000e+02, v9;
	v4 =	vcvt.f32.s32 v4  }
0x5da: {  	s10 =	sand.u32 $0x380, s7;
	s8 =	sor.u32 s9, s8;
	v10 =	vmul.f32 $2.560000000e+02, v10;
	v11 =	vmul.f32 $2.560000000e+02, v11  }
0x5db: {  	s8 =	sor.u32 s10, s8;
	v5 =	vtrunc.f32 v5;
	v6 =	vtrunc.f32 v6;
	v4 =	vshll.u32 v4, $0x4  }
0x5dc: {  	v13 =	vld [tilespmem:s8+$0x10];
	v7 =	vtrunc.f32 v7;
	v8 =	vtrunc.f32 v8;
	v4 =	vor.u32 v0, v4  }
0x5dd: {  	v9 =	vtrunc.f32 v9;
	v10 =	vtrunc.f32 v10  }
0x5de: {  	v14 =	vld [tilespmem:s8+$0x20];
	v11 =	vtrunc.f32 v11;
	v5 =	vcvt.f32.s32 v5  }
0x5df: {  	v12 =	vld [tilespmem:s8+$0x70];
	v6 =	vcvt.f32.s32 v6;
	v9 =	vcvt.f32.s32 v9  }
0x5e0: {  	v16 =	vld [tilespmem:s8+$0x30];
	v10 =	vcvt.f32.s32 v10;
	v11 =	vcvt.f32.s32 v11  }
0x5e1: {  	v20 =	vmul.f32 $2.560000000e+02, v13;
	v5 =	vshll.u32 v5, $0x4;
	[tilespmem:v4+s1+$0x0] =	vst.idx.add.s32.msk $0xffff, v2;
	v4 =	vcvt.f32.s32 v7  }
0x5e2: {  	v6 =	vshll.u32 v6, $0x4;
	v15 =	vor.u32 v0, v5;
	v7 =	vcvt.f32.s32 v8;
	v8 =	vld [tilespmem:s8+$0x0]  }
0x5e3: {  	v19 =	vld [tilespmem:s8+$0x40];
	v13 =	vmul.f32 $2.560000000e+02, v14;
	v17 =	vor.u32 v0, v6;
	v4 =	vshll.u32 v4, $0x4  }
0x5e4: {  	v5 =	vshll.u32 v7, $0x4;
	v18 =	vor.u32 v0, v4;
	v4 =	vmul.f32 $2.560000000e+02, v12  }
0x5e5: {  	v9 =	vshll.u32 v9, $0x4;
	v12 =	vshll.u32 v11, $0x4;
	v7 =	vor.u32 v0, v5;
	v11 =	vld [tilespmem:s8+$0x50]  }
0x5e6: {  	v10 =	vshll.u32 v10, $0x4;
	v6 =	vor.u32 v0, v9;
	v9 =	vld [tilespmem:s8+$0x60];
	v4 =	vtrunc.f32 v4  }
0x5e7: {  	[tilespmem:v15+s1+$0x0] =	vst.idx.add.s32.msk $0xffff, v2;
	v5 =	vor.u32 v0, v10;
	v8 =	vmul.f32 $2.560000000e+02, v8;
	v21 =	vcvt.f32.s32 v4  }
0x5e8: {  	v14 =	vmul.f32 $2.560000000e+02, v16;
	[tilespmem:v17+s1+$0x0] =	vst.idx.add.s32.msk $0xffff, v2;
	v4 =	vor.u32 v0, v12;
	v12 =	vmul.f32 $2.560000000e+02, v19  }
0x5e9: {  	v10 =	vtrunc.f32 v8;
	v8 =	vtrunc.f32 v20;
	v15 =	vshll.u32 v21, $0x4;
	[tilespmem:v18+s1+$0x0] =	vst.idx.add.s32.msk $0xffff, v2  }
.LBB2_48:
0x5ea: {  	s5 =	sadd.s32 $0x80, s5;
	v13 =	vtrunc.f32 v13;
	v11 =	vmul.f32 $2.560000000e+02, v11;
	v15 =	vor.u32 v0, v15;
	s6 =	sadd.s32 $0x400, s6;
	[tilespmem:v7+s1+$0x0] =	vst.idx.add.s32.msk $0xffff, v2  }
0x5eb: {  	v7 =	vtrunc.f32 v14;
	s7 =	sadd.s32 $0x20, s7;
	s8 =	sand.u32 $0x7000, s5;
	s9 =	sand.u32 $0xC00, s6;
	v9 =	vmul.f32 $2.560000000e+02, v9;
	[tilespmem:v6+s1+$0x0] =	vst.idx.add.s32.msk $0xffff, v2  }
0x5ec: {  	s10 =	sand.u32 $0x380, s7;
	p0 =	slt.u32 s5, $0x7F80;
	v6 =	vtrunc.f32 v12;
	s8 =	sor.u32 s9, s8;
	v11 =	vtrunc.f32 v11;
	[tilespmem:v5+s1+$0x0] =	vst.idx.add.s32.msk $0xffff, v2  }
0x5ed: {  	v5 =	vcvt.f32.s32 v10;
	s8 =	sor.u32 s10, s8;
	v9 =	vtrunc.f32 v9;
	[tilespmem:v4+s1+$0x0] =	vst.idx.add.s32.msk $0xffff, v2  }
0x5ee: {  	v8 =	vcvt.f32.s32 v8;
	v10 =	vcvt.f32.s32 v13;
	v4 =	vld [tilespmem:s8+$0x70]  }
0x5ef: {  	v7 =	vcvt.f32.s32 v7;
	v6 =	vcvt.f32.s32 v6;
	v5 =	vshll.u32 v5, $0x4;
	[tilespmem:v15+s1+$0x0] =	vst.idx.add.s32.msk $0xffff, v2  }
0x5f0: {  	v8 =	vshll.u32 v8, $0x4;
	v11 =	vcvt.f32.s32 v11;
	v9 =	vcvt.f32.s32 v9;
	v12 =	vld [tilespmem:s8+$0x0]  }
0x5f1: {  	v7 =	vshll.u32 v7, $0x4;
	v10 =	vshll.u32 v10, $0x4;
	v6 =	vshll.u32 v6, $0x4;
	v13 =	vld [tilespmem:s8+$0x10]  }
0x5f2: {  	v15 =	vor.u32 v0, v5;
	v5 =	vshll.u32 v11, $0x4;
	v9 =	vshll.u32 v9, $0x4;
	v14 =	vld [tilespmem:s8+$0x20]  }
0x5f3: {  	v8 =	vor.u32 v0, v8;
	v7 =	vor.u32 v0, v7;
	v17 =	vor.u32 v0, v10;
	v16 =	vld [tilespmem:s8+$0x30]  }
0x5f4: {  	v6 =	vor.u32 v0, v6;
	v5 =	vor.u32 v0, v5;
	v10 =	vmul.f32 $2.560000000e+02, v4;
	v18 =	vld [tilespmem:s8+$0x40]  }
.Ltmp23:
0x5f5: {  	v4 =	vor.u32 v0, v9;
	v12 =	vmul.f32 $2.560000000e+02, v12;
	v11 =	vld [tilespmem:s8+$0x50];
	(pc) =	sbr.rel @p0 .LBB2_48-.Ltmp23, $4  }
0x5f6: {  	v10 =	vtrunc.f32 v10;
	v19 =	vmul.f32 $2.560000000e+02, v13;
	v9 =	vld [tilespmem:s8+$0x60]  }
0x5f7: {  	v20 =	vcvt.f32.s32 v10;
	v13 =	vmul.f32 $2.560000000e+02, v14;
	[tilespmem:v15+s1+$0x0] =	vst.idx.add.s32.msk $0xffff, v2  }
0x5f8: {  	v10 =	vtrunc.f32 v12;
	v14 =	vmul.f32 $2.560000000e+02, v16;
	[tilespmem:v8+s1+$0x0] =	vst.idx.add.s32.msk $0xffff, v2  }
0x5f9: {  	v8 =	vtrunc.f32 v19;
	v15 =	vshll.u32 v20, $0x4;
	v12 =	vmul.f32 $2.560000000e+02, v18;
	[tilespmem:v17+s1+$0x0] =	vst.idx.add.s32.msk $0xffff, v2  }
0x5fa: {  	v13 =	vtrunc.f32 v13;
	v11 =	vmul.f32 $2.560000000e+02, v11  }
0x5fb: {  	v14 =	vtrunc.f32 v14;
	v10 =	vcvt.f32.s32 v10  }
0x5fc: {  	v8 =	vcvt.f32.s32 v8;
	v9 =	vmul.f32 $2.560000000e+02, v9  }
0x5fd: {  	v15 =	vor.u32 v0, v15;
	v12 =	vtrunc.f32 v12;
	v13 =	vcvt.f32.s32 v13  }
0x5fe: {  	[tilespmem:v7+s1+$0x0] =	vst.idx.add.s32.msk $0xffff, v2;
	v7 =	vcvt.f32.s32 v14;
	v11 =	vtrunc.f32 v11;
	v10 =	vshll.u32 v10, $0x4  }
0x5ff: {  	[tilespmem:v6+s1+$0x0] =	vst.idx.add.s32.msk $0xffff, v2;
	v8 =	vshll.u32 v8, $0x4;
	v6 =	vcvt.f32.s32 v12;
	v10 =	vor.u32 v0, v10  }
0x600: {  	v9 =	vtrunc.f32 v9;
	v12 =	vshll.u32 v13, $0x4;
	v8 =	vor.u32 v0, v8  }
0x601: {  	[tilespmem:v5+s1+$0x0] =	vst.idx.add.s32.msk $0xffff, v2;
	v5 =	vcvt.f32.s32 v11;
	v7 =	vshll.u32 v7, $0x4;
	v11 =	vor.u32 v0, v12  }
0x602: {  	[tilespmem:v4+s1+$0x0] =	vst.idx.add.s32.msk $0xffff, v2;
	v4 =	vcvt.f32.s32 v9;
	v6 =	vshll.u32 v6, $0x4;
	v7 =	vor.u32 v0, v7  }
0x603: {  	[tilespmem:v15+s1+$0x0] =	vst.idx.add.s32.msk $0xffff, v2;
	v5 =	vshll.u32 v5, $0x4;
	v6 =	vor.u32 v0, v6  }
0x604: {  	v4 =	vshll.u32 v4, $0x4;
	v5 =	vor.u32 v0, v5;
	[tilespmem:v10+s1+$0x0] =	vst.idx.add.s32.msk $0xffff, v2  }
0x605: {  	v4 =	vor.u32 v0, v4;
	[tilespmem:v8+s1+$0x0] =	vst.idx.add.s32.msk $0xffff, v2  }
0x606: {  	[tilespmem:v11+s1+$0x0] =	vst.idx.add.s32.msk $0xffff, v2  }
0x607: {  	[tilespmem:v7+s1+$0x0] =	vst.idx.add.s32.msk $0xffff, v2  }
0x608: {  	[tilespmem:v6+s1+$0x0] =	vst.idx.add.s32.msk $0xffff, v2  }
0x609: {  	[tilespmem:v5+s1+$0x0] =	vst.idx.add.s32.msk $0xffff, v2  }
0x60a: {  	s5 =	simm.s32 $0x0;
	s6 =	simm.s32 $0x0;
	[tilespmem:v4+s1+$0x0] =	vst.idx.add.s32.msk $0xffff, v2  }
0x60b: {  	s6 =	sand.u32 $0x7000, s6;
	s7 =	sand.u32 $0xC00, s5;
	_ =	swait.ge [sflag:s0], $0x8000  }
0x60c: {  	s8 =	sand.u32 $0x380, s5;
	s6 =	sor.u32 s7, s6;
	[sflag:s0] =	ssyncset.done $0x0  }
0x60d: {  	s6 =	sor.u32 s8, s6;
	[sflag:s0] =	ssyncadd.s32 $0xFFFF8000  }
0x60e: {  	v4 =	vld [tilespmem:s6+$0x8070]  }
0x60f: {  	v5 =	vld [tilespmem:s6+$0x8000]  }
0x610: {  	v6 =	vld [tilespmem:s6+$0x8010]  }
0x611: {  	v7 =	vld [tilespmem:s6+$0x8020]  }
0x612: {  	v8 =	vld [tilespmem:s6+$0x8030]  }
0x613: {  	v9 =	vld [tilespmem:s6+$0x8040]  }
0x614: {  	v10 =	vld [tilespmem:s6+$0x8050]  }
0x615: {  	v11 =	vld [tilespmem:s6+$0x8060]  }
0x616: {  	v4 =	vmul.f32 $2.560000000e+02, v4;
	v5 =	vmul.f32 $2.560000000e+02, v5  }
0x617: {  	v6 =	vmul.f32 $2.560000000e+02, v6;
	v7 =	vmul.f32 $2.560000000e+02, v7  }
0x618: {  	s7 =	simm.s32 $0x400;
	s6 =	simm.s32 $0x80;
	v8 =	vmul.f32 $2.560000000e+02, v8;
	v4 =	vtrunc.f32 v4  }
0x619: {  	s10 =	sand.u32 $0xC00, s7;
	s8 =	simm.s32 $0x20;
	s9 =	sand.u32 $0x7000, s6;
	v9 =	vmul.f32 $2.560000000e+02, v9;
	v4 =	vcvt.f32.s32 v4  }
0x61a: {  	s11 =	sand.u32 $0x380, s8;
	s9 =	sor.u32 s10, s9;
	v10 =	vmul.f32 $2.560000000e+02, v10;
	v11 =	vmul.f32 $2.560000000e+02, v11  }
0x61b: {  	s9 =	sor.u32 s11, s9;
	v5 =	vtrunc.f32 v5;
	v6 =	vtrunc.f32 v6;
	v4 =	vshll.u32 v4, $0x4  }
0x61c: {  	v13 =	vld [tilespmem:s9+$0x8010];
	v7 =	vtrunc.f32 v7;
	v8 =	vtrunc.f32 v8;
	v4 =	vor.u32 v0, v4  }
0x61d: {  	v9 =	vtrunc.f32 v9;
	v10 =	vtrunc.f32 v10  }
0x61e: {  	v14 =	vld [tilespmem:s9+$0x8020];
	v11 =	vtrunc.f32 v11;
	v5 =	vcvt.f32.s32 v5  }
0x61f: {  	v12 =	vld [tilespmem:s9+$0x8070];
	v6 =	vcvt.f32.s32 v6;
	v9 =	vcvt.f32.s32 v9  }
0x620: {  	v16 =	vld [tilespmem:s9+$0x8030];
	v10 =	vcvt.f32.s32 v10;
	v11 =	vcvt.f32.s32 v11  }
0x621: {  	v20 =	vmul.f32 $2.560000000e+02, v13;
	v5 =	vshll.u32 v5, $0x4;
	[tilespmem:v4+s1+$0x0] =	vst.idx.add.s32.msk $0xffff, v2;
	v4 =	vcvt.f32.s32 v7  }
0x622: {  	v6 =	vshll.u32 v6, $0x4;
	v15 =	vor.u32 v0, v5;
	v7 =	vcvt.f32.s32 v8;
	v8 =	vld [tilespmem:s9+$0x8000]  }
0x623: {  	v19 =	vld [tilespmem:s9+$0x8040];
	v13 =	vmul.f32 $2.560000000e+02, v14;
	v17 =	vor.u32 v0, v6;
	v4 =	vshll.u32 v4, $0x4  }
0x624: {  	v5 =	vshll.u32 v7, $0x4;
	v18 =	vor.u32 v0, v4;
	v4 =	vmul.f32 $2.560000000e+02, v12  }
0x625: {  	v9 =	vshll.u32 v9, $0x4;
	v12 =	vshll.u32 v11, $0x4;
	v7 =	vor.u32 v0, v5;
	v11 =	vld [tilespmem:s9+$0x8050]  }
0x626: {  	v10 =	vshll.u32 v10, $0x4;
	v6 =	vor.u32 v0, v9;
	v9 =	vld [tilespmem:s9+$0x8060];
	v4 =	vtrunc.f32 v4  }
0x627: {  	[tilespmem:v15+s1+$0x0] =	vst.idx.add.s32.msk $0xffff, v2;
	v5 =	vor.u32 v0, v10;
	v8 =	vmul.f32 $2.560000000e+02, v8;
	v21 =	vcvt.f32.s32 v4  }
0x628: {  	v14 =	vmul.f32 $2.560000000e+02, v16;
	[tilespmem:v17+s1+$0x0] =	vst.idx.add.s32.msk $0xffff, v2;
	v4 =	vor.u32 v0, v12;
	v12 =	vmul.f32 $2.560000000e+02, v19  }
0x629: {  	v10 =	vtrunc.f32 v8;
	v8 =	vtrunc.f32 v20;
	v15 =	vshll.u32 v21, $0x4;
	[tilespmem:v18+s1+$0x0] =	vst.idx.add.s32.msk $0xffff, v2  }
.LBB2_50:
0x62a: {  	s6 =	sadd.s32 $0x80, s6;
	v13 =	vtrunc.f32 v13;
	v11 =	vmul.f32 $2.560000000e+02, v11;
	v15 =	vor.u32 v0, v15;
	s7 =	sadd.s32 $0x400, s7;
	[tilespmem:v7+s1+$0x0] =	vst.idx.add.s32.msk $0xffff, v2  }
0x62b: {  	v7 =	vtrunc.f32 v14;
	s8 =	sadd.s32 $0x20, s8;
	s9 =	sand.u32 $0x7000, s6;
	s10 =	sand.u32 $0xC00, s7;
	v9 =	vmul.f32 $2.560000000e+02, v9;
	[tilespmem:v6+s1+$0x0] =	vst.idx.add.s32.msk $0xffff, v2  }
0x62c: {  	s11 =	sand.u32 $0x380, s8;
	p0 =	slt.u32 s6, $0x7F80;
	v6 =	vtrunc.f32 v12;
	s9 =	sor.u32 s10, s9;
	v11 =	vtrunc.f32 v11;
	[tilespmem:v5+s1+$0x0] =	vst.idx.add.s32.msk $0xffff, v2  }
0x62d: {  	v5 =	vcvt.f32.s32 v10;
	s9 =	sor.u32 s11, s9;
	v9 =	vtrunc.f32 v9;
	[tilespmem:v4+s1+$0x0] =	vst.idx.add.s32.msk $0xffff, v2  }
0x62e: {  	v8 =	vcvt.f32.s32 v8;
	v10 =	vcvt.f32.s32 v13;
	v4 =	vld [tilespmem:s9+$0x8070]  }
0x62f: {  	v7 =	vcvt.f32.s32 v7;
	v6 =	vcvt.f32.s32 v6;
	v5 =	vshll.u32 v5, $0x4;
	[tilespmem:v15+s1+$0x0] =	vst.idx.add.s32.msk $0xffff, v2  }
0x630: {  	v8 =	vshll.u32 v8, $0x4;
	v11 =	vcvt.f32.s32 v11;
	v9 =	vcvt.f32.s32 v9;
	v12 =	vld [tilespmem:s9+$0x8000]  }
0x631: {  	v7 =	vshll.u32 v7, $0x4;
	v10 =	vshll.u32 v10, $0x4;
	v6 =	vshll.u32 v6, $0x4;
	v13 =	vld [tilespmem:s9+$0x8010]  }
0x632: {  	v15 =	vor.u32 v0, v5;
	v5 =	vshll.u32 v11, $0x4;
	v9 =	vshll.u32 v9, $0x4;
	v14 =	vld [tilespmem:s9+$0x8020]  }
0x633: {  	v8 =	vor.u32 v0, v8;
	v7 =	vor.u32 v0, v7;
	v17 =	vor.u32 v0, v10;
	v16 =	vld [tilespmem:s9+$0x8030]  }
0x634: {  	v6 =	vor.u32 v0, v6;
	v5 =	vor.u32 v0, v5;
	v10 =	vmul.f32 $2.560000000e+02, v4;
	v18 =	vld [tilespmem:s9+$0x8040]  }
.Ltmp24:
0x635: {  	v4 =	vor.u32 v0, v9;
	v12 =	vmul.f32 $2.560000000e+02, v12;
	v11 =	vld [tilespmem:s9+$0x8050];
	(pc) =	sbr.rel @p0 .LBB2_50-.Ltmp24, $4  }
0x636: {  	v10 =	vtrunc.f32 v10;
	v19 =	vmul.f32 $2.560000000e+02, v13;
	v9 =	vld [tilespmem:s9+$0x8060]  }
0x637: {  	v20 =	vcvt.f32.s32 v10;
	v13 =	vmul.f32 $2.560000000e+02, v14;
	[tilespmem:v15+s1+$0x0] =	vst.idx.add.s32.msk $0xffff, v2  }
0x638: {  	v10 =	vtrunc.f32 v12;
	v14 =	vmul.f32 $2.560000000e+02, v16;
	[tilespmem:v8+s1+$0x0] =	vst.idx.add.s32.msk $0xffff, v2  }
0x639: {  	v8 =	vtrunc.f32 v19;
	v15 =	vshll.u32 v20, $0x4;
	v12 =	vmul.f32 $2.560000000e+02, v18;
	[tilespmem:v17+s1+$0x0] =	vst.idx.add.s32.msk $0xffff, v2  }
0x63a: {  	v13 =	vtrunc.f32 v13;
	v11 =	vmul.f32 $2.560000000e+02, v11  }
0x63b: {  	v14 =	vtrunc.f32 v14;
	v10 =	vcvt.f32.s32 v10  }
0x63c: {  	v8 =	vcvt.f32.s32 v8;
	v9 =	vmul.f32 $2.560000000e+02, v9  }
0x63d: {  	v15 =	vor.u32 v0, v15;
	v12 =	vtrunc.f32 v12;
	v13 =	vcvt.f32.s32 v13  }
0x63e: {  	[tilespmem:v7+s1+$0x0] =	vst.idx.add.s32.msk $0xffff, v2;
	v7 =	vcvt.f32.s32 v14;
	v11 =	vtrunc.f32 v11;
	v10 =	vshll.u32 v10, $0x4  }
0x63f: {  	[tilespmem:v6+s1+$0x0] =	vst.idx.add.s32.msk $0xffff, v2;
	v8 =	vshll.u32 v8, $0x4;
	v6 =	vcvt.f32.s32 v12;
	v10 =	vor.u32 v0, v10  }
0x640: {  	v9 =	vtrunc.f32 v9;
	v63 =	vshll.u32 v13, $0x4;
	v8 =	vor.u32 v0, v8  }
0x641: {  	[tilespmem:v5+s1+$0x0] =	vst.idx.add.s32.msk $0xffff, v2;
	v5 =	vcvt.f32.s32 v11;
	v7 =	vshll.u32 v7, $0x4;
	v11 =	vor.u32 v0, v63  }
0x642: {  	[tilespmem:v4+s1+$0x0] =	vst.idx.add.s32.msk $0xffff, v2;
	v4 =	vcvt.f32.s32 v9;
	v6 =	vshll.u32 v6, $0x4;
	v7 =	vor.u32 v0, v7  }
0x643: {  	s8 =	simm.s32 $0x0;
	[tilespmem:v15+s1+$0x0] =	vst.idx.add.s32.msk $0xffff, v2;
	v5 =	vshll.u32 v5, $0x4;
	v6 =	vor.u32 v0, v6  }
0x644: {  	s6 =	sand.u32 $0xC0, s8;
	v4 =	vshll.u32 v4, $0x4;
	v5 =	vor.u32 v0, v5;
	[tilespmem:v10+s1+$0x0] =	vst.idx.add.s32.msk $0xffff, v2  }
0x645: {  	p1 =	por $0x1, $0x1;
	s9 =	sor.u32 $0x10, s6;
	s7 =	sor.u32 $0x30, s6;
	v4 =	vor.u32 v0, v4;
	[tilespmem:v8+s1+$0x0] =	vst.idx.add.s32.msk $0xffff, v2;
	v8 =	vmov s6  }
.Ltmp25:
0x646: {  	v9 =	vmov s9;
	v10 =	vmov s7;
	s6 =	sor.u32 $0x20, s6;
	[tilespmem:v11+s1+$0x0] =	vst.idx.add.s32.msk $0xffff, v2;
	v8 =	vshll.u32 v8, $0x4;
	(pc) =	sbr.rel @!p1 .LBB2_52-.Ltmp25, $4  }
0x647: {  	[tilespmem:v7+s1+$0x0] =	vst.idx.add.s32.msk $0xffff, v2;
	v7 =	vor.u32 v3, v8;
	v8 =	vshll.u32 v9, $0x4;
	v9 =	vmov s6  }
0x648: {  	s10 =	simm.s32 $0x0;
	[tilespmem:v6+s1+$0x0] =	vst.idx.add.s32.msk $0xffff, v2;
	v6 =	vshll.u32 v10, $0x4;
	v8 =	vor.u32 v3, v8;
	v9 =	vshll.u32 v9, $0x4  }
0x649: {  	p0 =	por $0x0, $0x0;
	[tilespmem:v5+s1+$0x0] =	vst.idx.add.s32.msk $0xffff, v2;
	v6 =	vor.u32 v3, v6;
	v5 =	vadd.s32 s10, v8;
	v8 =	vor.u32 v3, v9  }
0x64a: {  	s11 =	sand.u32 $0x40, s8;
	s15 =	sand.u32 $0x50, s9;
	s18 =	sand.u32 $0x60, s6;
	[tilespmem:v4+s1+$0x0] =	vst.idx.add.s32.msk $0xffff, v2;
	v10 =	vadd.s32 s10, v6;
	v4 =	vadd.s32 s10, v7;
	v6 =	vadd.s32 s10, v8  }
0x64b: {  	_ = 	snop  }
0x64c: {  	s12 =	simm.s32 $0x40;
	s13 =	sand.u32 $0x800, s8  }
0x64d: {  	s14 =	sand.u32 $0x400, s5;
	s16 =	simm.s32 $0x0;
	p1 =	por $0x1, $0x1  }
0x64e: {  	s19 =	simm.s32 $0x0;
	s7 =	sand.u32 $0x70, s7;
	s9 =	sand.u32 $0xC0, s12  }
0x64f: {  	v11 =	vld.idx.msk [tilespmem:v10+s1+$0x0], $0xffff;
	s16 =	sand.u32 $0x380, s16;
	s10 =	sor.u32 $0x10, s9;
	v7 =	vmov s9;
	s8 =	sor.u32 $0x30, s9  }
.Ltmp26:
0x650: {  	s13 =	sor.u32 s14, s13;
	s9 =	sor.u32 $0x20, s9;
	v8 =	vshll.u32 v7, $0x4;
	v9 =	vmov s10;
	v10 =	vmov s8;
	(pc) =	sbr.rel @!p1 .LBB2_54-.Ltmp26, $4  }
0x651: {  	p0 =	por $0x1, $0x1;
	s6 =	sand.u32 $0x40, s12;
	s13 =	sor.u32 s16, s13;
	v7 =	vld.idx.msk [tilespmem:v5+s1+$0x0], $0xffff;
	v5 =	vshll.u32 v9, $0x4;
	v9 =	vmov s9;
	v10 =	vshll.u32 v10, $0x4  }
0x652: {  	s10 =	sand.u32 $0x50, s10;
	s13 =	sor.u32 $0x11000, s13;
	v12 =	vor.u32 v3, v8;
	v8 =	vld.idx.msk [tilespmem:v6+s1+$0x0], $0xffff;
	s9 =	sand.u32 $0x60, s9;
	v6 =	vshll.u32 v9, $0x4;
	v10 =	vor.u32 v3, v10  }
0x653: {  	s14 =	sor.u32 s11, s13;
	s17 =	sor.u32 s15, s13;
	s7 =	sor.u32 s7, s13;
	v5 =	vor.u32 v3, v5;
	v9 =	vld.idx.msk [tilespmem:v4+s1+$0x0], $0xffff;
	v6 =	vor.u32 v3, v6;
	v10 =	vadd.s32 s19, v10  }
0x654: {  	s16 =	sor.u32 s18, s13;
	s13 =	simm.s32 $0x0;
	v4 =	vadd.s32 s19, v12;
	[tilespmem:s7+$0x0] =	vst v11;
	s7 =	simm.s32 $0x40;
	v5 =	vadd.s32 s19, v5;
	v6 =	vadd.s32 s19, v6  }
.LBB2_55:
0x655: {  	s7 =	sadd.s32 $0x40, s7;
	s11 =	smov.u32 s8  }
0x656: {  	[tilespmem:s17+$0x0] =	vst v7;
	s15 =	smov.u32 s10;
	s18 =	smov.u32 s9;
	s13 =	sadd.s32 $0x200, s13  }
0x657: {  	s9 =	sand.u32 $0xC0, s7;
	s19 =	sand.u32 $0x40, s7;
	p1 =	slt.u32 s7, $0xFC0;
	[tilespmem:s16+$0x0] =	vst v8  }
0x658: {  	s16 =	sand.u32 $0x400, s13;
	v7 =	vmov s9;
	s10 =	sor.u32 $0x10, s9;
	s8 =	sor.u32 $0x30, s9;
	v11 =	vld.idx.msk [tilespmem:v10+s1+$0x0], $0xffff;
	[tilespmem:s14+$0x0] =	vst v9  }
0x659: {  	s14 =	sand.u32 $0x800, s12;
	s12 =	sshrl.u32 s12, $0x1;
	s9 =	sor.u32 $0x20, s9;
	v8 =	vshll.u32 v7, $0x4;
	v9 =	vmov s10;
	v10 =	vmov s8;
	v7 =	vld.idx.msk [tilespmem:v5+s1+$0x0], $0xffff  }
.Ltmp27:
0x65a: {  	s12 =	sand.u32 $0x380, s12;
	s14 =	sor.u32 s16, s14;
	v12 =	vor.u32 v3, v8;
	v5 =	vshll.u32 v9, $0x4;
	v9 =	vshll.u32 v10, $0x4;
	v8 =	vld.idx.msk [tilespmem:v6+s1+$0x0], $0xffff;
	(pc) =	sbr.rel @p1 .LBB2_55-.Ltmp27, $4  }
0x65b: {  	s16 =	sshrl.u32 s7, $0x8;
	s10 =	sand.u32 $0x50, s10;
	v6 =	vmov s9;
	s12 =	sor.u32 s12, s14;
	v5 =	vor.u32 v3, v5;
	v10 =	vor.u32 v3, v9;
	v9 =	vld.idx.msk [tilespmem:v4+s1+$0x0], $0xffff  }
0x65c: {  	s11 =	sand.u32 $0x70, s11;
	s9 =	sand.u32 $0x60, s9;
	v6 =	vshll.u32 v6, $0x4;
	s12 =	sor.u32 $0x11000, s12;
	v5 =	vadd.s32 s16, v5;
	v10 =	vadd.s32 s16, v10  }
0x65d: {  	v4 =	vadd.s32 s16, v12;
	v6 =	vor.u32 v3, v6;
	s14 =	sor.u32 s6, s12;
	s17 =	sor.u32 s15, s12;
	s6 =	sor.u32 s11, s12  }
0x65e: {  	v6 =	vadd.s32 s16, v6;
	s16 =	sor.u32 s18, s12;
	s12 =	smov.u32 s7;
	[tilespmem:s6+$0x0] =	vst v11;
	s6 =	smov.u32 s19  }
0x65f: {  	s7 =	smov.u32 s8;
	s15 =	smov.u32 s10  }
0x660: {  	s18 =	smov.u32 s9;
	s8 =	smov.u32 s12;
	s11 =	smov.u32 s6  }
.LBB2_57:
0x661: {  	_ =	sdelay $0x1  }
0x662: {  	s6 =	sadd.s32 @p0 $0x200, s13  }
0x663: {  	s5 =	smov.u32 @p0 s6  }
0x664: {  	v10 =	vld.idx.msk [tilespmem:v10+s1+$0x0], $0xffff;
	s10 =	sand.u32 $0x800, s8;
	s12 =	sshrl.u32 s8, $0x1;
	s5 =	sand.u32 $0x400, s5  }
0x665: {  	v5 =	vld.idx.msk [tilespmem:v5+s1+$0x0], $0xffff;
	s8 =	sand.u32 $0x380, s12;
	s5 =	sor.u32 s5, s10  }
0x666: {  	[tilespmem:s17+$0x0] =	vst @p0 v7;
	v6 =	vld.idx.msk [tilespmem:v6+s1+$0x0], $0xffff;
	s5 =	sor.u32 s8, s5  }
0x667: {  	[tilespmem:s16+$0x0] =	vst @p0 v8;
	v4 =	vld.idx.msk [tilespmem:v4+s1+$0x0], $0xffff;
	s13 =	sand.u32 $0x70, s7;
	s5 =	sor.u32 $0x11000, s5  }
0x668: {  	[tilespmem:s14+$0x0] =	vst @p0 v9;
	s6 =	sor.u32 s13, s5  }
0x669: {  	s16 =	sor.u32 s15, s5;
	[tilespmem:s6+$0x0] =	vst v10  }
0x66a: {  	s17 =	sor.u32 s18, s5;
	[tilespmem:s16+$0x0] =	vst v5  }
0x66b: {  	s4 =	sadd.s32 $0x1, s4;
	s5 =	sor.u32 s11, s5;
	[tilespmem:s17+$0x0] =	vst v6  }
0x66c: {  	s19 =	simm.s32 $0x11000;
	p0 =	sne.s32 s4, s25;
	s18 =	simm.s32 $0x0;
	[tilespmem:s5+$0x0] =	vst v4  }
0x66d: {  	[hbm4b:s24+s18] =	stream.linear.scatter [tilespmem:s19], [sflag:$0x3], $0x1000, $0x38;
	[tilespmem:$0x12000] =	vst v63  }
.Ltmp28:
0x66e: {  	_ = 	snop;
	(pc) =	sbr.rel @p0 .LBB2_1-.Ltmp28, $4  }
.Ltmp29:
0x66f: {  	_ = 	snop;
	(pc) =	sbr.rel @!p0 .LBB2_58-.Ltmp29, $4  }
0x670: {  	_ =	swait.ge [sflag:s2], $0x1000  }
0x671: {  	[sflag:s2] =	ssyncset.done $0x0  }
0x672: {  	[sflag:s2] =	ssyncadd.s32 $0xFFFFF000  }
0x673: {  	_ = 	snop  }
.LBB2_52:
.Ltmp30:
0x674: {  	(pc) =	sbr.rel .LBB2_57-.Ltmp30, $2  }
0x675: {  	_ =	sdelay $0x2  }
0x676: {  	s13 =	simm.s32 $0x0  }
.LBB2_54:
.Ltmp31:
0x677: {  	(pc) =	sbr.rel .LBB2_57-.Ltmp31, $3  }
0x678: {  	_ =	sdelay $0x1  }
0x679: {  	s7 =	smov.u32 s8;
	s15 =	smov.u32 s10;
	s18 =	smov.u32 s9  }
0x67a: {  	s13 =	simm.s32 $0x0;
	s8 =	simm.s32 $0x40;
	s11 =	smov.u32 s6  }
.LBB2_58:
0x67b: {  	_ =	sfence.sel $0x180000  }
0x67c: {  	[bflag:$0x0] =	sbarrier.arrive $0xFFFF  }
0x67d: {  	_ =	strace $0x90000047  }
0x67e: {  	s0 =	stileid.u32;
	[bflag:$0x2] =	sbarrier.arrive $0xFFFF  }
0x67f: {  	p0 =	sne.s32 s0, $0x0;
	s0 =	rddreg [dreg:$0x2]  }
0x680: {  	s0 =	sadd.s32 @!p0 $0x100000, s0  }
0x681: {  	[sflag:s0] =	ssyncadd.tile.s32 @!p0 $0x1;
	_ =	shalt  }
.Lfunc_end2:
_tile_overlayer_lowered:
.L_overlay_start_2:
0x682: {  	(tag) =	ssettag $0x2  }
0x683: {  	s0 =	rddreg [dreg:$0x0];
	s2 =	stileid.u32  }
0x684: {  	s1 =	rddreg [dreg:$0x1];
	p0 =	sne.s32 s2, $0x0  }
0x685: {  	s3 =	rddreg [dreg:$0x2];
	[bflag:$0x3] =	sbarrier.arrive $0xFFFF;
	s2 =	simm.s32 @!p0 $0x1C03  }
0x686: {  	[timem:s3], [sflag:s2] =	dma.local @!p0 [hbm:s0], s1  }
0x687: {  	s0 =	simm.s32 @!p0 $0x3  }
0x688: {  	_ =	swait.ge @!p0 [sflag:s0], s1  }
0x689: {  	s1 =	ssub.s32 @!p0 $0x0, s1;
	[sflag:s0] =	ssyncset.done @!p0 $0x0  }
0x68a: {  	[sflag:s0] =	ssyncadd.s32 @!p0 s1  }
0x68b: {  	[bflag:$0x3] =	sbarrier.arrive $0xFFFF  }
0x68c: {  	_ =	shalt  }

</sc_bundles>
